<compile_context>
chip_gen: v7x
topology: tpu7x:2x2x1
jax: 0.10.2.dev20260603
libtpu: 0.0.44.dev20260713+nightly
codegen_flags: <defaults>
</compile_context>

<pallas_src>
import numpy as np
import jax
import jax.numpy as jnp
from jax import lax
from jax.experimental import pallas as pl
from jax.experimental.pallas import tpu as pltpu
from jax.experimental.pallas import tpu_sc as plsc

DIM = 128
BATCH = 512
NEG_DIST = 2.0

NC = 2
NS = 16
NW = NC * NS

N_CSEC = 15
N_RSEC = 4
NCH = (2 * DIM) // 16

_TBL_COLS = (2, 3, 3, 3, 2, 3, 3)
_GROUPS = (
    (0, 'c', 0, 0), (0, 'c', 1, 1),
    (1, 'c', 0, 2), (1, 'c', 1, 3), (1, 'c', 2, 4),
    (2, 'c', 0, 5), (2, 'c', 2, 6), (2, 'r', 1, 0),
    (3, 'c', 1, 7), (3, 'c', 2, 8), (3, 'r', 0, 1),
    (4, 'c', 0, 9), (4, 'c', 1, 10),
    (5, 'c', 0, 11), (5, 'c', 2, 13), (5, 'r', 1, 2),
    (6, 'c', 0, 12), (6, 'c', 2, 14), (6, 'r', 1, 3),
)



_U32 = np.uint32


def _rol(x, d):
    return (x << _U32(d)) | (x >> _U32(32 - d))


def _threefry2x32(k1, k2, x1, x2):
    ks0, ks1 = _U32(k1), _U32(k2)
    ks2 = ks0 ^ ks1 ^ _U32(0x1BD11BDA)
    with np.errstate(over='ignore'):
        x0 = (np.asarray(x1, _U32) + ks0).astype(_U32)
        y1 = (np.asarray(x2, _U32) + ks1).astype(_U32)

        def rounds(x0, y1, rots):
            for r in rots:
                x0 = (x0 + y1).astype(_U32)
                y1 = x0 ^ _rol(y1, r)
            return x0, y1

        x0, y1 = rounds(x0, y1, (13, 15, 26, 6))
        x0 = (x0 + ks1).astype(_U32); y1 = (y1 + ks2 + _U32(1)).astype(_U32)
        x0, y1 = rounds(x0, y1, (17, 29, 16, 24))
        x0 = (x0 + ks2).astype(_U32); y1 = (y1 + ks0 + _U32(2)).astype(_U32)
        x0, y1 = rounds(x0, y1, (13, 15, 26, 6))
        x0 = (x0 + ks0).astype(_U32); y1 = (y1 + ks1 + _U32(3)).astype(_U32)
        x0, y1 = rounds(x0, y1, (17, 29, 16, 24))
        x0 = (x0 + ks1).astype(_U32); y1 = (y1 + ks2 + _U32(4)).astype(_U32)
        x0, y1 = rounds(x0, y1, (13, 15, 26, 6))
        x0 = (x0 + ks2).astype(_U32); y1 = (y1 + ks0 + _U32(5)).astype(_U32)
    return x0, y1


def _np_split(key, num):
    b1, b2 = _threefry2x32(key[0], key[1],
                           np.zeros(num, _U32), np.arange(num, dtype=_U32))
    return [(b1[i], b2[i]) for i in range(num)]


def _np_bits(key, n):
    b1, b2 = _threefry2x32(key[0], key[1],
                           np.zeros(n, _U32), np.arange(n, dtype=_U32))
    return b1 ^ b2


def _np_randint(key, n, minval, maxval):
    k1, k2 = _np_split(key, 2)
    higher, lower = _np_bits(k1, n), _np_bits(k2, n)
    span = _U32(maxval - minval)
    with np.errstate(over='ignore'):
        mult = _U32(int(2 ** 16) % int(span))
        mult = _U32((int(mult) * int(mult)) % (2 ** 32)) % span
        off = ((higher % span) * mult + lower % span).astype(_U32) % span
    return (np.int32(minval) + off.astype(np.int32)).astype(np.int32)


_IVECS = [_np_randint(k, BATCH, 0, 100000)
          for k in _np_split((_U32(0), _U32(42)), 6)]



def _gather_body(*args):
    (flats, (ce, re), (lin_out, a2_out, b2_out, neg_out),
     (dv, cidx_v, ridx_v, crows_v, rrows_v, lin_v, a2_v, b2_v, neg_v,
      sem)) = (args[:7], args[7:9], args[9:13], args[13:])
    wid = lax.axis_index("s") * NC + lax.axis_index("c")
    descs = []
    offs = []
    off = 0
    for t, f in enumerate(flats):
        n = 16 * _TBL_COLS[t]
        descs.append(pltpu.async_copy(
            f.at[pl.ds(wid * n, n)], dv.at[pl.ds(off, n)], sem))
        offs.append(off)
        off += n
    for d in descs:
        d.wait()
    iota = lax.iota(jnp.int32, 16)
    for t, kind, col, sec in _GROUPS:
        idx16 = plsc.load_gather(dv, [iota * _TBL_COLS[t] + (offs[t] + col)])
        if kind == 'c':
            cidx_v[pl.ds(sec * 16, 16)] = idx16
        else:
            ridx_v[pl.ds(sec * 16, 16)] = idx16
    half = (N_CSEC * 16) // 2
    descs = []
    for j in range(2):
        descs.append(pltpu.async_copy(
            ce.at[cidx_v.at[pl.ds(j * half, half)]],
            crows_v.at[pl.ds(j * half, half)], sem))
    descs.append(pltpu.async_copy(re.at[ridx_v], rrows_v, sem))
    for d in descs:
        d.wait()

    def crow(sec, j, ch):
        return crows_v[sec * 16 + j, pl.ds(ch * 16, 16)]

    def rrow(sec, j, ch):
        return rrows_v[sec * 16 + j, pl.ds(ch * 16, 16)]

    def relu(x):
        return jnp.maximum(x, 0.0)

    def body(j, lin_acc):
        zero = jnp.zeros((16,), jnp.float32)
        for ch in range(8):
            cc, co = crow(0, j, ch), jnp.abs(crow(0, j, ch + 8))
            dc, do = crow(1, j, ch), jnp.abs(crow(1, j, ch + 8))
            t1 = relu(jnp.abs(cc - dc) + co - do)
            cc, co = crow(5, j, ch), jnp.abs(crow(5, j, ch + 8))
            dc, do = crow(6, j, ch), jnp.abs(crow(6, j, ch + 8))
            t3 = relu(jnp.abs(cc + rrow(0, j, ch) - dc) + co - do)
            cc, co = crow(7, j, ch), jnp.abs(crow(7, j, ch + 8))
            dc, do = crow(8, j, ch), jnp.abs(crow(8, j, ch + 8))
            t4 = relu(jnp.abs(cc - rrow(1, j, ch) - dc) + co - do)
            cc, co = crow(9, j, ch), jnp.abs(crow(9, j, ch + 8))
            dc, do = crow(10, j, ch), jnp.abs(crow(10, j, ch + 8))
            td = relu(-jnp.abs(cc - dc) + co + do)
            lin_acc = lin_acc + t1 * t1 + t3 * t3 + t4 * t4 + td * td
        a2 = zero
        b2 = zero
        for ch in range(8):
            cc, co = crow(2, j, ch), jnp.abs(crow(2, j, ch + 8))
            dc, do = crow(3, j, ch), jnp.abs(crow(3, j, ch + 8))
            ec, eo = crow(4, j, ch), jnp.abs(crow(4, j, ch + 8))
            lower = jnp.maximum(cc - co, dc - do)
            upper = jnp.minimum(cc + co, dc + do)
            ic = (lower + upper) * 0.5
            io = jnp.abs(upper - lower) * 0.5
            ta = relu(jnp.abs(ic - ec) + io - eo)
            tb = relu(lower - upper)
            a2 = a2 + ta * ta
            b2 = b2 + tb * tb
        a2_v[j, pl.ds(0, 16)] = a2
        b2_v[j, pl.ds(0, 16)] = b2
        for h, (sc_, sd, sr) in enumerate(((11, 13, 2), (12, 14, 3))):
            n2 = zero
            for ch in range(8):
                cc, co = crow(sc_, j, ch), jnp.abs(crow(sc_, j, ch + 8))
                dc, do = crow(sd, j, ch), jnp.abs(crow(sd, j, ch + 8))
                tn = relu(jnp.abs(cc + rrow(sr, j, ch) - dc) - co - do)
                n2 = n2 + tn * tn
            neg_v[h * 16 + j, pl.ds(0, 16)] = n2
        return lin_acc

    lin_acc = lax.fori_loop(0, 16, body, jnp.zeros((16,), jnp.float32))
    lin_v[pl.ds(0, 16)] = lin_acc

    pltpu.sync_copy(lin_v, lin_out.at[wid])
    pltpu.sync_copy(a2_v, a2_out.at[wid])
    pltpu.sync_copy(b2_v, b2_out.at[wid])
    pltpu.sync_copy(neg_v, neg_out.at[wid])


def _gather_sc(cols, class_embeds, relation_embeds):
    mesh = plsc.VectorSubcoreMesh(core_axis_name="c", subcore_axis_name="s",
                                  num_cores=NC, num_subcores=NS)
    f = pl.kernel(
        _gather_body,
        out_type=[
            jax.ShapeDtypeStruct((NW, 16), jnp.float32),
            jax.ShapeDtypeStruct((NW, 16, 16), jnp.float32),
            jax.ShapeDtypeStruct((NW, 16, 16), jnp.float32),
            jax.ShapeDtypeStruct((NW, 32, 16), jnp.float32),
        ],
        mesh=mesh,
        compiler_params=pltpu.CompilerParams(needs_layout_passes=False),
        scratch_types=[
            pltpu.VMEM((16 * sum(_TBL_COLS),), jnp.int32),
            pltpu.VMEM((N_CSEC * 16,), jnp.int32),
            pltpu.VMEM((N_RSEC * 16,), jnp.int32),
            pltpu.VMEM((N_CSEC * 16, 2 * DIM), jnp.float32),
            pltpu.VMEM((N_RSEC * 16, DIM), jnp.float32),
            pltpu.VMEM((16,), jnp.float32),
            pltpu.VMEM((16, 16), jnp.float32),
            pltpu.VMEM((16, 16), jnp.float32),
            pltpu.VMEM((32, 16), jnp.float32),
            pltpu.SemaphoreType.DMA,
        ],
    )
    return f(*cols, class_embeds, relation_embeds)



def _epi_body(lin_ref, a2_ref, b2_ref, neg_ref, out_ref):
    loss_lin = jnp.sum(lin_ref[...]) / BATCH
    a2 = jnp.sum(a2_ref[...], axis=1)
    b2 = jnp.sum(b2_ref[...], axis=1)
    a = jnp.sqrt(a2)
    b = jnp.sqrt(b2)
    loss2 = (jnp.mean(a2) + jnp.mean(b2) + 2.0 * jnp.mean(a) * jnp.mean(b))
    n2 = jnp.sum(neg_ref[...], axis=1)
    n = jnp.sqrt(n2)
    neg_loss = jnp.mean(jnp.square(NEG_DIST - n))
    total = loss_lin + loss2 + neg_loss
    out_ref[...] = jnp.reshape(total, (1, 1))


def _epilogue_tc(lin, a2, b2, neg):
    return pl.pallas_call(
        _epi_body,
        out_shape=jax.ShapeDtypeStruct((1, 1), jnp.float32),
    )(lin, a2.reshape(NW * 16, 16), b2.reshape(NW * 16, 16),
      neg.reshape(NW * 32, 16))


def kernel(nf1, nf2, nf3, nf4, disjoint, nf3_neg0, nf3_neg1,
           class_embeds, relation_embeds):
    tables = (nf1, nf2, nf3, nf4, disjoint, nf3_neg0, nf3_neg1)
    flats = []
    for t in range(7):
        iv = _IVECS[(5 if t == 6 else t)]
        c = _TBL_COLS[t]
        ir = np.repeat(iv, c)
        ic = np.tile(np.arange(c, dtype=np.int32), BATCH)
        if ir.size <= 1024:
            pad = 1040 - ir.size
            ir = np.concatenate([ir, np.zeros(pad, ir.dtype)])
            ic = np.concatenate([ic, np.zeros(pad, ic.dtype)])
        flats.append(tables[t][ir, ic])
    lin, a2, b2, neg = _gather_sc(flats, class_embeds, relation_embeds)
    return _epilogue_tc(lin, a2, b2, neg)[0, 0]

# --- scband reference (transcript-rebuilt; emitter-appended) ---
"""Pipeline reference for scband-elbe-plus-21775484191328 (READ-ONLY COPY).

The authoritative reference and input builder live on the scoring server;
editing this copy changes nothing except your own understanding.
"""

import jax, jax.numpy as jnp
import numpy as np

CLASS_NUM = 100000
REL_NUM = 100000
DIM = 128
BATCH = 512
MARGIN = 0.0
NEG_DIST = 2.0


def _boxes(e):
    return e[:, :DIM], jnp.abs(e[:, DIM:])


def _incl(c1, o1, c2, o2):
    diffs = jnp.abs(c1 - c2)
    return jnp.linalg.norm(jax.nn.relu(diffs + o1 - o2 - MARGIN), axis=1).reshape(-1, 1)


def _disj(c1, o1, c2, o2):
    diffs = jnp.abs(c1 - c2)
    return jnp.linalg.norm(jax.nn.relu(-diffs + o1 + o2 - MARGIN), axis=1).reshape(-1, 1)


def _neg(c1, o1, c2, o2):
    diffs = jnp.abs(c1 - c2)
    return jnp.linalg.norm(jax.nn.relu(diffs - o1 - o2 + MARGIN), axis=1).reshape(-1, 1)


def setup_inputs(seed: int = 0):
    key = jax.random.key(seed)
    ks = jax.random.split(key, 9)
    nf1 = jax.random.randint(ks[0], (100000, 2), 0, CLASS_NUM)
    nf2 = jax.random.randint(ks[1], (100000, 3), 0, CLASS_NUM)
    nf3 = jax.random.randint(ks[2], (100000, 3), 0, CLASS_NUM)
    nf4 = jax.random.randint(ks[3], (100000, 3), 0, CLASS_NUM)
    disjoint = jax.random.randint(ks[4], (100000, 2), 0, CLASS_NUM)
    nf3_neg0 = jax.random.randint(ks[5], (100000, 3), 0, CLASS_NUM)
    nf3_neg1 = jax.random.randint(ks[6], (100000, 3), 0, CLASS_NUM)
    ce = jax.random.uniform(ks[7], (CLASS_NUM, 2 * DIM), minval=-1.0, maxval=1.0, dtype=jnp.float32)
    ce = ce / jnp.linalg.norm(ce, axis=1, keepdims=True)
    re = jax.random.uniform(ks[8], (REL_NUM, DIM), minval=-1.0, maxval=1.0, dtype=jnp.float32)
    re = re / jnp.linalg.norm(re, axis=1, keepdims=True)
    return {"nf1": nf1, "nf2": nf2, "nf3": nf3, "nf4": nf4, "disjoint": disjoint, "nf3_neg0": nf3_neg0, "nf3_neg1": nf3_neg1, "class_embeds": ce, "relation_embeds": re}


def _forward(class_embeds, relation_embeds, nf1, nf2, nf3, nf4, disjoint, nf3_neg0, nf3_neg1):
    kk = jax.random.split(jax.random.key(42), 6)
    i1 = jax.random.randint(kk[0], (BATCH,), 0, nf1.shape[0])
    d1 = nf1[i1]
    cc, co = _boxes(class_embeds[d1[:, 0]])
    dc, do = _boxes(class_embeds[d1[:, 1]])
    loss1 = jnp.mean(_incl(cc, co, dc, do) ** 2)
    i2 = jax.random.randint(kk[1], (BATCH,), 0, nf2.shape[0])
    d2 = nf2[i2]
    cc, co = _boxes(class_embeds[d2[:, 0]])
    dc, do = _boxes(class_embeds[d2[:, 1]])
    ec, eo = _boxes(class_embeds[d2[:, 2]])
    lower = jnp.maximum(cc - co, dc - do)
    upper = jnp.minimum(cc + co, dc + do)
    ic = (lower + upper) / 2.0
    io = jnp.abs(upper - lower) / 2.0
    l2 = _incl(ic, io, ec, eo) + jnp.linalg.norm(jax.nn.relu(lower - upper), axis=1)
    loss2 = jnp.mean(l2 ** 2)
    i3 = jax.random.randint(kk[2], (BATCH,), 0, nf3.shape[0])
    d3 = nf3[i3]
    cc, co = _boxes(class_embeds[d3[:, 0]])
    r = relation_embeds[d3[:, 1]]
    dc, do = _boxes(class_embeds[d3[:, 2]])
    loss3 = jnp.mean(_incl(cc + r, co, dc, do) ** 2)
    i4 = jax.random.randint(kk[3], (BATCH,), 0, nf4.shape[0])
    d4 = nf4[i4]
    cc, co = _boxes(class_embeds[d4[:, 1]])
    r = relation_embeds[d4[:, 0]]
    dc, do = _boxes(class_embeds[d4[:, 2]])
    loss4 = jnp.mean(_incl(cc - r, co, dc, do) ** 2)
    i5 = jax.random.randint(kk[4], (BATCH,), 0, disjoint.shape[0])
    d5 = disjoint[i5]
    cc, co = _boxes(class_embeds[d5[:, 0]])
    dc, do = _boxes(class_embeds[d5[:, 1]])
    loss_dis = jnp.mean(_disj(cc, co, dc, do) ** 2)
    i6 = jax.random.randint(kk[5], (BATCH,), 0, nf3_neg0.shape[0])
    nd = jnp.concatenate([nf3_neg0[i6], nf3_neg1[i6]], axis=0)
    cc, co = _boxes(class_embeds[nd[:, 0]])
    r = relation_embeds[nd[:, 1]]
    dc, do = _boxes(class_embeds[nd[:, 2]])
    neg_loss = jnp.mean((NEG_DIST - _neg(cc + r, co, dc, do)) ** 2)
    return loss1 + loss2 + loss_dis + loss3 + loss4 + neg_loss


def reference(nf1, nf2, nf3, nf4, disjoint, nf3_neg0, nf3_neg1, class_embeds, relation_embeds):
    return _forward(class_embeds, relation_embeds, nf1, nf2, nf3, nf4, disjoint, nf3_neg0, nf3_neg1)

if __name__ == "__main__":
    import jax
    _d = setup_inputs()
    print(jax.jit(kernel)(*tuple(_d.values())))

</pallas_src>

<mosaic_0001>
#map = affine_map<(d0, d1) -> (0)>
#map1 = affine_map<(d0, d1) -> (0, 0)>
#map2 = affine_map<(d0, d1) -> (0, 0, 0)>
module attributes {stable_mosaic.version = 14 : i64} {
  func.func @_gather_body(%arg0: i32, %arg1: i32, %arg2: memref<1040xi32, #tpu.memory_space<hbm>>, %arg3: memref<1536xi32, #tpu.memory_space<hbm>>, %arg4: memref<1536xi32, #tpu.memory_space<hbm>>, %arg5: memref<1536xi32, #tpu.memory_space<hbm>>, %arg6: memref<1040xi32, #tpu.memory_space<hbm>>, %arg7: memref<1536xi32, #tpu.memory_space<hbm>>, %arg8: memref<1536xi32, #tpu.memory_space<hbm>>, %arg9: memref<100000x256xf32, #tpu.memory_space<hbm>>, %arg10: memref<100000x128xf32, #tpu.memory_space<hbm>>, %arg11: memref<32x16xf32, #tpu.memory_space<hbm>>, %arg12: memref<32x16x16xf32, #tpu.memory_space<hbm>>, %arg13: memref<32x16x16xf32, #tpu.memory_space<hbm>>, %arg14: memref<32x32x16xf32, #tpu.memory_space<hbm>>, %arg15: memref<304xi32, #tpu.memory_space<vmem>>, %arg16: memref<240xi32, #tpu.memory_space<vmem>>, %arg17: memref<64xi32, #tpu.memory_space<vmem>>, %arg18: memref<240x256xf32, #tpu.memory_space<vmem>>, %arg19: memref<64x128xf32, #tpu.memory_space<vmem>>, %arg20: memref<16xf32, #tpu.memory_space<vmem>>, %arg21: memref<16x16xf32, #tpu.memory_space<vmem>>, %arg22: memref<16x16xf32, #tpu.memory_space<vmem>>, %arg23: memref<32x16xf32, #tpu.memory_space<vmem>>, %arg24: memref<!tpu.dma_semaphore, #tpu.memory_space<semaphore_mem>>) attributes {dimension_semantics = [#tpu.dimension_semantics<core_parallel>, #tpu.dimension_semantics<subcore_parallel>], iteration_bounds = array<i64: 2, 16>, scalar_prefetch = 0 : i64, scratch_operands = 10 : i64, tpu.core_type = #tpu.core_type<sc_vector_subcore>, window_params = [{transform_indices = #map}, {transform_indices = #map}, {transform_indices = #map}, {transform_indices = #map}, {transform_indices = #map}, {transform_indices = #map}, {transform_indices = #map}, {transform_indices = #map1}, {transform_indices = #map1}, {transform_indices = #map1}, {transform_indices = #map2}, {transform_indices = #map2}, {transform_indices = #map2}]} {
    %mul3A = arith.constant 2 : i32
    %mul3A_0 = arith.muli %arg1, %mul3A : i32
    %add3A = arith.addi %mul3A_0, %arg0 : i32
    %mul3A_1 = arith.constant 32 : i32
    %mul3A_2 = arith.muli %add3A, %mul3A_1 : i32
    %dma_start3A = arith.constant 0 : i32
    %dma_start3A_3 = tpu.memref_slice %arg15[%dma_start3A] : memref<304xi32, #tpu.memory_space<vmem>> -> memref<32xi32, #tpu.memory_space<vmem>>
    %dma_start3A_4 = tpu.memref_slice %arg2[%mul3A_2] : memref<1040xi32, #tpu.memory_space<hbm>> -> memref<32xi32, #tpu.memory_space<hbm>>
    %dma_start3A_5 = arith.constant 0 : i32
    %dma_start3A_6 = tpu.memref_slice %arg15[%dma_start3A_5] : memref<304xi32, #tpu.memory_space<vmem>> -> memref<32xi32, #tpu.memory_space<vmem>>
    %dma_start3A_7 = tpu.memref_slice %arg2[%mul3A_2] : memref<1040xi32, #tpu.memory_space<hbm>> -> memref<32xi32, #tpu.memory_space<hbm>>
    tpu.enqueue_dma source(%dma_start3A_7 : memref<32xi32, #tpu.memory_space<hbm>>) target(%dma_start3A_6 : memref<32xi32, #tpu.memory_space<vmem>>) target_semaphore(%arg24 : memref<!tpu.dma_semaphore, #tpu.memory_space<semaphore_mem>>)
    %mul3A_8 = arith.constant 48 : i32
    %mul3A_9 = arith.muli %add3A, %mul3A_8 : i32
    %dma_start3A_10 = arith.constant 32 : i32
    %dma_start3A_11 = tpu.memref_slice %arg15[%dma_start3A_10] : memref<304xi32, #tpu.memory_space<vmem>> -> memref<48xi32, #tpu.memory_space<vmem>>
    %dma_start3A_12 = tpu.memref_slice %arg3[%mul3A_9] : memref<1536xi32, #tpu.memory_space<hbm>> -> memref<48xi32, #tpu.memory_space<hbm>>
    %dma_start3A_13 = arith.constant 32 : i32
    %dma_start3A_14 = tpu.memref_slice %arg15[%dma_start3A_13] : memref<304xi32, #tpu.memory_space<vmem>> -> memref<48xi32, #tpu.memory_space<vmem>>
    %dma_start3A_15 = tpu.memref_slice %arg3[%mul3A_9] : memref<1536xi32, #tpu.memory_space<hbm>> -> memref<48xi32, #tpu.memory_space<hbm>>
    tpu.enqueue_dma source(%dma_start3A_15 : memref<48xi32, #tpu.memory_space<hbm>>) target(%dma_start3A_14 : memref<48xi32, #tpu.memory_space<vmem>>) target_semaphore(%arg24 : memref<!tpu.dma_semaphore, #tpu.memory_space<semaphore_mem>>)
    %mul3A_16 = arith.constant 48 : i32
    %mul3A_17 = arith.muli %add3A, %mul3A_16 : i32
    %dma_start3A_18 = arith.constant 80 : i32
    %dma_start3A_19 = tpu.memref_slice %arg15[%dma_start3A_18] : memref<304xi32, #tpu.memory_space<vmem>> -> memref<48xi32, #tpu.memory_space<vmem>>
    %dma_start3A_20 = tpu.memref_slice %arg4[%mul3A_17] : memref<1536xi32, #tpu.memory_space<hbm>> -> memref<48xi32, #tpu.memory_space<hbm>>
    %dma_start3A_21 = arith.constant 80 : i32
    %dma_start3A_22 = tpu.memref_slice %arg15[%dma_start3A_21] : memref<304xi32, #tpu.memory_space<vmem>> -> memref<48xi32, #tpu.memory_space<vmem>>
    %dma_start3A_23 = tpu.memref_slice %arg4[%mul3A_17] : memref<1536xi32, #tpu.memory_space<hbm>> -> memref<48xi32, #tpu.memory_space<hbm>>
    tpu.enqueue_dma source(%dma_start3A_23 : memref<48xi32, #tpu.memory_space<hbm>>) target(%dma_start3A_22 : memref<48xi32, #tpu.memory_space<vmem>>) target_semaphore(%arg24 : memref<!tpu.dma_semaphore, #tpu.memory_space<semaphore_mem>>)
    %mul3A_24 = arith.constant 48 : i32
    %mul3A_25 = arith.muli %add3A, %mul3A_24 : i32
    %dma_start3A_26 = arith.constant 128 : i32
    %dma_start3A_27 = tpu.memref_slice %arg15[%dma_start3A_26] : memref<304xi32, #tpu.memory_space<vmem>> -> memref<48xi32, #tpu.memory_space<vmem>>
    %dma_start3A_28 = tpu.memref_slice %arg5[%mul3A_25] : memref<1536xi32, #tpu.memory_space<hbm>> -> memref<48xi32, #tpu.memory_space<hbm>>
    %dma_start3A_29 = arith.constant 128 : i32
    %dma_start3A_30 = tpu.memref_slice %arg15[%dma_start3A_29] : memref<304xi32, #tpu.memory_space<vmem>> -> memref<48xi32, #tpu.memory_space<vmem>>
    %dma_start3A_31 = tpu.memref_slice %arg5[%mul3A_25] : memref<1536xi32, #tpu.memory_space<hbm>> -> memref<48xi32, #tpu.memory_space<hbm>>
    tpu.enqueue_dma source(%dma_start3A_31 : memref<48xi32, #tpu.memory_space<hbm>>) target(%dma_start3A_30 : memref<48xi32, #tpu.memory_space<vmem>>) target_semaphore(%arg24 : memref<!tpu.dma_semaphore, #tpu.memory_space<semaphore_mem>>)
    %mul3A_32 = arith.constant 32 : i32
    %mul3A_33 = arith.muli %add3A, %mul3A_32 : i32
    %dma_start3A_34 = arith.constant 176 : i32
    %dma_start3A_35 = tpu.memref_slice %arg15[%dma_start3A_34] : memref<304xi32, #tpu.memory_space<vmem>> -> memref<32xi32, #tpu.memory_space<vmem>>
    %dma_start3A_36 = tpu.memref_slice %arg6[%mul3A_33] : memref<1040xi32, #tpu.memory_space<hbm>> -> memref<32xi32, #tpu.memory_space<hbm>>
    %dma_start3A_37 = arith.constant 176 : i32
    %dma_start3A_38 = tpu.memref_slice %arg15[%dma_start3A_37] : memref<304xi32, #tpu.memory_space<vmem>> -> memref<32xi32, #tpu.memory_space<vmem>>
    %dma_start3A_39 = tpu.memref_slice %arg6[%mul3A_33] : memref<1040xi32, #tpu.memory_space<hbm>> -> memref<32xi32, #tpu.memory_space<hbm>>
    tpu.enqueue_dma source(%dma_start3A_39 : memref<32xi32, #tpu.memory_space<hbm>>) target(%dma_start3A_38 : memref<32xi32, #tpu.memory_space<vmem>>) target_semaphore(%arg24 : memref<!tpu.dma_semaphore, #tpu.memory_space<semaphore_mem>>)
    %mul3A_40 = arith.constant 48 : i32
    %mul3A_41 = arith.muli %add3A, %mul3A_40 : i32
    %dma_start3A_42 = arith.constant 208 : i32
    %dma_start3A_43 = tpu.memref_slice %arg15[%dma_start3A_42] : memref<304xi32, #tpu.memory_space<vmem>> -> memref<48xi32, #tpu.memory_space<vmem>>
    %dma_start3A_44 = tpu.memref_slice %arg7[%mul3A_41] : memref<1536xi32, #tpu.memory_space<hbm>> -> memref<48xi32, #tpu.memory_space<hbm>>
    %dma_start3A_45 = arith.constant 208 : i32
    %dma_start3A_46 = tpu.memref_slice %arg15[%dma_start3A_45] : memref<304xi32, #tpu.memory_space<vmem>> -> memref<48xi32, #tpu.memory_space<vmem>>
    %dma_start3A_47 = tpu.memref_slice %arg7[%mul3A_41] : memref<1536xi32, #tpu.memory_space<hbm>> -> memref<48xi32, #tpu.memory_space<hbm>>
    tpu.enqueue_dma source(%dma_start3A_47 : memref<48xi32, #tpu.memory_space<hbm>>) target(%dma_start3A_46 : memref<48xi32, #tpu.memory_space<vmem>>) target_semaphore(%arg24 : memref<!tpu.dma_semaphore, #tpu.memory_space<semaphore_mem>>)
    %mul3A_48 = arith.constant 48 : i32
    %mul3A_49 = arith.muli %add3A, %mul3A_48 : i32
    %dma_start3A_50 = arith.constant 256 : i32
    %dma_start3A_51 = tpu.memref_slice %arg15[%dma_start3A_50] : memref<304xi32, #tpu.memory_space<vmem>> -> memref<48xi32, #tpu.memory_space<vmem>>
    %dma_start3A_52 = tpu.memref_slice %arg8[%mul3A_49] : memref<1536xi32, #tpu.memory_space<hbm>> -> memref<48xi32, #tpu.memory_space<hbm>>
    %dma_start3A_53 = arith.constant 256 : i32
    %dma_start3A_54 = tpu.memref_slice %arg15[%dma_start3A_53] : memref<304xi32, #tpu.memory_space<vmem>> -> memref<48xi32, #tpu.memory_space<vmem>>
    %dma_start3A_55 = tpu.memref_slice %arg8[%mul3A_49] : memref<1536xi32, #tpu.memory_space<hbm>> -> memref<48xi32, #tpu.memory_space<hbm>>
    tpu.enqueue_dma source(%dma_start3A_55 : memref<48xi32, #tpu.memory_space<hbm>>) target(%dma_start3A_54 : memref<48xi32, #tpu.memory_space<vmem>>) target_semaphore(%arg24 : memref<!tpu.dma_semaphore, #tpu.memory_space<semaphore_mem>>)
    %dma_wait3A = arith.constant 0 : i32
    %dma_wait3A_56 = tpu.memref_slice %arg15[%dma_wait3A] : memref<304xi32, #tpu.memory_space<vmem>> -> memref<32xi32, #tpu.memory_space<vmem>>
    %dma_wait3A_57 = tpu.memref_slice %arg2[%mul3A_2] : memref<1040xi32, #tpu.memory_space<hbm>> -> memref<32xi32, #tpu.memory_space<hbm>>
    %dma_wait3A_58 = arith.constant 0 : i32
    %dma_wait3A_59 = tpu.memref_slice %arg15[%dma_wait3A_58] : memref<304xi32, #tpu.memory_space<vmem>> -> memref<32xi32, #tpu.memory_space<vmem>>
    %dma_wait3A_60 = tpu.memref_slice %arg2[%mul3A_2] : memref<1040xi32, #tpu.memory_space<hbm>> -> memref<32xi32, #tpu.memory_space<hbm>>
    tpu.wait_dma2 semaphore(%arg24 : memref<!tpu.dma_semaphore, #tpu.memory_space<semaphore_mem>>) src(%dma_wait3A_60 : memref<32xi32, #tpu.memory_space<hbm>>) dst(%dma_wait3A_59 : memref<32xi32, #tpu.memory_space<vmem>>)
    %dma_wait3A_61 = arith.constant 32 : i32
    %dma_wait3A_62 = tpu.memref_slice %arg15[%dma_wait3A_61] : memref<304xi32, #tpu.memory_space<vmem>> -> memref<48xi32, #tpu.memory_space<vmem>>
    %dma_wait3A_63 = tpu.memref_slice %arg3[%mul3A_9] : memref<1536xi32, #tpu.memory_space<hbm>> -> memref<48xi32, #tpu.memory_space<hbm>>
    %dma_wait3A_64 = arith.constant 32 : i32
    %dma_wait3A_65 = tpu.memref_slice %arg15[%dma_wait3A_64] : memref<304xi32, #tpu.memory_space<vmem>> -> memref<48xi32, #tpu.memory_space<vmem>>
    %dma_wait3A_66 = tpu.memref_slice %arg3[%mul3A_9] : memref<1536xi32, #tpu.memory_space<hbm>> -> memref<48xi32, #tpu.memory_space<hbm>>
    tpu.wait_dma2 semaphore(%arg24 : memref<!tpu.dma_semaphore, #tpu.memory_space<semaphore_mem>>) src(%dma_wait3A_66 : memref<48xi32, #tpu.memory_space<hbm>>) dst(%dma_wait3A_65 : memref<48xi32, #tpu.memory_space<vmem>>)
    %dma_wait3A_67 = arith.constant 80 : i32
    %dma_wait3A_68 = tpu.memref_slice %arg15[%dma_wait3A_67] : memref<304xi32, #tpu.memory_space<vmem>> -> memref<48xi32, #tpu.memory_space<vmem>>
    %dma_wait3A_69 = tpu.memref_slice %arg4[%mul3A_17] : memref<1536xi32, #tpu.memory_space<hbm>> -> memref<48xi32, #tpu.memory_space<hbm>>
    %dma_wait3A_70 = arith.constant 80 : i32
    %dma_wait3A_71 = tpu.memref_slice %arg15[%dma_wait3A_70] : memref<304xi32, #tpu.memory_space<vmem>> -> memref<48xi32, #tpu.memory_space<vmem>>
    %dma_wait3A_72 = tpu.memref_slice %arg4[%mul3A_17] : memref<1536xi32, #tpu.memory_space<hbm>> -> memref<48xi32, #tpu.memory_space<hbm>>
    tpu.wait_dma2 semaphore(%arg24 : memref<!tpu.dma_semaphore, #tpu.memory_space<semaphore_mem>>) src(%dma_wait3A_72 : memref<48xi32, #tpu.memory_space<hbm>>) dst(%dma_wait3A_71 : memref<48xi32, #tpu.memory_space<vmem>>)
    %dma_wait3A_73 = arith.constant 128 : i32
    %dma_wait3A_74 = tpu.memref_slice %arg15[%dma_wait3A_73] : memref<304xi32, #tpu.memory_space<vmem>> -> memref<48xi32, #tpu.memory_space<vmem>>
    %dma_wait3A_75 = tpu.memref_slice %arg5[%mul3A_25] : memref<1536xi32, #tpu.memory_space<hbm>> -> memref<48xi32, #tpu.memory_space<hbm>>
    %dma_wait3A_76 = arith.constant 128 : i32
    %dma_wait3A_77 = tpu.memref_slice %arg15[%dma_wait3A_76] : memref<304xi32, #tpu.memory_space<vmem>> -> memref<48xi32, #tpu.memory_space<vmem>>
    %dma_wait3A_78 = tpu.memref_slice %arg5[%mul3A_25] : memref<1536xi32, #tpu.memory_space<hbm>> -> memref<48xi32, #tpu.memory_space<hbm>>
    tpu.wait_dma2 semaphore(%arg24 : memref<!tpu.dma_semaphore, #tpu.memory_space<semaphore_mem>>) src(%dma_wait3A_78 : memref<48xi32, #tpu.memory_space<hbm>>) dst(%dma_wait3A_77 : memref<48xi32, #tpu.memory_space<vmem>>)
    %dma_wait3A_79 = arith.constant 176 : i32
    %dma_wait3A_80 = tpu.memref_slice %arg15[%dma_wait3A_79] : memref<304xi32, #tpu.memory_space<vmem>> -> memref<32xi32, #tpu.memory_space<vmem>>
    %dma_wait3A_81 = tpu.memref_slice %arg6[%mul3A_33] : memref<1040xi32, #tpu.memory_space<hbm>> -> memref<32xi32, #tpu.memory_space<hbm>>
    %dma_wait3A_82 = arith.constant 176 : i32
    %dma_wait3A_83 = tpu.memref_slice %arg15[%dma_wait3A_82] : memref<304xi32, #tpu.memory_space<vmem>> -> memref<32xi32, #tpu.memory_space<vmem>>
    %dma_wait3A_84 = tpu.memref_slice %arg6[%mul3A_33] : memref<1040xi32, #tpu.memory_space<hbm>> -> memref<32xi32, #tpu.memory_space<hbm>>
    tpu.wait_dma2 semaphore(%arg24 : memref<!tpu.dma_semaphore, #tpu.memory_space<semaphore_mem>>) src(%dma_wait3A_84 : memref<32xi32, #tpu.memory_space<hbm>>) dst(%dma_wait3A_83 : memref<32xi32, #tpu.memory_space<vmem>>)
    %dma_wait3A_85 = arith.constant 208 : i32
    %dma_wait3A_86 = tpu.memref_slice %arg15[%dma_wait3A_85] : memref<304xi32, #tpu.memory_space<vmem>> -> memref<48xi32, #tpu.memory_space<vmem>>
    %dma_wait3A_87 = tpu.memref_slice %arg7[%mul3A_41] : memref<1536xi32, #tpu.memory_space<hbm>> -> memref<48xi32, #tpu.memory_space<hbm>>
    %dma_wait3A_88 = arith.constant 208 : i32
    %dma_wait3A_89 = tpu.memref_slice %arg15[%dma_wait3A_88] : memref<304xi32, #tpu.memory_space<vmem>> -> memref<48xi32, #tpu.memory_space<vmem>>
    %dma_wait3A_90 = tpu.memref_slice %arg7[%mul3A_41] : memref<1536xi32, #tpu.memory_space<hbm>> -> memref<48xi32, #tpu.memory_space<hbm>>
    tpu.wait_dma2 semaphore(%arg24 : memref<!tpu.dma_semaphore, #tpu.memory_space<semaphore_mem>>) src(%dma_wait3A_90 : memref<48xi32, #tpu.memory_space<hbm>>) dst(%dma_wait3A_89 : memref<48xi32, #tpu.memory_space<vmem>>)
    %dma_wait3A_91 = arith.constant 256 : i32
    %dma_wait3A_92 = tpu.memref_slice %arg15[%dma_wait3A_91] : memref<304xi32, #tpu.memory_space<vmem>> -> memref<48xi32, #tpu.memory_space<vmem>>
    %dma_wait3A_93 = tpu.memref_slice %arg8[%mul3A_49] : memref<1536xi32, #tpu.memory_space<hbm>> -> memref<48xi32, #tpu.memory_space<hbm>>
    %dma_wait3A_94 = arith.constant 256 : i32
    %dma_wait3A_95 = tpu.memref_slice %arg15[%dma_wait3A_94] : memref<304xi32, #tpu.memory_space<vmem>> -> memref<48xi32, #tpu.memory_space<vmem>>
    %dma_wait3A_96 = tpu.memref_slice %arg8[%mul3A_49] : memref<1536xi32, #tpu.memory_space<hbm>> -> memref<48xi32, #tpu.memory_space<hbm>>
    tpu.wait_dma2 semaphore(%arg24 : memref<!tpu.dma_semaphore, #tpu.memory_space<semaphore_mem>>) src(%dma_wait3A_96 : memref<48xi32, #tpu.memory_space<hbm>>) dst(%dma_wait3A_95 : memref<48xi32, #tpu.memory_space<vmem>>)
    %iota3A = tpu.iota {dimensions = array<i32: 0>} : vector<16xi32>
    %mul3A_97 = arith.constant 2 : i32
    %mul3A_98 = vector.broadcast %mul3A_97 : i32 to vector<16xi32>
    %mul3A_99 = arith.muli %iota3A, %mul3A_98 : vector<16xi32>
    %add3A_100 = arith.constant 0 : i32
    %add3A_101 = vector.broadcast %add3A_100 : i32 to vector<16xi32>
    %add3A_102 = arith.addi %mul3A_99, %add3A_101 : vector<16xi32>
    %gather3A = tpu.vector_load_idx %arg15[%add3A_102] : memref<304xi32, #tpu.memory_space<vmem>>[vector<16xi32>], vector<16xi32>,
    %swap3A = arith.constant 0 : index
    %swap3A_103 = tpu.vector_load %arg16[%swap3A] {strides = array<i32>} : memref<240xi32, #tpu.memory_space<vmem>>, vector<16xi32>,
    tpu.vector_store %arg16[%swap3A], %gather3A {strides = array<i32>} : memref<240xi32, #tpu.memory_space<vmem>>, vector<16xi32>,
    %mul3A_104 = arith.constant 2 : i32
    %mul3A_105 = vector.broadcast %mul3A_104 : i32 to vector<16xi32>
    %mul3A_106 = arith.muli %iota3A, %mul3A_105 : vector<16xi32>
    %add3A_107 = arith.constant 1 : i32
    %add3A_108 = vector.broadcast %add3A_107 : i32 to vector<16xi32>
    %add3A_109 = arith.addi %mul3A_106, %add3A_108 : vector<16xi32>
    %gather3A_110 = tpu.vector_load_idx %arg15[%add3A_109] : memref<304xi32, #tpu.memory_space<vmem>>[vector<16xi32>], vector<16xi32>,
    %swap3A_111 = arith.constant 16 : index
    %swap3A_112 = tpu.vector_load %arg16[%swap3A_111] {strides = array<i32>} : memref<240xi32, #tpu.memory_space<vmem>>, vector<16xi32>,
    tpu.vector_store %arg16[%swap3A_111], %gather3A_110 {strides = array<i32>} : memref<240xi32, #tpu.memory_space<vmem>>, vector<16xi32>,
    %mul3A_113 = arith.constant 3 : i32
    %mul3A_114 = vector.broadcast %mul3A_113 : i32 to vector<16xi32>
    %mul3A_115 = arith.muli %iota3A, %mul3A_114 : vector<16xi32>
    %add3A_116 = arith.constant 32 : i32
    %add3A_117 = vector.broadcast %add3A_116 : i32 to vector<16xi32>
    %add3A_118 = arith.addi %mul3A_115, %add3A_117 : vector<16xi32>
    %gather3A_119 = tpu.vector_load_idx %arg15[%add3A_118] : memref<304xi32, #tpu.memory_space<vmem>>[vector<16xi32>], vector<16xi32>,
    %swap3A_120 = arith.constant 32 : index
    %swap3A_121 = tpu.vector_load %arg16[%swap3A_120] {strides = array<i32>} : memref<240xi32, #tpu.memory_space<vmem>>, vector<16xi32>,
    tpu.vector_store %arg16[%swap3A_120], %gather3A_119 {strides = array<i32>} : memref<240xi32, #tpu.memory_space<vmem>>, vector<16xi32>,
    %mul3A_122 = arith.constant 3 : i32
    %mul3A_123 = vector.broadcast %mul3A_122 : i32 to vector<16xi32>
    %mul3A_124 = arith.muli %iota3A, %mul3A_123 : vector<16xi32>
    %add3A_125 = arith.constant 33 : i32
    %add3A_126 = vector.broadcast %add3A_125 : i32 to vector<16xi32>
    %add3A_127 = arith.addi %mul3A_124, %add3A_126 : vector<16xi32>
    %gather3A_128 = tpu.vector_load_idx %arg15[%add3A_127] : memref<304xi32, #tpu.memory_space<vmem>>[vector<16xi32>], vector<16xi32>,
    %swap3A_129 = arith.constant 48 : index
    %swap3A_130 = tpu.vector_load %arg16[%swap3A_129] {strides = array<i32>} : memref<240xi32, #tpu.memory_space<vmem>>, vector<16xi32>,
    tpu.vector_store %arg16[%swap3A_129], %gather3A_128 {strides = array<i32>} : memref<240xi32, #tpu.memory_space<vmem>>, vector<16xi32>,
    %mul3A_131 = arith.constant 3 : i32
    %mul3A_132 = vector.broadcast %mul3A_131 : i32 to vector<16xi32>
    %mul3A_133 = arith.muli %iota3A, %mul3A_132 : vector<16xi32>
    %add3A_134 = arith.constant 34 : i32
    %add3A_135 = vector.broadcast %add3A_134 : i32 to vector<16xi32>
    %add3A_136 = arith.addi %mul3A_133, %add3A_135 : vector<16xi32>
    %gather3A_137 = tpu.vector_load_idx %arg15[%add3A_136] : memref<304xi32, #tpu.memory_space<vmem>>[vector<16xi32>], vector<16xi32>,
    %swap3A_138 = arith.constant 64 : index
    %swap3A_139 = tpu.vector_load %arg16[%swap3A_138] {strides = array<i32>} : memref<240xi32, #tpu.memory_space<vmem>>, vector<16xi32>,
    tpu.vector_store %arg16[%swap3A_138], %gather3A_137 {strides = array<i32>} : memref<240xi32, #tpu.memory_space<vmem>>, vector<16xi32>,
    %mul3A_140 = arith.constant 3 : i32
    %mul3A_141 = vector.broadcast %mul3A_140 : i32 to vector<16xi32>
    %mul3A_142 = arith.muli %iota3A, %mul3A_141 : vector<16xi32>
    %add3A_143 = arith.constant 80 : i32
    %add3A_144 = vector.broadcast %add3A_143 : i32 to vector<16xi32>
    %add3A_145 = arith.addi %mul3A_142, %add3A_144 : vector<16xi32>
    %gather3A_146 = tpu.vector_load_idx %arg15[%add3A_145] : memref<304xi32, #tpu.memory_space<vmem>>[vector<16xi32>], vector<16xi32>,
    %swap3A_147 = arith.constant 80 : index
    %swap3A_148 = tpu.vector_load %arg16[%swap3A_147] {strides = array<i32>} : memref<240xi32, #tpu.memory_space<vmem>>, vector<16xi32>,
    tpu.vector_store %arg16[%swap3A_147], %gather3A_146 {strides = array<i32>} : memref<240xi32, #tpu.memory_space<vmem>>, vector<16xi32>,
    %mul3A_149 = arith.constant 3 : i32
    %mul3A_150 = vector.broadcast %mul3A_149 : i32 to vector<16xi32>
    %mul3A_151 = arith.muli %iota3A, %mul3A_150 : vector<16xi32>
    %add3A_152 = arith.constant 82 : i32
    %add3A_153 = vector.broadcast %add3A_152 : i32 to vector<16xi32>
    %add3A_154 = arith.addi %mul3A_151, %add3A_153 : vector<16xi32>
    %gather3A_155 = tpu.vector_load_idx %arg15[%add3A_154] : memref<304xi32, #tpu.memory_space<vmem>>[vector<16xi32>], vector<16xi32>,
    %swap3A_156 = arith.constant 96 : index
    %swap3A_157 = tpu.vector_load %arg16[%swap3A_156] {strides = array<i32>} : memref<240xi32, #tpu.memory_space<vmem>>, vector<16xi32>,
    tpu.vector_store %arg16[%swap3A_156], %gather3A_155 {strides = array<i32>} : memref<240xi32, #tpu.memory_space<vmem>>, vector<16xi32>,
    %mul3A_158 = arith.constant 3 : i32
    %mul3A_159 = vector.broadcast %mul3A_158 : i32 to vector<16xi32>
    %mul3A_160 = arith.muli %iota3A, %mul3A_159 : vector<16xi32>
    %add3A_161 = arith.constant 81 : i32
    %add3A_162 = vector.broadcast %add3A_161 : i32 to vector<16xi32>
    %add3A_163 = arith.addi %mul3A_160, %add3A_162 : vector<16xi32>
    %gather3A_164 = tpu.vector_load_idx %arg15[%add3A_163] : memref<304xi32, #tpu.memory_space<vmem>>[vector<16xi32>], vector<16xi32>,
    %swap3A_165 = arith.constant 0 : index
    %swap3A_166 = tpu.vector_load %arg17[%swap3A_165] {strides = array<i32>} : memref<64xi32, #tpu.memory_space<vmem>>, vector<16xi32>,
    tpu.vector_store %arg17[%swap3A_165], %gather3A_164 {strides = array<i32>} : memref<64xi32, #tpu.memory_space<vmem>>, vector<16xi32>,
    %mul3A_167 = arith.constant 3 : i32
    %mul3A_168 = vector.broadcast %mul3A_167 : i32 to vector<16xi32>
    %mul3A_169 = arith.muli %iota3A, %mul3A_168 : vector<16xi32>
    %add3A_170 = arith.constant 129 : i32
    %add3A_171 = vector.broadcast %add3A_170 : i32 to vector<16xi32>
    %add3A_172 = arith.addi %mul3A_169, %add3A_171 : vector<16xi32>
    %gather3A_173 = tpu.vector_load_idx %arg15[%add3A_172] : memref<304xi32, #tpu.memory_space<vmem>>[vector<16xi32>], vector<16xi32>,
    %swap3A_174 = arith.constant 112 : index
    %swap3A_175 = tpu.vector_load %arg16[%swap3A_174] {strides = array<i32>} : memref<240xi32, #tpu.memory_space<vmem>>, vector<16xi32>,
    tpu.vector_store %arg16[%swap3A_174], %gather3A_173 {strides = array<i32>} : memref<240xi32, #tpu.memory_space<vmem>>, vector<16xi32>,
    %mul3A_176 = arith.constant 3 : i32
    %mul3A_177 = vector.broadcast %mul3A_176 : i32 to vector<16xi32>
    %mul3A_178 = arith.muli %iota3A, %mul3A_177 : vector<16xi32>
    %add3A_179 = arith.constant 130 : i32
    %add3A_180 = vector.broadcast %add3A_179 : i32 to vector<16xi32>
    %add3A_181 = arith.addi %mul3A_178, %add3A_180 : vector<16xi32>
    %gather3A_182 = tpu.vector_load_idx %arg15[%add3A_181] : memref<304xi32, #tpu.memory_space<vmem>>[vector<16xi32>], vector<16xi32>,
    %swap3A_183 = arith.constant 128 : index
    %swap3A_184 = tpu.vector_load %arg16[%swap3A_183] {strides = array<i32>} : memref<240xi32, #tpu.memory_space<vmem>>, vector<16xi32>,
    tpu.vector_store %arg16[%swap3A_183], %gather3A_182 {strides = array<i32>} : memref<240xi32, #tpu.memory_space<vmem>>, vector<16xi32>,
    %mul3A_185 = arith.constant 3 : i32
    %mul3A_186 = vector.broadcast %mul3A_185 : i32 to vector<16xi32>
    %mul3A_187 = arith.muli %iota3A, %mul3A_186 : vector<16xi32>
    %add3A_188 = arith.constant 128 : i32
    %add3A_189 = vector.broadcast %add3A_188 : i32 to vector<16xi32>
    %add3A_190 = arith.addi %mul3A_187, %add3A_189 : vector<16xi32>
    %gather3A_191 = tpu.vector_load_idx %arg15[%add3A_190] : memref<304xi32, #tpu.memory_space<vmem>>[vector<16xi32>], vector<16xi32>,
    %swap3A_192 = arith.constant 16 : index
    %swap3A_193 = tpu.vector_load %arg17[%swap3A_192] {strides = array<i32>} : memref<64xi32, #tpu.memory_space<vmem>>, vector<16xi32>,
    tpu.vector_store %arg17[%swap3A_192], %gather3A_191 {strides = array<i32>} : memref<64xi32, #tpu.memory_space<vmem>>, vector<16xi32>,
    %mul3A_194 = arith.constant 2 : i32
    %mul3A_195 = vector.broadcast %mul3A_194 : i32 to vector<16xi32>
    %mul3A_196 = arith.muli %iota3A, %mul3A_195 : vector<16xi32>
    %add3A_197 = arith.constant 176 : i32
    %add3A_198 = vector.broadcast %add3A_197 : i32 to vector<16xi32>
    %add3A_199 = arith.addi %mul3A_196, %add3A_198 : vector<16xi32>
    %gather3A_200 = tpu.vector_load_idx %arg15[%add3A_199] : memref<304xi32, #tpu.memory_space<vmem>>[vector<16xi32>], vector<16xi32>,
    %swap3A_201 = arith.constant 144 : index
    %swap3A_202 = tpu.vector_load %arg16[%swap3A_201] {strides = array<i32>} : memref<240xi32, #tpu.memory_space<vmem>>, vector<16xi32>,
    tpu.vector_store %arg16[%swap3A_201], %gather3A_200 {strides = array<i32>} : memref<240xi32, #tpu.memory_space<vmem>>, vector<16xi32>,
    %mul3A_203 = arith.constant 2 : i32
    %mul3A_204 = vector.broadcast %mul3A_203 : i32 to vector<16xi32>
    %mul3A_205 = arith.muli %iota3A, %mul3A_204 : vector<16xi32>
    %add3A_206 = arith.constant 177 : i32
    %add3A_207 = vector.broadcast %add3A_206 : i32 to vector<16xi32>
    %add3A_208 = arith.addi %mul3A_205, %add3A_207 : vector<16xi32>
    %gather3A_209 = tpu.vector_load_idx %arg15[%add3A_208] : memref<304xi32, #tpu.memory_space<vmem>>[vector<16xi32>], vector<16xi32>,
    %swap3A_210 = arith.constant 160 : index
    %swap3A_211 = tpu.vector_load %arg16[%swap3A_210] {strides = array<i32>} : memref<240xi32, #tpu.memory_space<vmem>>, vector<16xi32>,
    tpu.vector_store %arg16[%swap3A_210], %gather3A_209 {strides = array<i32>} : memref<240xi32, #tpu.memory_space<vmem>>, vector<16xi32>,
    %mul3A_212 = arith.constant 3 : i32
    %mul3A_213 = vector.broadcast %mul3A_212 : i32 to vector<16xi32>
    %mul3A_214 = arith.muli %iota3A, %mul3A_213 : vector<16xi32>
    %add3A_215 = arith.constant 208 : i32
    %add3A_216 = vector.broadcast %add3A_215 : i32 to vector<16xi32>
    %add3A_217 = arith.addi %mul3A_214, %add3A_216 : vector<16xi32>
    %gather3A_218 = tpu.vector_load_idx %arg15[%add3A_217] : memref<304xi32, #tpu.memory_space<vmem>>[vector<16xi32>], vector<16xi32>,
    %swap3A_219 = arith.constant 176 : index
    %swap3A_220 = tpu.vector_load %arg16[%swap3A_219] {strides = array<i32>} : memref<240xi32, #tpu.memory_space<vmem>>, vector<16xi32>,
    tpu.vector_store %arg16[%swap3A_219], %gather3A_218 {strides = array<i32>} : memref<240xi32, #tpu.memory_space<vmem>>, vector<16xi32>,
    %mul3A_221 = arith.constant 3 : i32
    %mul3A_222 = vector.broadcast %mul3A_221 : i32 to vector<16xi32>
    %mul3A_223 = arith.muli %iota3A, %mul3A_222 : vector<16xi32>
    %add3A_224 = arith.constant 210 : i32
    %add3A_225 = vector.broadcast %add3A_224 : i32 to vector<16xi32>
    %add3A_226 = arith.addi %mul3A_223, %add3A_225 : vector<16xi32>
    %gather3A_227 = tpu.vector_load_idx %arg15[%add3A_226] : memref<304xi32, #tpu.memory_space<vmem>>[vector<16xi32>], vector<16xi32>,
    %swap3A_228 = arith.constant 208 : index
    %swap3A_229 = tpu.vector_load %arg16[%swap3A_228] {strides = array<i32>} : memref<240xi32, #tpu.memory_space<vmem>>, vector<16xi32>,
    tpu.vector_store %arg16[%swap3A_228], %gather3A_227 {strides = array<i32>} : memref<240xi32, #tpu.memory_space<vmem>>, vector<16xi32>,
    %mul3A_230 = arith.constant 3 : i32
    %mul3A_231 = vector.broadcast %mul3A_230 : i32 to vector<16xi32>
    %mul3A_232 = arith.muli %iota3A, %mul3A_231 : vector<16xi32>
    %add3A_233 = arith.constant 209 : i32
    %add3A_234 = vector.broadcast %add3A_233 : i32 to vector<16xi32>
    %add3A_235 = arith.addi %mul3A_232, %add3A_234 : vector<16xi32>
    %gather3A_236 = tpu.vector_load_idx %arg15[%add3A_235] : memref<304xi32, #tpu.memory_space<vmem>>[vector<16xi32>], vector<16xi32>,
    %swap3A_237 = arith.constant 32 : index
    %swap3A_238 = tpu.vector_load %arg17[%swap3A_237] {strides = array<i32>} : memref<64xi32, #tpu.memory_space<vmem>>, vector<16xi32>,
    tpu.vector_store %arg17[%swap3A_237], %gather3A_236 {strides = array<i32>} : memref<64xi32, #tpu.memory_space<vmem>>, vector<16xi32>,
    %mul3A_239 = arith.constant 3 : i32
    %mul3A_240 = vector.broadcast %mul3A_239 : i32 to vector<16xi32>
    %mul3A_241 = arith.muli %iota3A, %mul3A_240 : vector<16xi32>
    %add3A_242 = arith.constant 256 : i32
    %add3A_243 = vector.broadcast %add3A_242 : i32 to vector<16xi32>
    %add3A_244 = arith.addi %mul3A_241, %add3A_243 : vector<16xi32>
    %gather3A_245 = tpu.vector_load_idx %arg15[%add3A_244] : memref<304xi32, #tpu.memory_space<vmem>>[vector<16xi32>], vector<16xi32>,
    %swap3A_246 = arith.constant 192 : index
    %swap3A_247 = tpu.vector_load %arg16[%swap3A_246] {strides = array<i32>} : memref<240xi32, #tpu.memory_space<vmem>>, vector<16xi32>,
    tpu.vector_store %arg16[%swap3A_246], %gather3A_245 {strides = array<i32>} : memref<240xi32, #tpu.memory_space<vmem>>, vector<16xi32>,
    %mul3A_248 = arith.constant 3 : i32
    %mul3A_249 = vector.broadcast %mul3A_248 : i32 to vector<16xi32>
    %mul3A_250 = arith.muli %iota3A, %mul3A_249 : vector<16xi32>
    %add3A_251 = arith.constant 258 : i32
    %add3A_252 = vector.broadcast %add3A_251 : i32 to vector<16xi32>
    %add3A_253 = arith.addi %mul3A_250, %add3A_252 : vector<16xi32>
    %gather3A_254 = tpu.vector_load_idx %arg15[%add3A_253] : memref<304xi32, #tpu.memory_space<vmem>>[vector<16xi32>], vector<16xi32>,
    %swap3A_255 = arith.constant 224 : index
    %swap3A_256 = tpu.vector_load %arg16[%swap3A_255] {strides = array<i32>} : memref<240xi32, #tpu.memory_space<vmem>>, vector<16xi32>,
    tpu.vector_store %arg16[%swap3A_255], %gather3A_254 {strides = array<i32>} : memref<240xi32, #tpu.memory_space<vmem>>, vector<16xi32>,
    %mul3A_257 = arith.constant 3 : i32
    %mul3A_258 = vector.broadcast %mul3A_257 : i32 to vector<16xi32>
    %mul3A_259 = arith.muli %iota3A, %mul3A_258 : vector<16xi32>
    %add3A_260 = arith.constant 257 : i32
    %add3A_261 = vector.broadcast %add3A_260 : i32 to vector<16xi32>
    %add3A_262 = arith.addi %mul3A_259, %add3A_261 : vector<16xi32>
    %gather3A_263 = tpu.vector_load_idx %arg15[%add3A_262] : memref<304xi32, #tpu.memory_space<vmem>>[vector<16xi32>], vector<16xi32>,
    %swap3A_264 = arith.constant 48 : index
    %swap3A_265 = tpu.vector_load %arg17[%swap3A_264] {strides = array<i32>} : memref<64xi32, #tpu.memory_space<vmem>>, vector<16xi32>,
    tpu.vector_store %arg17[%swap3A_264], %gather3A_263 {strides = array<i32>} : memref<64xi32, #tpu.memory_space<vmem>>, vector<16xi32>,
    %dma_start3A_266 = arith.constant 0 : i32
    %dma_start3A_267 = arith.constant 0 : i32
    %dma_start3A_268 = tpu.memref_slice %arg18[%dma_start3A_266, %dma_start3A_267] : memref<240x256xf32, #tpu.memory_space<vmem>> -> memref<120x256xf32, #tpu.memory_space<vmem>>
    %dma_start3A_269 = arith.constant 0 : i32
    %dma_start3A_270 = tpu.memref_slice %arg16[%dma_start3A_269] : memref<240xi32, #tpu.memory_space<vmem>> -> memref<120xi32, #tpu.memory_space<vmem>>
    %dma_start3A_271 = arith.constant 0 : i32
    %dma_start3A_272 = arith.constant 0 : i32
    %dma_start3A_273 = tpu.memref_slice %arg9[%dma_start3A_271, %dma_start3A_272] : memref<100000x256xf32, #tpu.memory_space<hbm>> -> memref<100000x256xf32, #tpu.memory_space<hbm>>
    tpu.enqueue_indirect_dma source(%dma_start3A_273 : memref<100000x256xf32, #tpu.memory_space<hbm>>) target(%dma_start3A_268 : memref<120x256xf32, #tpu.memory_space<vmem>>) offsets(%dma_start3A_270 : memref<120xi32, #tpu.memory_space<vmem>>) semaphore(%arg24 : memref<!tpu.dma_semaphore, #tpu.memory_space<semaphore_mem>>)
    %dma_start3A_274 = arith.constant 120 : i32
    %dma_start3A_275 = arith.constant 0 : i32
    %dma_start3A_276 = tpu.memref_slice %arg18[%dma_start3A_274, %dma_start3A_275] : memref<240x256xf32, #tpu.memory_space<vmem>> -> memref<120x256xf32, #tpu.memory_space<vmem>>
    %dma_start3A_277 = arith.constant 120 : i32
    %dma_start3A_278 = tpu.memref_slice %arg16[%dma_start3A_277] : memref<240xi32, #tpu.memory_space<vmem>> -> memref<120xi32, #tpu.memory_space<vmem>>
    %dma_start3A_279 = arith.constant 0 : i32
    %dma_start3A_280 = arith.constant 0 : i32
    %dma_start3A_281 = tpu.memref_slice %arg9[%dma_start3A_279, %dma_start3A_280] : memref<100000x256xf32, #tpu.memory_space<hbm>> -> memref<100000x256xf32, #tpu.memory_space<hbm>>
    tpu.enqueue_indirect_dma source(%dma_start3A_281 : memref<100000x256xf32, #tpu.memory_space<hbm>>) target(%dma_start3A_276 : memref<120x256xf32, #tpu.memory_space<vmem>>) offsets(%dma_start3A_278 : memref<120xi32, #tpu.memory_space<vmem>>) semaphore(%arg24 : memref<!tpu.dma_semaphore, #tpu.memory_space<semaphore_mem>>)
    %dma_start3A_282 = arith.constant 0 : i32
    %dma_start3A_283 = arith.constant 0 : i32
    %dma_start3A_284 = tpu.memref_slice %arg10[%dma_start3A_282, %dma_start3A_283] : memref<100000x128xf32, #tpu.memory_space<hbm>> -> memref<100000x128xf32, #tpu.memory_space<hbm>>
    tpu.enqueue_indirect_dma source(%dma_start3A_284 : memref<100000x128xf32, #tpu.memory_space<hbm>>) target(%arg19 : memref<64x128xf32, #tpu.memory_space<vmem>>) offsets(%arg17 : memref<64xi32, #tpu.memory_space<vmem>>) semaphore(%arg24 : memref<!tpu.dma_semaphore, #tpu.memory_space<semaphore_mem>>)
    %dma_wait3A_285 = arith.constant 0 : i32
    %dma_wait3A_286 = arith.constant 0 : i32
    %dma_wait3A_287 = tpu.memref_slice %arg18[%dma_wait3A_285, %dma_wait3A_286] : memref<240x256xf32, #tpu.memory_space<vmem>> -> memref<120x256xf32, #tpu.memory_space<vmem>>
    %dma_wait3A_288 = arith.constant 0 : i32
    %dma_wait3A_289 = tpu.memref_slice %arg16[%dma_wait3A_288] : memref<240xi32, #tpu.memory_space<vmem>> -> memref<120xi32, #tpu.memory_space<vmem>>
    %dma_wait3A_290 = arith.constant 0 : i32
    %dma_wait3A_291 = arith.constant 0 : i32
    %dma_wait3A_292 = tpu.memref_slice %arg9[%dma_wait3A_290, %dma_wait3A_291] : memref<100000x256xf32, #tpu.memory_space<hbm>> -> memref<100000x256xf32, #tpu.memory_space<hbm>>
    tpu.wait_indirect_dma semaphore(%arg24 : memref<!tpu.dma_semaphore, #tpu.memory_space<semaphore_mem>>) src(%dma_wait3A_292 : memref<100000x256xf32, #tpu.memory_space<hbm>>) dst(%dma_wait3A_287 : memref<120x256xf32, #tpu.memory_space<vmem>>)
    %dma_wait3A_293 = arith.constant 120 : i32
    %dma_wait3A_294 = arith.constant 0 : i32
    %dma_wait3A_295 = tpu.memref_slice %arg18[%dma_wait3A_293, %dma_wait3A_294] : memref<240x256xf32, #tpu.memory_space<vmem>> -> memref<120x256xf32, #tpu.memory_space<vmem>>
    %dma_wait3A_296 = arith.constant 120 : i32
    %dma_wait3A_297 = tpu.memref_slice %arg16[%dma_wait3A_296] : memref<240xi32, #tpu.memory_space<vmem>> -> memref<120xi32, #tpu.memory_space<vmem>>
    %dma_wait3A_298 = arith.constant 0 : i32
    %dma_wait3A_299 = arith.constant 0 : i32
    %dma_wait3A_300 = tpu.memref_slice %arg9[%dma_wait3A_298, %dma_wait3A_299] : memref<100000x256xf32, #tpu.memory_space<hbm>> -> memref<100000x256xf32, #tpu.memory_space<hbm>>
    tpu.wait_indirect_dma semaphore(%arg24 : memref<!tpu.dma_semaphore, #tpu.memory_space<semaphore_mem>>) src(%dma_wait3A_300 : memref<100000x256xf32, #tpu.memory_space<hbm>>) dst(%dma_wait3A_295 : memref<120x256xf32, #tpu.memory_space<vmem>>)
    %dma_wait3A_301 = arith.constant 0 : i32
    %dma_wait3A_302 = arith.constant 0 : i32
    %dma_wait3A_303 = tpu.memref_slice %arg10[%dma_wait3A_301, %dma_wait3A_302] : memref<100000x128xf32, #tpu.memory_space<hbm>> -> memref<100000x128xf32, #tpu.memory_space<hbm>>
    tpu.wait_indirect_dma semaphore(%arg24 : memref<!tpu.dma_semaphore, #tpu.memory_space<semaphore_mem>>) src(%dma_wait3A_303 : memref<100000x128xf32, #tpu.memory_space<hbm>>) dst(%arg19 : memref<64x128xf32, #tpu.memory_space<vmem>>)
    %broadcast_in_dim3A = arith.constant 0.000000e+00 : f32
    %broadcast_in_dim3A_304 = vector.broadcast %broadcast_in_dim3A : f32 to vector<16xf32>
    %scan3A = arith.constant 0 : i32
    %scan3A_305 = arith.constant 16 : i32
    %scan3A_306 = arith.addi %scan3A, %scan3A_305 : i32
    %scan3A_307 = arith.constant 1 : i32
    %scan3A_308 = scf.for %scan3A_312 = %scan3A to %scan3A_306 step %scan3A_307 iter_args(%scan3A_313 = %broadcast_in_dim3A_304) -> (vector<16xf32>)  : i32 {
      %broadcast_in_dim3A_314 = arith.constant 0.000000e+00 : f32
      %broadcast_in_dim3A_315 = vector.broadcast %broadcast_in_dim3A_314 : f32 to vector<16xf32>
      %add3A_316 = arith.constant 0 : i32
      %add3A_317 = arith.addi %add3A_316, %scan3A_312 : i32
      %get3A = arith.index_cast %add3A_317 : i32 to index
      %get3A_318 = arith.constant 0 : index
      %get3A_319 = tpu.vector_load %arg18[%get3A, %get3A_318] {strides = array<i32>} : memref<240x256xf32, #tpu.memory_space<vmem>>, vector<16xf32>,
      %add3A_320 = arith.constant 0 : i32
      %add3A_321 = arith.addi %add3A_320, %scan3A_312 : i32
      %get3A_322 = arith.index_cast %add3A_321 : i32 to index
      %get3A_323 = arith.constant 128 : index
      %get3A_324 = tpu.vector_load %arg18[%get3A_322, %get3A_323] {strides = array<i32>} : memref<240x256xf32, #tpu.memory_space<vmem>>, vector<16xf32>,
      %abs3A = math.absf %get3A_324 : vector<16xf32>
      %add3A_325 = arith.constant 16 : i32
      %add3A_326 = arith.addi %add3A_325, %scan3A_312 : i32
      %get3A_327 = arith.index_cast %add3A_326 : i32 to index
      %get3A_328 = arith.constant 0 : index
      %get3A_329 = tpu.vector_load %arg18[%get3A_327, %get3A_328] {strides = array<i32>} : memref<240x256xf32, #tpu.memory_space<vmem>>, vector<16xf32>,
      %add3A_330 = arith.constant 16 : i32
      %add3A_331 = arith.addi %add3A_330, %scan3A_312 : i32
      %get3A_332 = arith.index_cast %add3A_331 : i32 to index
      %get3A_333 = arith.constant 128 : index
      %get3A_334 = tpu.vector_load %arg18[%get3A_332, %get3A_333] {strides = array<i32>} : memref<240x256xf32, #tpu.memory_space<vmem>>, vector<16xf32>,
      %abs3A_335 = math.absf %get3A_334 : vector<16xf32>
      %sub3A = arith.subf %get3A_319, %get3A_329 : vector<16xf32>
      %abs3A_336 = math.absf %sub3A : vector<16xf32>
      %add3A_337 = arith.addf %abs3A_336, %abs3A : vector<16xf32>
      %sub3A_338 = arith.subf %add3A_337, %abs3A_335 : vector<16xf32>
      %max3A = arith.constant 0.000000e+00 : f32
      %max3A_339 = vector.broadcast %max3A : f32 to vector<16xf32>
      %max3A_340 = arith.maximumf %sub3A_338, %max3A_339 : vector<16xf32>
      %add3A_341 = arith.constant 80 : i32
      %add3A_342 = arith.addi %add3A_341, %scan3A_312 : i32
      %get3A_343 = arith.index_cast %add3A_342 : i32 to index
      %get3A_344 = arith.constant 0 : index
      %get3A_345 = tpu.vector_load %arg18[%get3A_343, %get3A_344] {strides = array<i32>} : memref<240x256xf32, #tpu.memory_space<vmem>>, vector<16xf32>,
      %add3A_346 = arith.constant 80 : i32
      %add3A_347 = arith.addi %add3A_346, %scan3A_312 : i32
      %get3A_348 = arith.index_cast %add3A_347 : i32 to index
      %get3A_349 = arith.constant 128 : index
      %get3A_350 = tpu.vector_load %arg18[%get3A_348, %get3A_349] {strides = array<i32>} : memref<240x256xf32, #tpu.memory_space<vmem>>, vector<16xf32>,
      %abs3A_351 = math.absf %get3A_350 : vector<16xf32>
      %add3A_352 = arith.constant 96 : i32
      %add3A_353 = arith.addi %add3A_352, %scan3A_312 : i32
      %get3A_354 = arith.index_cast %add3A_353 : i32 to index
      %get3A_355 = arith.constant 0 : index
      %get3A_356 = tpu.vector_load %arg18[%get3A_354, %get3A_355] {strides = array<i32>} : memref<240x256xf32, #tpu.memory_space<vmem>>, vector<16xf32>,
      %add3A_357 = arith.constant 96 : i32
      %add3A_358 = arith.addi %add3A_357, %scan3A_312 : i32
      %get3A_359 = arith.index_cast %add3A_358 : i32 to index
      %get3A_360 = arith.constant 128 : index
      %get3A_361 = tpu.vector_load %arg18[%get3A_359, %get3A_360] {strides = array<i32>} : memref<240x256xf32, #tpu.memory_space<vmem>>, vector<16xf32>,
      %abs3A_362 = math.absf %get3A_361 : vector<16xf32>
      %add3A_363 = arith.constant 0 : i32
      %add3A_364 = arith.addi %add3A_363, %scan3A_312 : i32
      %get3A_365 = arith.index_cast %add3A_364 : i32 to index
      %get3A_366 = arith.constant 0 : index
      %get3A_367 = tpu.vector_load %arg19[%get3A_365, %get3A_366] {strides = array<i32>} : memref<64x128xf32, #tpu.memory_space<vmem>>, vector<16xf32>,
      %add3A_368 = arith.addf %get3A_345, %get3A_367 : vector<16xf32>
      %sub3A_369 = arith.subf %add3A_368, %get3A_356 : vector<16xf32>
      %abs3A_370 = math.absf %sub3A_369 : vector<16xf32>
      %add3A_371 = arith.addf %abs3A_370, %abs3A_351 : vector<16xf32>
      %sub3A_372 = arith.subf %add3A_371, %abs3A_362 : vector<16xf32>
      %max3A_373 = arith.constant 0.000000e+00 : f32
      %max3A_374 = vector.broadcast %max3A_373 : f32 to vector<16xf32>
      %max3A_375 = arith.maximumf %sub3A_372, %max3A_374 : vector<16xf32>
      %add3A_376 = arith.constant 112 : i32
      %add3A_377 = arith.addi %add3A_376, %scan3A_312 : i32
      %get3A_378 = arith.index_cast %add3A_377 : i32 to index
      %get3A_379 = arith.constant 0 : index
      %get3A_380 = tpu.vector_load %arg18[%get3A_378, %get3A_379] {strides = array<i32>} : memref<240x256xf32, #tpu.memory_space<vmem>>, vector<16xf32>,
      %add3A_381 = arith.constant 112 : i32
      %add3A_382 = arith.addi %add3A_381, %scan3A_312 : i32
      %get3A_383 = arith.index_cast %add3A_382 : i32 to index
      %get3A_384 = arith.constant 128 : index
      %get3A_385 = tpu.vector_load %arg18[%get3A_383, %get3A_384] {strides = array<i32>} : memref<240x256xf32, #tpu.memory_space<vmem>>, vector<16xf32>,
      %abs3A_386 = math.absf %get3A_385 : vector<16xf32>
      %add3A_387 = arith.constant 128 : i32
      %add3A_388 = arith.addi %add3A_387, %scan3A_312 : i32
      %get3A_389 = arith.index_cast %add3A_388 : i32 to index
      %get3A_390 = arith.constant 0 : index
      %get3A_391 = tpu.vector_load %arg18[%get3A_389, %get3A_390] {strides = array<i32>} : memref<240x256xf32, #tpu.memory_space<vmem>>, vector<16xf32>,
      %add3A_392 = arith.constant 128 : i32
      %add3A_393 = arith.addi %add3A_392, %scan3A_312 : i32
      %get3A_394 = arith.index_cast %add3A_393 : i32 to index
      %get3A_395 = arith.constant 128 : index
      %get3A_396 = tpu.vector_load %arg18[%get3A_394, %get3A_395] {strides = array<i32>} : memref<240x256xf32, #tpu.memory_space<vmem>>, vector<16xf32>,
      %abs3A_397 = math.absf %get3A_396 : vector<16xf32>
      %add3A_398 = arith.constant 16 : i32
      %add3A_399 = arith.addi %add3A_398, %scan3A_312 : i32
      %get3A_400 = arith.index_cast %add3A_399 : i32 to index
      %get3A_401 = arith.constant 0 : index
      %get3A_402 = tpu.vector_load %arg19[%get3A_400, %get3A_401] {strides = array<i32>} : memref<64x128xf32, #tpu.memory_space<vmem>>, vector<16xf32>,
      %sub3A_403 = arith.subf %get3A_380, %get3A_402 : vector<16xf32>
      %sub3A_404 = arith.subf %sub3A_403, %get3A_391 : vector<16xf32>
      %abs3A_405 = math.absf %sub3A_404 : vector<16xf32>
      %add3A_406 = arith.addf %abs3A_405, %abs3A_386 : vector<16xf32>
      %sub3A_407 = arith.subf %add3A_406, %abs3A_397 : vector<16xf32>
      %max3A_408 = arith.constant 0.000000e+00 : f32
      %max3A_409 = vector.broadcast %max3A_408 : f32 to vector<16xf32>
      %max3A_410 = arith.maximumf %sub3A_407, %max3A_409 : vector<16xf32>
      %add3A_411 = arith.constant 144 : i32
      %add3A_412 = arith.addi %add3A_411, %scan3A_312 : i32
      %get3A_413 = arith.index_cast %add3A_412 : i32 to index
      %get3A_414 = arith.constant 0 : index
      %get3A_415 = tpu.vector_load %arg18[%get3A_413, %get3A_414] {strides = array<i32>} : memref<240x256xf32, #tpu.memory_space<vmem>>, vector<16xf32>,
      %add3A_416 = arith.constant 144 : i32
      %add3A_417 = arith.addi %add3A_416, %scan3A_312 : i32
      %get3A_418 = arith.index_cast %add3A_417 : i32 to index
      %get3A_419 = arith.constant 128 : index
      %get3A_420 = tpu.vector_load %arg18[%get3A_418, %get3A_419] {strides = array<i32>} : memref<240x256xf32, #tpu.memory_space<vmem>>, vector<16xf32>,
      %abs3A_421 = math.absf %get3A_420 : vector<16xf32>
      %add3A_422 = arith.constant 160 : i32
      %add3A_423 = arith.addi %add3A_422, %scan3A_312 : i32
      %get3A_424 = arith.index_cast %add3A_423 : i32 to index
      %get3A_425 = arith.constant 0 : index
      %get3A_426 = tpu.vector_load %arg18[%get3A_424, %get3A_425] {strides = array<i32>} : memref<240x256xf32, #tpu.memory_space<vmem>>, vector<16xf32>,
      %add3A_427 = arith.constant 160 : i32
      %add3A_428 = arith.addi %add3A_427, %scan3A_312 : i32
      %get3A_429 = arith.index_cast %add3A_428 : i32 to index
      %get3A_430 = arith.constant 128 : index
      %get3A_431 = tpu.vector_load %arg18[%get3A_429, %get3A_430] {strides = array<i32>} : memref<240x256xf32, #tpu.memory_space<vmem>>, vector<16xf32>,
      %abs3A_432 = math.absf %get3A_431 : vector<16xf32>
      %sub3A_433 = arith.subf %get3A_415, %get3A_426 : vector<16xf32>
      %abs3A_434 = math.absf %sub3A_433 : vector<16xf32>
      %neg3A = arith.constant 0.000000e+00 : f32
      %neg3A_435 = vector.broadcast %neg3A : f32 to vector<16xf32>
      %neg3A_436 = arith.subf %neg3A_435, %abs3A_434 : vector<16xf32>
      %add3A_437 = arith.addf %neg3A_436, %abs3A_421 : vector<16xf32>
      %add3A_438 = arith.addf %add3A_437, %abs3A_432 : vector<16xf32>
      %max3A_439 = arith.constant 0.000000e+00 : f32
      %max3A_440 = vector.broadcast %max3A_439 : f32 to vector<16xf32>
      %max3A_441 = arith.maximumf %add3A_438, %max3A_440 : vector<16xf32>
      %mul3A_442 = arith.mulf %max3A_340, %max3A_340 : vector<16xf32>
      %add3A_443 = arith.addf %scan3A_313, %mul3A_442 : vector<16xf32>
      %mul3A_444 = arith.mulf %max3A_375, %max3A_375 : vector<16xf32>
      %add3A_445 = arith.addf %add3A_443, %mul3A_444 : vector<16xf32>
      %mul3A_446 = arith.mulf %max3A_410, %max3A_410 : vector<16xf32>
      %add3A_447 = arith.addf %add3A_445, %mul3A_446 : vector<16xf32>
      %mul3A_448 = arith.mulf %max3A_441, %max3A_441 : vector<16xf32>
      %add3A_449 = arith.addf %add3A_447, %mul3A_448 : vector<16xf32>
      %add3A_450 = arith.constant 0 : i32
      %add3A_451 = arith.addi %add3A_450, %scan3A_312 : i32
      %get3A_452 = arith.index_cast %add3A_451 : i32 to index
      %get3A_453 = arith.constant 16 : index
      %get3A_454 = tpu.vector_load %arg18[%get3A_452, %get3A_453] {strides = array<i32>} : memref<240x256xf32, #tpu.memory_space<vmem>>, vector<16xf32>,
      %add3A_455 = arith.constant 0 : i32
      %add3A_456 = arith.addi %add3A_455, %scan3A_312 : i32
      %get3A_457 = arith.index_cast %add3A_456 : i32 to index
      %get3A_458 = arith.constant 144 : index
      %get3A_459 = tpu.vector_load %arg18[%get3A_457, %get3A_458] {strides = array<i32>} : memref<240x256xf32, #tpu.memory_space<vmem>>, vector<16xf32>,
      %abs3A_460 = math.absf %get3A_459 : vector<16xf32>
      %add3A_461 = arith.constant 16 : i32
      %add3A_462 = arith.addi %add3A_461, %scan3A_312 : i32
      %get3A_463 = arith.index_cast %add3A_462 : i32 to index
      %get3A_464 = arith.constant 16 : index
      %get3A_465 = tpu.vector_load %arg18[%get3A_463, %get3A_464] {strides = array<i32>} : memref<240x256xf32, #tpu.memory_space<vmem>>, vector<16xf32>,
      %add3A_466 = arith.constant 16 : i32
      %add3A_467 = arith.addi %add3A_466, %scan3A_312 : i32
      %get3A_468 = arith.index_cast %add3A_467 : i32 to index
      %get3A_469 = arith.constant 144 : index
      %get3A_470 = tpu.vector_load %arg18[%get3A_468, %get3A_469] {strides = array<i32>} : memref<240x256xf32, #tpu.memory_space<vmem>>, vector<16xf32>,
      %abs3A_471 = math.absf %get3A_470 : vector<16xf32>
      %sub3A_472 = arith.subf %get3A_454, %get3A_465 : vector<16xf32>
      %abs3A_473 = math.absf %sub3A_472 : vector<16xf32>
      %add3A_474 = arith.addf %abs3A_473, %abs3A_460 : vector<16xf32>
      %sub3A_475 = arith.subf %add3A_474, %abs3A_471 : vector<16xf32>
      %max3A_476 = arith.constant 0.000000e+00 : f32
      %max3A_477 = vector.broadcast %max3A_476 : f32 to vector<16xf32>
      %max3A_478 = arith.maximumf %sub3A_475, %max3A_477 : vector<16xf32>
      %add3A_479 = arith.constant 80 : i32
      %add3A_480 = arith.addi %add3A_479, %scan3A_312 : i32
      %get3A_481 = arith.index_cast %add3A_480 : i32 to index
      %get3A_482 = arith.constant 16 : index
      %get3A_483 = tpu.vector_load %arg18[%get3A_481, %get3A_482] {strides = array<i32>} : memref<240x256xf32, #tpu.memory_space<vmem>>, vector<16xf32>,
      %add3A_484 = arith.constant 80 : i32
      %add3A_485 = arith.addi %add3A_484, %scan3A_312 : i32
      %get3A_486 = arith.index_cast %add3A_485 : i32 to index
      %get3A_487 = arith.constant 144 : index
      %get3A_488 = tpu.vector_load %arg18[%get3A_486, %get3A_487] {strides = array<i32>} : memref<240x256xf32, #tpu.memory_space<vmem>>, vector<16xf32>,
      %abs3A_489 = math.absf %get3A_488 : vector<16xf32>
      %add3A_490 = arith.constant 96 : i32
      %add3A_491 = arith.addi %add3A_490, %scan3A_312 : i32
      %get3A_492 = arith.index_cast %add3A_491 : i32 to index
      %get3A_493 = arith.constant 16 : index
      %get3A_494 = tpu.vector_load %arg18[%get3A_492, %get3A_493] {strides = array<i32>} : memref<240x256xf32, #tpu.memory_space<vmem>>, vector<16xf32>,
      %add3A_495 = arith.constant 96 : i32
      %add3A_496 = arith.addi %add3A_495, %scan3A_312 : i32
      %get3A_497 = arith.index_cast %add3A_496 : i32 to index
      %get3A_498 = arith.constant 144 : index
      %get3A_499 = tpu.vector_load %arg18[%get3A_497, %get3A_498] {strides = array<i32>} : memref<240x256xf32, #tpu.memory_space<vmem>>, vector<16xf32>,
      %abs3A_500 = math.absf %get3A_499 : vector<16xf32>
      %add3A_501 = arith.constant 0 : i32
      %add3A_502 = arith.addi %add3A_501, %scan3A_312 : i32
      %get3A_503 = arith.index_cast %add3A_502 : i32 to index
      %get3A_504 = arith.constant 16 : index
      %get3A_505 = tpu.vector_load %arg19[%get3A_503, %get3A_504] {strides = array<i32>} : memref<64x128xf32, #tpu.memory_space<vmem>>, vector<16xf32>,
      %add3A_506 = arith.addf %get3A_483, %get3A_505 : vector<16xf32>
      %sub3A_507 = arith.subf %add3A_506, %get3A_494 : vector<16xf32>
      %abs3A_508 = math.absf %sub3A_507 : vector<16xf32>
      %add3A_509 = arith.addf %abs3A_508, %abs3A_489 : vector<16xf32>
      %sub3A_510 = arith.subf %add3A_509, %abs3A_500 : vector<16xf32>
      %max3A_511 = arith.constant 0.000000e+00 : f32
      %max3A_512 = vector.broadcast %max3A_511 : f32 to vector<16xf32>
      %max3A_513 = arith.maximumf %sub3A_510, %max3A_512 : vector<16xf32>
      %add3A_514 = arith.constant 112 : i32
      %add3A_515 = arith.addi %add3A_514, %scan3A_312 : i32
      %get3A_516 = arith.index_cast %add3A_515 : i32 to index
      %get3A_517 = arith.constant 16 : index
      %get3A_518 = tpu.vector_load %arg18[%get3A_516, %get3A_517] {strides = array<i32>} : memref<240x256xf32, #tpu.memory_space<vmem>>, vector<16xf32>,
      %add3A_519 = arith.constant 112 : i32
      %add3A_520 = arith.addi %add3A_519, %scan3A_312 : i32
      %get3A_521 = arith.index_cast %add3A_520 : i32 to index
      %get3A_522 = arith.constant 144 : index
      %get3A_523 = tpu.vector_load %arg18[%get3A_521, %get3A_522] {strides = array<i32>} : memref<240x256xf32, #tpu.memory_space<vmem>>, vector<16xf32>,
      %abs3A_524 = math.absf %get3A_523 : vector<16xf32>
      %add3A_525 = arith.constant 128 : i32
      %add3A_526 = arith.addi %add3A_525, %scan3A_312 : i32
      %get3A_527 = arith.index_cast %add3A_526 : i32 to index
      %get3A_528 = arith.constant 16 : index
      %get3A_529 = tpu.vector_load %arg18[%get3A_527, %get3A_528] {strides = array<i32>} : memref<240x256xf32, #tpu.memory_space<vmem>>, vector<16xf32>,
      %add3A_530 = arith.constant 128 : i32
      %add3A_531 = arith.addi %add3A_530, %scan3A_312 : i32
      %get3A_532 = arith.index_cast %add3A_531 : i32 to index
      %get3A_533 = arith.constant 144 : index
      %get3A_534 = tpu.vector_load %arg18[%get3A_532, %get3A_533] {strides = array<i32>} : memref<240x256xf32, #tpu.memory_space<vmem>>, vector<16xf32>,
      %abs3A_535 = math.absf %get3A_534 : vector<16xf32>
      %add3A_536 = arith.constant 16 : i32
      %add3A_537 = arith.addi %add3A_536, %scan3A_312 : i32
      %get3A_538 = arith.index_cast %add3A_537 : i32 to index
      %get3A_539 = arith.constant 16 : index
      %get3A_540 = tpu.vector_load %arg19[%get3A_538, %get3A_539] {strides = array<i32>} : memref<64x128xf32, #tpu.memory_space<vmem>>, vector<16xf32>,
      %sub3A_541 = arith.subf %get3A_518, %get3A_540 : vector<16xf32>
      %sub3A_542 = arith.subf %sub3A_541, %get3A_529 : vector<16xf32>
      %abs3A_543 = math.absf %sub3A_542 : vector<16xf32>
      %add3A_544 = arith.addf %abs3A_543, %abs3A_524 : vector<16xf32>
      %sub3A_545 = arith.subf %add3A_544, %abs3A_535 : vector<16xf32>
      %max3A_546 = arith.constant 0.000000e+00 : f32
      %max3A_547 = vector.broadcast %max3A_546 : f32 to vector<16xf32>
      %max3A_548 = arith.maximumf %sub3A_545, %max3A_547 : vector<16xf32>
      %add3A_549 = arith.constant 144 : i32
      %add3A_550 = arith.addi %add3A_549, %scan3A_312 : i32
      %get3A_551 = arith.index_cast %add3A_550 : i32 to index
      %get3A_552 = arith.constant 16 : index
      %get3A_553 = tpu.vector_load %arg18[%get3A_551, %get3A_552] {strides = array<i32>} : memref<240x256xf32, #tpu.memory_space<vmem>>, vector<16xf32>,
      %add3A_554 = arith.constant 144 : i32
      %add3A_555 = arith.addi %add3A_554, %scan3A_312 : i32
      %get3A_556 = arith.index_cast %add3A_555 : i32 to index
      %get3A_557 = arith.constant 144 : index
      %get3A_558 = tpu.vector_load %arg18[%get3A_556, %get3A_557] {strides = array<i32>} : memref<240x256xf32, #tpu.memory_space<vmem>>, vector<16xf32>,
      %abs3A_559 = math.absf %get3A_558 : vector<16xf32>
      %add3A_560 = arith.constant 160 : i32
      %add3A_561 = arith.addi %add3A_560, %scan3A_312 : i32
      %get3A_562 = arith.index_cast %add3A_561 : i32 to index
      %get3A_563 = arith.constant 16 : index
      %get3A_564 = tpu.vector_load %arg18[%get3A_562, %get3A_563] {strides = array<i32>} : memref<240x256xf32, #tpu.memory_space<vmem>>, vector<16xf32>,
      %add3A_565 = arith.constant 160 : i32
      %add3A_566 = arith.addi %add3A_565, %scan3A_312 : i32
      %get3A_567 = arith.index_cast %add3A_566 : i32 to index
      %get3A_568 = arith.constant 144 : index
      %get3A_569 = tpu.vector_load %arg18[%get3A_567, %get3A_568] {strides = array<i32>} : memref<240x256xf32, #tpu.memory_space<vmem>>, vector<16xf32>,
      %abs3A_570 = math.absf %get3A_569 : vector<16xf32>
      %sub3A_571 = arith.subf %get3A_553, %get3A_564 : vector<16xf32>
      %abs3A_572 = math.absf %sub3A_571 : vector<16xf32>
      %neg3A_573 = arith.constant 0.000000e+00 : f32
      %neg3A_574 = vector.broadcast %neg3A_573 : f32 to vector<16xf32>
      %neg3A_575 = arith.subf %neg3A_574, %abs3A_572 : vector<16xf32>
      %add3A_576 = arith.addf %neg3A_575, %abs3A_559 : vector<16xf32>
      %add3A_577 = arith.addf %add3A_576, %abs3A_570 : vector<16xf32>
      %max3A_578 = arith.constant 0.000000e+00 : f32
      %max3A_579 = vector.broadcast %max3A_578 : f32 to vector<16xf32>
      %max3A_580 = arith.maximumf %add3A_577, %max3A_579 : vector<16xf32>
      %mul3A_581 = arith.mulf %max3A_478, %max3A_478 : vector<16xf32>
      %add3A_582 = arith.addf %add3A_449, %mul3A_581 : vector<16xf32>
      %mul3A_583 = arith.mulf %max3A_513, %max3A_513 : vector<16xf32>
      %add3A_584 = arith.addf %add3A_582, %mul3A_583 : vector<16xf32>
      %mul3A_585 = arith.mulf %max3A_548, %max3A_548 : vector<16xf32>
      %add3A_586 = arith.addf %add3A_584, %mul3A_585 : vector<16xf32>
      %mul3A_587 = arith.mulf %max3A_580, %max3A_580 : vector<16xf32>
      %add3A_588 = arith.addf %add3A_586, %mul3A_587 : vector<16xf32>
      %add3A_589 = arith.constant 0 : i32
      %add3A_590 = arith.addi %add3A_589, %scan3A_312 : i32
      %get3A_591 = arith.index_cast %add3A_590 : i32 to index
      %get3A_592 = arith.constant 32 : index
      %get3A_593 = tpu.vector_load %arg18[%get3A_591, %get3A_592] {strides = array<i32>} : memref<240x256xf32, #tpu.memory_space<vmem>>, vector<16xf32>,
      %add3A_594 = arith.constant 0 : i32
      %add3A_595 = arith.addi %add3A_594, %scan3A_312 : i32
      %get3A_596 = arith.index_cast %add3A_595 : i32 to index
      %get3A_597 = arith.constant 160 : index
      %get3A_598 = tpu.vector_load %arg18[%get3A_596, %get3A_597] {strides = array<i32>} : memref<240x256xf32, #tpu.memory_space<vmem>>, vector<16xf32>,
      %abs3A_599 = math.absf %get3A_598 : vector<16xf32>
      %add3A_600 = arith.constant 16 : i32
      %add3A_601 = arith.addi %add3A_600, %scan3A_312 : i32
      %get3A_602 = arith.index_cast %add3A_601 : i32 to index
      %get3A_603 = arith.constant 32 : index
      %get3A_604 = tpu.vector_load %arg18[%get3A_602, %get3A_603] {strides = array<i32>} : memref<240x256xf32, #tpu.memory_space<vmem>>, vector<16xf32>,
      %add3A_605 = arith.constant 16 : i32
      %add3A_606 = arith.addi %add3A_605, %scan3A_312 : i32
      %get3A_607 = arith.index_cast %add3A_606 : i32 to index
      %get3A_608 = arith.constant 160 : index
      %get3A_609 = tpu.vector_load %arg18[%get3A_607, %get3A_608] {strides = array<i32>} : memref<240x256xf32, #tpu.memory_space<vmem>>, vector<16xf32>,
      %abs3A_610 = math.absf %get3A_609 : vector<16xf32>
      %sub3A_611 = arith.subf %get3A_593, %get3A_604 : vector<16xf32>
      %abs3A_612 = math.absf %sub3A_611 : vector<16xf32>
      %add3A_613 = arith.addf %abs3A_612, %abs3A_599 : vector<16xf32>
      %sub3A_614 = arith.subf %add3A_613, %abs3A_610 : vector<16xf32>
      %max3A_615 = arith.constant 0.000000e+00 : f32
      %max3A_616 = vector.broadcast %max3A_615 : f32 to vector<16xf32>
      %max3A_617 = arith.maximumf %sub3A_614, %max3A_616 : vector<16xf32>
      %add3A_618 = arith.constant 80 : i32
      %add3A_619 = arith.addi %add3A_618, %scan3A_312 : i32
      %get3A_620 = arith.index_cast %add3A_619 : i32 to index
      %get3A_621 = arith.constant 32 : index
      %get3A_622 = tpu.vector_load %arg18[%get3A_620, %get3A_621] {strides = array<i32>} : memref<240x256xf32, #tpu.memory_space<vmem>>, vector<16xf32>,
      %add3A_623 = arith.constant 80 : i32
      %add3A_624 = arith.addi %add3A_623, %scan3A_312 : i32
      %get3A_625 = arith.index_cast %add3A_624 : i32 to index
      %get3A_626 = arith.constant 160 : index
      %get3A_627 = tpu.vector_load %arg18[%get3A_625, %get3A_626] {strides = array<i32>} : memref<240x256xf32, #tpu.memory_space<vmem>>, vector<16xf32>,
      %abs3A_628 = math.absf %get3A_627 : vector<16xf32>
      %add3A_629 = arith.constant 96 : i32
      %add3A_630 = arith.addi %add3A_629, %scan3A_312 : i32
      %get3A_631 = arith.index_cast %add3A_630 : i32 to index
      %get3A_632 = arith.constant 32 : index
      %get3A_633 = tpu.vector_load %arg18[%get3A_631, %get3A_632] {strides = array<i32>} : memref<240x256xf32, #tpu.memory_space<vmem>>, vector<16xf32>,
      %add3A_634 = arith.constant 96 : i32
      %add3A_635 = arith.addi %add3A_634, %scan3A_312 : i32
      %get3A_636 = arith.index_cast %add3A_635 : i32 to index
      %get3A_637 = arith.constant 160 : index
      %get3A_638 = tpu.vector_load %arg18[%get3A_636, %get3A_637] {strides = array<i32>} : memref<240x256xf32, #tpu.memory_space<vmem>>, vector<16xf32>,
      %abs3A_639 = math.absf %get3A_638 : vector<16xf32>
      %add3A_640 = arith.constant 0 : i32
      %add3A_641 = arith.addi %add3A_640, %scan3A_312 : i32
      %get3A_642 = arith.index_cast %add3A_641 : i32 to index
      %get3A_643 = arith.constant 32 : index
      %get3A_644 = tpu.vector_load %arg19[%get3A_642, %get3A_643] {strides = array<i32>} : memref<64x128xf32, #tpu.memory_space<vmem>>, vector<16xf32>,
      %add3A_645 = arith.addf %get3A_622, %get3A_644 : vector<16xf32>
      %sub3A_646 = arith.subf %add3A_645, %get3A_633 : vector<16xf32>
      %abs3A_647 = math.absf %sub3A_646 : vector<16xf32>
      %add3A_648 = arith.addf %abs3A_647, %abs3A_628 : vector<16xf32>
      %sub3A_649 = arith.subf %add3A_648, %abs3A_639 : vector<16xf32>
      %max3A_650 = arith.constant 0.000000e+00 : f32
      %max3A_651 = vector.broadcast %max3A_650 : f32 to vector<16xf32>
      %max3A_652 = arith.maximumf %sub3A_649, %max3A_651 : vector<16xf32>
      %add3A_653 = arith.constant 112 : i32
      %add3A_654 = arith.addi %add3A_653, %scan3A_312 : i32
      %get3A_655 = arith.index_cast %add3A_654 : i32 to index
      %get3A_656 = arith.constant 32 : index
      %get3A_657 = tpu.vector_load %arg18[%get3A_655, %get3A_656] {strides = array<i32>} : memref<240x256xf32, #tpu.memory_space<vmem>>, vector<16xf32>,
      %add3A_658 = arith.constant 112 : i32
      %add3A_659 = arith.addi %add3A_658, %scan3A_312 : i32
      %get3A_660 = arith.index_cast %add3A_659 : i32 to index
      %get3A_661 = arith.constant 160 : index
      %get3A_662 = tpu.vector_load %arg18[%get3A_660, %get3A_661] {strides = array<i32>} : memref<240x256xf32, #tpu.memory_space<vmem>>, vector<16xf32>,
      %abs3A_663 = math.absf %get3A_662 : vector<16xf32>
      %add3A_664 = arith.constant 128 : i32
      %add3A_665 = arith.addi %add3A_664, %scan3A_312 : i32
      %get3A_666 = arith.index_cast %add3A_665 : i32 to index
      %get3A_667 = arith.constant 32 : index
      %get3A_668 = tpu.vector_load %arg18[%get3A_666, %get3A_667] {strides = array<i32>} : memref<240x256xf32, #tpu.memory_space<vmem>>, vector<16xf32>,
      %add3A_669 = arith.constant 128 : i32
      %add3A_670 = arith.addi %add3A_669, %scan3A_312 : i32
      %get3A_671 = arith.index_cast %add3A_670 : i32 to index
      %get3A_672 = arith.constant 160 : index
      %get3A_673 = tpu.vector_load %arg18[%get3A_671, %get3A_672] {strides = array<i32>} : memref<240x256xf32, #tpu.memory_space<vmem>>, vector<16xf32>,
      %abs3A_674 = math.absf %get3A_673 : vector<16xf32>
      %add3A_675 = arith.constant 16 : i32
      %add3A_676 = arith.addi %add3A_675, %scan3A_312 : i32
      %get3A_677 = arith.index_cast %add3A_676 : i32 to index
      %get3A_678 = arith.constant 32 : index
      %get3A_679 = tpu.vector_load %arg19[%get3A_677, %get3A_678] {strides = array<i32>} : memref<64x128xf32, #tpu.memory_space<vmem>>, vector<16xf32>,
      %sub3A_680 = arith.subf %get3A_657, %get3A_679 : vector<16xf32>
      %sub3A_681 = arith.subf %sub3A_680, %get3A_668 : vector<16xf32>
      %abs3A_682 = math.absf %sub3A_681 : vector<16xf32>
      %add3A_683 = arith.addf %abs3A_682, %abs3A_663 : vector<16xf32>
      %sub3A_684 = arith.subf %add3A_683, %abs3A_674 : vector<16xf32>
      %max3A_685 = arith.constant 0.000000e+00 : f32
      %max3A_686 = vector.broadcast %max3A_685 : f32 to vector<16xf32>
      %max3A_687 = arith.maximumf %sub3A_684, %max3A_686 : vector<16xf32>
      %add3A_688 = arith.constant 144 : i32
      %add3A_689 = arith.addi %add3A_688, %scan3A_312 : i32
      %get3A_690 = arith.index_cast %add3A_689 : i32 to index
      %get3A_691 = arith.constant 32 : index
      %get3A_692 = tpu.vector_load %arg18[%get3A_690, %get3A_691] {strides = array<i32>} : memref<240x256xf32, #tpu.memory_space<vmem>>, vector<16xf32>,
      %add3A_693 = arith.constant 144 : i32
      %add3A_694 = arith.addi %add3A_693, %scan3A_312 : i32
      %get3A_695 = arith.index_cast %add3A_694 : i32 to index
      %get3A_696 = arith.constant 160 : index
      %get3A_697 = tpu.vector_load %arg18[%get3A_695, %get3A_696] {strides = array<i32>} : memref<240x256xf32, #tpu.memory_space<vmem>>, vector<16xf32>,
      %abs3A_698 = math.absf %get3A_697 : vector<16xf32>
      %add3A_699 = arith.constant 160 : i32
      %add3A_700 = arith.addi %add3A_699, %scan3A_312 : i32
      %get3A_701 = arith.index_cast %add3A_700 : i32 to index
      %get3A_702 = arith.constant 32 : index
      %get3A_703 = tpu.vector_load %arg18[%get3A_701, %get3A_702] {strides = array<i32>} : memref<240x256xf32, #tpu.memory_space<vmem>>, vector<16xf32>,
      %add3A_704 = arith.constant 160 : i32
      %add3A_705 = arith.addi %add3A_704, %scan3A_312 : i32
      %get3A_706 = arith.index_cast %add3A_705 : i32 to index
      %get3A_707 = arith.constant 160 : index
      %get3A_708 = tpu.vector_load %arg18[%get3A_706, %get3A_707] {strides = array<i32>} : memref<240x256xf32, #tpu.memory_space<vmem>>, vector<16xf32>,
      %abs3A_709 = math.absf %get3A_708 : vector<16xf32>
      %sub3A_710 = arith.subf %get3A_692, %get3A_703 : vector<16xf32>
      %abs3A_711 = math.absf %sub3A_710 : vector<16xf32>
      %neg3A_712 = arith.constant 0.000000e+00 : f32
      %neg3A_713 = vector.broadcast %neg3A_712 : f32 to vector<16xf32>
      %neg3A_714 = arith.subf %neg3A_713, %abs3A_711 : vector<16xf32>
      %add3A_715 = arith.addf %neg3A_714, %abs3A_698 : vector<16xf32>
      %add3A_716 = arith.addf %add3A_715, %abs3A_709 : vector<16xf32>
      %max3A_717 = arith.constant 0.000000e+00 : f32
      %max3A_718 = vector.broadcast %max3A_717 : f32 to vector<16xf32>
      %max3A_719 = arith.maximumf %add3A_716, %max3A_718 : vector<16xf32>
      %mul3A_720 = arith.mulf %max3A_617, %max3A_617 : vector<16xf32>
      %add3A_721 = arith.addf %add3A_588, %mul3A_720 : vector<16xf32>
      %mul3A_722 = arith.mulf %max3A_652, %max3A_652 : vector<16xf32>
      %add3A_723 = arith.addf %add3A_721, %mul3A_722 : vector<16xf32>
      %mul3A_724 = arith.mulf %max3A_687, %max3A_687 : vector<16xf32>
      %add3A_725 = arith.addf %add3A_723, %mul3A_724 : vector<16xf32>
      %mul3A_726 = arith.mulf %max3A_719, %max3A_719 : vector<16xf32>
      %add3A_727 = arith.addf %add3A_725, %mul3A_726 : vector<16xf32>
      %add3A_728 = arith.constant 0 : i32
      %add3A_729 = arith.addi %add3A_728, %scan3A_312 : i32
      %get3A_730 = arith.index_cast %add3A_729 : i32 to index
      %get3A_731 = arith.constant 48 : index
      %get3A_732 = tpu.vector_load %arg18[%get3A_730, %get3A_731] {strides = array<i32>} : memref<240x256xf32, #tpu.memory_space<vmem>>, vector<16xf32>,
      %add3A_733 = arith.constant 0 : i32
      %add3A_734 = arith.addi %add3A_733, %scan3A_312 : i32
      %get3A_735 = arith.index_cast %add3A_734 : i32 to index
      %get3A_736 = arith.constant 176 : index
      %get3A_737 = tpu.vector_load %arg18[%get3A_735, %get3A_736] {strides = array<i32>} : memref<240x256xf32, #tpu.memory_space<vmem>>, vector<16xf32>,
      %abs3A_738 = math.absf %get3A_737 : vector<16xf32>
      %add3A_739 = arith.constant 16 : i32
      %add3A_740 = arith.addi %add3A_739, %scan3A_312 : i32
      %get3A_741 = arith.index_cast %add3A_740 : i32 to index
      %get3A_742 = arith.constant 48 : index
      %get3A_743 = tpu.vector_load %arg18[%get3A_741, %get3A_742] {strides = array<i32>} : memref<240x256xf32, #tpu.memory_space<vmem>>, vector<16xf32>,
      %add3A_744 = arith.constant 16 : i32
      %add3A_745 = arith.addi %add3A_744, %scan3A_312 : i32
      %get3A_746 = arith.index_cast %add3A_745 : i32 to index
      %get3A_747 = arith.constant 176 : index
      %get3A_748 = tpu.vector_load %arg18[%get3A_746, %get3A_747] {strides = array<i32>} : memref<240x256xf32, #tpu.memory_space<vmem>>, vector<16xf32>,
      %abs3A_749 = math.absf %get3A_748 : vector<16xf32>
      %sub3A_750 = arith.subf %get3A_732, %get3A_743 : vector<16xf32>
      %abs3A_751 = math.absf %sub3A_750 : vector<16xf32>
      %add3A_752 = arith.addf %abs3A_751, %abs3A_738 : vector<16xf32>
      %sub3A_753 = arith.subf %add3A_752, %abs3A_749 : vector<16xf32>
      %max3A_754 = arith.constant 0.000000e+00 : f32
      %max3A_755 = vector.broadcast %max3A_754 : f32 to vector<16xf32>
      %max3A_756 = arith.maximumf %sub3A_753, %max3A_755 : vector<16xf32>
      %add3A_757 = arith.constant 80 : i32
      %add3A_758 = arith.addi %add3A_757, %scan3A_312 : i32
      %get3A_759 = arith.index_cast %add3A_758 : i32 to index
      %get3A_760 = arith.constant 48 : index
      %get3A_761 = tpu.vector_load %arg18[%get3A_759, %get3A_760] {strides = array<i32>} : memref<240x256xf32, #tpu.memory_space<vmem>>, vector<16xf32>,
      %add3A_762 = arith.constant 80 : i32
      %add3A_763 = arith.addi %add3A_762, %scan3A_312 : i32
      %get3A_764 = arith.index_cast %add3A_763 : i32 to index
      %get3A_765 = arith.constant 176 : index
      %get3A_766 = tpu.vector_load %arg18[%get3A_764, %get3A_765] {strides = array<i32>} : memref<240x256xf32, #tpu.memory_space<vmem>>, vector<16xf32>,
      %abs3A_767 = math.absf %get3A_766 : vector<16xf32>
      %add3A_768 = arith.constant 96 : i32
      %add3A_769 = arith.addi %add3A_768, %scan3A_312 : i32
      %get3A_770 = arith.index_cast %add3A_769 : i32 to index
      %get3A_771 = arith.constant 48 : index
      %get3A_772 = tpu.vector_load %arg18[%get3A_770, %get3A_771] {strides = array<i32>} : memref<240x256xf32, #tpu.memory_space<vmem>>, vector<16xf32>,
      %add3A_773 = arith.constant 96 : i32
      %add3A_774 = arith.addi %add3A_773, %scan3A_312 : i32
      %get3A_775 = arith.index_cast %add3A_774 : i32 to index
      %get3A_776 = arith.constant 176 : index
      %get3A_777 = tpu.vector_load %arg18[%get3A_775, %get3A_776] {strides = array<i32>} : memref<240x256xf32, #tpu.memory_space<vmem>>, vector<16xf32>,
      %abs3A_778 = math.absf %get3A_777 : vector<16xf32>
      %add3A_779 = arith.constant 0 : i32
      %add3A_780 = arith.addi %add3A_779, %scan3A_312 : i32
      %get3A_781 = arith.index_cast %add3A_780 : i32 to index
      %get3A_782 = arith.constant 48 : index
      %get3A_783 = tpu.vector_load %arg19[%get3A_781, %get3A_782] {strides = array<i32>} : memref<64x128xf32, #tpu.memory_space<vmem>>, vector<16xf32>,
      %add3A_784 = arith.addf %get3A_761, %get3A_783 : vector<16xf32>
      %sub3A_785 = arith.subf %add3A_784, %get3A_772 : vector<16xf32>
      %abs3A_786 = math.absf %sub3A_785 : vector<16xf32>
      %add3A_787 = arith.addf %abs3A_786, %abs3A_767 : vector<16xf32>
      %sub3A_788 = arith.subf %add3A_787, %abs3A_778 : vector<16xf32>
      %max3A_789 = arith.constant 0.000000e+00 : f32
      %max3A_790 = vector.broadcast %max3A_789 : f32 to vector<16xf32>
      %max3A_791 = arith.maximumf %sub3A_788, %max3A_790 : vector<16xf32>
      %add3A_792 = arith.constant 112 : i32
      %add3A_793 = arith.addi %add3A_792, %scan3A_312 : i32
      %get3A_794 = arith.index_cast %add3A_793 : i32 to index
      %get3A_795 = arith.constant 48 : index
      %get3A_796 = tpu.vector_load %arg18[%get3A_794, %get3A_795] {strides = array<i32>} : memref<240x256xf32, #tpu.memory_space<vmem>>, vector<16xf32>,
      %add3A_797 = arith.constant 112 : i32
      %add3A_798 = arith.addi %add3A_797, %scan3A_312 : i32
      %get3A_799 = arith.index_cast %add3A_798 : i32 to index
      %get3A_800 = arith.constant 176 : index
      %get3A_801 = tpu.vector_load %arg18[%get3A_799, %get3A_800] {strides = array<i32>} : memref<240x256xf32, #tpu.memory_space<vmem>>, vector<16xf32>,
      %abs3A_802 = math.absf %get3A_801 : vector<16xf32>
      %add3A_803 = arith.constant 128 : i32
      %add3A_804 = arith.addi %add3A_803, %scan3A_312 : i32
      %get3A_805 = arith.index_cast %add3A_804 : i32 to index
      %get3A_806 = arith.constant 48 : index
      %get3A_807 = tpu.vector_load %arg18[%get3A_805, %get3A_806] {strides = array<i32>} : memref<240x256xf32, #tpu.memory_space<vmem>>, vector<16xf32>,
      %add3A_808 = arith.constant 128 : i32
      %add3A_809 = arith.addi %add3A_808, %scan3A_312 : i32
      %get3A_810 = arith.index_cast %add3A_809 : i32 to index
      %get3A_811 = arith.constant 176 : index
      %get3A_812 = tpu.vector_load %arg18[%get3A_810, %get3A_811] {strides = array<i32>} : memref<240x256xf32, #tpu.memory_space<vmem>>, vector<16xf32>,
      %abs3A_813 = math.absf %get3A_812 : vector<16xf32>
      %add3A_814 = arith.constant 16 : i32
      %add3A_815 = arith.addi %add3A_814, %scan3A_312 : i32
      %get3A_816 = arith.index_cast %add3A_815 : i32 to index
      %get3A_817 = arith.constant 48 : index
      %get3A_818 = tpu.vector_load %arg19[%get3A_816, %get3A_817] {strides = array<i32>} : memref<64x128xf32, #tpu.memory_space<vmem>>, vector<16xf32>,
      %sub3A_819 = arith.subf %get3A_796, %get3A_818 : vector<16xf32>
      %sub3A_820 = arith.subf %sub3A_819, %get3A_807 : vector<16xf32>
      %abs3A_821 = math.absf %sub3A_820 : vector<16xf32>
      %add3A_822 = arith.addf %abs3A_821, %abs3A_802 : vector<16xf32>
      %sub3A_823 = arith.subf %add3A_822, %abs3A_813 : vector<16xf32>
      %max3A_824 = arith.constant 0.000000e+00 : f32
      %max3A_825 = vector.broadcast %max3A_824 : f32 to vector<16xf32>
      %max3A_826 = arith.maximumf %sub3A_823, %max3A_825 : vector<16xf32>
      %add3A_827 = arith.constant 144 : i32
      %add3A_828 = arith.addi %add3A_827, %scan3A_312 : i32
      %get3A_829 = arith.index_cast %add3A_828 : i32 to index
      %get3A_830 = arith.constant 48 : index
      %get3A_831 = tpu.vector_load %arg18[%get3A_829, %get3A_830] {strides = array<i32>} : memref<240x256xf32, #tpu.memory_space<vmem>>, vector<16xf32>,
      %add3A_832 = arith.constant 144 : i32
      %add3A_833 = arith.addi %add3A_832, %scan3A_312 : i32
      %get3A_834 = arith.index_cast %add3A_833 : i32 to index
      %get3A_835 = arith.constant 176 : index
      %get3A_836 = tpu.vector_load %arg18[%get3A_834, %get3A_835] {strides = array<i32>} : memref<240x256xf32, #tpu.memory_space<vmem>>, vector<16xf32>,
      %abs3A_837 = math.absf %get3A_836 : vector<16xf32>
      %add3A_838 = arith.constant 160 : i32
      %add3A_839 = arith.addi %add3A_838, %scan3A_312 : i32
      %get3A_840 = arith.index_cast %add3A_839 : i32 to index
      %get3A_841 = arith.constant 48 : index
      %get3A_842 = tpu.vector_load %arg18[%get3A_840, %get3A_841] {strides = array<i32>} : memref<240x256xf32, #tpu.memory_space<vmem>>, vector<16xf32>,
      %add3A_843 = arith.constant 160 : i32
      %add3A_844 = arith.addi %add3A_843, %scan3A_312 : i32
      %get3A_845 = arith.index_cast %add3A_844 : i32 to index
      %get3A_846 = arith.constant 176 : index
      %get3A_847 = tpu.vector_load %arg18[%get3A_845, %get3A_846] {strides = array<i32>} : memref<240x256xf32, #tpu.memory_space<vmem>>, vector<16xf32>,
      %abs3A_848 = math.absf %get3A_847 : vector<16xf32>
      %sub3A_849 = arith.subf %get3A_831, %get3A_842 : vector<16xf32>
      %abs3A_850 = math.absf %sub3A_849 : vector<16xf32>
      %neg3A_851 = arith.constant 0.000000e+00 : f32
      %neg3A_852 = vector.broadcast %neg3A_851 : f32 to vector<16xf32>
      %neg3A_853 = arith.subf %neg3A_852, %abs3A_850 : vector<16xf32>
      %add3A_854 = arith.addf %neg3A_853, %abs3A_837 : vector<16xf32>
      %add3A_855 = arith.addf %add3A_854, %abs3A_848 : vector<16xf32>
      %max3A_856 = arith.constant 0.000000e+00 : f32
      %max3A_857 = vector.broadcast %max3A_856 : f32 to vector<16xf32>
      %max3A_858 = arith.maximumf %add3A_855, %max3A_857 : vector<16xf32>
      %mul3A_859 = arith.mulf %max3A_756, %max3A_756 : vector<16xf32>
      %add3A_860 = arith.addf %add3A_727, %mul3A_859 : vector<16xf32>
      %mul3A_861 = arith.mulf %max3A_791, %max3A_791 : vector<16xf32>
      %add3A_862 = arith.addf %add3A_860, %mul3A_861 : vector<16xf32>
      %mul3A_863 = arith.mulf %max3A_826, %max3A_826 : vector<16xf32>
      %add3A_864 = arith.addf %add3A_862, %mul3A_863 : vector<16xf32>
      %mul3A_865 = arith.mulf %max3A_858, %max3A_858 : vector<16xf32>
      %add3A_866 = arith.addf %add3A_864, %mul3A_865 : vector<16xf32>
      %add3A_867 = arith.constant 0 : i32
      %add3A_868 = arith.addi %add3A_867, %scan3A_312 : i32
      %get3A_869 = arith.index_cast %add3A_868 : i32 to index
      %get3A_870 = arith.constant 64 : index
      %get3A_871 = tpu.vector_load %arg18[%get3A_869, %get3A_870] {strides = array<i32>} : memref<240x256xf32, #tpu.memory_space<vmem>>, vector<16xf32>,
      %add3A_872 = arith.constant 0 : i32
      %add3A_873 = arith.addi %add3A_872, %scan3A_312 : i32
      %get3A_874 = arith.index_cast %add3A_873 : i32 to index
      %get3A_875 = arith.constant 192 : index
      %get3A_876 = tpu.vector_load %arg18[%get3A_874, %get3A_875] {strides = array<i32>} : memref<240x256xf32, #tpu.memory_space<vmem>>, vector<16xf32>,
      %abs3A_877 = math.absf %get3A_876 : vector<16xf32>
      %add3A_878 = arith.constant 16 : i32
      %add3A_879 = arith.addi %add3A_878, %scan3A_312 : i32
      %get3A_880 = arith.index_cast %add3A_879 : i32 to index
      %get3A_881 = arith.constant 64 : index
      %get3A_882 = tpu.vector_load %arg18[%get3A_880, %get3A_881] {strides = array<i32>} : memref<240x256xf32, #tpu.memory_space<vmem>>, vector<16xf32>,
      %add3A_883 = arith.constant 16 : i32
      %add3A_884 = arith.addi %add3A_883, %scan3A_312 : i32
      %get3A_885 = arith.index_cast %add3A_884 : i32 to index
      %get3A_886 = arith.constant 192 : index
      %get3A_887 = tpu.vector_load %arg18[%get3A_885, %get3A_886] {strides = array<i32>} : memref<240x256xf32, #tpu.memory_space<vmem>>, vector<16xf32>,
      %abs3A_888 = math.absf %get3A_887 : vector<16xf32>
      %sub3A_889 = arith.subf %get3A_871, %get3A_882 : vector<16xf32>
      %abs3A_890 = math.absf %sub3A_889 : vector<16xf32>
      %add3A_891 = arith.addf %abs3A_890, %abs3A_877 : vector<16xf32>
      %sub3A_892 = arith.subf %add3A_891, %abs3A_888 : vector<16xf32>
      %max3A_893 = arith.constant 0.000000e+00 : f32
      %max3A_894 = vector.broadcast %max3A_893 : f32 to vector<16xf32>
      %max3A_895 = arith.maximumf %sub3A_892, %max3A_894 : vector<16xf32>
      %add3A_896 = arith.constant 80 : i32
      %add3A_897 = arith.addi %add3A_896, %scan3A_312 : i32
      %get3A_898 = arith.index_cast %add3A_897 : i32 to index
      %get3A_899 = arith.constant 64 : index
      %get3A_900 = tpu.vector_load %arg18[%get3A_898, %get3A_899] {strides = array<i32>} : memref<240x256xf32, #tpu.memory_space<vmem>>, vector<16xf32>,
      %add3A_901 = arith.constant 80 : i32
      %add3A_902 = arith.addi %add3A_901, %scan3A_312 : i32
      %get3A_903 = arith.index_cast %add3A_902 : i32 to index
      %get3A_904 = arith.constant 192 : index
      %get3A_905 = tpu.vector_load %arg18[%get3A_903, %get3A_904] {strides = array<i32>} : memref<240x256xf32, #tpu.memory_space<vmem>>, vector<16xf32>,
      %abs3A_906 = math.absf %get3A_905 : vector<16xf32>
      %add3A_907 = arith.constant 96 : i32
      %add3A_908 = arith.addi %add3A_907, %scan3A_312 : i32
      %get3A_909 = arith.index_cast %add3A_908 : i32 to index
      %get3A_910 = arith.constant 64 : index
      %get3A_911 = tpu.vector_load %arg18[%get3A_909, %get3A_910] {strides = array<i32>} : memref<240x256xf32, #tpu.memory_space<vmem>>, vector<16xf32>,
      %add3A_912 = arith.constant 96 : i32
      %add3A_913 = arith.addi %add3A_912, %scan3A_312 : i32
      %get3A_914 = arith.index_cast %add3A_913 : i32 to index
      %get3A_915 = arith.constant 192 : index
      %get3A_916 = tpu.vector_load %arg18[%get3A_914, %get3A_915] {strides = array<i32>} : memref<240x256xf32, #tpu.memory_space<vmem>>, vector<16xf32>,
      %abs3A_917 = math.absf %get3A_916 : vector<16xf32>
      %add3A_918 = arith.constant 0 : i32
      %add3A_919 = arith.addi %add3A_918, %scan3A_312 : i32
      %get3A_920 = arith.index_cast %add3A_919 : i32 to index
      %get3A_921 = arith.constant 64 : index
      %get3A_922 = tpu.vector_load %arg19[%get3A_920, %get3A_921] {strides = array<i32>} : memref<64x128xf32, #tpu.memory_space<vmem>>, vector<16xf32>,
      %add3A_923 = arith.addf %get3A_900, %get3A_922 : vector<16xf32>
      %sub3A_924 = arith.subf %add3A_923, %get3A_911 : vector<16xf32>
      %abs3A_925 = math.absf %sub3A_924 : vector<16xf32>
      %add3A_926 = arith.addf %abs3A_925, %abs3A_906 : vector<16xf32>
      %sub3A_927 = arith.subf %add3A_926, %abs3A_917 : vector<16xf32>
      %max3A_928 = arith.constant 0.000000e+00 : f32
      %max3A_929 = vector.broadcast %max3A_928 : f32 to vector<16xf32>
      %max3A_930 = arith.maximumf %sub3A_927, %max3A_929 : vector<16xf32>
      %add3A_931 = arith.constant 112 : i32
      %add3A_932 = arith.addi %add3A_931, %scan3A_312 : i32
      %get3A_933 = arith.index_cast %add3A_932 : i32 to index
      %get3A_934 = arith.constant 64 : index
      %get3A_935 = tpu.vector_load %arg18[%get3A_933, %get3A_934] {strides = array<i32>} : memref<240x256xf32, #tpu.memory_space<vmem>>, vector<16xf32>,
      %add3A_936 = arith.constant 112 : i32
      %add3A_937 = arith.addi %add3A_936, %scan3A_312 : i32
      %get3A_938 = arith.index_cast %add3A_937 : i32 to index
      %get3A_939 = arith.constant 192 : index
      %get3A_940 = tpu.vector_load %arg18[%get3A_938, %get3A_939] {strides = array<i32>} : memref<240x256xf32, #tpu.memory_space<vmem>>, vector<16xf32>,
      %abs3A_941 = math.absf %get3A_940 : vector<16xf32>
      %add3A_942 = arith.constant 128 : i32
      %add3A_943 = arith.addi %add3A_942, %scan3A_312 : i32
      %get3A_944 = arith.index_cast %add3A_943 : i32 to index
      %get3A_945 = arith.constant 64 : index
      %get3A_946 = tpu.vector_load %arg18[%get3A_944, %get3A_945] {strides = array<i32>} : memref<240x256xf32, #tpu.memory_space<vmem>>, vector<16xf32>,
      %add3A_947 = arith.constant 128 : i32
      %add3A_948 = arith.addi %add3A_947, %scan3A_312 : i32
      %get3A_949 = arith.index_cast %add3A_948 : i32 to index
      %get3A_950 = arith.constant 192 : index
      %get3A_951 = tpu.vector_load %arg18[%get3A_949, %get3A_950] {strides = array<i32>} : memref<240x256xf32, #tpu.memory_space<vmem>>, vector<16xf32>,
      %abs3A_952 = math.absf %get3A_951 : vector<16xf32>
      %add3A_953 = arith.constant 16 : i32
      %add3A_954 = arith.addi %add3A_953, %scan3A_312 : i32
      %get3A_955 = arith.index_cast %add3A_954 : i32 to index
      %get3A_956 = arith.constant 64 : index
      %get3A_957 = tpu.vector_load %arg19[%get3A_955, %get3A_956] {strides = array<i32>} : memref<64x128xf32, #tpu.memory_space<vmem>>, vector<16xf32>,
      %sub3A_958 = arith.subf %get3A_935, %get3A_957 : vector<16xf32>
      %sub3A_959 = arith.subf %sub3A_958, %get3A_946 : vector<16xf32>
      %abs3A_960 = math.absf %sub3A_959 : vector<16xf32>
      %add3A_961 = arith.addf %abs3A_960, %abs3A_941 : vector<16xf32>
      %sub3A_962 = arith.subf %add3A_961, %abs3A_952 : vector<16xf32>
      %max3A_963 = arith.constant 0.000000e+00 : f32
      %max3A_964 = vector.broadcast %max3A_963 : f32 to vector<16xf32>
      %max3A_965 = arith.maximumf %sub3A_962, %max3A_964 : vector<16xf32>
      %add3A_966 = arith.constant 144 : i32
      %add3A_967 = arith.addi %add3A_966, %scan3A_312 : i32
      %get3A_968 = arith.index_cast %add3A_967 : i32 to index
      %get3A_969 = arith.constant 64 : index
      %get3A_970 = tpu.vector_load %arg18[%get3A_968, %get3A_969] {strides = array<i32>} : memref<240x256xf32, #tpu.memory_space<vmem>>, vector<16xf32>,
      %add3A_971 = arith.constant 144 : i32
      %add3A_972 = arith.addi %add3A_971, %scan3A_312 : i32
      %get3A_973 = arith.index_cast %add3A_972 : i32 to index
      %get3A_974 = arith.constant 192 : index
      %get3A_975 = tpu.vector_load %arg18[%get3A_973, %get3A_974] {strides = array<i32>} : memref<240x256xf32, #tpu.memory_space<vmem>>, vector<16xf32>,
      %abs3A_976 = math.absf %get3A_975 : vector<16xf32>
      %add3A_977 = arith.constant 160 : i32
      %add3A_978 = arith.addi %add3A_977, %scan3A_312 : i32
      %get3A_979 = arith.index_cast %add3A_978 : i32 to index
      %get3A_980 = arith.constant 64 : index
      %get3A_981 = tpu.vector_load %arg18[%get3A_979, %get3A_980] {strides = array<i32>} : memref<240x256xf32, #tpu.memory_space<vmem>>, vector<16xf32>,
      %add3A_982 = arith.constant 160 : i32
      %add3A_983 = arith.addi %add3A_982, %scan3A_312 : i32
      %get3A_984 = arith.index_cast %add3A_983 : i32 to index
      %get3A_985 = arith.constant 192 : index
      %get3A_986 = tpu.vector_load %arg18[%get3A_984, %get3A_985] {strides = array<i32>} : memref<240x256xf32, #tpu.memory_space<vmem>>, vector<16xf32>,
      %abs3A_987 = math.absf %get3A_986 : vector<16xf32>
      %sub3A_988 = arith.subf %get3A_970, %get3A_981 : vector<16xf32>
      %abs3A_989 = math.absf %sub3A_988 : vector<16xf32>
      %neg3A_990 = arith.constant 0.000000e+00 : f32
      %neg3A_991 = vector.broadcast %neg3A_990 : f32 to vector<16xf32>
      %neg3A_992 = arith.subf %neg3A_991, %abs3A_989 : vector<16xf32>
      %add3A_993 = arith.addf %neg3A_992, %abs3A_976 : vector<16xf32>
      %add3A_994 = arith.addf %add3A_993, %abs3A_987 : vector<16xf32>
      %max3A_995 = arith.constant 0.000000e+00 : f32
      %max3A_996 = vector.broadcast %max3A_995 : f32 to vector<16xf32>
      %max3A_997 = arith.maximumf %add3A_994, %max3A_996 : vector<16xf32>
      %mul3A_998 = arith.mulf %max3A_895, %max3A_895 : vector<16xf32>
      %add3A_999 = arith.addf %add3A_866, %mul3A_998 : vector<16xf32>
      %mul3A_1000 = arith.mulf %max3A_930, %max3A_930 : vector<16xf32>
      %add3A_1001 = arith.addf %add3A_999, %mul3A_1000 : vector<16xf32>
      %mul3A_1002 = arith.mulf %max3A_965, %max3A_965 : vector<16xf32>
      %add3A_1003 = arith.addf %add3A_1001, %mul3A_1002 : vector<16xf32>
      %mul3A_1004 = arith.mulf %max3A_997, %max3A_997 : vector<16xf32>
      %add3A_1005 = arith.addf %add3A_1003, %mul3A_1004 : vector<16xf32>
      %add3A_1006 = arith.constant 0 : i32
      %add3A_1007 = arith.addi %add3A_1006, %scan3A_312 : i32
      %get3A_1008 = arith.index_cast %add3A_1007 : i32 to index
      %get3A_1009 = arith.constant 80 : index
      %get3A_1010 = tpu.vector_load %arg18[%get3A_1008, %get3A_1009] {strides = array<i32>} : memref<240x256xf32, #tpu.memory_space<vmem>>, vector<16xf32>,
      %add3A_1011 = arith.constant 0 : i32
      %add3A_1012 = arith.addi %add3A_1011, %scan3A_312 : i32
      %get3A_1013 = arith.index_cast %add3A_1012 : i32 to index
      %get3A_1014 = arith.constant 208 : index
      %get3A_1015 = tpu.vector_load %arg18[%get3A_1013, %get3A_1014] {strides = array<i32>} : memref<240x256xf32, #tpu.memory_space<vmem>>, vector<16xf32>,
      %abs3A_1016 = math.absf %get3A_1015 : vector<16xf32>
      %add3A_1017 = arith.constant 16 : i32
      %add3A_1018 = arith.addi %add3A_1017, %scan3A_312 : i32
      %get3A_1019 = arith.index_cast %add3A_1018 : i32 to index
      %get3A_1020 = arith.constant 80 : index
      %get3A_1021 = tpu.vector_load %arg18[%get3A_1019, %get3A_1020] {strides = array<i32>} : memref<240x256xf32, #tpu.memory_space<vmem>>, vector<16xf32>,
      %add3A_1022 = arith.constant 16 : i32
      %add3A_1023 = arith.addi %add3A_1022, %scan3A_312 : i32
      %get3A_1024 = arith.index_cast %add3A_1023 : i32 to index
      %get3A_1025 = arith.constant 208 : index
      %get3A_1026 = tpu.vector_load %arg18[%get3A_1024, %get3A_1025] {strides = array<i32>} : memref<240x256xf32, #tpu.memory_space<vmem>>, vector<16xf32>,
      %abs3A_1027 = math.absf %get3A_1026 : vector<16xf32>
      %sub3A_1028 = arith.subf %get3A_1010, %get3A_1021 : vector<16xf32>
      %abs3A_1029 = math.absf %sub3A_1028 : vector<16xf32>
      %add3A_1030 = arith.addf %abs3A_1029, %abs3A_1016 : vector<16xf32>
      %sub3A_1031 = arith.subf %add3A_1030, %abs3A_1027 : vector<16xf32>
      %max3A_1032 = arith.constant 0.000000e+00 : f32
      %max3A_1033 = vector.broadcast %max3A_1032 : f32 to vector<16xf32>
      %max3A_1034 = arith.maximumf %sub3A_1031, %max3A_1033 : vector<16xf32>
      %add3A_1035 = arith.constant 80 : i32
      %add3A_1036 = arith.addi %add3A_1035, %scan3A_312 : i32
      %get3A_1037 = arith.index_cast %add3A_1036 : i32 to index
      %get3A_1038 = arith.constant 80 : index
      %get3A_1039 = tpu.vector_load %arg18[%get3A_1037, %get3A_1038] {strides = array<i32>} : memref<240x256xf32, #tpu.memory_space<vmem>>, vector<16xf32>,
      %add3A_1040 = arith.constant 80 : i32
      %add3A_1041 = arith.addi %add3A_1040, %scan3A_312 : i32
      %get3A_1042 = arith.index_cast %add3A_1041 : i32 to index
      %get3A_1043 = arith.constant 208 : index
      %get3A_1044 = tpu.vector_load %arg18[%get3A_1042, %get3A_1043] {strides = array<i32>} : memref<240x256xf32, #tpu.memory_space<vmem>>, vector<16xf32>,
      %abs3A_1045 = math.absf %get3A_1044 : vector<16xf32>
      %add3A_1046 = arith.constant 96 : i32
      %add3A_1047 = arith.addi %add3A_1046, %scan3A_312 : i32
      %get3A_1048 = arith.index_cast %add3A_1047 : i32 to index
      %get3A_1049 = arith.constant 80 : index
      %get3A_1050 = tpu.vector_load %arg18[%get3A_1048, %get3A_1049] {strides = array<i32>} : memref<240x256xf32, #tpu.memory_space<vmem>>, vector<16xf32>,
      %add3A_1051 = arith.constant 96 : i32
      %add3A_1052 = arith.addi %add3A_1051, %scan3A_312 : i32
      %get3A_1053 = arith.index_cast %add3A_1052 : i32 to index
      %get3A_1054 = arith.constant 208 : index
      %get3A_1055 = tpu.vector_load %arg18[%get3A_1053, %get3A_1054] {strides = array<i32>} : memref<240x256xf32, #tpu.memory_space<vmem>>, vector<16xf32>,
      %abs3A_1056 = math.absf %get3A_1055 : vector<16xf32>
      %add3A_1057 = arith.constant 0 : i32
      %add3A_1058 = arith.addi %add3A_1057, %scan3A_312 : i32
      %get3A_1059 = arith.index_cast %add3A_1058 : i32 to index
      %get3A_1060 = arith.constant 80 : index
      %get3A_1061 = tpu.vector_load %arg19[%get3A_1059, %get3A_1060] {strides = array<i32>} : memref<64x128xf32, #tpu.memory_space<vmem>>, vector<16xf32>,
      %add3A_1062 = arith.addf %get3A_1039, %get3A_1061 : vector<16xf32>
      %sub3A_1063 = arith.subf %add3A_1062, %get3A_1050 : vector<16xf32>
      %abs3A_1064 = math.absf %sub3A_1063 : vector<16xf32>
      %add3A_1065 = arith.addf %abs3A_1064, %abs3A_1045 : vector<16xf32>
      %sub3A_1066 = arith.subf %add3A_1065, %abs3A_1056 : vector<16xf32>
      %max3A_1067 = arith.constant 0.000000e+00 : f32
      %max3A_1068 = vector.broadcast %max3A_1067 : f32 to vector<16xf32>
      %max3A_1069 = arith.maximumf %sub3A_1066, %max3A_1068 : vector<16xf32>
      %add3A_1070 = arith.constant 112 : i32
      %add3A_1071 = arith.addi %add3A_1070, %scan3A_312 : i32
      %get3A_1072 = arith.index_cast %add3A_1071 : i32 to index
      %get3A_1073 = arith.constant 80 : index
      %get3A_1074 = tpu.vector_load %arg18[%get3A_1072, %get3A_1073] {strides = array<i32>} : memref<240x256xf32, #tpu.memory_space<vmem>>, vector<16xf32>,
      %add3A_1075 = arith.constant 112 : i32
      %add3A_1076 = arith.addi %add3A_1075, %scan3A_312 : i32
      %get3A_1077 = arith.index_cast %add3A_1076 : i32 to index
      %get3A_1078 = arith.constant 208 : index
      %get3A_1079 = tpu.vector_load %arg18[%get3A_1077, %get3A_1078] {strides = array<i32>} : memref<240x256xf32, #tpu.memory_space<vmem>>, vector<16xf32>,
      %abs3A_1080 = math.absf %get3A_1079 : vector<16xf32>
      %add3A_1081 = arith.constant 128 : i32
      %add3A_1082 = arith.addi %add3A_1081, %scan3A_312 : i32
      %get3A_1083 = arith.index_cast %add3A_1082 : i32 to index
      %get3A_1084 = arith.constant 80 : index
      %get3A_1085 = tpu.vector_load %arg18[%get3A_1083, %get3A_1084] {strides = array<i32>} : memref<240x256xf32, #tpu.memory_space<vmem>>, vector<16xf32>,
      %add3A_1086 = arith.constant 128 : i32
      %add3A_1087 = arith.addi %add3A_1086, %scan3A_312 : i32
      %get3A_1088 = arith.index_cast %add3A_1087 : i32 to index
      %get3A_1089 = arith.constant 208 : index
      %get3A_1090 = tpu.vector_load %arg18[%get3A_1088, %get3A_1089] {strides = array<i32>} : memref<240x256xf32, #tpu.memory_space<vmem>>, vector<16xf32>,
      %abs3A_1091 = math.absf %get3A_1090 : vector<16xf32>
      %add3A_1092 = arith.constant 16 : i32
      %add3A_1093 = arith.addi %add3A_1092, %scan3A_312 : i32
      %get3A_1094 = arith.index_cast %add3A_1093 : i32 to index
      %get3A_1095 = arith.constant 80 : index
      %get3A_1096 = tpu.vector_load %arg19[%get3A_1094, %get3A_1095] {strides = array<i32>} : memref<64x128xf32, #tpu.memory_space<vmem>>, vector<16xf32>,
      %sub3A_1097 = arith.subf %get3A_1074, %get3A_1096 : vector<16xf32>
      %sub3A_1098 = arith.subf %sub3A_1097, %get3A_1085 : vector<16xf32>
      %abs3A_1099 = math.absf %sub3A_1098 : vector<16xf32>
      %add3A_1100 = arith.addf %abs3A_1099, %abs3A_1080 : vector<16xf32>
      %sub3A_1101 = arith.subf %add3A_1100, %abs3A_1091 : vector<16xf32>
      %max3A_1102 = arith.constant 0.000000e+00 : f32
      %max3A_1103 = vector.broadcast %max3A_1102 : f32 to vector<16xf32>
      %max3A_1104 = arith.maximumf %sub3A_1101, %max3A_1103 : vector<16xf32>
      %add3A_1105 = arith.constant 144 : i32
      %add3A_1106 = arith.addi %add3A_1105, %scan3A_312 : i32
      %get3A_1107 = arith.index_cast %add3A_1106 : i32 to index
      %get3A_1108 = arith.constant 80 : index
      %get3A_1109 = tpu.vector_load %arg18[%get3A_1107, %get3A_1108] {strides = array<i32>} : memref<240x256xf32, #tpu.memory_space<vmem>>, vector<16xf32>,
      %add3A_1110 = arith.constant 144 : i32
      %add3A_1111 = arith.addi %add3A_1110, %scan3A_312 : i32
      %get3A_1112 = arith.index_cast %add3A_1111 : i32 to index
      %get3A_1113 = arith.constant 208 : index
      %get3A_1114 = tpu.vector_load %arg18[%get3A_1112, %get3A_1113] {strides = array<i32>} : memref<240x256xf32, #tpu.memory_space<vmem>>, vector<16xf32>,
      %abs3A_1115 = math.absf %get3A_1114 : vector<16xf32>
      %add3A_1116 = arith.constant 160 : i32
      %add3A_1117 = arith.addi %add3A_1116, %scan3A_312 : i32
      %get3A_1118 = arith.index_cast %add3A_1117 : i32 to index
      %get3A_1119 = arith.constant 80 : index
      %get3A_1120 = tpu.vector_load %arg18[%get3A_1118, %get3A_1119] {strides = array<i32>} : memref<240x256xf32, #tpu.memory_space<vmem>>, vector<16xf32>,
      %add3A_1121 = arith.constant 160 : i32
      %add3A_1122 = arith.addi %add3A_1121, %scan3A_312 : i32
      %get3A_1123 = arith.index_cast %add3A_1122 : i32 to index
      %get3A_1124 = arith.constant 208 : index
      %get3A_1125 = tpu.vector_load %arg18[%get3A_1123, %get3A_1124] {strides = array<i32>} : memref<240x256xf32, #tpu.memory_space<vmem>>, vector<16xf32>,
      %abs3A_1126 = math.absf %get3A_1125 : vector<16xf32>
      %sub3A_1127 = arith.subf %get3A_1109, %get3A_1120 : vector<16xf32>
      %abs3A_1128 = math.absf %sub3A_1127 : vector<16xf32>
      %neg3A_1129 = arith.constant 0.000000e+00 : f32
      %neg3A_1130 = vector.broadcast %neg3A_1129 : f32 to vector<16xf32>
      %neg3A_1131 = arith.subf %neg3A_1130, %abs3A_1128 : vector<16xf32>
      %add3A_1132 = arith.addf %neg3A_1131, %abs3A_1115 : vector<16xf32>
      %add3A_1133 = arith.addf %add3A_1132, %abs3A_1126 : vector<16xf32>
      %max3A_1134 = arith.constant 0.000000e+00 : f32
      %max3A_1135 = vector.broadcast %max3A_1134 : f32 to vector<16xf32>
      %max3A_1136 = arith.maximumf %add3A_1133, %max3A_1135 : vector<16xf32>
      %mul3A_1137 = arith.mulf %max3A_1034, %max3A_1034 : vector<16xf32>
      %add3A_1138 = arith.addf %add3A_1005, %mul3A_1137 : vector<16xf32>
      %mul3A_1139 = arith.mulf %max3A_1069, %max3A_1069 : vector<16xf32>
      %add3A_1140 = arith.addf %add3A_1138, %mul3A_1139 : vector<16xf32>
      %mul3A_1141 = arith.mulf %max3A_1104, %max3A_1104 : vector<16xf32>
      %add3A_1142 = arith.addf %add3A_1140, %mul3A_1141 : vector<16xf32>
      %mul3A_1143 = arith.mulf %max3A_1136, %max3A_1136 : vector<16xf32>
      %add3A_1144 = arith.addf %add3A_1142, %mul3A_1143 : vector<16xf32>
      %add3A_1145 = arith.constant 0 : i32
      %add3A_1146 = arith.addi %add3A_1145, %scan3A_312 : i32
      %get3A_1147 = arith.index_cast %add3A_1146 : i32 to index
      %get3A_1148 = arith.constant 96 : index
      %get3A_1149 = tpu.vector_load %arg18[%get3A_1147, %get3A_1148] {strides = array<i32>} : memref<240x256xf32, #tpu.memory_space<vmem>>, vector<16xf32>,
      %add3A_1150 = arith.constant 0 : i32
      %add3A_1151 = arith.addi %add3A_1150, %scan3A_312 : i32
      %get3A_1152 = arith.index_cast %add3A_1151 : i32 to index
      %get3A_1153 = arith.constant 224 : index
      %get3A_1154 = tpu.vector_load %arg18[%get3A_1152, %get3A_1153] {strides = array<i32>} : memref<240x256xf32, #tpu.memory_space<vmem>>, vector<16xf32>,
      %abs3A_1155 = math.absf %get3A_1154 : vector<16xf32>
      %add3A_1156 = arith.constant 16 : i32
      %add3A_1157 = arith.addi %add3A_1156, %scan3A_312 : i32
      %get3A_1158 = arith.index_cast %add3A_1157 : i32 to index
      %get3A_1159 = arith.constant 96 : index
      %get3A_1160 = tpu.vector_load %arg18[%get3A_1158, %get3A_1159] {strides = array<i32>} : memref<240x256xf32, #tpu.memory_space<vmem>>, vector<16xf32>,
      %add3A_1161 = arith.constant 16 : i32
      %add3A_1162 = arith.addi %add3A_1161, %scan3A_312 : i32
      %get3A_1163 = arith.index_cast %add3A_1162 : i32 to index
      %get3A_1164 = arith.constant 224 : index
      %get3A_1165 = tpu.vector_load %arg18[%get3A_1163, %get3A_1164] {strides = array<i32>} : memref<240x256xf32, #tpu.memory_space<vmem>>, vector<16xf32>,
      %abs3A_1166 = math.absf %get3A_1165 : vector<16xf32>
      %sub3A_1167 = arith.subf %get3A_1149, %get3A_1160 : vector<16xf32>
      %abs3A_1168 = math.absf %sub3A_1167 : vector<16xf32>
      %add3A_1169 = arith.addf %abs3A_1168, %abs3A_1155 : vector<16xf32>
      %sub3A_1170 = arith.subf %add3A_1169, %abs3A_1166 : vector<16xf32>
      %max3A_1171 = arith.constant 0.000000e+00 : f32
      %max3A_1172 = vector.broadcast %max3A_1171 : f32 to vector<16xf32>
      %max3A_1173 = arith.maximumf %sub3A_1170, %max3A_1172 : vector<16xf32>
      %add3A_1174 = arith.constant 80 : i32
      %add3A_1175 = arith.addi %add3A_1174, %scan3A_312 : i32
      %get3A_1176 = arith.index_cast %add3A_1175 : i32 to index
      %get3A_1177 = arith.constant 96 : index
      %get3A_1178 = tpu.vector_load %arg18[%get3A_1176, %get3A_1177] {strides = array<i32>} : memref<240x256xf32, #tpu.memory_space<vmem>>, vector<16xf32>,
      %add3A_1179 = arith.constant 80 : i32
      %add3A_1180 = arith.addi %add3A_1179, %scan3A_312 : i32
      %get3A_1181 = arith.index_cast %add3A_1180 : i32 to index
      %get3A_1182 = arith.constant 224 : index
      %get3A_1183 = tpu.vector_load %arg18[%get3A_1181, %get3A_1182] {strides = array<i32>} : memref<240x256xf32, #tpu.memory_space<vmem>>, vector<16xf32>,
      %abs3A_1184 = math.absf %get3A_1183 : vector<16xf32>
      %add3A_1185 = arith.constant 96 : i32
      %add3A_1186 = arith.addi %add3A_1185, %scan3A_312 : i32
      %get3A_1187 = arith.index_cast %add3A_1186 : i32 to index
      %get3A_1188 = arith.constant 96 : index
      %get3A_1189 = tpu.vector_load %arg18[%get3A_1187, %get3A_1188] {strides = array<i32>} : memref<240x256xf32, #tpu.memory_space<vmem>>, vector<16xf32>,
      %add3A_1190 = arith.constant 96 : i32
      %add3A_1191 = arith.addi %add3A_1190, %scan3A_312 : i32
      %get3A_1192 = arith.index_cast %add3A_1191 : i32 to index
      %get3A_1193 = arith.constant 224 : index
      %get3A_1194 = tpu.vector_load %arg18[%get3A_1192, %get3A_1193] {strides = array<i32>} : memref<240x256xf32, #tpu.memory_space<vmem>>, vector<16xf32>,
      %abs3A_1195 = math.absf %get3A_1194 : vector<16xf32>
      %add3A_1196 = arith.constant 0 : i32
      %add3A_1197 = arith.addi %add3A_1196, %scan3A_312 : i32
      %get3A_1198 = arith.index_cast %add3A_1197 : i32 to index
      %get3A_1199 = arith.constant 96 : index
      %get3A_1200 = tpu.vector_load %arg19[%get3A_1198, %get3A_1199] {strides = array<i32>} : memref<64x128xf32, #tpu.memory_space<vmem>>, vector<16xf32>,
      %add3A_1201 = arith.addf %get3A_1178, %get3A_1200 : vector<16xf32>
      %sub3A_1202 = arith.subf %add3A_1201, %get3A_1189 : vector<16xf32>
      %abs3A_1203 = math.absf %sub3A_1202 : vector<16xf32>
      %add3A_1204 = arith.addf %abs3A_1203, %abs3A_1184 : vector<16xf32>
      %sub3A_1205 = arith.subf %add3A_1204, %abs3A_1195 : vector<16xf32>
      %max3A_1206 = arith.constant 0.000000e+00 : f32
      %max3A_1207 = vector.broadcast %max3A_1206 : f32 to vector<16xf32>
      %max3A_1208 = arith.maximumf %sub3A_1205, %max3A_1207 : vector<16xf32>
      %add3A_1209 = arith.constant 112 : i32
      %add3A_1210 = arith.addi %add3A_1209, %scan3A_312 : i32
      %get3A_1211 = arith.index_cast %add3A_1210 : i32 to index
      %get3A_1212 = arith.constant 96 : index
      %get3A_1213 = tpu.vector_load %arg18[%get3A_1211, %get3A_1212] {strides = array<i32>} : memref<240x256xf32, #tpu.memory_space<vmem>>, vector<16xf32>,
      %add3A_1214 = arith.constant 112 : i32
      %add3A_1215 = arith.addi %add3A_1214, %scan3A_312 : i32
      %get3A_1216 = arith.index_cast %add3A_1215 : i32 to index
      %get3A_1217 = arith.constant 224 : index
      %get3A_1218 = tpu.vector_load %arg18[%get3A_1216, %get3A_1217] {strides = array<i32>} : memref<240x256xf32, #tpu.memory_space<vmem>>, vector<16xf32>,
      %abs3A_1219 = math.absf %get3A_1218 : vector<16xf32>
      %add3A_1220 = arith.constant 128 : i32
      %add3A_1221 = arith.addi %add3A_1220, %scan3A_312 : i32
      %get3A_1222 = arith.index_cast %add3A_1221 : i32 to index
      %get3A_1223 = arith.constant 96 : index
      %get3A_1224 = tpu.vector_load %arg18[%get3A_1222, %get3A_1223] {strides = array<i32>} : memref<240x256xf32, #tpu.memory_space<vmem>>, vector<16xf32>,
      %add3A_1225 = arith.constant 128 : i32
      %add3A_1226 = arith.addi %add3A_1225, %scan3A_312 : i32
      %get3A_1227 = arith.index_cast %add3A_1226 : i32 to index
      %get3A_1228 = arith.constant 224 : index
      %get3A_1229 = tpu.vector_load %arg18[%get3A_1227, %get3A_1228] {strides = array<i32>} : memref<240x256xf32, #tpu.memory_space<vmem>>, vector<16xf32>,
      %abs3A_1230 = math.absf %get3A_1229 : vector<16xf32>
      %add3A_1231 = arith.constant 16 : i32
      %add3A_1232 = arith.addi %add3A_1231, %scan3A_312 : i32
      %get3A_1233 = arith.index_cast %add3A_1232 : i32 to index
      %get3A_1234 = arith.constant 96 : index
      %get3A_1235 = tpu.vector_load %arg19[%get3A_1233, %get3A_1234] {strides = array<i32>} : memref<64x128xf32, #tpu.memory_space<vmem>>, vector<16xf32>,
      %sub3A_1236 = arith.subf %get3A_1213, %get3A_1235 : vector<16xf32>
      %sub3A_1237 = arith.subf %sub3A_1236, %get3A_1224 : vector<16xf32>
      %abs3A_1238 = math.absf %sub3A_1237 : vector<16xf32>
      %add3A_1239 = arith.addf %abs3A_1238, %abs3A_1219 : vector<16xf32>
      %sub3A_1240 = arith.subf %add3A_1239, %abs3A_1230 : vector<16xf32>
      %max3A_1241 = arith.constant 0.000000e+00 : f32
      %max3A_1242 = vector.broadcast %max3A_1241 : f32 to vector<16xf32>
      %max3A_1243 = arith.maximumf %sub3A_1240, %max3A_1242 : vector<16xf32>
      %add3A_1244 = arith.constant 144 : i32
      %add3A_1245 = arith.addi %add3A_1244, %scan3A_312 : i32
      %get3A_1246 = arith.index_cast %add3A_1245 : i32 to index
      %get3A_1247 = arith.constant 96 : index
      %get3A_1248 = tpu.vector_load %arg18[%get3A_1246, %get3A_1247] {strides = array<i32>} : memref<240x256xf32, #tpu.memory_space<vmem>>, vector<16xf32>,
      %add3A_1249 = arith.constant 144 : i32
      %add3A_1250 = arith.addi %add3A_1249, %scan3A_312 : i32
      %get3A_1251 = arith.index_cast %add3A_1250 : i32 to index
      %get3A_1252 = arith.constant 224 : index
      %get3A_1253 = tpu.vector_load %arg18[%get3A_1251, %get3A_1252] {strides = array<i32>} : memref<240x256xf32, #tpu.memory_space<vmem>>, vector<16xf32>,
      %abs3A_1254 = math.absf %get3A_1253 : vector<16xf32>
      %add3A_1255 = arith.constant 160 : i32
      %add3A_1256 = arith.addi %add3A_1255, %scan3A_312 : i32
      %get3A_1257 = arith.index_cast %add3A_1256 : i32 to index
      %get3A_1258 = arith.constant 96 : index
      %get3A_1259 = tpu.vector_load %arg18[%get3A_1257, %get3A_1258] {strides = array<i32>} : memref<240x256xf32, #tpu.memory_space<vmem>>, vector<16xf32>,
      %add3A_1260 = arith.constant 160 : i32
      %add3A_1261 = arith.addi %add3A_1260, %scan3A_312 : i32
      %get3A_1262 = arith.index_cast %add3A_1261 : i32 to index
      %get3A_1263 = arith.constant 224 : index
      %get3A_1264 = tpu.vector_load %arg18[%get3A_1262, %get3A_1263] {strides = array<i32>} : memref<240x256xf32, #tpu.memory_space<vmem>>, vector<16xf32>,
      %abs3A_1265 = math.absf %get3A_1264 : vector<16xf32>
      %sub3A_1266 = arith.subf %get3A_1248, %get3A_1259 : vector<16xf32>
      %abs3A_1267 = math.absf %sub3A_1266 : vector<16xf32>
      %neg3A_1268 = arith.constant 0.000000e+00 : f32
      %neg3A_1269 = vector.broadcast %neg3A_1268 : f32 to vector<16xf32>
      %neg3A_1270 = arith.subf %neg3A_1269, %abs3A_1267 : vector<16xf32>
      %add3A_1271 = arith.addf %neg3A_1270, %abs3A_1254 : vector<16xf32>
      %add3A_1272 = arith.addf %add3A_1271, %abs3A_1265 : vector<16xf32>
      %max3A_1273 = arith.constant 0.000000e+00 : f32
      %max3A_1274 = vector.broadcast %max3A_1273 : f32 to vector<16xf32>
      %max3A_1275 = arith.maximumf %add3A_1272, %max3A_1274 : vector<16xf32>
      %mul3A_1276 = arith.mulf %max3A_1173, %max3A_1173 : vector<16xf32>
      %add3A_1277 = arith.addf %add3A_1144, %mul3A_1276 : vector<16xf32>
      %mul3A_1278 = arith.mulf %max3A_1208, %max3A_1208 : vector<16xf32>
      %add3A_1279 = arith.addf %add3A_1277, %mul3A_1278 : vector<16xf32>
      %mul3A_1280 = arith.mulf %max3A_1243, %max3A_1243 : vector<16xf32>
      %add3A_1281 = arith.addf %add3A_1279, %mul3A_1280 : vector<16xf32>
      %mul3A_1282 = arith.mulf %max3A_1275, %max3A_1275 : vector<16xf32>
      %add3A_1283 = arith.addf %add3A_1281, %mul3A_1282 : vector<16xf32>
      %add3A_1284 = arith.constant 0 : i32
      %add3A_1285 = arith.addi %add3A_1284, %scan3A_312 : i32
      %get3A_1286 = arith.index_cast %add3A_1285 : i32 to index
      %get3A_1287 = arith.constant 112 : index
      %get3A_1288 = tpu.vector_load %arg18[%get3A_1286, %get3A_1287] {strides = array<i32>} : memref<240x256xf32, #tpu.memory_space<vmem>>, vector<16xf32>,
      %add3A_1289 = arith.constant 0 : i32
      %add3A_1290 = arith.addi %add3A_1289, %scan3A_312 : i32
      %get3A_1291 = arith.index_cast %add3A_1290 : i32 to index
      %get3A_1292 = arith.constant 240 : index
      %get3A_1293 = tpu.vector_load %arg18[%get3A_1291, %get3A_1292] {strides = array<i32>} : memref<240x256xf32, #tpu.memory_space<vmem>>, vector<16xf32>,
      %abs3A_1294 = math.absf %get3A_1293 : vector<16xf32>
      %add3A_1295 = arith.constant 16 : i32
      %add3A_1296 = arith.addi %add3A_1295, %scan3A_312 : i32
      %get3A_1297 = arith.index_cast %add3A_1296 : i32 to index
      %get3A_1298 = arith.constant 112 : index
      %get3A_1299 = tpu.vector_load %arg18[%get3A_1297, %get3A_1298] {strides = array<i32>} : memref<240x256xf32, #tpu.memory_space<vmem>>, vector<16xf32>,
      %add3A_1300 = arith.constant 16 : i32
      %add3A_1301 = arith.addi %add3A_1300, %scan3A_312 : i32
      %get3A_1302 = arith.index_cast %add3A_1301 : i32 to index
      %get3A_1303 = arith.constant 240 : index
      %get3A_1304 = tpu.vector_load %arg18[%get3A_1302, %get3A_1303] {strides = array<i32>} : memref<240x256xf32, #tpu.memory_space<vmem>>, vector<16xf32>,
      %abs3A_1305 = math.absf %get3A_1304 : vector<16xf32>
      %sub3A_1306 = arith.subf %get3A_1288, %get3A_1299 : vector<16xf32>
      %abs3A_1307 = math.absf %sub3A_1306 : vector<16xf32>
      %add3A_1308 = arith.addf %abs3A_1307, %abs3A_1294 : vector<16xf32>
      %sub3A_1309 = arith.subf %add3A_1308, %abs3A_1305 : vector<16xf32>
      %max3A_1310 = arith.constant 0.000000e+00 : f32
      %max3A_1311 = vector.broadcast %max3A_1310 : f32 to vector<16xf32>
      %max3A_1312 = arith.maximumf %sub3A_1309, %max3A_1311 : vector<16xf32>
      %add3A_1313 = arith.constant 80 : i32
      %add3A_1314 = arith.addi %add3A_1313, %scan3A_312 : i32
      %get3A_1315 = arith.index_cast %add3A_1314 : i32 to index
      %get3A_1316 = arith.constant 112 : index
      %get3A_1317 = tpu.vector_load %arg18[%get3A_1315, %get3A_1316] {strides = array<i32>} : memref<240x256xf32, #tpu.memory_space<vmem>>, vector<16xf32>,
      %add3A_1318 = arith.constant 80 : i32
      %add3A_1319 = arith.addi %add3A_1318, %scan3A_312 : i32
      %get3A_1320 = arith.index_cast %add3A_1319 : i32 to index
      %get3A_1321 = arith.constant 240 : index
      %get3A_1322 = tpu.vector_load %arg18[%get3A_1320, %get3A_1321] {strides = array<i32>} : memref<240x256xf32, #tpu.memory_space<vmem>>, vector<16xf32>,
      %abs3A_1323 = math.absf %get3A_1322 : vector<16xf32>
      %add3A_1324 = arith.constant 96 : i32
      %add3A_1325 = arith.addi %add3A_1324, %scan3A_312 : i32
      %get3A_1326 = arith.index_cast %add3A_1325 : i32 to index
      %get3A_1327 = arith.constant 112 : index
      %get3A_1328 = tpu.vector_load %arg18[%get3A_1326, %get3A_1327] {strides = array<i32>} : memref<240x256xf32, #tpu.memory_space<vmem>>, vector<16xf32>,
      %add3A_1329 = arith.constant 96 : i32
      %add3A_1330 = arith.addi %add3A_1329, %scan3A_312 : i32
      %get3A_1331 = arith.index_cast %add3A_1330 : i32 to index
      %get3A_1332 = arith.constant 240 : index
      %get3A_1333 = tpu.vector_load %arg18[%get3A_1331, %get3A_1332] {strides = array<i32>} : memref<240x256xf32, #tpu.memory_space<vmem>>, vector<16xf32>,
      %abs3A_1334 = math.absf %get3A_1333 : vector<16xf32>
      %add3A_1335 = arith.constant 0 : i32
      %add3A_1336 = arith.addi %add3A_1335, %scan3A_312 : i32
      %get3A_1337 = arith.index_cast %add3A_1336 : i32 to index
      %get3A_1338 = arith.constant 112 : index
      %get3A_1339 = tpu.vector_load %arg19[%get3A_1337, %get3A_1338] {strides = array<i32>} : memref<64x128xf32, #tpu.memory_space<vmem>>, vector<16xf32>,
      %add3A_1340 = arith.addf %get3A_1317, %get3A_1339 : vector<16xf32>
      %sub3A_1341 = arith.subf %add3A_1340, %get3A_1328 : vector<16xf32>
      %abs3A_1342 = math.absf %sub3A_1341 : vector<16xf32>
      %add3A_1343 = arith.addf %abs3A_1342, %abs3A_1323 : vector<16xf32>
      %sub3A_1344 = arith.subf %add3A_1343, %abs3A_1334 : vector<16xf32>
      %max3A_1345 = arith.constant 0.000000e+00 : f32
      %max3A_1346 = vector.broadcast %max3A_1345 : f32 to vector<16xf32>
      %max3A_1347 = arith.maximumf %sub3A_1344, %max3A_1346 : vector<16xf32>
      %add3A_1348 = arith.constant 112 : i32
      %add3A_1349 = arith.addi %add3A_1348, %scan3A_312 : i32
      %get3A_1350 = arith.index_cast %add3A_1349 : i32 to index
      %get3A_1351 = arith.constant 112 : index
      %get3A_1352 = tpu.vector_load %arg18[%get3A_1350, %get3A_1351] {strides = array<i32>} : memref<240x256xf32, #tpu.memory_space<vmem>>, vector<16xf32>,
      %add3A_1353 = arith.constant 112 : i32
      %add3A_1354 = arith.addi %add3A_1353, %scan3A_312 : i32
      %get3A_1355 = arith.index_cast %add3A_1354 : i32 to index
      %get3A_1356 = arith.constant 240 : index
      %get3A_1357 = tpu.vector_load %arg18[%get3A_1355, %get3A_1356] {strides = array<i32>} : memref<240x256xf32, #tpu.memory_space<vmem>>, vector<16xf32>,
      %abs3A_1358 = math.absf %get3A_1357 : vector<16xf32>
      %add3A_1359 = arith.constant 128 : i32
      %add3A_1360 = arith.addi %add3A_1359, %scan3A_312 : i32
      %get3A_1361 = arith.index_cast %add3A_1360 : i32 to index
      %get3A_1362 = arith.constant 112 : index
      %get3A_1363 = tpu.vector_load %arg18[%get3A_1361, %get3A_1362] {strides = array<i32>} : memref<240x256xf32, #tpu.memory_space<vmem>>, vector<16xf32>,
      %add3A_1364 = arith.constant 128 : i32
      %add3A_1365 = arith.addi %add3A_1364, %scan3A_312 : i32
      %get3A_1366 = arith.index_cast %add3A_1365 : i32 to index
      %get3A_1367 = arith.constant 240 : index
      %get3A_1368 = tpu.vector_load %arg18[%get3A_1366, %get3A_1367] {strides = array<i32>} : memref<240x256xf32, #tpu.memory_space<vmem>>, vector<16xf32>,
      %abs3A_1369 = math.absf %get3A_1368 : vector<16xf32>
      %add3A_1370 = arith.constant 16 : i32
      %add3A_1371 = arith.addi %add3A_1370, %scan3A_312 : i32
      %get3A_1372 = arith.index_cast %add3A_1371 : i32 to index
      %get3A_1373 = arith.constant 112 : index
      %get3A_1374 = tpu.vector_load %arg19[%get3A_1372, %get3A_1373] {strides = array<i32>} : memref<64x128xf32, #tpu.memory_space<vmem>>, vector<16xf32>,
      %sub3A_1375 = arith.subf %get3A_1352, %get3A_1374 : vector<16xf32>
      %sub3A_1376 = arith.subf %sub3A_1375, %get3A_1363 : vector<16xf32>
      %abs3A_1377 = math.absf %sub3A_1376 : vector<16xf32>
      %add3A_1378 = arith.addf %abs3A_1377, %abs3A_1358 : vector<16xf32>
      %sub3A_1379 = arith.subf %add3A_1378, %abs3A_1369 : vector<16xf32>
      %max3A_1380 = arith.constant 0.000000e+00 : f32
      %max3A_1381 = vector.broadcast %max3A_1380 : f32 to vector<16xf32>
      %max3A_1382 = arith.maximumf %sub3A_1379, %max3A_1381 : vector<16xf32>
      %add3A_1383 = arith.constant 144 : i32
      %add3A_1384 = arith.addi %add3A_1383, %scan3A_312 : i32
      %get3A_1385 = arith.index_cast %add3A_1384 : i32 to index
      %get3A_1386 = arith.constant 112 : index
      %get3A_1387 = tpu.vector_load %arg18[%get3A_1385, %get3A_1386] {strides = array<i32>} : memref<240x256xf32, #tpu.memory_space<vmem>>, vector<16xf32>,
      %add3A_1388 = arith.constant 144 : i32
      %add3A_1389 = arith.addi %add3A_1388, %scan3A_312 : i32
      %get3A_1390 = arith.index_cast %add3A_1389 : i32 to index
      %get3A_1391 = arith.constant 240 : index
      %get3A_1392 = tpu.vector_load %arg18[%get3A_1390, %get3A_1391] {strides = array<i32>} : memref<240x256xf32, #tpu.memory_space<vmem>>, vector<16xf32>,
      %abs3A_1393 = math.absf %get3A_1392 : vector<16xf32>
      %add3A_1394 = arith.constant 160 : i32
      %add3A_1395 = arith.addi %add3A_1394, %scan3A_312 : i32
      %get3A_1396 = arith.index_cast %add3A_1395 : i32 to index
      %get3A_1397 = arith.constant 112 : index
      %get3A_1398 = tpu.vector_load %arg18[%get3A_1396, %get3A_1397] {strides = array<i32>} : memref<240x256xf32, #tpu.memory_space<vmem>>, vector<16xf32>,
      %add3A_1399 = arith.constant 160 : i32
      %add3A_1400 = arith.addi %add3A_1399, %scan3A_312 : i32
      %get3A_1401 = arith.index_cast %add3A_1400 : i32 to index
      %get3A_1402 = arith.constant 240 : index
      %get3A_1403 = tpu.vector_load %arg18[%get3A_1401, %get3A_1402] {strides = array<i32>} : memref<240x256xf32, #tpu.memory_space<vmem>>, vector<16xf32>,
      %abs3A_1404 = math.absf %get3A_1403 : vector<16xf32>
      %sub3A_1405 = arith.subf %get3A_1387, %get3A_1398 : vector<16xf32>
      %abs3A_1406 = math.absf %sub3A_1405 : vector<16xf32>
      %neg3A_1407 = arith.constant 0.000000e+00 : f32
      %neg3A_1408 = vector.broadcast %neg3A_1407 : f32 to vector<16xf32>
      %neg3A_1409 = arith.subf %neg3A_1408, %abs3A_1406 : vector<16xf32>
      %add3A_1410 = arith.addf %neg3A_1409, %abs3A_1393 : vector<16xf32>
      %add3A_1411 = arith.addf %add3A_1410, %abs3A_1404 : vector<16xf32>
      %max3A_1412 = arith.constant 0.000000e+00 : f32
      %max3A_1413 = vector.broadcast %max3A_1412 : f32 to vector<16xf32>
      %max3A_1414 = arith.maximumf %add3A_1411, %max3A_1413 : vector<16xf32>
      %mul3A_1415 = arith.mulf %max3A_1312, %max3A_1312 : vector<16xf32>
      %add3A_1416 = arith.addf %add3A_1283, %mul3A_1415 : vector<16xf32>
      %mul3A_1417 = arith.mulf %max3A_1347, %max3A_1347 : vector<16xf32>
      %add3A_1418 = arith.addf %add3A_1416, %mul3A_1417 : vector<16xf32>
      %mul3A_1419 = arith.mulf %max3A_1382, %max3A_1382 : vector<16xf32>
      %add3A_1420 = arith.addf %add3A_1418, %mul3A_1419 : vector<16xf32>
      %mul3A_1421 = arith.mulf %max3A_1414, %max3A_1414 : vector<16xf32>
      %add3A_1422 = arith.addf %add3A_1420, %mul3A_1421 : vector<16xf32>
      %add3A_1423 = arith.constant 32 : i32
      %add3A_1424 = arith.addi %add3A_1423, %scan3A_312 : i32
      %get3A_1425 = arith.index_cast %add3A_1424 : i32 to index
      %get3A_1426 = arith.constant 0 : index
      %get3A_1427 = tpu.vector_load %arg18[%get3A_1425, %get3A_1426] {strides = array<i32>} : memref<240x256xf32, #tpu.memory_space<vmem>>, vector<16xf32>,
      %add3A_1428 = arith.constant 32 : i32
      %add3A_1429 = arith.addi %add3A_1428, %scan3A_312 : i32
      %get3A_1430 = arith.index_cast %add3A_1429 : i32 to index
      %get3A_1431 = arith.constant 128 : index
      %get3A_1432 = tpu.vector_load %arg18[%get3A_1430, %get3A_1431] {strides = array<i32>} : memref<240x256xf32, #tpu.memory_space<vmem>>, vector<16xf32>,
      %abs3A_1433 = math.absf %get3A_1432 : vector<16xf32>
      %add3A_1434 = arith.constant 48 : i32
      %add3A_1435 = arith.addi %add3A_1434, %scan3A_312 : i32
      %get3A_1436 = arith.index_cast %add3A_1435 : i32 to index
      %get3A_1437 = arith.constant 0 : index
      %get3A_1438 = tpu.vector_load %arg18[%get3A_1436, %get3A_1437] {strides = array<i32>} : memref<240x256xf32, #tpu.memory_space<vmem>>, vector<16xf32>,
      %add3A_1439 = arith.constant 48 : i32
      %add3A_1440 = arith.addi %add3A_1439, %scan3A_312 : i32
      %get3A_1441 = arith.index_cast %add3A_1440 : i32 to index
      %get3A_1442 = arith.constant 128 : index
      %get3A_1443 = tpu.vector_load %arg18[%get3A_1441, %get3A_1442] {strides = array<i32>} : memref<240x256xf32, #tpu.memory_space<vmem>>, vector<16xf32>,
      %abs3A_1444 = math.absf %get3A_1443 : vector<16xf32>
      %add3A_1445 = arith.constant 64 : i32
      %add3A_1446 = arith.addi %add3A_1445, %scan3A_312 : i32
      %get3A_1447 = arith.index_cast %add3A_1446 : i32 to index
      %get3A_1448 = arith.constant 0 : index
      %get3A_1449 = tpu.vector_load %arg18[%get3A_1447, %get3A_1448] {strides = array<i32>} : memref<240x256xf32, #tpu.memory_space<vmem>>, vector<16xf32>,
      %add3A_1450 = arith.constant 64 : i32
      %add3A_1451 = arith.addi %add3A_1450, %scan3A_312 : i32
      %get3A_1452 = arith.index_cast %add3A_1451 : i32 to index
      %get3A_1453 = arith.constant 128 : index
      %get3A_1454 = tpu.vector_load %arg18[%get3A_1452, %get3A_1453] {strides = array<i32>} : memref<240x256xf32, #tpu.memory_space<vmem>>, vector<16xf32>,
      %abs3A_1455 = math.absf %get3A_1454 : vector<16xf32>
      %sub3A_1456 = arith.subf %get3A_1427, %abs3A_1433 : vector<16xf32>
      %sub3A_1457 = arith.subf %get3A_1438, %abs3A_1444 : vector<16xf32>
      %max3A_1458 = arith.maximumf %sub3A_1456, %sub3A_1457 : vector<16xf32>
      %add3A_1459 = arith.addf %get3A_1427, %abs3A_1433 : vector<16xf32>
      %add3A_1460 = arith.addf %get3A_1438, %abs3A_1444 : vector<16xf32>
      %min3A = arith.minimumf %add3A_1459, %add3A_1460 : vector<16xf32>
      %add3A_1461 = arith.addf %max3A_1458, %min3A : vector<16xf32>
      %mul3A_1462 = arith.constant 5.000000e-01 : f32
      %mul3A_1463 = vector.broadcast %mul3A_1462 : f32 to vector<16xf32>
      %mul3A_1464 = arith.mulf %add3A_1461, %mul3A_1463 : vector<16xf32>
      %sub3A_1465 = arith.subf %min3A, %max3A_1458 : vector<16xf32>
      %abs3A_1466 = math.absf %sub3A_1465 : vector<16xf32>
      %mul3A_1467 = arith.constant 5.000000e-01 : f32
      %mul3A_1468 = vector.broadcast %mul3A_1467 : f32 to vector<16xf32>
      %mul3A_1469 = arith.mulf %abs3A_1466, %mul3A_1468 : vector<16xf32>
      %sub3A_1470 = arith.subf %mul3A_1464, %get3A_1449 : vector<16xf32>
      %abs3A_1471 = math.absf %sub3A_1470 : vector<16xf32>
      %add3A_1472 = arith.addf %abs3A_1471, %mul3A_1469 : vector<16xf32>
      %sub3A_1473 = arith.subf %add3A_1472, %abs3A_1455 : vector<16xf32>
      %max3A_1474 = arith.constant 0.000000e+00 : f32
      %max3A_1475 = vector.broadcast %max3A_1474 : f32 to vector<16xf32>
      %max3A_1476 = arith.maximumf %sub3A_1473, %max3A_1475 : vector<16xf32>
      %sub3A_1477 = arith.subf %max3A_1458, %min3A : vector<16xf32>
      %max3A_1478 = arith.constant 0.000000e+00 : f32
      %max3A_1479 = vector.broadcast %max3A_1478 : f32 to vector<16xf32>
      %max3A_1480 = arith.maximumf %sub3A_1477, %max3A_1479 : vector<16xf32>
      %mul3A_1481 = arith.mulf %max3A_1476, %max3A_1476 : vector<16xf32>
      %add3A_1482 = arith.addf %broadcast_in_dim3A_315, %mul3A_1481 : vector<16xf32>
      %mul3A_1483 = arith.mulf %max3A_1480, %max3A_1480 : vector<16xf32>
      %add3A_1484 = arith.addf %broadcast_in_dim3A_315, %mul3A_1483 : vector<16xf32>
      %add3A_1485 = arith.constant 32 : i32
      %add3A_1486 = arith.addi %add3A_1485, %scan3A_312 : i32
      %get3A_1487 = arith.index_cast %add3A_1486 : i32 to index
      %get3A_1488 = arith.constant 16 : index
      %get3A_1489 = tpu.vector_load %arg18[%get3A_1487, %get3A_1488] {strides = array<i32>} : memref<240x256xf32, #tpu.memory_space<vmem>>, vector<16xf32>,
      %add3A_1490 = arith.constant 32 : i32
      %add3A_1491 = arith.addi %add3A_1490, %scan3A_312 : i32
      %get3A_1492 = arith.index_cast %add3A_1491 : i32 to index
      %get3A_1493 = arith.constant 144 : index
      %get3A_1494 = tpu.vector_load %arg18[%get3A_1492, %get3A_1493] {strides = array<i32>} : memref<240x256xf32, #tpu.memory_space<vmem>>, vector<16xf32>,
      %abs3A_1495 = math.absf %get3A_1494 : vector<16xf32>
      %add3A_1496 = arith.constant 48 : i32
      %add3A_1497 = arith.addi %add3A_1496, %scan3A_312 : i32
      %get3A_1498 = arith.index_cast %add3A_1497 : i32 to index
      %get3A_1499 = arith.constant 16 : index
      %get3A_1500 = tpu.vector_load %arg18[%get3A_1498, %get3A_1499] {strides = array<i32>} : memref<240x256xf32, #tpu.memory_space<vmem>>, vector<16xf32>,
      %add3A_1501 = arith.constant 48 : i32
      %add3A_1502 = arith.addi %add3A_1501, %scan3A_312 : i32
      %get3A_1503 = arith.index_cast %add3A_1502 : i32 to index
      %get3A_1504 = arith.constant 144 : index
      %get3A_1505 = tpu.vector_load %arg18[%get3A_1503, %get3A_1504] {strides = array<i32>} : memref<240x256xf32, #tpu.memory_space<vmem>>, vector<16xf32>,
      %abs3A_1506 = math.absf %get3A_1505 : vector<16xf32>
      %add3A_1507 = arith.constant 64 : i32
      %add3A_1508 = arith.addi %add3A_1507, %scan3A_312 : i32
      %get3A_1509 = arith.index_cast %add3A_1508 : i32 to index
      %get3A_1510 = arith.constant 16 : index
      %get3A_1511 = tpu.vector_load %arg18[%get3A_1509, %get3A_1510] {strides = array<i32>} : memref<240x256xf32, #tpu.memory_space<vmem>>, vector<16xf32>,
      %add3A_1512 = arith.constant 64 : i32
      %add3A_1513 = arith.addi %add3A_1512, %scan3A_312 : i32
      %get3A_1514 = arith.index_cast %add3A_1513 : i32 to index
      %get3A_1515 = arith.constant 144 : index
      %get3A_1516 = tpu.vector_load %arg18[%get3A_1514, %get3A_1515] {strides = array<i32>} : memref<240x256xf32, #tpu.memory_space<vmem>>, vector<16xf32>,
      %abs3A_1517 = math.absf %get3A_1516 : vector<16xf32>
      %sub3A_1518 = arith.subf %get3A_1489, %abs3A_1495 : vector<16xf32>
      %sub3A_1519 = arith.subf %get3A_1500, %abs3A_1506 : vector<16xf32>
      %max3A_1520 = arith.maximumf %sub3A_1518, %sub3A_1519 : vector<16xf32>
      %add3A_1521 = arith.addf %get3A_1489, %abs3A_1495 : vector<16xf32>
      %add3A_1522 = arith.addf %get3A_1500, %abs3A_1506 : vector<16xf32>
      %min3A_1523 = arith.minimumf %add3A_1521, %add3A_1522 : vector<16xf32>
      %add3A_1524 = arith.addf %max3A_1520, %min3A_1523 : vector<16xf32>
      %mul3A_1525 = arith.constant 5.000000e-01 : f32
      %mul3A_1526 = vector.broadcast %mul3A_1525 : f32 to vector<16xf32>
      %mul3A_1527 = arith.mulf %add3A_1524, %mul3A_1526 : vector<16xf32>
      %sub3A_1528 = arith.subf %min3A_1523, %max3A_1520 : vector<16xf32>
      %abs3A_1529 = math.absf %sub3A_1528 : vector<16xf32>
      %mul3A_1530 = arith.constant 5.000000e-01 : f32
      %mul3A_1531 = vector.broadcast %mul3A_1530 : f32 to vector<16xf32>
      %mul3A_1532 = arith.mulf %abs3A_1529, %mul3A_1531 : vector<16xf32>
      %sub3A_1533 = arith.subf %mul3A_1527, %get3A_1511 : vector<16xf32>
      %abs3A_1534 = math.absf %sub3A_1533 : vector<16xf32>
      %add3A_1535 = arith.addf %abs3A_1534, %mul3A_1532 : vector<16xf32>
      %sub3A_1536 = arith.subf %add3A_1535, %abs3A_1517 : vector<16xf32>
      %max3A_1537 = arith.constant 0.000000e+00 : f32
      %max3A_1538 = vector.broadcast %max3A_1537 : f32 to vector<16xf32>
      %max3A_1539 = arith.maximumf %sub3A_1536, %max3A_1538 : vector<16xf32>
      %sub3A_1540 = arith.subf %max3A_1520, %min3A_1523 : vector<16xf32>
      %max3A_1541 = arith.constant 0.000000e+00 : f32
      %max3A_1542 = vector.broadcast %max3A_1541 : f32 to vector<16xf32>
      %max3A_1543 = arith.maximumf %sub3A_1540, %max3A_1542 : vector<16xf32>
      %mul3A_1544 = arith.mulf %max3A_1539, %max3A_1539 : vector<16xf32>
      %add3A_1545 = arith.addf %add3A_1482, %mul3A_1544 : vector<16xf32>
      %mul3A_1546 = arith.mulf %max3A_1543, %max3A_1543 : vector<16xf32>
      %add3A_1547 = arith.addf %add3A_1484, %mul3A_1546 : vector<16xf32>
      %add3A_1548 = arith.constant 32 : i32
      %add3A_1549 = arith.addi %add3A_1548, %scan3A_312 : i32
      %get3A_1550 = arith.index_cast %add3A_1549 : i32 to index
      %get3A_1551 = arith.constant 32 : index
      %get3A_1552 = tpu.vector_load %arg18[%get3A_1550, %get3A_1551] {strides = array<i32>} : memref<240x256xf32, #tpu.memory_space<vmem>>, vector<16xf32>,
      %add3A_1553 = arith.constant 32 : i32
      %add3A_1554 = arith.addi %add3A_1553, %scan3A_312 : i32
      %get3A_1555 = arith.index_cast %add3A_1554 : i32 to index
      %get3A_1556 = arith.constant 160 : index
      %get3A_1557 = tpu.vector_load %arg18[%get3A_1555, %get3A_1556] {strides = array<i32>} : memref<240x256xf32, #tpu.memory_space<vmem>>, vector<16xf32>,
      %abs3A_1558 = math.absf %get3A_1557 : vector<16xf32>
      %add3A_1559 = arith.constant 48 : i32
      %add3A_1560 = arith.addi %add3A_1559, %scan3A_312 : i32
      %get3A_1561 = arith.index_cast %add3A_1560 : i32 to index
      %get3A_1562 = arith.constant 32 : index
      %get3A_1563 = tpu.vector_load %arg18[%get3A_1561, %get3A_1562] {strides = array<i32>} : memref<240x256xf32, #tpu.memory_space<vmem>>, vector<16xf32>,
      %add3A_1564 = arith.constant 48 : i32
      %add3A_1565 = arith.addi %add3A_1564, %scan3A_312 : i32
      %get3A_1566 = arith.index_cast %add3A_1565 : i32 to index
      %get3A_1567 = arith.constant 160 : index
      %get3A_1568 = tpu.vector_load %arg18[%get3A_1566, %get3A_1567] {strides = array<i32>} : memref<240x256xf32, #tpu.memory_space<vmem>>, vector<16xf32>,
      %abs3A_1569 = math.absf %get3A_1568 : vector<16xf32>
      %add3A_1570 = arith.constant 64 : i32
      %add3A_1571 = arith.addi %add3A_1570, %scan3A_312 : i32
      %get3A_1572 = arith.index_cast %add3A_1571 : i32 to index
      %get3A_1573 = arith.constant 32 : index
      %get3A_1574 = tpu.vector_load %arg18[%get3A_1572, %get3A_1573] {strides = array<i32>} : memref<240x256xf32, #tpu.memory_space<vmem>>, vector<16xf32>,
      %add3A_1575 = arith.constant 64 : i32
      %add3A_1576 = arith.addi %add3A_1575, %scan3A_312 : i32
      %get3A_1577 = arith.index_cast %add3A_1576 : i32 to index
      %get3A_1578 = arith.constant 160 : index
      %get3A_1579 = tpu.vector_load %arg18[%get3A_1577, %get3A_1578] {strides = array<i32>} : memref<240x256xf32, #tpu.memory_space<vmem>>, vector<16xf32>,
      %abs3A_1580 = math.absf %get3A_1579 : vector<16xf32>
      %sub3A_1581 = arith.subf %get3A_1552, %abs3A_1558 : vector<16xf32>
      %sub3A_1582 = arith.subf %get3A_1563, %abs3A_1569 : vector<16xf32>
      %max3A_1583 = arith.maximumf %sub3A_1581, %sub3A_1582 : vector<16xf32>
      %add3A_1584 = arith.addf %get3A_1552, %abs3A_1558 : vector<16xf32>
      %add3A_1585 = arith.addf %get3A_1563, %abs3A_1569 : vector<16xf32>
      %min3A_1586 = arith.minimumf %add3A_1584, %add3A_1585 : vector<16xf32>
      %add3A_1587 = arith.addf %max3A_1583, %min3A_1586 : vector<16xf32>
      %mul3A_1588 = arith.constant 5.000000e-01 : f32
      %mul3A_1589 = vector.broadcast %mul3A_1588 : f32 to vector<16xf32>
      %mul3A_1590 = arith.mulf %add3A_1587, %mul3A_1589 : vector<16xf32>
      %sub3A_1591 = arith.subf %min3A_1586, %max3A_1583 : vector<16xf32>
      %abs3A_1592 = math.absf %sub3A_1591 : vector<16xf32>
      %mul3A_1593 = arith.constant 5.000000e-01 : f32
      %mul3A_1594 = vector.broadcast %mul3A_1593 : f32 to vector<16xf32>
      %mul3A_1595 = arith.mulf %abs3A_1592, %mul3A_1594 : vector<16xf32>
      %sub3A_1596 = arith.subf %mul3A_1590, %get3A_1574 : vector<16xf32>
      %abs3A_1597 = math.absf %sub3A_1596 : vector<16xf32>
      %add3A_1598 = arith.addf %abs3A_1597, %mul3A_1595 : vector<16xf32>
      %sub3A_1599 = arith.subf %add3A_1598, %abs3A_1580 : vector<16xf32>
      %max3A_1600 = arith.constant 0.000000e+00 : f32
      %max3A_1601 = vector.broadcast %max3A_1600 : f32 to vector<16xf32>
      %max3A_1602 = arith.maximumf %sub3A_1599, %max3A_1601 : vector<16xf32>
      %sub3A_1603 = arith.subf %max3A_1583, %min3A_1586 : vector<16xf32>
      %max3A_1604 = arith.constant 0.000000e+00 : f32
      %max3A_1605 = vector.broadcast %max3A_1604 : f32 to vector<16xf32>
      %max3A_1606 = arith.maximumf %sub3A_1603, %max3A_1605 : vector<16xf32>
      %mul3A_1607 = arith.mulf %max3A_1602, %max3A_1602 : vector<16xf32>
      %add3A_1608 = arith.addf %add3A_1545, %mul3A_1607 : vector<16xf32>
      %mul3A_1609 = arith.mulf %max3A_1606, %max3A_1606 : vector<16xf32>
      %add3A_1610 = arith.addf %add3A_1547, %mul3A_1609 : vector<16xf32>
      %add3A_1611 = arith.constant 32 : i32
      %add3A_1612 = arith.addi %add3A_1611, %scan3A_312 : i32
      %get3A_1613 = arith.index_cast %add3A_1612 : i32 to index
      %get3A_1614 = arith.constant 48 : index
      %get3A_1615 = tpu.vector_load %arg18[%get3A_1613, %get3A_1614] {strides = array<i32>} : memref<240x256xf32, #tpu.memory_space<vmem>>, vector<16xf32>,
      %add3A_1616 = arith.constant 32 : i32
      %add3A_1617 = arith.addi %add3A_1616, %scan3A_312 : i32
      %get3A_1618 = arith.index_cast %add3A_1617 : i32 to index
      %get3A_1619 = arith.constant 176 : index
      %get3A_1620 = tpu.vector_load %arg18[%get3A_1618, %get3A_1619] {strides = array<i32>} : memref<240x256xf32, #tpu.memory_space<vmem>>, vector<16xf32>,
      %abs3A_1621 = math.absf %get3A_1620 : vector<16xf32>
      %add3A_1622 = arith.constant 48 : i32
      %add3A_1623 = arith.addi %add3A_1622, %scan3A_312 : i32
      %get3A_1624 = arith.index_cast %add3A_1623 : i32 to index
      %get3A_1625 = arith.constant 48 : index
      %get3A_1626 = tpu.vector_load %arg18[%get3A_1624, %get3A_1625] {strides = array<i32>} : memref<240x256xf32, #tpu.memory_space<vmem>>, vector<16xf32>,
      %add3A_1627 = arith.constant 48 : i32
      %add3A_1628 = arith.addi %add3A_1627, %scan3A_312 : i32
      %get3A_1629 = arith.index_cast %add3A_1628 : i32 to index
      %get3A_1630 = arith.constant 176 : index
      %get3A_1631 = tpu.vector_load %arg18[%get3A_1629, %get3A_1630] {strides = array<i32>} : memref<240x256xf32, #tpu.memory_space<vmem>>, vector<16xf32>,
      %abs3A_1632 = math.absf %get3A_1631 : vector<16xf32>
      %add3A_1633 = arith.constant 64 : i32
      %add3A_1634 = arith.addi %add3A_1633, %scan3A_312 : i32
      %get3A_1635 = arith.index_cast %add3A_1634 : i32 to index
      %get3A_1636 = arith.constant 48 : index
      %get3A_1637 = tpu.vector_load %arg18[%get3A_1635, %get3A_1636] {strides = array<i32>} : memref<240x256xf32, #tpu.memory_space<vmem>>, vector<16xf32>,
      %add3A_1638 = arith.constant 64 : i32
      %add3A_1639 = arith.addi %add3A_1638, %scan3A_312 : i32
      %get3A_1640 = arith.index_cast %add3A_1639 : i32 to index
      %get3A_1641 = arith.constant 176 : index
      %get3A_1642 = tpu.vector_load %arg18[%get3A_1640, %get3A_1641] {strides = array<i32>} : memref<240x256xf32, #tpu.memory_space<vmem>>, vector<16xf32>,
      %abs3A_1643 = math.absf %get3A_1642 : vector<16xf32>
      %sub3A_1644 = arith.subf %get3A_1615, %abs3A_1621 : vector<16xf32>
      %sub3A_1645 = arith.subf %get3A_1626, %abs3A_1632 : vector<16xf32>
      %max3A_1646 = arith.maximumf %sub3A_1644, %sub3A_1645 : vector<16xf32>
      %add3A_1647 = arith.addf %get3A_1615, %abs3A_1621 : vector<16xf32>
      %add3A_1648 = arith.addf %get3A_1626, %abs3A_1632 : vector<16xf32>
      %min3A_1649 = arith.minimumf %add3A_1647, %add3A_1648 : vector<16xf32>
      %add3A_1650 = arith.addf %max3A_1646, %min3A_1649 : vector<16xf32>
      %mul3A_1651 = arith.constant 5.000000e-01 : f32
      %mul3A_1652 = vector.broadcast %mul3A_1651 : f32 to vector<16xf32>
      %mul3A_1653 = arith.mulf %add3A_1650, %mul3A_1652 : vector<16xf32>
      %sub3A_1654 = arith.subf %min3A_1649, %max3A_1646 : vector<16xf32>
      %abs3A_1655 = math.absf %sub3A_1654 : vector<16xf32>
      %mul3A_1656 = arith.constant 5.000000e-01 : f32
      %mul3A_1657 = vector.broadcast %mul3A_1656 : f32 to vector<16xf32>
      %mul3A_1658 = arith.mulf %abs3A_1655, %mul3A_1657 : vector<16xf32>
      %sub3A_1659 = arith.subf %mul3A_1653, %get3A_1637 : vector<16xf32>
      %abs3A_1660 = math.absf %sub3A_1659 : vector<16xf32>
      %add3A_1661 = arith.addf %abs3A_1660, %mul3A_1658 : vector<16xf32>
      %sub3A_1662 = arith.subf %add3A_1661, %abs3A_1643 : vector<16xf32>
      %max3A_1663 = arith.constant 0.000000e+00 : f32
      %max3A_1664 = vector.broadcast %max3A_1663 : f32 to vector<16xf32>
      %max3A_1665 = arith.maximumf %sub3A_1662, %max3A_1664 : vector<16xf32>
      %sub3A_1666 = arith.subf %max3A_1646, %min3A_1649 : vector<16xf32>
      %max3A_1667 = arith.constant 0.000000e+00 : f32
      %max3A_1668 = vector.broadcast %max3A_1667 : f32 to vector<16xf32>
      %max3A_1669 = arith.maximumf %sub3A_1666, %max3A_1668 : vector<16xf32>
      %mul3A_1670 = arith.mulf %max3A_1665, %max3A_1665 : vector<16xf32>
      %add3A_1671 = arith.addf %add3A_1608, %mul3A_1670 : vector<16xf32>
      %mul3A_1672 = arith.mulf %max3A_1669, %max3A_1669 : vector<16xf32>
      %add3A_1673 = arith.addf %add3A_1610, %mul3A_1672 : vector<16xf32>
      %add3A_1674 = arith.constant 32 : i32
      %add3A_1675 = arith.addi %add3A_1674, %scan3A_312 : i32
      %get3A_1676 = arith.index_cast %add3A_1675 : i32 to index
      %get3A_1677 = arith.constant 64 : index
      %get3A_1678 = tpu.vector_load %arg18[%get3A_1676, %get3A_1677] {strides = array<i32>} : memref<240x256xf32, #tpu.memory_space<vmem>>, vector<16xf32>,
      %add3A_1679 = arith.constant 32 : i32
      %add3A_1680 = arith.addi %add3A_1679, %scan3A_312 : i32
      %get3A_1681 = arith.index_cast %add3A_1680 : i32 to index
      %get3A_1682 = arith.constant 192 : index
      %get3A_1683 = tpu.vector_load %arg18[%get3A_1681, %get3A_1682] {strides = array<i32>} : memref<240x256xf32, #tpu.memory_space<vmem>>, vector<16xf32>,
      %abs3A_1684 = math.absf %get3A_1683 : vector<16xf32>
      %add3A_1685 = arith.constant 48 : i32
      %add3A_1686 = arith.addi %add3A_1685, %scan3A_312 : i32
      %get3A_1687 = arith.index_cast %add3A_1686 : i32 to index
      %get3A_1688 = arith.constant 64 : index
      %get3A_1689 = tpu.vector_load %arg18[%get3A_1687, %get3A_1688] {strides = array<i32>} : memref<240x256xf32, #tpu.memory_space<vmem>>, vector<16xf32>,
      %add3A_1690 = arith.constant 48 : i32
      %add3A_1691 = arith.addi %add3A_1690, %scan3A_312 : i32
      %get3A_1692 = arith.index_cast %add3A_1691 : i32 to index
      %get3A_1693 = arith.constant 192 : index
      %get3A_1694 = tpu.vector_load %arg18[%get3A_1692, %get3A_1693] {strides = array<i32>} : memref<240x256xf32, #tpu.memory_space<vmem>>, vector<16xf32>,
      %abs3A_1695 = math.absf %get3A_1694 : vector<16xf32>
      %add3A_1696 = arith.constant 64 : i32
      %add3A_1697 = arith.addi %add3A_1696, %scan3A_312 : i32
      %get3A_1698 = arith.index_cast %add3A_1697 : i32 to index
      %get3A_1699 = arith.constant 64 : index
      %get3A_1700 = tpu.vector_load %arg18[%get3A_1698, %get3A_1699] {strides = array<i32>} : memref<240x256xf32, #tpu.memory_space<vmem>>, vector<16xf32>,
      %add3A_1701 = arith.constant 64 : i32
      %add3A_1702 = arith.addi %add3A_1701, %scan3A_312 : i32
      %get3A_1703 = arith.index_cast %add3A_1702 : i32 to index
      %get3A_1704 = arith.constant 192 : index
      %get3A_1705 = tpu.vector_load %arg18[%get3A_1703, %get3A_1704] {strides = array<i32>} : memref<240x256xf32, #tpu.memory_space<vmem>>, vector<16xf32>,
      %abs3A_1706 = math.absf %get3A_1705 : vector<16xf32>
      %sub3A_1707 = arith.subf %get3A_1678, %abs3A_1684 : vector<16xf32>
      %sub3A_1708 = arith.subf %get3A_1689, %abs3A_1695 : vector<16xf32>
      %max3A_1709 = arith.maximumf %sub3A_1707, %sub3A_1708 : vector<16xf32>
      %add3A_1710 = arith.addf %get3A_1678, %abs3A_1684 : vector<16xf32>
      %add3A_1711 = arith.addf %get3A_1689, %abs3A_1695 : vector<16xf32>
      %min3A_1712 = arith.minimumf %add3A_1710, %add3A_1711 : vector<16xf32>
      %add3A_1713 = arith.addf %max3A_1709, %min3A_1712 : vector<16xf32>
      %mul3A_1714 = arith.constant 5.000000e-01 : f32
      %mul3A_1715 = vector.broadcast %mul3A_1714 : f32 to vector<16xf32>
      %mul3A_1716 = arith.mulf %add3A_1713, %mul3A_1715 : vector<16xf32>
      %sub3A_1717 = arith.subf %min3A_1712, %max3A_1709 : vector<16xf32>
      %abs3A_1718 = math.absf %sub3A_1717 : vector<16xf32>
      %mul3A_1719 = arith.constant 5.000000e-01 : f32
      %mul3A_1720 = vector.broadcast %mul3A_1719 : f32 to vector<16xf32>
      %mul3A_1721 = arith.mulf %abs3A_1718, %mul3A_1720 : vector<16xf32>
      %sub3A_1722 = arith.subf %mul3A_1716, %get3A_1700 : vector<16xf32>
      %abs3A_1723 = math.absf %sub3A_1722 : vector<16xf32>
      %add3A_1724 = arith.addf %abs3A_1723, %mul3A_1721 : vector<16xf32>
      %sub3A_1725 = arith.subf %add3A_1724, %abs3A_1706 : vector<16xf32>
      %max3A_1726 = arith.constant 0.000000e+00 : f32
      %max3A_1727 = vector.broadcast %max3A_1726 : f32 to vector<16xf32>
      %max3A_1728 = arith.maximumf %sub3A_1725, %max3A_1727 : vector<16xf32>
      %sub3A_1729 = arith.subf %max3A_1709, %min3A_1712 : vector<16xf32>
      %max3A_1730 = arith.constant 0.000000e+00 : f32
      %max3A_1731 = vector.broadcast %max3A_1730 : f32 to vector<16xf32>
      %max3A_1732 = arith.maximumf %sub3A_1729, %max3A_1731 : vector<16xf32>
      %mul3A_1733 = arith.mulf %max3A_1728, %max3A_1728 : vector<16xf32>
      %add3A_1734 = arith.addf %add3A_1671, %mul3A_1733 : vector<16xf32>
      %mul3A_1735 = arith.mulf %max3A_1732, %max3A_1732 : vector<16xf32>
      %add3A_1736 = arith.addf %add3A_1673, %mul3A_1735 : vector<16xf32>
      %add3A_1737 = arith.constant 32 : i32
      %add3A_1738 = arith.addi %add3A_1737, %scan3A_312 : i32
      %get3A_1739 = arith.index_cast %add3A_1738 : i32 to index
      %get3A_1740 = arith.constant 80 : index
      %get3A_1741 = tpu.vector_load %arg18[%get3A_1739, %get3A_1740] {strides = array<i32>} : memref<240x256xf32, #tpu.memory_space<vmem>>, vector<16xf32>,
      %add3A_1742 = arith.constant 32 : i32
      %add3A_1743 = arith.addi %add3A_1742, %scan3A_312 : i32
      %get3A_1744 = arith.index_cast %add3A_1743 : i32 to index
      %get3A_1745 = arith.constant 208 : index
      %get3A_1746 = tpu.vector_load %arg18[%get3A_1744, %get3A_1745] {strides = array<i32>} : memref<240x256xf32, #tpu.memory_space<vmem>>, vector<16xf32>,
      %abs3A_1747 = math.absf %get3A_1746 : vector<16xf32>
      %add3A_1748 = arith.constant 48 : i32
      %add3A_1749 = arith.addi %add3A_1748, %scan3A_312 : i32
      %get3A_1750 = arith.index_cast %add3A_1749 : i32 to index
      %get3A_1751 = arith.constant 80 : index
      %get3A_1752 = tpu.vector_load %arg18[%get3A_1750, %get3A_1751] {strides = array<i32>} : memref<240x256xf32, #tpu.memory_space<vmem>>, vector<16xf32>,
      %add3A_1753 = arith.constant 48 : i32
      %add3A_1754 = arith.addi %add3A_1753, %scan3A_312 : i32
      %get3A_1755 = arith.index_cast %add3A_1754 : i32 to index
      %get3A_1756 = arith.constant 208 : index
      %get3A_1757 = tpu.vector_load %arg18[%get3A_1755, %get3A_1756] {strides = array<i32>} : memref<240x256xf32, #tpu.memory_space<vmem>>, vector<16xf32>,
      %abs3A_1758 = math.absf %get3A_1757 : vector<16xf32>
      %add3A_1759 = arith.constant 64 : i32
      %add3A_1760 = arith.addi %add3A_1759, %scan3A_312 : i32
      %get3A_1761 = arith.index_cast %add3A_1760 : i32 to index
      %get3A_1762 = arith.constant 80 : index
      %get3A_1763 = tpu.vector_load %arg18[%get3A_1761, %get3A_1762] {strides = array<i32>} : memref<240x256xf32, #tpu.memory_space<vmem>>, vector<16xf32>,
      %add3A_1764 = arith.constant 64 : i32
      %add3A_1765 = arith.addi %add3A_1764, %scan3A_312 : i32
      %get3A_1766 = arith.index_cast %add3A_1765 : i32 to index
      %get3A_1767 = arith.constant 208 : index
      %get3A_1768 = tpu.vector_load %arg18[%get3A_1766, %get3A_1767] {strides = array<i32>} : memref<240x256xf32, #tpu.memory_space<vmem>>, vector<16xf32>,
      %abs3A_1769 = math.absf %get3A_1768 : vector<16xf32>
      %sub3A_1770 = arith.subf %get3A_1741, %abs3A_1747 : vector<16xf32>
      %sub3A_1771 = arith.subf %get3A_1752, %abs3A_1758 : vector<16xf32>
      %max3A_1772 = arith.maximumf %sub3A_1770, %sub3A_1771 : vector<16xf32>
      %add3A_1773 = arith.addf %get3A_1741, %abs3A_1747 : vector<16xf32>
      %add3A_1774 = arith.addf %get3A_1752, %abs3A_1758 : vector<16xf32>
      %min3A_1775 = arith.minimumf %add3A_1773, %add3A_1774 : vector<16xf32>
      %add3A_1776 = arith.addf %max3A_1772, %min3A_1775 : vector<16xf32>
      %mul3A_1777 = arith.constant 5.000000e-01 : f32
      %mul3A_1778 = vector.broadcast %mul3A_1777 : f32 to vector<16xf32>
      %mul3A_1779 = arith.mulf %add3A_1776, %mul3A_1778 : vector<16xf32>
      %sub3A_1780 = arith.subf %min3A_1775, %max3A_1772 : vector<16xf32>
      %abs3A_1781 = math.absf %sub3A_1780 : vector<16xf32>
      %mul3A_1782 = arith.constant 5.000000e-01 : f32
      %mul3A_1783 = vector.broadcast %mul3A_1782 : f32 to vector<16xf32>
      %mul3A_1784 = arith.mulf %abs3A_1781, %mul3A_1783 : vector<16xf32>
      %sub3A_1785 = arith.subf %mul3A_1779, %get3A_1763 : vector<16xf32>
      %abs3A_1786 = math.absf %sub3A_1785 : vector<16xf32>
      %add3A_1787 = arith.addf %abs3A_1786, %mul3A_1784 : vector<16xf32>
      %sub3A_1788 = arith.subf %add3A_1787, %abs3A_1769 : vector<16xf32>
      %max3A_1789 = arith.constant 0.000000e+00 : f32
      %max3A_1790 = vector.broadcast %max3A_1789 : f32 to vector<16xf32>
      %max3A_1791 = arith.maximumf %sub3A_1788, %max3A_1790 : vector<16xf32>
      %sub3A_1792 = arith.subf %max3A_1772, %min3A_1775 : vector<16xf32>
      %max3A_1793 = arith.constant 0.000000e+00 : f32
      %max3A_1794 = vector.broadcast %max3A_1793 : f32 to vector<16xf32>
      %max3A_1795 = arith.maximumf %sub3A_1792, %max3A_1794 : vector<16xf32>
      %mul3A_1796 = arith.mulf %max3A_1791, %max3A_1791 : vector<16xf32>
      %add3A_1797 = arith.addf %add3A_1734, %mul3A_1796 : vector<16xf32>
      %mul3A_1798 = arith.mulf %max3A_1795, %max3A_1795 : vector<16xf32>
      %add3A_1799 = arith.addf %add3A_1736, %mul3A_1798 : vector<16xf32>
      %add3A_1800 = arith.constant 32 : i32
      %add3A_1801 = arith.addi %add3A_1800, %scan3A_312 : i32
      %get3A_1802 = arith.index_cast %add3A_1801 : i32 to index
      %get3A_1803 = arith.constant 96 : index
      %get3A_1804 = tpu.vector_load %arg18[%get3A_1802, %get3A_1803] {strides = array<i32>} : memref<240x256xf32, #tpu.memory_space<vmem>>, vector<16xf32>,
      %add3A_1805 = arith.constant 32 : i32
      %add3A_1806 = arith.addi %add3A_1805, %scan3A_312 : i32
      %get3A_1807 = arith.index_cast %add3A_1806 : i32 to index
      %get3A_1808 = arith.constant 224 : index
      %get3A_1809 = tpu.vector_load %arg18[%get3A_1807, %get3A_1808] {strides = array<i32>} : memref<240x256xf32, #tpu.memory_space<vmem>>, vector<16xf32>,
      %abs3A_1810 = math.absf %get3A_1809 : vector<16xf32>
      %add3A_1811 = arith.constant 48 : i32
      %add3A_1812 = arith.addi %add3A_1811, %scan3A_312 : i32
      %get3A_1813 = arith.index_cast %add3A_1812 : i32 to index
      %get3A_1814 = arith.constant 96 : index
      %get3A_1815 = tpu.vector_load %arg18[%get3A_1813, %get3A_1814] {strides = array<i32>} : memref<240x256xf32, #tpu.memory_space<vmem>>, vector<16xf32>,
      %add3A_1816 = arith.constant 48 : i32
      %add3A_1817 = arith.addi %add3A_1816, %scan3A_312 : i32
      %get3A_1818 = arith.index_cast %add3A_1817 : i32 to index
      %get3A_1819 = arith.constant 224 : index
      %get3A_1820 = tpu.vector_load %arg18[%get3A_1818, %get3A_1819] {strides = array<i32>} : memref<240x256xf32, #tpu.memory_space<vmem>>, vector<16xf32>,
      %abs3A_1821 = math.absf %get3A_1820 : vector<16xf32>
      %add3A_1822 = arith.constant 64 : i32
      %add3A_1823 = arith.addi %add3A_1822, %scan3A_312 : i32
      %get3A_1824 = arith.index_cast %add3A_1823 : i32 to index
      %get3A_1825 = arith.constant 96 : index
      %get3A_1826 = tpu.vector_load %arg18[%get3A_1824, %get3A_1825] {strides = array<i32>} : memref<240x256xf32, #tpu.memory_space<vmem>>, vector<16xf32>,
      %add3A_1827 = arith.constant 64 : i32
      %add3A_1828 = arith.addi %add3A_1827, %scan3A_312 : i32
      %get3A_1829 = arith.index_cast %add3A_1828 : i32 to index
      %get3A_1830 = arith.constant 224 : index
      %get3A_1831 = tpu.vector_load %arg18[%get3A_1829, %get3A_1830] {strides = array<i32>} : memref<240x256xf32, #tpu.memory_space<vmem>>, vector<16xf32>,
      %abs3A_1832 = math.absf %get3A_1831 : vector<16xf32>
      %sub3A_1833 = arith.subf %get3A_1804, %abs3A_1810 : vector<16xf32>
      %sub3A_1834 = arith.subf %get3A_1815, %abs3A_1821 : vector<16xf32>
      %max3A_1835 = arith.maximumf %sub3A_1833, %sub3A_1834 : vector<16xf32>
      %add3A_1836 = arith.addf %get3A_1804, %abs3A_1810 : vector<16xf32>
      %add3A_1837 = arith.addf %get3A_1815, %abs3A_1821 : vector<16xf32>
      %min3A_1838 = arith.minimumf %add3A_1836, %add3A_1837 : vector<16xf32>
      %add3A_1839 = arith.addf %max3A_1835, %min3A_1838 : vector<16xf32>
      %mul3A_1840 = arith.constant 5.000000e-01 : f32
      %mul3A_1841 = vector.broadcast %mul3A_1840 : f32 to vector<16xf32>
      %mul3A_1842 = arith.mulf %add3A_1839, %mul3A_1841 : vector<16xf32>
      %sub3A_1843 = arith.subf %min3A_1838, %max3A_1835 : vector<16xf32>
      %abs3A_1844 = math.absf %sub3A_1843 : vector<16xf32>
      %mul3A_1845 = arith.constant 5.000000e-01 : f32
      %mul3A_1846 = vector.broadcast %mul3A_1845 : f32 to vector<16xf32>
      %mul3A_1847 = arith.mulf %abs3A_1844, %mul3A_1846 : vector<16xf32>
      %sub3A_1848 = arith.subf %mul3A_1842, %get3A_1826 : vector<16xf32>
      %abs3A_1849 = math.absf %sub3A_1848 : vector<16xf32>
      %add3A_1850 = arith.addf %abs3A_1849, %mul3A_1847 : vector<16xf32>
      %sub3A_1851 = arith.subf %add3A_1850, %abs3A_1832 : vector<16xf32>
      %max3A_1852 = arith.constant 0.000000e+00 : f32
      %max3A_1853 = vector.broadcast %max3A_1852 : f32 to vector<16xf32>
      %max3A_1854 = arith.maximumf %sub3A_1851, %max3A_1853 : vector<16xf32>
      %sub3A_1855 = arith.subf %max3A_1835, %min3A_1838 : vector<16xf32>
      %max3A_1856 = arith.constant 0.000000e+00 : f32
      %max3A_1857 = vector.broadcast %max3A_1856 : f32 to vector<16xf32>
      %max3A_1858 = arith.maximumf %sub3A_1855, %max3A_1857 : vector<16xf32>
      %mul3A_1859 = arith.mulf %max3A_1854, %max3A_1854 : vector<16xf32>
      %add3A_1860 = arith.addf %add3A_1797, %mul3A_1859 : vector<16xf32>
      %mul3A_1861 = arith.mulf %max3A_1858, %max3A_1858 : vector<16xf32>
      %add3A_1862 = arith.addf %add3A_1799, %mul3A_1861 : vector<16xf32>
      %add3A_1863 = arith.constant 32 : i32
      %add3A_1864 = arith.addi %add3A_1863, %scan3A_312 : i32
      %get3A_1865 = arith.index_cast %add3A_1864 : i32 to index
      %get3A_1866 = arith.constant 112 : index
      %get3A_1867 = tpu.vector_load %arg18[%get3A_1865, %get3A_1866] {strides = array<i32>} : memref<240x256xf32, #tpu.memory_space<vmem>>, vector<16xf32>,
      %add3A_1868 = arith.constant 32 : i32
      %add3A_1869 = arith.addi %add3A_1868, %scan3A_312 : i32
      %get3A_1870 = arith.index_cast %add3A_1869 : i32 to index
      %get3A_1871 = arith.constant 240 : index
      %get3A_1872 = tpu.vector_load %arg18[%get3A_1870, %get3A_1871] {strides = array<i32>} : memref<240x256xf32, #tpu.memory_space<vmem>>, vector<16xf32>,
      %abs3A_1873 = math.absf %get3A_1872 : vector<16xf32>
      %add3A_1874 = arith.constant 48 : i32
      %add3A_1875 = arith.addi %add3A_1874, %scan3A_312 : i32
      %get3A_1876 = arith.index_cast %add3A_1875 : i32 to index
      %get3A_1877 = arith.constant 112 : index
      %get3A_1878 = tpu.vector_load %arg18[%get3A_1876, %get3A_1877] {strides = array<i32>} : memref<240x256xf32, #tpu.memory_space<vmem>>, vector<16xf32>,
      %add3A_1879 = arith.constant 48 : i32
      %add3A_1880 = arith.addi %add3A_1879, %scan3A_312 : i32
      %get3A_1881 = arith.index_cast %add3A_1880 : i32 to index
      %get3A_1882 = arith.constant 240 : index
      %get3A_1883 = tpu.vector_load %arg18[%get3A_1881, %get3A_1882] {strides = array<i32>} : memref<240x256xf32, #tpu.memory_space<vmem>>, vector<16xf32>,
      %abs3A_1884 = math.absf %get3A_1883 : vector<16xf32>
      %add3A_1885 = arith.constant 64 : i32
      %add3A_1886 = arith.addi %add3A_1885, %scan3A_312 : i32
      %get3A_1887 = arith.index_cast %add3A_1886 : i32 to index
      %get3A_1888 = arith.constant 112 : index
      %get3A_1889 = tpu.vector_load %arg18[%get3A_1887, %get3A_1888] {strides = array<i32>} : memref<240x256xf32, #tpu.memory_space<vmem>>, vector<16xf32>,
      %add3A_1890 = arith.constant 64 : i32
      %add3A_1891 = arith.addi %add3A_1890, %scan3A_312 : i32
      %get3A_1892 = arith.index_cast %add3A_1891 : i32 to index
      %get3A_1893 = arith.constant 240 : index
      %get3A_1894 = tpu.vector_load %arg18[%get3A_1892, %get3A_1893] {strides = array<i32>} : memref<240x256xf32, #tpu.memory_space<vmem>>, vector<16xf32>,
      %abs3A_1895 = math.absf %get3A_1894 : vector<16xf32>
      %sub3A_1896 = arith.subf %get3A_1867, %abs3A_1873 : vector<16xf32>
      %sub3A_1897 = arith.subf %get3A_1878, %abs3A_1884 : vector<16xf32>
      %max3A_1898 = arith.maximumf %sub3A_1896, %sub3A_1897 : vector<16xf32>
      %add3A_1899 = arith.addf %get3A_1867, %abs3A_1873 : vector<16xf32>
      %add3A_1900 = arith.addf %get3A_1878, %abs3A_1884 : vector<16xf32>
      %min3A_1901 = arith.minimumf %add3A_1899, %add3A_1900 : vector<16xf32>
      %add3A_1902 = arith.addf %max3A_1898, %min3A_1901 : vector<16xf32>
      %mul3A_1903 = arith.constant 5.000000e-01 : f32
      %mul3A_1904 = vector.broadcast %mul3A_1903 : f32 to vector<16xf32>
      %mul3A_1905 = arith.mulf %add3A_1902, %mul3A_1904 : vector<16xf32>
      %sub3A_1906 = arith.subf %min3A_1901, %max3A_1898 : vector<16xf32>
      %abs3A_1907 = math.absf %sub3A_1906 : vector<16xf32>
      %mul3A_1908 = arith.constant 5.000000e-01 : f32
      %mul3A_1909 = vector.broadcast %mul3A_1908 : f32 to vector<16xf32>
      %mul3A_1910 = arith.mulf %abs3A_1907, %mul3A_1909 : vector<16xf32>
      %sub3A_1911 = arith.subf %mul3A_1905, %get3A_1889 : vector<16xf32>
      %abs3A_1912 = math.absf %sub3A_1911 : vector<16xf32>
      %add3A_1913 = arith.addf %abs3A_1912, %mul3A_1910 : vector<16xf32>
      %sub3A_1914 = arith.subf %add3A_1913, %abs3A_1895 : vector<16xf32>
      %max3A_1915 = arith.constant 0.000000e+00 : f32
      %max3A_1916 = vector.broadcast %max3A_1915 : f32 to vector<16xf32>
      %max3A_1917 = arith.maximumf %sub3A_1914, %max3A_1916 : vector<16xf32>
      %sub3A_1918 = arith.subf %max3A_1898, %min3A_1901 : vector<16xf32>
      %max3A_1919 = arith.constant 0.000000e+00 : f32
      %max3A_1920 = vector.broadcast %max3A_1919 : f32 to vector<16xf32>
      %max3A_1921 = arith.maximumf %sub3A_1918, %max3A_1920 : vector<16xf32>
      %mul3A_1922 = arith.mulf %max3A_1917, %max3A_1917 : vector<16xf32>
      %add3A_1923 = arith.addf %add3A_1860, %mul3A_1922 : vector<16xf32>
      %mul3A_1924 = arith.mulf %max3A_1921, %max3A_1921 : vector<16xf32>
      %add3A_1925 = arith.addf %add3A_1862, %mul3A_1924 : vector<16xf32>
      %swap3A_1926 = arith.index_cast %scan3A_312 : i32 to index
      %swap3A_1927 = arith.constant 0 : index
      %swap3A_1928 = tpu.vector_load %arg21[%swap3A_1926, %swap3A_1927] {strides = array<i32>} : memref<16x16xf32, #tpu.memory_space<vmem>>, vector<16xf32>,
      tpu.vector_store %arg21[%swap3A_1926, %swap3A_1927], %add3A_1923 {strides = array<i32>} : memref<16x16xf32, #tpu.memory_space<vmem>>, vector<16xf32>,
      %swap3A_1929 = arith.index_cast %scan3A_312 : i32 to index
      %swap3A_1930 = arith.constant 0 : index
      %swap3A_1931 = tpu.vector_load %arg22[%swap3A_1929, %swap3A_1930] {strides = array<i32>} : memref<16x16xf32, #tpu.memory_space<vmem>>, vector<16xf32>,
      tpu.vector_store %arg22[%swap3A_1929, %swap3A_1930], %add3A_1925 {strides = array<i32>} : memref<16x16xf32, #tpu.memory_space<vmem>>, vector<16xf32>,
      %add3A_1932 = arith.constant 176 : i32
      %add3A_1933 = arith.addi %add3A_1932, %scan3A_312 : i32
      %get3A_1934 = arith.index_cast %add3A_1933 : i32 to index
      %get3A_1935 = arith.constant 0 : index
      %get3A_1936 = tpu.vector_load %arg18[%get3A_1934, %get3A_1935] {strides = array<i32>} : memref<240x256xf32, #tpu.memory_space<vmem>>, vector<16xf32>,
      %add3A_1937 = arith.constant 176 : i32
      %add3A_1938 = arith.addi %add3A_1937, %scan3A_312 : i32
      %get3A_1939 = arith.index_cast %add3A_1938 : i32 to index
      %get3A_1940 = arith.constant 128 : index
      %get3A_1941 = tpu.vector_load %arg18[%get3A_1939, %get3A_1940] {strides = array<i32>} : memref<240x256xf32, #tpu.memory_space<vmem>>, vector<16xf32>,
      %abs3A_1942 = math.absf %get3A_1941 : vector<16xf32>
      %add3A_1943 = arith.constant 208 : i32
      %add3A_1944 = arith.addi %add3A_1943, %scan3A_312 : i32
      %get3A_1945 = arith.index_cast %add3A_1944 : i32 to index
      %get3A_1946 = arith.constant 0 : index
      %get3A_1947 = tpu.vector_load %arg18[%get3A_1945, %get3A_1946] {strides = array<i32>} : memref<240x256xf32, #tpu.memory_space<vmem>>, vector<16xf32>,
      %add3A_1948 = arith.constant 208 : i32
      %add3A_1949 = arith.addi %add3A_1948, %scan3A_312 : i32
      %get3A_1950 = arith.index_cast %add3A_1949 : i32 to index
      %get3A_1951 = arith.constant 128 : index
      %get3A_1952 = tpu.vector_load %arg18[%get3A_1950, %get3A_1951] {strides = array<i32>} : memref<240x256xf32, #tpu.memory_space<vmem>>, vector<16xf32>,
      %abs3A_1953 = math.absf %get3A_1952 : vector<16xf32>
      %add3A_1954 = arith.constant 32 : i32
      %add3A_1955 = arith.addi %add3A_1954, %scan3A_312 : i32
      %get3A_1956 = arith.index_cast %add3A_1955 : i32 to index
      %get3A_1957 = arith.constant 0 : index
      %get3A_1958 = tpu.vector_load %arg19[%get3A_1956, %get3A_1957] {strides = array<i32>} : memref<64x128xf32, #tpu.memory_space<vmem>>, vector<16xf32>,
      %add3A_1959 = arith.addf %get3A_1936, %get3A_1958 : vector<16xf32>
      %sub3A_1960 = arith.subf %add3A_1959, %get3A_1947 : vector<16xf32>
      %abs3A_1961 = math.absf %sub3A_1960 : vector<16xf32>
      %sub3A_1962 = arith.subf %abs3A_1961, %abs3A_1942 : vector<16xf32>
      %sub3A_1963 = arith.subf %sub3A_1962, %abs3A_1953 : vector<16xf32>
      %max3A_1964 = arith.constant 0.000000e+00 : f32
      %max3A_1965 = vector.broadcast %max3A_1964 : f32 to vector<16xf32>
      %max3A_1966 = arith.maximumf %sub3A_1963, %max3A_1965 : vector<16xf32>
      %mul3A_1967 = arith.mulf %max3A_1966, %max3A_1966 : vector<16xf32>
      %add3A_1968 = arith.addf %broadcast_in_dim3A_315, %mul3A_1967 : vector<16xf32>
      %add3A_1969 = arith.constant 176 : i32
      %add3A_1970 = arith.addi %add3A_1969, %scan3A_312 : i32
      %get3A_1971 = arith.index_cast %add3A_1970 : i32 to index
      %get3A_1972 = arith.constant 16 : index
      %get3A_1973 = tpu.vector_load %arg18[%get3A_1971, %get3A_1972] {strides = array<i32>} : memref<240x256xf32, #tpu.memory_space<vmem>>, vector<16xf32>,
      %add3A_1974 = arith.constant 176 : i32
      %add3A_1975 = arith.addi %add3A_1974, %scan3A_312 : i32
      %get3A_1976 = arith.index_cast %add3A_1975 : i32 to index
      %get3A_1977 = arith.constant 144 : index
      %get3A_1978 = tpu.vector_load %arg18[%get3A_1976, %get3A_1977] {strides = array<i32>} : memref<240x256xf32, #tpu.memory_space<vmem>>, vector<16xf32>,
      %abs3A_1979 = math.absf %get3A_1978 : vector<16xf32>
      %add3A_1980 = arith.constant 208 : i32
      %add3A_1981 = arith.addi %add3A_1980, %scan3A_312 : i32
      %get3A_1982 = arith.index_cast %add3A_1981 : i32 to index
      %get3A_1983 = arith.constant 16 : index
      %get3A_1984 = tpu.vector_load %arg18[%get3A_1982, %get3A_1983] {strides = array<i32>} : memref<240x256xf32, #tpu.memory_space<vmem>>, vector<16xf32>,
      %add3A_1985 = arith.constant 208 : i32
      %add3A_1986 = arith.addi %add3A_1985, %scan3A_312 : i32
      %get3A_1987 = arith.index_cast %add3A_1986 : i32 to index
      %get3A_1988 = arith.constant 144 : index
      %get3A_1989 = tpu.vector_load %arg18[%get3A_1987, %get3A_1988] {strides = array<i32>} : memref<240x256xf32, #tpu.memory_space<vmem>>, vector<16xf32>,
      %abs3A_1990 = math.absf %get3A_1989 : vector<16xf32>
      %add3A_1991 = arith.constant 32 : i32
      %add3A_1992 = arith.addi %add3A_1991, %scan3A_312 : i32
      %get3A_1993 = arith.index_cast %add3A_1992 : i32 to index
      %get3A_1994 = arith.constant 16 : index
      %get3A_1995 = tpu.vector_load %arg19[%get3A_1993, %get3A_1994] {strides = array<i32>} : memref<64x128xf32, #tpu.memory_space<vmem>>, vector<16xf32>,
      %add3A_1996 = arith.addf %get3A_1973, %get3A_1995 : vector<16xf32>
      %sub3A_1997 = arith.subf %add3A_1996, %get3A_1984 : vector<16xf32>
      %abs3A_1998 = math.absf %sub3A_1997 : vector<16xf32>
      %sub3A_1999 = arith.subf %abs3A_1998, %abs3A_1979 : vector<16xf32>
      %sub3A_2000 = arith.subf %sub3A_1999, %abs3A_1990 : vector<16xf32>
      %max3A_2001 = arith.constant 0.000000e+00 : f32
      %max3A_2002 = vector.broadcast %max3A_2001 : f32 to vector<16xf32>
      %max3A_2003 = arith.maximumf %sub3A_2000, %max3A_2002 : vector<16xf32>
      %mul3A_2004 = arith.mulf %max3A_2003, %max3A_2003 : vector<16xf32>
      %add3A_2005 = arith.addf %add3A_1968, %mul3A_2004 : vector<16xf32>
      %add3A_2006 = arith.constant 176 : i32
      %add3A_2007 = arith.addi %add3A_2006, %scan3A_312 : i32
      %get3A_2008 = arith.index_cast %add3A_2007 : i32 to index
      %get3A_2009 = arith.constant 32 : index
      %get3A_2010 = tpu.vector_load %arg18[%get3A_2008, %get3A_2009] {strides = array<i32>} : memref<240x256xf32, #tpu.memory_space<vmem>>, vector<16xf32>,
      %add3A_2011 = arith.constant 176 : i32
      %add3A_2012 = arith.addi %add3A_2011, %scan3A_312 : i32
      %get3A_2013 = arith.index_cast %add3A_2012 : i32 to index
      %get3A_2014 = arith.constant 160 : index
      %get3A_2015 = tpu.vector_load %arg18[%get3A_2013, %get3A_2014] {strides = array<i32>} : memref<240x256xf32, #tpu.memory_space<vmem>>, vector<16xf32>,
      %abs3A_2016 = math.absf %get3A_2015 : vector<16xf32>
      %add3A_2017 = arith.constant 208 : i32
      %add3A_2018 = arith.addi %add3A_2017, %scan3A_312 : i32
      %get3A_2019 = arith.index_cast %add3A_2018 : i32 to index
      %get3A_2020 = arith.constant 32 : index
      %get3A_2021 = tpu.vector_load %arg18[%get3A_2019, %get3A_2020] {strides = array<i32>} : memref<240x256xf32, #tpu.memory_space<vmem>>, vector<16xf32>,
      %add3A_2022 = arith.constant 208 : i32
      %add3A_2023 = arith.addi %add3A_2022, %scan3A_312 : i32
      %get3A_2024 = arith.index_cast %add3A_2023 : i32 to index
      %get3A_2025 = arith.constant 160 : index
      %get3A_2026 = tpu.vector_load %arg18[%get3A_2024, %get3A_2025] {strides = array<i32>} : memref<240x256xf32, #tpu.memory_space<vmem>>, vector<16xf32>,
      %abs3A_2027 = math.absf %get3A_2026 : vector<16xf32>
      %add3A_2028 = arith.constant 32 : i32
      %add3A_2029 = arith.addi %add3A_2028, %scan3A_312 : i32
      %get3A_2030 = arith.index_cast %add3A_2029 : i32 to index
      %get3A_2031 = arith.constant 32 : index
      %get3A_2032 = tpu.vector_load %arg19[%get3A_2030, %get3A_2031] {strides = array<i32>} : memref<64x128xf32, #tpu.memory_space<vmem>>, vector<16xf32>,
      %add3A_2033 = arith.addf %get3A_2010, %get3A_2032 : vector<16xf32>
      %sub3A_2034 = arith.subf %add3A_2033, %get3A_2021 : vector<16xf32>
      %abs3A_2035 = math.absf %sub3A_2034 : vector<16xf32>
      %sub3A_2036 = arith.subf %abs3A_2035, %abs3A_2016 : vector<16xf32>
      %sub3A_2037 = arith.subf %sub3A_2036, %abs3A_2027 : vector<16xf32>
      %max3A_2038 = arith.constant 0.000000e+00 : f32
      %max3A_2039 = vector.broadcast %max3A_2038 : f32 to vector<16xf32>
      %max3A_2040 = arith.maximumf %sub3A_2037, %max3A_2039 : vector<16xf32>
      %mul3A_2041 = arith.mulf %max3A_2040, %max3A_2040 : vector<16xf32>
      %add3A_2042 = arith.addf %add3A_2005, %mul3A_2041 : vector<16xf32>
      %add3A_2043 = arith.constant 176 : i32
      %add3A_2044 = arith.addi %add3A_2043, %scan3A_312 : i32
      %get3A_2045 = arith.index_cast %add3A_2044 : i32 to index
      %get3A_2046 = arith.constant 48 : index
      %get3A_2047 = tpu.vector_load %arg18[%get3A_2045, %get3A_2046] {strides = array<i32>} : memref<240x256xf32, #tpu.memory_space<vmem>>, vector<16xf32>,
      %add3A_2048 = arith.constant 176 : i32
      %add3A_2049 = arith.addi %add3A_2048, %scan3A_312 : i32
      %get3A_2050 = arith.index_cast %add3A_2049 : i32 to index
      %get3A_2051 = arith.constant 176 : index
      %get3A_2052 = tpu.vector_load %arg18[%get3A_2050, %get3A_2051] {strides = array<i32>} : memref<240x256xf32, #tpu.memory_space<vmem>>, vector<16xf32>,
      %abs3A_2053 = math.absf %get3A_2052 : vector<16xf32>
      %add3A_2054 = arith.constant 208 : i32
      %add3A_2055 = arith.addi %add3A_2054, %scan3A_312 : i32
      %get3A_2056 = arith.index_cast %add3A_2055 : i32 to index
      %get3A_2057 = arith.constant 48 : index
      %get3A_2058 = tpu.vector_load %arg18[%get3A_2056, %get3A_2057] {strides = array<i32>} : memref<240x256xf32, #tpu.memory_space<vmem>>, vector<16xf32>,
      %add3A_2059 = arith.constant 208 : i32
      %add3A_2060 = arith.addi %add3A_2059, %scan3A_312 : i32
      %get3A_2061 = arith.index_cast %add3A_2060 : i32 to index
      %get3A_2062 = arith.constant 176 : index
      %get3A_2063 = tpu.vector_load %arg18[%get3A_2061, %get3A_2062] {strides = array<i32>} : memref<240x256xf32, #tpu.memory_space<vmem>>, vector<16xf32>,
      %abs3A_2064 = math.absf %get3A_2063 : vector<16xf32>
      %add3A_2065 = arith.constant 32 : i32
      %add3A_2066 = arith.addi %add3A_2065, %scan3A_312 : i32
      %get3A_2067 = arith.index_cast %add3A_2066 : i32 to index
      %get3A_2068 = arith.constant 48 : index
      %get3A_2069 = tpu.vector_load %arg19[%get3A_2067, %get3A_2068] {strides = array<i32>} : memref<64x128xf32, #tpu.memory_space<vmem>>, vector<16xf32>,
      %add3A_2070 = arith.addf %get3A_2047, %get3A_2069 : vector<16xf32>
      %sub3A_2071 = arith.subf %add3A_2070, %get3A_2058 : vector<16xf32>
      %abs3A_2072 = math.absf %sub3A_2071 : vector<16xf32>
      %sub3A_2073 = arith.subf %abs3A_2072, %abs3A_2053 : vector<16xf32>
      %sub3A_2074 = arith.subf %sub3A_2073, %abs3A_2064 : vector<16xf32>
      %max3A_2075 = arith.constant 0.000000e+00 : f32
      %max3A_2076 = vector.broadcast %max3A_2075 : f32 to vector<16xf32>
      %max3A_2077 = arith.maximumf %sub3A_2074, %max3A_2076 : vector<16xf32>
      %mul3A_2078 = arith.mulf %max3A_2077, %max3A_2077 : vector<16xf32>
      %add3A_2079 = arith.addf %add3A_2042, %mul3A_2078 : vector<16xf32>
      %add3A_2080 = arith.constant 176 : i32
      %add3A_2081 = arith.addi %add3A_2080, %scan3A_312 : i32
      %get3A_2082 = arith.index_cast %add3A_2081 : i32 to index
      %get3A_2083 = arith.constant 64 : index
      %get3A_2084 = tpu.vector_load %arg18[%get3A_2082, %get3A_2083] {strides = array<i32>} : memref<240x256xf32, #tpu.memory_space<vmem>>, vector<16xf32>,
      %add3A_2085 = arith.constant 176 : i32
      %add3A_2086 = arith.addi %add3A_2085, %scan3A_312 : i32
      %get3A_2087 = arith.index_cast %add3A_2086 : i32 to index
      %get3A_2088 = arith.constant 192 : index
      %get3A_2089 = tpu.vector_load %arg18[%get3A_2087, %get3A_2088] {strides = array<i32>} : memref<240x256xf32, #tpu.memory_space<vmem>>, vector<16xf32>,
      %abs3A_2090 = math.absf %get3A_2089 : vector<16xf32>
      %add3A_2091 = arith.constant 208 : i32
      %add3A_2092 = arith.addi %add3A_2091, %scan3A_312 : i32
      %get3A_2093 = arith.index_cast %add3A_2092 : i32 to index
      %get3A_2094 = arith.constant 64 : index
      %get3A_2095 = tpu.vector_load %arg18[%get3A_2093, %get3A_2094] {strides = array<i32>} : memref<240x256xf32, #tpu.memory_space<vmem>>, vector<16xf32>,
      %add3A_2096 = arith.constant 208 : i32
      %add3A_2097 = arith.addi %add3A_2096, %scan3A_312 : i32
      %get3A_2098 = arith.index_cast %add3A_2097 : i32 to index
      %get3A_2099 = arith.constant 192 : index
      %get3A_2100 = tpu.vector_load %arg18[%get3A_2098, %get3A_2099] {strides = array<i32>} : memref<240x256xf32, #tpu.memory_space<vmem>>, vector<16xf32>,
      %abs3A_2101 = math.absf %get3A_2100 : vector<16xf32>
      %add3A_2102 = arith.constant 32 : i32
      %add3A_2103 = arith.addi %add3A_2102, %scan3A_312 : i32
      %get3A_2104 = arith.index_cast %add3A_2103 : i32 to index
      %get3A_2105 = arith.constant 64 : index
      %get3A_2106 = tpu.vector_load %arg19[%get3A_2104, %get3A_2105] {strides = array<i32>} : memref<64x128xf32, #tpu.memory_space<vmem>>, vector<16xf32>,
      %add3A_2107 = arith.addf %get3A_2084, %get3A_2106 : vector<16xf32>
      %sub3A_2108 = arith.subf %add3A_2107, %get3A_2095 : vector<16xf32>
      %abs3A_2109 = math.absf %sub3A_2108 : vector<16xf32>
      %sub3A_2110 = arith.subf %abs3A_2109, %abs3A_2090 : vector<16xf32>
      %sub3A_2111 = arith.subf %sub3A_2110, %abs3A_2101 : vector<16xf32>
      %max3A_2112 = arith.constant 0.000000e+00 : f32
      %max3A_2113 = vector.broadcast %max3A_2112 : f32 to vector<16xf32>
      %max3A_2114 = arith.maximumf %sub3A_2111, %max3A_2113 : vector<16xf32>
      %mul3A_2115 = arith.mulf %max3A_2114, %max3A_2114 : vector<16xf32>
      %add3A_2116 = arith.addf %add3A_2079, %mul3A_2115 : vector<16xf32>
      %add3A_2117 = arith.constant 176 : i32
      %add3A_2118 = arith.addi %add3A_2117, %scan3A_312 : i32
      %get3A_2119 = arith.index_cast %add3A_2118 : i32 to index
      %get3A_2120 = arith.constant 80 : index
      %get3A_2121 = tpu.vector_load %arg18[%get3A_2119, %get3A_2120] {strides = array<i32>} : memref<240x256xf32, #tpu.memory_space<vmem>>, vector<16xf32>,
      %add3A_2122 = arith.constant 176 : i32
      %add3A_2123 = arith.addi %add3A_2122, %scan3A_312 : i32
      %get3A_2124 = arith.index_cast %add3A_2123 : i32 to index
      %get3A_2125 = arith.constant 208 : index
      %get3A_2126 = tpu.vector_load %arg18[%get3A_2124, %get3A_2125] {strides = array<i32>} : memref<240x256xf32, #tpu.memory_space<vmem>>, vector<16xf32>,
      %abs3A_2127 = math.absf %get3A_2126 : vector<16xf32>
      %add3A_2128 = arith.constant 208 : i32
      %add3A_2129 = arith.addi %add3A_2128, %scan3A_312 : i32
      %get3A_2130 = arith.index_cast %add3A_2129 : i32 to index
      %get3A_2131 = arith.constant 80 : index
      %get3A_2132 = tpu.vector_load %arg18[%get3A_2130, %get3A_2131] {strides = array<i32>} : memref<240x256xf32, #tpu.memory_space<vmem>>, vector<16xf32>,
      %add3A_2133 = arith.constant 208 : i32
      %add3A_2134 = arith.addi %add3A_2133, %scan3A_312 : i32
      %get3A_2135 = arith.index_cast %add3A_2134 : i32 to index
      %get3A_2136 = arith.constant 208 : index
      %get3A_2137 = tpu.vector_load %arg18[%get3A_2135, %get3A_2136] {strides = array<i32>} : memref<240x256xf32, #tpu.memory_space<vmem>>, vector<16xf32>,
      %abs3A_2138 = math.absf %get3A_2137 : vector<16xf32>
      %add3A_2139 = arith.constant 32 : i32
      %add3A_2140 = arith.addi %add3A_2139, %scan3A_312 : i32
      %get3A_2141 = arith.index_cast %add3A_2140 : i32 to index
      %get3A_2142 = arith.constant 80 : index
      %get3A_2143 = tpu.vector_load %arg19[%get3A_2141, %get3A_2142] {strides = array<i32>} : memref<64x128xf32, #tpu.memory_space<vmem>>, vector<16xf32>,
      %add3A_2144 = arith.addf %get3A_2121, %get3A_2143 : vector<16xf32>
      %sub3A_2145 = arith.subf %add3A_2144, %get3A_2132 : vector<16xf32>
      %abs3A_2146 = math.absf %sub3A_2145 : vector<16xf32>
      %sub3A_2147 = arith.subf %abs3A_2146, %abs3A_2127 : vector<16xf32>
      %sub3A_2148 = arith.subf %sub3A_2147, %abs3A_2138 : vector<16xf32>
      %max3A_2149 = arith.constant 0.000000e+00 : f32
      %max3A_2150 = vector.broadcast %max3A_2149 : f32 to vector<16xf32>
      %max3A_2151 = arith.maximumf %sub3A_2148, %max3A_2150 : vector<16xf32>
      %mul3A_2152 = arith.mulf %max3A_2151, %max3A_2151 : vector<16xf32>
      %add3A_2153 = arith.addf %add3A_2116, %mul3A_2152 : vector<16xf32>
      %add3A_2154 = arith.constant 176 : i32
      %add3A_2155 = arith.addi %add3A_2154, %scan3A_312 : i32
      %get3A_2156 = arith.index_cast %add3A_2155 : i32 to index
      %get3A_2157 = arith.constant 96 : index
      %get3A_2158 = tpu.vector_load %arg18[%get3A_2156, %get3A_2157] {strides = array<i32>} : memref<240x256xf32, #tpu.memory_space<vmem>>, vector<16xf32>,
      %add3A_2159 = arith.constant 176 : i32
      %add3A_2160 = arith.addi %add3A_2159, %scan3A_312 : i32
      %get3A_2161 = arith.index_cast %add3A_2160 : i32 to index
      %get3A_2162 = arith.constant 224 : index
      %get3A_2163 = tpu.vector_load %arg18[%get3A_2161, %get3A_2162] {strides = array<i32>} : memref<240x256xf32, #tpu.memory_space<vmem>>, vector<16xf32>,
      %abs3A_2164 = math.absf %get3A_2163 : vector<16xf32>
      %add3A_2165 = arith.constant 208 : i32
      %add3A_2166 = arith.addi %add3A_2165, %scan3A_312 : i32
      %get3A_2167 = arith.index_cast %add3A_2166 : i32 to index
      %get3A_2168 = arith.constant 96 : index
      %get3A_2169 = tpu.vector_load %arg18[%get3A_2167, %get3A_2168] {strides = array<i32>} : memref<240x256xf32, #tpu.memory_space<vmem>>, vector<16xf32>,
      %add3A_2170 = arith.constant 208 : i32
      %add3A_2171 = arith.addi %add3A_2170, %scan3A_312 : i32
      %get3A_2172 = arith.index_cast %add3A_2171 : i32 to index
      %get3A_2173 = arith.constant 224 : index
      %get3A_2174 = tpu.vector_load %arg18[%get3A_2172, %get3A_2173] {strides = array<i32>} : memref<240x256xf32, #tpu.memory_space<vmem>>, vector<16xf32>,
      %abs3A_2175 = math.absf %get3A_2174 : vector<16xf32>
      %add3A_2176 = arith.constant 32 : i32
      %add3A_2177 = arith.addi %add3A_2176, %scan3A_312 : i32
      %get3A_2178 = arith.index_cast %add3A_2177 : i32 to index
      %get3A_2179 = arith.constant 96 : index
      %get3A_2180 = tpu.vector_load %arg19[%get3A_2178, %get3A_2179] {strides = array<i32>} : memref<64x128xf32, #tpu.memory_space<vmem>>, vector<16xf32>,
      %add3A_2181 = arith.addf %get3A_2158, %get3A_2180 : vector<16xf32>
      %sub3A_2182 = arith.subf %add3A_2181, %get3A_2169 : vector<16xf32>
      %abs3A_2183 = math.absf %sub3A_2182 : vector<16xf32>
      %sub3A_2184 = arith.subf %abs3A_2183, %abs3A_2164 : vector<16xf32>
      %sub3A_2185 = arith.subf %sub3A_2184, %abs3A_2175 : vector<16xf32>
      %max3A_2186 = arith.constant 0.000000e+00 : f32
      %max3A_2187 = vector.broadcast %max3A_2186 : f32 to vector<16xf32>
      %max3A_2188 = arith.maximumf %sub3A_2185, %max3A_2187 : vector<16xf32>
      %mul3A_2189 = arith.mulf %max3A_2188, %max3A_2188 : vector<16xf32>
      %add3A_2190 = arith.addf %add3A_2153, %mul3A_2189 : vector<16xf32>
      %add3A_2191 = arith.constant 176 : i32
      %add3A_2192 = arith.addi %add3A_2191, %scan3A_312 : i32
      %get3A_2193 = arith.index_cast %add3A_2192 : i32 to index
      %get3A_2194 = arith.constant 112 : index
      %get3A_2195 = tpu.vector_load %arg18[%get3A_2193, %get3A_2194] {strides = array<i32>} : memref<240x256xf32, #tpu.memory_space<vmem>>, vector<16xf32>,
      %add3A_2196 = arith.constant 176 : i32
      %add3A_2197 = arith.addi %add3A_2196, %scan3A_312 : i32
      %get3A_2198 = arith.index_cast %add3A_2197 : i32 to index
      %get3A_2199 = arith.constant 240 : index
      %get3A_2200 = tpu.vector_load %arg18[%get3A_2198, %get3A_2199] {strides = array<i32>} : memref<240x256xf32, #tpu.memory_space<vmem>>, vector<16xf32>,
      %abs3A_2201 = math.absf %get3A_2200 : vector<16xf32>
      %add3A_2202 = arith.constant 208 : i32
      %add3A_2203 = arith.addi %add3A_2202, %scan3A_312 : i32
      %get3A_2204 = arith.index_cast %add3A_2203 : i32 to index
      %get3A_2205 = arith.constant 112 : index
      %get3A_2206 = tpu.vector_load %arg18[%get3A_2204, %get3A_2205] {strides = array<i32>} : memref<240x256xf32, #tpu.memory_space<vmem>>, vector<16xf32>,
      %add3A_2207 = arith.constant 208 : i32
      %add3A_2208 = arith.addi %add3A_2207, %scan3A_312 : i32
      %get3A_2209 = arith.index_cast %add3A_2208 : i32 to index
      %get3A_2210 = arith.constant 240 : index
      %get3A_2211 = tpu.vector_load %arg18[%get3A_2209, %get3A_2210] {strides = array<i32>} : memref<240x256xf32, #tpu.memory_space<vmem>>, vector<16xf32>,
      %abs3A_2212 = math.absf %get3A_2211 : vector<16xf32>
      %add3A_2213 = arith.constant 32 : i32
      %add3A_2214 = arith.addi %add3A_2213, %scan3A_312 : i32
      %get3A_2215 = arith.index_cast %add3A_2214 : i32 to index
      %get3A_2216 = arith.constant 112 : index
      %get3A_2217 = tpu.vector_load %arg19[%get3A_2215, %get3A_2216] {strides = array<i32>} : memref<64x128xf32, #tpu.memory_space<vmem>>, vector<16xf32>,
      %add3A_2218 = arith.addf %get3A_2195, %get3A_2217 : vector<16xf32>
      %sub3A_2219 = arith.subf %add3A_2218, %get3A_2206 : vector<16xf32>
      %abs3A_2220 = math.absf %sub3A_2219 : vector<16xf32>
      %sub3A_2221 = arith.subf %abs3A_2220, %abs3A_2201 : vector<16xf32>
      %sub3A_2222 = arith.subf %sub3A_2221, %abs3A_2212 : vector<16xf32>
      %max3A_2223 = arith.constant 0.000000e+00 : f32
      %max3A_2224 = vector.broadcast %max3A_2223 : f32 to vector<16xf32>
      %max3A_2225 = arith.maximumf %sub3A_2222, %max3A_2224 : vector<16xf32>
      %mul3A_2226 = arith.mulf %max3A_2225, %max3A_2225 : vector<16xf32>
      %add3A_2227 = arith.addf %add3A_2190, %mul3A_2226 : vector<16xf32>
      %add3A_2228 = arith.constant 0 : i32
      %add3A_2229 = arith.addi %add3A_2228, %scan3A_312 : i32
      %swap3A_2230 = arith.index_cast %add3A_2229 : i32 to index
      %swap3A_2231 = arith.constant 0 : index
      %swap3A_2232 = tpu.vector_load %arg23[%swap3A_2230, %swap3A_2231] {strides = array<i32>} : memref<32x16xf32, #tpu.memory_space<vmem>>, vector<16xf32>,
      tpu.vector_store %arg23[%swap3A_2230, %swap3A_2231], %add3A_2227 {strides = array<i32>} : memref<32x16xf32, #tpu.memory_space<vmem>>, vector<16xf32>,
      %add3A_2233 = arith.constant 192 : i32
      %add3A_2234 = arith.addi %add3A_2233, %scan3A_312 : i32
      %get3A_2235 = arith.index_cast %add3A_2234 : i32 to index
      %get3A_2236 = arith.constant 0 : index
      %get3A_2237 = tpu.vector_load %arg18[%get3A_2235, %get3A_2236] {strides = array<i32>} : memref<240x256xf32, #tpu.memory_space<vmem>>, vector<16xf32>,
      %add3A_2238 = arith.constant 192 : i32
      %add3A_2239 = arith.addi %add3A_2238, %scan3A_312 : i32
      %get3A_2240 = arith.index_cast %add3A_2239 : i32 to index
      %get3A_2241 = arith.constant 128 : index
      %get3A_2242 = tpu.vector_load %arg18[%get3A_2240, %get3A_2241] {strides = array<i32>} : memref<240x256xf32, #tpu.memory_space<vmem>>, vector<16xf32>,
      %abs3A_2243 = math.absf %get3A_2242 : vector<16xf32>
      %add3A_2244 = arith.constant 224 : i32
      %add3A_2245 = arith.addi %add3A_2244, %scan3A_312 : i32
      %get3A_2246 = arith.index_cast %add3A_2245 : i32 to index
      %get3A_2247 = arith.constant 0 : index
      %get3A_2248 = tpu.vector_load %arg18[%get3A_2246, %get3A_2247] {strides = array<i32>} : memref<240x256xf32, #tpu.memory_space<vmem>>, vector<16xf32>,
      %add3A_2249 = arith.constant 224 : i32
      %add3A_2250 = arith.addi %add3A_2249, %scan3A_312 : i32
      %get3A_2251 = arith.index_cast %add3A_2250 : i32 to index
      %get3A_2252 = arith.constant 128 : index
      %get3A_2253 = tpu.vector_load %arg18[%get3A_2251, %get3A_2252] {strides = array<i32>} : memref<240x256xf32, #tpu.memory_space<vmem>>, vector<16xf32>,
      %abs3A_2254 = math.absf %get3A_2253 : vector<16xf32>
      %add3A_2255 = arith.constant 48 : i32
      %add3A_2256 = arith.addi %add3A_2255, %scan3A_312 : i32
      %get3A_2257 = arith.index_cast %add3A_2256 : i32 to index
      %get3A_2258 = arith.constant 0 : index
      %get3A_2259 = tpu.vector_load %arg19[%get3A_2257, %get3A_2258] {strides = array<i32>} : memref<64x128xf32, #tpu.memory_space<vmem>>, vector<16xf32>,
      %add3A_2260 = arith.addf %get3A_2237, %get3A_2259 : vector<16xf32>
      %sub3A_2261 = arith.subf %add3A_2260, %get3A_2248 : vector<16xf32>
      %abs3A_2262 = math.absf %sub3A_2261 : vector<16xf32>
      %sub3A_2263 = arith.subf %abs3A_2262, %abs3A_2243 : vector<16xf32>
      %sub3A_2264 = arith.subf %sub3A_2263, %abs3A_2254 : vector<16xf32>
      %max3A_2265 = arith.constant 0.000000e+00 : f32
      %max3A_2266 = vector.broadcast %max3A_2265 : f32 to vector<16xf32>
      %max3A_2267 = arith.maximumf %sub3A_2264, %max3A_2266 : vector<16xf32>
      %mul3A_2268 = arith.mulf %max3A_2267, %max3A_2267 : vector<16xf32>
      %add3A_2269 = arith.addf %broadcast_in_dim3A_315, %mul3A_2268 : vector<16xf32>
      %add3A_2270 = arith.constant 192 : i32
      %add3A_2271 = arith.addi %add3A_2270, %scan3A_312 : i32
      %get3A_2272 = arith.index_cast %add3A_2271 : i32 to index
      %get3A_2273 = arith.constant 16 : index
      %get3A_2274 = tpu.vector_load %arg18[%get3A_2272, %get3A_2273] {strides = array<i32>} : memref<240x256xf32, #tpu.memory_space<vmem>>, vector<16xf32>,
      %add3A_2275 = arith.constant 192 : i32
      %add3A_2276 = arith.addi %add3A_2275, %scan3A_312 : i32
      %get3A_2277 = arith.index_cast %add3A_2276 : i32 to index
      %get3A_2278 = arith.constant 144 : index
      %get3A_2279 = tpu.vector_load %arg18[%get3A_2277, %get3A_2278] {strides = array<i32>} : memref<240x256xf32, #tpu.memory_space<vmem>>, vector<16xf32>,
      %abs3A_2280 = math.absf %get3A_2279 : vector<16xf32>
      %add3A_2281 = arith.constant 224 : i32
      %add3A_2282 = arith.addi %add3A_2281, %scan3A_312 : i32
      %get3A_2283 = arith.index_cast %add3A_2282 : i32 to index
      %get3A_2284 = arith.constant 16 : index
      %get3A_2285 = tpu.vector_load %arg18[%get3A_2283, %get3A_2284] {strides = array<i32>} : memref<240x256xf32, #tpu.memory_space<vmem>>, vector<16xf32>,
      %add3A_2286 = arith.constant 224 : i32
      %add3A_2287 = arith.addi %add3A_2286, %scan3A_312 : i32
      %get3A_2288 = arith.index_cast %add3A_2287 : i32 to index
      %get3A_2289 = arith.constant 144 : index
      %get3A_2290 = tpu.vector_load %arg18[%get3A_2288, %get3A_2289] {strides = array<i32>} : memref<240x256xf32, #tpu.memory_space<vmem>>, vector<16xf32>,
      %abs3A_2291 = math.absf %get3A_2290 : vector<16xf32>
      %add3A_2292 = arith.constant 48 : i32
      %add3A_2293 = arith.addi %add3A_2292, %scan3A_312 : i32
      %get3A_2294 = arith.index_cast %add3A_2293 : i32 to index
      %get3A_2295 = arith.constant 16 : index
      %get3A_2296 = tpu.vector_load %arg19[%get3A_2294, %get3A_2295] {strides = array<i32>} : memref<64x128xf32, #tpu.memory_space<vmem>>, vector<16xf32>,
      %add3A_2297 = arith.addf %get3A_2274, %get3A_2296 : vector<16xf32>
      %sub3A_2298 = arith.subf %add3A_2297, %get3A_2285 : vector<16xf32>
      %abs3A_2299 = math.absf %sub3A_2298 : vector<16xf32>
      %sub3A_2300 = arith.subf %abs3A_2299, %abs3A_2280 : vector<16xf32>
      %sub3A_2301 = arith.subf %sub3A_2300, %abs3A_2291 : vector<16xf32>
      %max3A_2302 = arith.constant 0.000000e+00 : f32
      %max3A_2303 = vector.broadcast %max3A_2302 : f32 to vector<16xf32>
      %max3A_2304 = arith.maximumf %sub3A_2301, %max3A_2303 : vector<16xf32>
      %mul3A_2305 = arith.mulf %max3A_2304, %max3A_2304 : vector<16xf32>
      %add3A_2306 = arith.addf %add3A_2269, %mul3A_2305 : vector<16xf32>
      %add3A_2307 = arith.constant 192 : i32
      %add3A_2308 = arith.addi %add3A_2307, %scan3A_312 : i32
      %get3A_2309 = arith.index_cast %add3A_2308 : i32 to index
      %get3A_2310 = arith.constant 32 : index
      %get3A_2311 = tpu.vector_load %arg18[%get3A_2309, %get3A_2310] {strides = array<i32>} : memref<240x256xf32, #tpu.memory_space<vmem>>, vector<16xf32>,
      %add3A_2312 = arith.constant 192 : i32
      %add3A_2313 = arith.addi %add3A_2312, %scan3A_312 : i32
      %get3A_2314 = arith.index_cast %add3A_2313 : i32 to index
      %get3A_2315 = arith.constant 160 : index
      %get3A_2316 = tpu.vector_load %arg18[%get3A_2314, %get3A_2315] {strides = array<i32>} : memref<240x256xf32, #tpu.memory_space<vmem>>, vector<16xf32>,
      %abs3A_2317 = math.absf %get3A_2316 : vector<16xf32>
      %add3A_2318 = arith.constant 224 : i32
      %add3A_2319 = arith.addi %add3A_2318, %scan3A_312 : i32
      %get3A_2320 = arith.index_cast %add3A_2319 : i32 to index
      %get3A_2321 = arith.constant 32 : index
      %get3A_2322 = tpu.vector_load %arg18[%get3A_2320, %get3A_2321] {strides = array<i32>} : memref<240x256xf32, #tpu.memory_space<vmem>>, vector<16xf32>,
      %add3A_2323 = arith.constant 224 : i32
      %add3A_2324 = arith.addi %add3A_2323, %scan3A_312 : i32
      %get3A_2325 = arith.index_cast %add3A_2324 : i32 to index
      %get3A_2326 = arith.constant 160 : index
      %get3A_2327 = tpu.vector_load %arg18[%get3A_2325, %get3A_2326] {strides = array<i32>} : memref<240x256xf32, #tpu.memory_space<vmem>>, vector<16xf32>,
      %abs3A_2328 = math.absf %get3A_2327 : vector<16xf32>
      %add3A_2329 = arith.constant 48 : i32
      %add3A_2330 = arith.addi %add3A_2329, %scan3A_312 : i32
      %get3A_2331 = arith.index_cast %add3A_2330 : i32 to index
      %get3A_2332 = arith.constant 32 : index
      %get3A_2333 = tpu.vector_load %arg19[%get3A_2331, %get3A_2332] {strides = array<i32>} : memref<64x128xf32, #tpu.memory_space<vmem>>, vector<16xf32>,
      %add3A_2334 = arith.addf %get3A_2311, %get3A_2333 : vector<16xf32>
      %sub3A_2335 = arith.subf %add3A_2334, %get3A_2322 : vector<16xf32>
      %abs3A_2336 = math.absf %sub3A_2335 : vector<16xf32>
      %sub3A_2337 = arith.subf %abs3A_2336, %abs3A_2317 : vector<16xf32>
      %sub3A_2338 = arith.subf %sub3A_2337, %abs3A_2328 : vector<16xf32>
      %max3A_2339 = arith.constant 0.000000e+00 : f32
      %max3A_2340 = vector.broadcast %max3A_2339 : f32 to vector<16xf32>
      %max3A_2341 = arith.maximumf %sub3A_2338, %max3A_2340 : vector<16xf32>
      %mul3A_2342 = arith.mulf %max3A_2341, %max3A_2341 : vector<16xf32>
      %add3A_2343 = arith.addf %add3A_2306, %mul3A_2342 : vector<16xf32>
      %add3A_2344 = arith.constant 192 : i32
      %add3A_2345 = arith.addi %add3A_2344, %scan3A_312 : i32
      %get3A_2346 = arith.index_cast %add3A_2345 : i32 to index
      %get3A_2347 = arith.constant 48 : index
      %get3A_2348 = tpu.vector_load %arg18[%get3A_2346, %get3A_2347] {strides = array<i32>} : memref<240x256xf32, #tpu.memory_space<vmem>>, vector<16xf32>,
      %add3A_2349 = arith.constant 192 : i32
      %add3A_2350 = arith.addi %add3A_2349, %scan3A_312 : i32
      %get3A_2351 = arith.index_cast %add3A_2350 : i32 to index
      %get3A_2352 = arith.constant 176 : index
      %get3A_2353 = tpu.vector_load %arg18[%get3A_2351, %get3A_2352] {strides = array<i32>} : memref<240x256xf32, #tpu.memory_space<vmem>>, vector<16xf32>,
      %abs3A_2354 = math.absf %get3A_2353 : vector<16xf32>
      %add3A_2355 = arith.constant 224 : i32
      %add3A_2356 = arith.addi %add3A_2355, %scan3A_312 : i32
      %get3A_2357 = arith.index_cast %add3A_2356 : i32 to index
      %get3A_2358 = arith.constant 48 : index
      %get3A_2359 = tpu.vector_load %arg18[%get3A_2357, %get3A_2358] {strides = array<i32>} : memref<240x256xf32, #tpu.memory_space<vmem>>, vector<16xf32>,
      %add3A_2360 = arith.constant 224 : i32
      %add3A_2361 = arith.addi %add3A_2360, %scan3A_312 : i32
      %get3A_2362 = arith.index_cast %add3A_2361 : i32 to index
      %get3A_2363 = arith.constant 176 : index
      %get3A_2364 = tpu.vector_load %arg18[%get3A_2362, %get3A_2363] {strides = array<i32>} : memref<240x256xf32, #tpu.memory_space<vmem>>, vector<16xf32>,
      %abs3A_2365 = math.absf %get3A_2364 : vector<16xf32>
      %add3A_2366 = arith.constant 48 : i32
      %add3A_2367 = arith.addi %add3A_2366, %scan3A_312 : i32
      %get3A_2368 = arith.index_cast %add3A_2367 : i32 to index
      %get3A_2369 = arith.constant 48 : index
      %get3A_2370 = tpu.vector_load %arg19[%get3A_2368, %get3A_2369] {strides = array<i32>} : memref<64x128xf32, #tpu.memory_space<vmem>>, vector<16xf32>,
      %add3A_2371 = arith.addf %get3A_2348, %get3A_2370 : vector<16xf32>
      %sub3A_2372 = arith.subf %add3A_2371, %get3A_2359 : vector<16xf32>
      %abs3A_2373 = math.absf %sub3A_2372 : vector<16xf32>
      %sub3A_2374 = arith.subf %abs3A_2373, %abs3A_2354 : vector<16xf32>
      %sub3A_2375 = arith.subf %sub3A_2374, %abs3A_2365 : vector<16xf32>
      %max3A_2376 = arith.constant 0.000000e+00 : f32
      %max3A_2377 = vector.broadcast %max3A_2376 : f32 to vector<16xf32>
      %max3A_2378 = arith.maximumf %sub3A_2375, %max3A_2377 : vector<16xf32>
      %mul3A_2379 = arith.mulf %max3A_2378, %max3A_2378 : vector<16xf32>
      %add3A_2380 = arith.addf %add3A_2343, %mul3A_2379 : vector<16xf32>
      %add3A_2381 = arith.constant 192 : i32
      %add3A_2382 = arith.addi %add3A_2381, %scan3A_312 : i32
      %get3A_2383 = arith.index_cast %add3A_2382 : i32 to index
      %get3A_2384 = arith.constant 64 : index
      %get3A_2385 = tpu.vector_load %arg18[%get3A_2383, %get3A_2384] {strides = array<i32>} : memref<240x256xf32, #tpu.memory_space<vmem>>, vector<16xf32>,
      %add3A_2386 = arith.constant 192 : i32
      %add3A_2387 = arith.addi %add3A_2386, %scan3A_312 : i32
      %get3A_2388 = arith.index_cast %add3A_2387 : i32 to index
      %get3A_2389 = arith.constant 192 : index
      %get3A_2390 = tpu.vector_load %arg18[%get3A_2388, %get3A_2389] {strides = array<i32>} : memref<240x256xf32, #tpu.memory_space<vmem>>, vector<16xf32>,
      %abs3A_2391 = math.absf %get3A_2390 : vector<16xf32>
      %add3A_2392 = arith.constant 224 : i32
      %add3A_2393 = arith.addi %add3A_2392, %scan3A_312 : i32
      %get3A_2394 = arith.index_cast %add3A_2393 : i32 to index
      %get3A_2395 = arith.constant 64 : index
      %get3A_2396 = tpu.vector_load %arg18[%get3A_2394, %get3A_2395] {strides = array<i32>} : memref<240x256xf32, #tpu.memory_space<vmem>>, vector<16xf32>,
      %add3A_2397 = arith.constant 224 : i32
      %add3A_2398 = arith.addi %add3A_2397, %scan3A_312 : i32
      %get3A_2399 = arith.index_cast %add3A_2398 : i32 to index
      %get3A_2400 = arith.constant 192 : index
      %get3A_2401 = tpu.vector_load %arg18[%get3A_2399, %get3A_2400] {strides = array<i32>} : memref<240x256xf32, #tpu.memory_space<vmem>>, vector<16xf32>,
      %abs3A_2402 = math.absf %get3A_2401 : vector<16xf32>
      %add3A_2403 = arith.constant 48 : i32
      %add3A_2404 = arith.addi %add3A_2403, %scan3A_312 : i32
      %get3A_2405 = arith.index_cast %add3A_2404 : i32 to index
      %get3A_2406 = arith.constant 64 : index
      %get3A_2407 = tpu.vector_load %arg19[%get3A_2405, %get3A_2406] {strides = array<i32>} : memref<64x128xf32, #tpu.memory_space<vmem>>, vector<16xf32>,
      %add3A_2408 = arith.addf %get3A_2385, %get3A_2407 : vector<16xf32>
      %sub3A_2409 = arith.subf %add3A_2408, %get3A_2396 : vector<16xf32>
      %abs3A_2410 = math.absf %sub3A_2409 : vector<16xf32>
      %sub3A_2411 = arith.subf %abs3A_2410, %abs3A_2391 : vector<16xf32>
      %sub3A_2412 = arith.subf %sub3A_2411, %abs3A_2402 : vector<16xf32>
      %max3A_2413 = arith.constant 0.000000e+00 : f32
      %max3A_2414 = vector.broadcast %max3A_2413 : f32 to vector<16xf32>
      %max3A_2415 = arith.maximumf %sub3A_2412, %max3A_2414 : vector<16xf32>
      %mul3A_2416 = arith.mulf %max3A_2415, %max3A_2415 : vector<16xf32>
      %add3A_2417 = arith.addf %add3A_2380, %mul3A_2416 : vector<16xf32>
      %add3A_2418 = arith.constant 192 : i32
      %add3A_2419 = arith.addi %add3A_2418, %scan3A_312 : i32
      %get3A_2420 = arith.index_cast %add3A_2419 : i32 to index
      %get3A_2421 = arith.constant 80 : index
      %get3A_2422 = tpu.vector_load %arg18[%get3A_2420, %get3A_2421] {strides = array<i32>} : memref<240x256xf32, #tpu.memory_space<vmem>>, vector<16xf32>,
      %add3A_2423 = arith.constant 192 : i32
      %add3A_2424 = arith.addi %add3A_2423, %scan3A_312 : i32
      %get3A_2425 = arith.index_cast %add3A_2424 : i32 to index
      %get3A_2426 = arith.constant 208 : index
      %get3A_2427 = tpu.vector_load %arg18[%get3A_2425, %get3A_2426] {strides = array<i32>} : memref<240x256xf32, #tpu.memory_space<vmem>>, vector<16xf32>,
      %abs3A_2428 = math.absf %get3A_2427 : vector<16xf32>
      %add3A_2429 = arith.constant 224 : i32
      %add3A_2430 = arith.addi %add3A_2429, %scan3A_312 : i32
      %get3A_2431 = arith.index_cast %add3A_2430 : i32 to index
      %get3A_2432 = arith.constant 80 : index
      %get3A_2433 = tpu.vector_load %arg18[%get3A_2431, %get3A_2432] {strides = array<i32>} : memref<240x256xf32, #tpu.memory_space<vmem>>, vector<16xf32>,
      %add3A_2434 = arith.constant 224 : i32
      %add3A_2435 = arith.addi %add3A_2434, %scan3A_312 : i32
      %get3A_2436 = arith.index_cast %add3A_2435 : i32 to index
      %get3A_2437 = arith.constant 208 : index
      %get3A_2438 = tpu.vector_load %arg18[%get3A_2436, %get3A_2437] {strides = array<i32>} : memref<240x256xf32, #tpu.memory_space<vmem>>, vector<16xf32>,
      %abs3A_2439 = math.absf %get3A_2438 : vector<16xf32>
      %add3A_2440 = arith.constant 48 : i32
      %add3A_2441 = arith.addi %add3A_2440, %scan3A_312 : i32
      %get3A_2442 = arith.index_cast %add3A_2441 : i32 to index
      %get3A_2443 = arith.constant 80 : index
      %get3A_2444 = tpu.vector_load %arg19[%get3A_2442, %get3A_2443] {strides = array<i32>} : memref<64x128xf32, #tpu.memory_space<vmem>>, vector<16xf32>,
      %add3A_2445 = arith.addf %get3A_2422, %get3A_2444 : vector<16xf32>
      %sub3A_2446 = arith.subf %add3A_2445, %get3A_2433 : vector<16xf32>
      %abs3A_2447 = math.absf %sub3A_2446 : vector<16xf32>
      %sub3A_2448 = arith.subf %abs3A_2447, %abs3A_2428 : vector<16xf32>
      %sub3A_2449 = arith.subf %sub3A_2448, %abs3A_2439 : vector<16xf32>
      %max3A_2450 = arith.constant 0.000000e+00 : f32
      %max3A_2451 = vector.broadcast %max3A_2450 : f32 to vector<16xf32>
      %max3A_2452 = arith.maximumf %sub3A_2449, %max3A_2451 : vector<16xf32>
      %mul3A_2453 = arith.mulf %max3A_2452, %max3A_2452 : vector<16xf32>
      %add3A_2454 = arith.addf %add3A_2417, %mul3A_2453 : vector<16xf32>
      %add3A_2455 = arith.constant 192 : i32
      %add3A_2456 = arith.addi %add3A_2455, %scan3A_312 : i32
      %get3A_2457 = arith.index_cast %add3A_2456 : i32 to index
      %get3A_2458 = arith.constant 96 : index
      %get3A_2459 = tpu.vector_load %arg18[%get3A_2457, %get3A_2458] {strides = array<i32>} : memref<240x256xf32, #tpu.memory_space<vmem>>, vector<16xf32>,
      %add3A_2460 = arith.constant 192 : i32
      %add3A_2461 = arith.addi %add3A_2460, %scan3A_312 : i32
      %get3A_2462 = arith.index_cast %add3A_2461 : i32 to index
      %get3A_2463 = arith.constant 224 : index
      %get3A_2464 = tpu.vector_load %arg18[%get3A_2462, %get3A_2463] {strides = array<i32>} : memref<240x256xf32, #tpu.memory_space<vmem>>, vector<16xf32>,
      %abs3A_2465 = math.absf %get3A_2464 : vector<16xf32>
      %add3A_2466 = arith.constant 224 : i32
      %add3A_2467 = arith.addi %add3A_2466, %scan3A_312 : i32
      %get3A_2468 = arith.index_cast %add3A_2467 : i32 to index
      %get3A_2469 = arith.constant 96 : index
      %get3A_2470 = tpu.vector_load %arg18[%get3A_2468, %get3A_2469] {strides = array<i32>} : memref<240x256xf32, #tpu.memory_space<vmem>>, vector<16xf32>,
      %add3A_2471 = arith.constant 224 : i32
      %add3A_2472 = arith.addi %add3A_2471, %scan3A_312 : i32
      %get3A_2473 = arith.index_cast %add3A_2472 : i32 to index
      %get3A_2474 = arith.constant 224 : index
      %get3A_2475 = tpu.vector_load %arg18[%get3A_2473, %get3A_2474] {strides = array<i32>} : memref<240x256xf32, #tpu.memory_space<vmem>>, vector<16xf32>,
      %abs3A_2476 = math.absf %get3A_2475 : vector<16xf32>
      %add3A_2477 = arith.constant 48 : i32
      %add3A_2478 = arith.addi %add3A_2477, %scan3A_312 : i32
      %get3A_2479 = arith.index_cast %add3A_2478 : i32 to index
      %get3A_2480 = arith.constant 96 : index
      %get3A_2481 = tpu.vector_load %arg19[%get3A_2479, %get3A_2480] {strides = array<i32>} : memref<64x128xf32, #tpu.memory_space<vmem>>, vector<16xf32>,
      %add3A_2482 = arith.addf %get3A_2459, %get3A_2481 : vector<16xf32>
      %sub3A_2483 = arith.subf %add3A_2482, %get3A_2470 : vector<16xf32>
      %abs3A_2484 = math.absf %sub3A_2483 : vector<16xf32>
      %sub3A_2485 = arith.subf %abs3A_2484, %abs3A_2465 : vector<16xf32>
      %sub3A_2486 = arith.subf %sub3A_2485, %abs3A_2476 : vector<16xf32>
      %max3A_2487 = arith.constant 0.000000e+00 : f32
      %max3A_2488 = vector.broadcast %max3A_2487 : f32 to vector<16xf32>
      %max3A_2489 = arith.maximumf %sub3A_2486, %max3A_2488 : vector<16xf32>
      %mul3A_2490 = arith.mulf %max3A_2489, %max3A_2489 : vector<16xf32>
      %add3A_2491 = arith.addf %add3A_2454, %mul3A_2490 : vector<16xf32>
      %add3A_2492 = arith.constant 192 : i32
      %add3A_2493 = arith.addi %add3A_2492, %scan3A_312 : i32
      %get3A_2494 = arith.index_cast %add3A_2493 : i32 to index
      %get3A_2495 = arith.constant 112 : index
      %get3A_2496 = tpu.vector_load %arg18[%get3A_2494, %get3A_2495] {strides = array<i32>} : memref<240x256xf32, #tpu.memory_space<vmem>>, vector<16xf32>,
      %add3A_2497 = arith.constant 192 : i32
      %add3A_2498 = arith.addi %add3A_2497, %scan3A_312 : i32
      %get3A_2499 = arith.index_cast %add3A_2498 : i32 to index
      %get3A_2500 = arith.constant 240 : index
      %get3A_2501 = tpu.vector_load %arg18[%get3A_2499, %get3A_2500] {strides = array<i32>} : memref<240x256xf32, #tpu.memory_space<vmem>>, vector<16xf32>,
      %abs3A_2502 = math.absf %get3A_2501 : vector<16xf32>
      %add3A_2503 = arith.constant 224 : i32
      %add3A_2504 = arith.addi %add3A_2503, %scan3A_312 : i32
      %get3A_2505 = arith.index_cast %add3A_2504 : i32 to index
      %get3A_2506 = arith.constant 112 : index
      %get3A_2507 = tpu.vector_load %arg18[%get3A_2505, %get3A_2506] {strides = array<i32>} : memref<240x256xf32, #tpu.memory_space<vmem>>, vector<16xf32>,
      %add3A_2508 = arith.constant 224 : i32
      %add3A_2509 = arith.addi %add3A_2508, %scan3A_312 : i32
      %get3A_2510 = arith.index_cast %add3A_2509 : i32 to index
      %get3A_2511 = arith.constant 240 : index
      %get3A_2512 = tpu.vector_load %arg18[%get3A_2510, %get3A_2511] {strides = array<i32>} : memref<240x256xf32, #tpu.memory_space<vmem>>, vector<16xf32>,
      %abs3A_2513 = math.absf %get3A_2512 : vector<16xf32>
      %add3A_2514 = arith.constant 48 : i32
      %add3A_2515 = arith.addi %add3A_2514, %scan3A_312 : i32
      %get3A_2516 = arith.index_cast %add3A_2515 : i32 to index
      %get3A_2517 = arith.constant 112 : index
      %get3A_2518 = tpu.vector_load %arg19[%get3A_2516, %get3A_2517] {strides = array<i32>} : memref<64x128xf32, #tpu.memory_space<vmem>>, vector<16xf32>,
      %add3A_2519 = arith.addf %get3A_2496, %get3A_2518 : vector<16xf32>
      %sub3A_2520 = arith.subf %add3A_2519, %get3A_2507 : vector<16xf32>
      %abs3A_2521 = math.absf %sub3A_2520 : vector<16xf32>
      %sub3A_2522 = arith.subf %abs3A_2521, %abs3A_2502 : vector<16xf32>
      %sub3A_2523 = arith.subf %sub3A_2522, %abs3A_2513 : vector<16xf32>
      %max3A_2524 = arith.constant 0.000000e+00 : f32
      %max3A_2525 = vector.broadcast %max3A_2524 : f32 to vector<16xf32>
      %max3A_2526 = arith.maximumf %sub3A_2523, %max3A_2525 : vector<16xf32>
      %mul3A_2527 = arith.mulf %max3A_2526, %max3A_2526 : vector<16xf32>
      %add3A_2528 = arith.addf %add3A_2491, %mul3A_2527 : vector<16xf32>
      %add3A_2529 = arith.constant 16 : i32
      %add3A_2530 = arith.addi %add3A_2529, %scan3A_312 : i32
      %swap3A_2531 = arith.index_cast %add3A_2530 : i32 to index
      %swap3A_2532 = arith.constant 0 : index
      %swap3A_2533 = tpu.vector_load %arg23[%swap3A_2531, %swap3A_2532] {strides = array<i32>} : memref<32x16xf32, #tpu.memory_space<vmem>>, vector<16xf32>,
      tpu.vector_store %arg23[%swap3A_2531, %swap3A_2532], %add3A_2528 {strides = array<i32>} : memref<32x16xf32, #tpu.memory_space<vmem>>, vector<16xf32>,
      scf.yield %add3A_1422 : vector<16xf32>
    }
    %scan3A_309 = arith.constant 16 : i32
    %swap3A_310 = arith.constant 0 : index
    %swap3A_311 = tpu.vector_load %arg20[%swap3A_310] {strides = array<i32>} : memref<16xf32, #tpu.memory_space<vmem>>, vector<16xf32>,
    tpu.vector_store %arg20[%swap3A_310], %scan3A_308 {strides = array<i32>} : memref<16xf32, #tpu.memory_space<vmem>>, vector<16xf32>,
    "tpu.region"() ({
      %run_scoped3A = tpu.sem_alloc : memref<!tpu.dma_semaphore, #tpu.memory_space<semaphore_mem>>
      %dma_start3A_312 = arith.constant 0 : i32
      %dma_start3A_313 = tpu.memref_slice %arg11[%add3A, %dma_start3A_312] : memref<32x16xf32, #tpu.memory_space<hbm>> -> memref<1x16xf32, #tpu.memory_space<hbm>>
      %dma_start3A_314 = tpu.memref_squeeze %dma_start3A_313 : memref<1x16xf32, #tpu.memory_space<hbm>> -> memref<16xf32, #tpu.memory_space<hbm>>
      %dma_start3A_315 = arith.constant 0 : i32
      %dma_start3A_316 = tpu.memref_slice %arg11[%add3A, %dma_start3A_315] : memref<32x16xf32, #tpu.memory_space<hbm>> -> memref<1x16xf32, #tpu.memory_space<hbm>>
      %dma_start3A_317 = tpu.memref_squeeze %dma_start3A_316 : memref<1x16xf32, #tpu.memory_space<hbm>> -> memref<16xf32, #tpu.memory_space<hbm>>
      tpu.enqueue_dma source(%arg20 : memref<16xf32, #tpu.memory_space<vmem>>) target(%dma_start3A_317 : memref<16xf32, #tpu.memory_space<hbm>>) target_semaphore(%run_scoped3A : memref<!tpu.dma_semaphore, #tpu.memory_space<semaphore_mem>>)
      %dma_wait3A_318 = arith.constant 0 : i32
      %dma_wait3A_319 = tpu.memref_slice %arg11[%add3A, %dma_wait3A_318] : memref<32x16xf32, #tpu.memory_space<hbm>> -> memref<1x16xf32, #tpu.memory_space<hbm>>
      %dma_wait3A_320 = tpu.memref_squeeze %dma_wait3A_319 : memref<1x16xf32, #tpu.memory_space<hbm>> -> memref<16xf32, #tpu.memory_space<hbm>>
      %dma_wait3A_321 = arith.constant 0 : i32
      %dma_wait3A_322 = tpu.memref_slice %arg11[%add3A, %dma_wait3A_321] : memref<32x16xf32, #tpu.memory_space<hbm>> -> memref<1x16xf32, #tpu.memory_space<hbm>>
      %dma_wait3A_323 = tpu.memref_squeeze %dma_wait3A_322 : memref<1x16xf32, #tpu.memory_space<hbm>> -> memref<16xf32, #tpu.memory_space<hbm>>
      tpu.wait_dma2 semaphore(%run_scoped3A : memref<!tpu.dma_semaphore, #tpu.memory_space<semaphore_mem>>) src(%arg20 : memref<16xf32, #tpu.memory_space<vmem>>) dst(%dma_wait3A_323 : memref<16xf32, #tpu.memory_space<hbm>>)
      tpu.yield
    }) : () -> ()
    "tpu.region"() ({
      %run_scoped3A = tpu.sem_alloc : memref<!tpu.dma_semaphore, #tpu.memory_space<semaphore_mem>>
      %dma_start3A_312 = arith.constant 0 : i32
      %dma_start3A_313 = arith.constant 0 : i32
      %dma_start3A_314 = tpu.memref_slice %arg12[%add3A, %dma_start3A_312, %dma_start3A_313] : memref<32x16x16xf32, #tpu.memory_space<hbm>> -> memref<1x16x16xf32, #tpu.memory_space<hbm>>
      %dma_start3A_315 = tpu.memref_squeeze %dma_start3A_314 : memref<1x16x16xf32, #tpu.memory_space<hbm>> -> memref<16x16xf32, #tpu.memory_space<hbm>>
      %dma_start3A_316 = arith.constant 0 : i32
      %dma_start3A_317 = arith.constant 0 : i32
      %dma_start3A_318 = tpu.memref_slice %arg12[%add3A, %dma_start3A_316, %dma_start3A_317] : memref<32x16x16xf32, #tpu.memory_space<hbm>> -> memref<1x16x16xf32, #tpu.memory_space<hbm>>
      %dma_start3A_319 = tpu.memref_squeeze %dma_start3A_318 : memref<1x16x16xf32, #tpu.memory_space<hbm>> -> memref<16x16xf32, #tpu.memory_space<hbm>>
      tpu.enqueue_dma source(%arg21 : memref<16x16xf32, #tpu.memory_space<vmem>>) target(%dma_start3A_319 : memref<16x16xf32, #tpu.memory_space<hbm>>) target_semaphore(%run_scoped3A : memref<!tpu.dma_semaphore, #tpu.memory_space<semaphore_mem>>)
      %dma_wait3A_320 = arith.constant 0 : i32
      %dma_wait3A_321 = arith.constant 0 : i32
      %dma_wait3A_322 = tpu.memref_slice %arg12[%add3A, %dma_wait3A_320, %dma_wait3A_321] : memref<32x16x16xf32, #tpu.memory_space<hbm>> -> memref<1x16x16xf32, #tpu.memory_space<hbm>>
      %dma_wait3A_323 = tpu.memref_squeeze %dma_wait3A_322 : memref<1x16x16xf32, #tpu.memory_space<hbm>> -> memref<16x16xf32, #tpu.memory_space<hbm>>
      %dma_wait3A_324 = arith.constant 0 : i32
      %dma_wait3A_325 = arith.constant 0 : i32
      %dma_wait3A_326 = tpu.memref_slice %arg12[%add3A, %dma_wait3A_324, %dma_wait3A_325] : memref<32x16x16xf32, #tpu.memory_space<hbm>> -> memref<1x16x16xf32, #tpu.memory_space<hbm>>
      %dma_wait3A_327 = tpu.memref_squeeze %dma_wait3A_326 : memref<1x16x16xf32, #tpu.memory_space<hbm>> -> memref<16x16xf32, #tpu.memory_space<hbm>>
      tpu.wait_dma2 semaphore(%run_scoped3A : memref<!tpu.dma_semaphore, #tpu.memory_space<semaphore_mem>>) src(%arg21 : memref<16x16xf32, #tpu.memory_space<vmem>>) dst(%dma_wait3A_327 : memref<16x16xf32, #tpu.memory_space<hbm>>)
      tpu.yield
    }) : () -> ()
    "tpu.region"() ({
      %run_scoped3A = tpu.sem_alloc : memref<!tpu.dma_semaphore, #tpu.memory_space<semaphore_mem>>
      %dma_start3A_312 = arith.constant 0 : i32
      %dma_start3A_313 = arith.constant 0 : i32
      %dma_start3A_314 = tpu.memref_slice %arg13[%add3A, %dma_start3A_312, %dma_start3A_313] : memref<32x16x16xf32, #tpu.memory_space<hbm>> -> memref<1x16x16xf32, #tpu.memory_space<hbm>>
      %dma_start3A_315 = tpu.memref_squeeze %dma_start3A_314 : memref<1x16x16xf32, #tpu.memory_space<hbm>> -> memref<16x16xf32, #tpu.memory_space<hbm>>
      %dma_start3A_316 = arith.constant 0 : i32
      %dma_start3A_317 = arith.constant 0 : i32
      %dma_start3A_318 = tpu.memref_slice %arg13[%add3A, %dma_start3A_316, %dma_start3A_317] : memref<32x16x16xf32, #tpu.memory_space<hbm>> -> memref<1x16x16xf32, #tpu.memory_space<hbm>>
      %dma_start3A_319 = tpu.memref_squeeze %dma_start3A_318 : memref<1x16x16xf32, #tpu.memory_space<hbm>> -> memref<16x16xf32, #tpu.memory_space<hbm>>
      tpu.enqueue_dma source(%arg22 : memref<16x16xf32, #tpu.memory_space<vmem>>) target(%dma_start3A_319 : memref<16x16xf32, #tpu.memory_space<hbm>>) target_semaphore(%run_scoped3A : memref<!tpu.dma_semaphore, #tpu.memory_space<semaphore_mem>>)
      %dma_wait3A_320 = arith.constant 0 : i32
      %dma_wait3A_321 = arith.constant 0 : i32
      %dma_wait3A_322 = tpu.memref_slice %arg13[%add3A, %dma_wait3A_320, %dma_wait3A_321] : memref<32x16x16xf32, #tpu.memory_space<hbm>> -> memref<1x16x16xf32, #tpu.memory_space<hbm>>
      %dma_wait3A_323 = tpu.memref_squeeze %dma_wait3A_322 : memref<1x16x16xf32, #tpu.memory_space<hbm>> -> memref<16x16xf32, #tpu.memory_space<hbm>>
      %dma_wait3A_324 = arith.constant 0 : i32
      %dma_wait3A_325 = arith.constant 0 : i32
      %dma_wait3A_326 = tpu.memref_slice %arg13[%add3A, %dma_wait3A_324, %dma_wait3A_325] : memref<32x16x16xf32, #tpu.memory_space<hbm>> -> memref<1x16x16xf32, #tpu.memory_space<hbm>>
      %dma_wait3A_327 = tpu.memref_squeeze %dma_wait3A_326 : memref<1x16x16xf32, #tpu.memory_space<hbm>> -> memref<16x16xf32, #tpu.memory_space<hbm>>
      tpu.wait_dma2 semaphore(%run_scoped3A : memref<!tpu.dma_semaphore, #tpu.memory_space<semaphore_mem>>) src(%arg22 : memref<16x16xf32, #tpu.memory_space<vmem>>) dst(%dma_wait3A_327 : memref<16x16xf32, #tpu.memory_space<hbm>>)
      tpu.yield
    }) : () -> ()
    "tpu.region"() ({
      %run_scoped3A = tpu.sem_alloc : memref<!tpu.dma_semaphore, #tpu.memory_space<semaphore_mem>>
      %dma_start3A_312 = arith.constant 0 : i32
      %dma_start3A_313 = arith.constant 0 : i32
      %dma_start3A_314 = tpu.memref_slice %arg14[%add3A, %dma_start3A_312, %dma_start3A_313] : memref<32x32x16xf32, #tpu.memory_space<hbm>> -> memref<1x32x16xf32, #tpu.memory_space<hbm>>
      %dma_start3A_315 = tpu.memref_squeeze %dma_start3A_314 : memref<1x32x16xf32, #tpu.memory_space<hbm>> -> memref<32x16xf32, #tpu.memory_space<hbm>>
      %dma_start3A_316 = arith.constant 0 : i32
      %dma_start3A_317 = arith.constant 0 : i32
      %dma_start3A_318 = tpu.memref_slice %arg14[%add3A, %dma_start3A_316, %dma_start3A_317] : memref<32x32x16xf32, #tpu.memory_space<hbm>> -> memref<1x32x16xf32, #tpu.memory_space<hbm>>
      %dma_start3A_319 = tpu.memref_squeeze %dma_start3A_318 : memref<1x32x16xf32, #tpu.memory_space<hbm>> -> memref<32x16xf32, #tpu.memory_space<hbm>>
      tpu.enqueue_dma source(%arg23 : memref<32x16xf32, #tpu.memory_space<vmem>>) target(%dma_start3A_319 : memref<32x16xf32, #tpu.memory_space<hbm>>) target_semaphore(%run_scoped3A : memref<!tpu.dma_semaphore, #tpu.memory_space<semaphore_mem>>)
      %dma_wait3A_320 = arith.constant 0 : i32
      %dma_wait3A_321 = arith.constant 0 : i32
      %dma_wait3A_322 = tpu.memref_slice %arg14[%add3A, %dma_wait3A_320, %dma_wait3A_321] : memref<32x32x16xf32, #tpu.memory_space<hbm>> -> memref<1x32x16xf32, #tpu.memory_space<hbm>>
      %dma_wait3A_323 = tpu.memref_squeeze %dma_wait3A_322 : memref<1x32x16xf32, #tpu.memory_space<hbm>> -> memref<32x16xf32, #tpu.memory_space<hbm>>
      %dma_wait3A_324 = arith.constant 0 : i32
      %dma_wait3A_325 = arith.constant 0 : i32
      %dma_wait3A_326 = tpu.memref_slice %arg14[%add3A, %dma_wait3A_324, %dma_wait3A_325] : memref<32x32x16xf32, #tpu.memory_space<hbm>> -> memref<1x32x16xf32, #tpu.memory_space<hbm>>
      %dma_wait3A_327 = tpu.memref_squeeze %dma_wait3A_326 : memref<1x32x16xf32, #tpu.memory_space<hbm>> -> memref<32x16xf32, #tpu.memory_space<hbm>>
      tpu.wait_dma2 semaphore(%run_scoped3A : memref<!tpu.dma_semaphore, #tpu.memory_space<semaphore_mem>>) src(%arg23 : memref<32x16xf32, #tpu.memory_space<vmem>>) dst(%dma_wait3A_327 : memref<32x16xf32, #tpu.memory_space<hbm>>)
      tpu.yield
    }) : () -> ()
    return
  }
}

module attributes {stable_mosaic.version = 14 : i64} {
  func.func @_epi_body(%arg0: memref<32x16xf32, #tpu.memory_space<vmem>>, %arg1: memref<512x16xf32, #tpu.memory_space<vmem>>, %arg2: memref<512x16xf32, #tpu.memory_space<vmem>>, %arg3: memref<1024x16xf32, #tpu.memory_space<vmem>>, %arg4: memref<1x1xf32, #tpu.memory_space<vmem>>) attributes {dimension_semantics = [], scalar_prefetch = 0 : i64, scratch_operands = 0 : i64, tpu.core_type = #tpu.core_type<tc>} {
    %get3A = arith.constant 0 : index
    %get3A_0 = arith.constant 0 : index
    %get3A_1 = vector.load %arg0[%get3A, %get3A_0] : memref<32x16xf32, #tpu.memory_space<vmem>>, vector<32x16xf32>
    %reduce_sum3A = vector.shape_cast %get3A_1 : vector<32x16xf32> to vector<1x32x16xf32>
    %reduce_sum3A_2 = arith.constant dense<0.000000e+00> : vector<1xf32>
    %reduce_sum3A_3 = vector.multi_reduction <add>, %reduce_sum3A, %reduce_sum3A_2 [1, 2] : vector<1x32x16xf32> to vector<1xf32>
    %reduce_sum3A_4 = vector.shape_cast %reduce_sum3A_3 : vector<1xf32> to vector<1x1x1xf32>
    %reduce_sum3A_5 = vector.extract %reduce_sum3A_4[0, 0, 0] : f32 from vector<1x1x1xf32>
    %div3A = arith.constant 5.120000e+02 : f32
    %div3A_6 = arith.divf %reduce_sum3A_5, %div3A : f32
    %get3A_7 = arith.constant 0 : index
    %get3A_8 = arith.constant 0 : index
    %get3A_9 = vector.load %arg1[%get3A_7, %get3A_8] : memref<512x16xf32, #tpu.memory_space<vmem>>, vector<512x16xf32>
    %reduce_sum3A_10 = arith.constant dense<0.000000e+00> : vector<512xf32>
    %reduce_sum3A_11 = vector.multi_reduction <add>, %get3A_9, %reduce_sum3A_10 [1] : vector<512x16xf32> to vector<512xf32>
    %get3A_12 = arith.constant 0 : index
    %get3A_13 = arith.constant 0 : index
    %get3A_14 = vector.load %arg2[%get3A_12, %get3A_13] : memref<512x16xf32, #tpu.memory_space<vmem>>, vector<512x16xf32>
    %reduce_sum3A_15 = arith.constant dense<0.000000e+00> : vector<512xf32>
    %reduce_sum3A_16 = vector.multi_reduction <add>, %get3A_14, %reduce_sum3A_15 [1] : vector<512x16xf32> to vector<512xf32>
    %sqrt3A = math.sqrt %reduce_sum3A_11 : vector<512xf32>
    %sqrt3A_17 = math.sqrt %reduce_sum3A_16 : vector<512xf32>
    %reduce_sum3A_18 = vector.shape_cast %reduce_sum3A_11 : vector<512xf32> to vector<1x512xf32>
    %reduce_sum3A_19 = arith.constant dense<0.000000e+00> : vector<1xf32>
    %reduce_sum3A_20 = vector.multi_reduction <add>, %reduce_sum3A_18, %reduce_sum3A_19 [1] : vector<1x512xf32> to vector<1xf32>
    %reduce_sum3A_21 = vector.shape_cast %reduce_sum3A_20 : vector<1xf32> to vector<1x1xf32>
    %reduce_sum3A_22 = vector.extract %reduce_sum3A_21[0, 0] : f32 from vector<1x1xf32>
    %div3A_23 = arith.constant 5.120000e+02 : f32
    %div3A_24 = arith.divf %reduce_sum3A_22, %div3A_23 : f32
    %reduce_sum3A_25 = vector.shape_cast %reduce_sum3A_16 : vector<512xf32> to vector<1x512xf32>
    %reduce_sum3A_26 = arith.constant dense<0.000000e+00> : vector<1xf32>
    %reduce_sum3A_27 = vector.multi_reduction <add>, %reduce_sum3A_25, %reduce_sum3A_26 [1] : vector<1x512xf32> to vector<1xf32>
    %reduce_sum3A_28 = vector.shape_cast %reduce_sum3A_27 : vector<1xf32> to vector<1x1xf32>
    %reduce_sum3A_29 = vector.extract %reduce_sum3A_28[0, 0] : f32 from vector<1x1xf32>
    %div3A_30 = arith.constant 5.120000e+02 : f32
    %div3A_31 = arith.divf %reduce_sum3A_29, %div3A_30 : f32
    %add3A = arith.addf %div3A_24, %div3A_31 : f32
    %reduce_sum3A_32 = vector.shape_cast %sqrt3A : vector<512xf32> to vector<1x512xf32>
    %reduce_sum3A_33 = arith.constant dense<0.000000e+00> : vector<1xf32>
    %reduce_sum3A_34 = vector.multi_reduction <add>, %reduce_sum3A_32, %reduce_sum3A_33 [1] : vector<1x512xf32> to vector<1xf32>
    %reduce_sum3A_35 = vector.shape_cast %reduce_sum3A_34 : vector<1xf32> to vector<1x1xf32>
    %reduce_sum3A_36 = vector.extract %reduce_sum3A_35[0, 0] : f32 from vector<1x1xf32>
    %div3A_37 = arith.constant 5.120000e+02 : f32
    %div3A_38 = arith.divf %reduce_sum3A_36, %div3A_37 : f32
    %mul3A = arith.constant 2.000000e+00 : f32
    %mul3A_39 = arith.mulf %mul3A, %div3A_38 : f32
    %reduce_sum3A_40 = vector.shape_cast %sqrt3A_17 : vector<512xf32> to vector<1x512xf32>
    %reduce_sum3A_41 = arith.constant dense<0.000000e+00> : vector<1xf32>
    %reduce_sum3A_42 = vector.multi_reduction <add>, %reduce_sum3A_40, %reduce_sum3A_41 [1] : vector<1x512xf32> to vector<1xf32>
    %reduce_sum3A_43 = vector.shape_cast %reduce_sum3A_42 : vector<1xf32> to vector<1x1xf32>
    %reduce_sum3A_44 = vector.extract %reduce_sum3A_43[0, 0] : f32 from vector<1x1xf32>
    %div3A_45 = arith.constant 5.120000e+02 : f32
    %div3A_46 = arith.divf %reduce_sum3A_44, %div3A_45 : f32
    %mul3A_47 = arith.mulf %mul3A_39, %div3A_46 : f32
    %add3A_48 = arith.addf %add3A, %mul3A_47 : f32
    %get3A_49 = arith.constant 0 : index
    %get3A_50 = arith.constant 0 : index
    %get3A_51 = vector.load %arg3[%get3A_49, %get3A_50] : memref<1024x16xf32, #tpu.memory_space<vmem>>, vector<1024x16xf32>
    %reduce_sum3A_52 = arith.constant dense<0.000000e+00> : vector<1024xf32>
    %reduce_sum3A_53 = vector.multi_reduction <add>, %get3A_51, %reduce_sum3A_52 [1] : vector<1024x16xf32> to vector<1024xf32>
    %sqrt3A_54 = math.sqrt %reduce_sum3A_53 : vector<1024xf32>
    %sub3A = arith.constant 2.000000e+00 : f32
    %sub3A_55 = vector.broadcast %sub3A : f32 to vector<1024xf32>
    %sub3A_56 = arith.subf %sub3A_55, %sqrt3A_54 : vector<1024xf32>
    %square3A = arith.mulf %sub3A_56, %sub3A_56 : vector<1024xf32>
    %reduce_sum3A_57 = vector.shape_cast %square3A : vector<1024xf32> to vector<1x1024xf32>
    %reduce_sum3A_58 = arith.constant dense<0.000000e+00> : vector<1xf32>
    %reduce_sum3A_59 = vector.multi_reduction <add>, %reduce_sum3A_57, %reduce_sum3A_58 [1] : vector<1x1024xf32> to vector<1xf32>
    %reduce_sum3A_60 = vector.shape_cast %reduce_sum3A_59 : vector<1xf32> to vector<1x1xf32>
    %reduce_sum3A_61 = vector.extract %reduce_sum3A_60[0, 0] : f32 from vector<1x1xf32>
    %div3A_62 = arith.constant 1.024000e+03 : f32
    %div3A_63 = arith.divf %reduce_sum3A_61, %div3A_62 : f32
    %add3A_64 = arith.addf %div3A_6, %add3A_48 : f32
    %add3A_65 = arith.addf %add3A_64, %div3A_63 : f32
    %reshape3A = vector.broadcast %add3A_65 : f32 to vector<1x1xf32>
    %swap3A = arith.constant 0 : index
    %swap3A_66 = arith.constant 0 : index
    %swap3A_67 = vector.load %arg4[%swap3A, %swap3A_66] : memref<1x1xf32, #tpu.memory_space<vmem>>, vector<1x1xf32>
    tpu.vector_store %arg4[%swap3A, %swap3A_66], %reshape3A {strides = array<i32>} : memref<1x1xf32, #tpu.memory_space<vmem>>, vector<1x1xf32>,
    return
  }
}

</mosaic_0001>

<sc_bundles>
// kernel: gather_offload_async_start.1
scs
__scs_entry_jumppad:
0x0: {  	(pc) =	sbr.rel $0x88, $3  }
0x1: {  	(tag) =	ssettag $0x0;
	lr =	simm.s32 $0x1  }
0x2: {  	[smem:$0x3F98] =	sst lr;
	_ =	strace $0xD0000000  }
0x3: {  	_ = 	snop  }
0x4: {  	_ = 	snop  }
0x5: {  	_ = 	snop  }
0x6: {  	_ = 	snop  }
0x7: {  	_ = 	snop  }
__scs_overlays_trampoline_lowered:
0x8: {  	[smem:$0x3FA7] =	sst s0  }
0x9: {  	[smem:$0x3FA8] =	sst s1  }
0xa: {  	[smem:$0x3FA9] =	sst s2  }
0xb: {  	[smem:$0x3FAA] =	sst s3  }
0xc: {  	[smem:$0x3FAB] =	sst s4  }
0xd: {  	[smem:$0x3FAC] =	sst s5  }
0xe: {  	[smem:$0x3FAD] =	sst s6  }
0xf: {  	[smem:$0x3FAE] =	sst s7  }
0x10: {  	[smem:$0x3FAF] =	sst s8  }
0x11: {  	[smem:$0x3FB0] =	sst s9;
	s0 =	simm.s32 @!p0 $0x0  }
0x12: {  	s1 =	sld [smem:$0x3F96];
	s0 =	simm.s32 @p0 $0x1  }
0x13: {  	[smem:$0x3FB1] =	sst s0;
	s0 =	simm.s32 @!p1 $0x0  }
0x14: {  	s2 =	sld [smem:$0x3F95];
	s0 =	simm.s32 @p1 $0x1  }
0x15: {  	[smem:$0x3FB2] =	sst s0;
	s0 =	simm.s32 @!p2 $0x0  }
0x16: {  	s3 =	sld [smem:$0x3FDB];
	s0 =	simm.s32 @p2 $0x1  }
0x17: {  	s4 =	simm.s32 $0x1BF5;
	[smem:$0x3FB4] =	sst s0  }
0x18: {  	s0 =	sld [smem:$0x3F97];
	_ =	swait.ge [sflag:s4], $0x0  }
0x19: {  	s7 =	sld [smem:$0x3F98]  }
0x1a: {  	s8 =	sadd.s32 $0xFFFFE003, lr  }
0x1b: {  	s9 =	sadd.s32 $0xFFFFFEF7, lr;
	s5 =	simm.s32 $0xFFFFFFFF;
	p2 =	slt.u32 s8, $0xFFFFF086  }
0x1c: {  	p1 =	slt.u32 s9, $0xF7A;
	s5 =	simm.s32 @!p2 $0x0  }
0x1d: {  	s5 =	simm.s32 @p1 $0x1;
	p0 =	seq.s32 s7, s2  }
0x1e: {  	s7 =	smul.u32 @!p0 $0xF7A, s2;
	p2 =	seq.s32 @!p0 s5, $0x0  }
0x1f: {  	s9 =	smul.u32 $0xF7A, s1;
	s8 =	simm.s32 @!p0 $0x1BF5;
	p2 =	por !p2, p0  }
0x20: {  	[sflag:s8] =	ssyncset.s32 @!p0 $0xFFFFF086;
	s6 =	sadd.s32 @!p0 s3, s7;
	s7 =	simm.s32 @!p0 $0x108  }
0x21: {  	s3 =	sadd.s32 s3, s9;
	s6 =	sadd.s32 @!p0 $0x88, s6;
	s7 =	simm.s32 @p2 $0x1082  }
0x22: {  	[simem:s7], [sflag:s8] =	dma.local @!p0 [hbm:s6], $0xF7A  }
0x23: {  	s9 =	sor.u32 $0xD0000000, s2;
	s6 =	simm.s32 $0x108;
	_ =	swait.ge @!p0 [sflag:s8], $0x0  }
0x24: {  	s3 =	sadd.s32 $0x88, s3;
	s6 =	simm.s32 @!p1 $0x1082;
	[sflag:s4] =	ssyncset.s32 $0xFFFFF086  }
0x25: {  	[simem:s6], [sflag:s4] =	dma.local [hbm:s3], $0xF7A  }
0x26: {  	[smem:$0x3F98] =	sst s1;
	(tag) =	ssettag s2;
	_ =	strace s9  }
0x27: {  	s1 =	sld [smem:$0x3FA8]  }
0x28: {  	s2 =	sld [smem:$0x3FA9]  }
0x29: {  	s4 =	sld [smem:$0x3FAB]  }
0x2a: {  	p0 =	seq.s32 s5, $0x0;
	s5 =	sld [smem:$0x3FAC]  }
0x2b: {  	s6 =	sld [smem:$0x3FAD]  }
0x2c: {  	s7 =	sld [smem:$0x3FAE]  }
0x2d: {  	s3 =	simm.s32 $0x108;
	s8 =	sld [smem:$0x3FAF]  }
0x2e: {  	s3 =	simm.s32 @!p0 $0x1082;
	s9 =	sld [smem:$0x3FB0]  }
0x2f: {  	lr =	sadd.s32 s0, s3;
	s0 =	sld [smem:$0x3FA7]  }
0x30: {  	s3 =	sld [smem:$0x3FAA]  }
0x31: {  	[smem:$0x3FB3] =	sst s10  }
0x32: {  	s10 =	sld [smem:$0x3FB1];
	_ =	sdelay $0x3  }
0x33: {  	p0 =	seq.s32 s10, $0x1;
	s10 =	sld [smem:$0x3FB3];
	_ =	sdelay $0x3  }
0x34: {  	[smem:$0x3FB3] =	sst s10  }
0x35: {  	s10 =	sld [smem:$0x3FB2];
	_ =	sdelay $0x3  }
0x36: {  	p1 =	seq.s32 s10, $0x1;
	s10 =	sld [smem:$0x3FB3];
	_ =	sdelay $0x3  }
0x37: {  	[smem:$0x3FB3] =	sst s10  }
0x38: {  	s10 =	sld [smem:$0x3FB4]  }
0x39: {  	_ = 	snop;
	(pc) =	sbr.ind lr, $3  }
0x3a: {  	_ = 	snop  }
0x3b: {  	_ = 	snop  }
0x3c: {  	p2 =	seq.s32 s10, $0x1;
	s10 =	sld [smem:$0x3FB3]  }
0x3d: {  	_ =	shalt  }
0x3e: {  	_ =	shalt  }
0x3f: {  	_ =	shalt  }
0x40: {  	_ =	shalt  }
0x41: {  	_ =	shalt  }
0x42: {  	_ =	shalt  }
0x43: {  	_ =	shalt  }
0x44: {  	_ =	shalt  }
0x45: {  	_ =	shalt  }
0x46: {  	_ =	shalt  }
0x47: {  	_ =	shalt  }
0x48: {  	_ =	shalt  }
0x49: {  	_ =	shalt  }
0x4a: {  	_ =	shalt  }
0x4b: {  	_ =	shalt  }
0x4c: {  	_ =	shalt  }
0x4d: {  	_ =	shalt  }
0x4e: {  	_ =	shalt  }
0x4f: {  	_ =	shalt  }
0x50: {  	_ =	shalt  }
0x51: {  	_ =	shalt  }
0x52: {  	_ =	shalt  }
0x53: {  	_ =	shalt  }
0x54: {  	_ =	shalt  }
0x55: {  	_ =	shalt  }
0x56: {  	_ =	shalt  }
0x57: {  	_ =	shalt  }
0x58: {  	_ =	shalt  }
0x59: {  	_ =	shalt  }
0x5a: {  	_ =	shalt  }
0x5b: {  	_ =	shalt  }
0x5c: {  	_ =	shalt  }
0x5d: {  	_ =	shalt  }
0x5e: {  	_ =	shalt  }
0x5f: {  	_ =	shalt  }
0x60: {  	_ =	shalt  }
0x61: {  	_ =	shalt  }
0x62: {  	_ =	shalt  }
0x63: {  	_ =	shalt  }
0x64: {  	_ =	shalt  }
0x65: {  	_ =	shalt  }
0x66: {  	_ =	shalt  }
0x67: {  	_ =	shalt  }
0x68: {  	_ =	shalt  }
0x69: {  	_ =	shalt  }
0x6a: {  	_ =	shalt  }
0x6b: {  	_ =	shalt  }
0x6c: {  	_ =	shalt  }
0x6d: {  	_ =	shalt  }
0x6e: {  	_ =	shalt  }
0x6f: {  	_ =	shalt  }
0x70: {  	_ =	shalt  }
0x71: {  	_ =	shalt  }
0x72: {  	_ =	shalt  }
0x73: {  	_ =	shalt  }
0x74: {  	_ =	shalt  }
0x75: {  	_ =	shalt  }
0x76: {  	_ =	shalt  }
0x77: {  	_ =	shalt  }
0x78: {  	_ =	shalt  }
0x79: {  	_ =	shalt  }
0x7a: {  	_ =	shalt  }
0x7b: {  	_ =	shalt  }
0x7c: {  	_ =	shalt  }
0x7d: {  	_ =	shalt  }
0x7e: {  	_ =	shalt  }
0x7f: {  	_ =	shalt  }
0x80: {  	_ =	shalt  }
0x81: {  	_ =	shalt  }
0x82: {  	_ =	shalt  }
0x83: {  	_ =	shalt  }
0x84: {  	_ =	shalt  }
0x85: {  	_ =	shalt  }
0x86: {  	_ =	shalt  }
0x87: {  	_ =	shalt  }
.Lfunc_end0:
.L_simem_size_0:
called_computation.1_lowered:
.L_overlay_start_0:
0x88: {  	s2 =	sld [smem:$0x3FD9]  }
0x89: {  	s3 =	sld [smem:$0x3FFE];
	_ =	sdelay $0x1  }
0x8a: {  	s1 =	srdreg.scid  }
0x8b: {  	s0 =	sand.u32 $0x1, s1  }
0x8c: {  	s17 =	sshll.u32 s0, $0xA;
	s2 =	sadd.s32 s3, s2  }
0x8d: {  	s2 =	sadd.s32 s2, s17  }
0x8e: {  	[smem:$0x3FBF] =	sst s2  }
0x8f: {  	_ = 	snop  }
0x90: {  	s18 =	sld [smem:$0x3FC8];
	(tm) =	ssettm $0x1  }
0x91: {  	s19 =	sld [smem:$0x3FFB];
	_ =	sdelay $0x3  }
0x92: {  	_ =	strace s19  }
0x93: {  	s2 =	sld [smem:$0x3FFC];
	_ =	sdelay $0x3  }
0x94: {  	_ =	strace s2  }
0x95: {  	s2 =	sld [smem:$0x3FFD];
	_ =	sdelay $0x3  }
0x96: {  	_ =	strace s2  }
0x97: {  	_ =	strace $0x8FFFFFFF  }
0x98: {  	s20 =	sld [smem:$0x3FDB];
	_ =	sdelay $0x1  }
0x99: {  	s4 =	simm.s32 $_scs_section_size  }
0x9a: {  	s5 =	simm.s32 $_size__tile_overlayer_lowered;
	s6 =	simm.s32 $_tile_overlayer_lowered  }
0x9b: {  	s7 =	simm.s32 $0x1BFF;
	s21 =	sshll.u32 s6, $0x1;
	s4 =	sadd.s32 s4, s20  }
0x9c: {  	s22 =	simm.s32 $0x0;
	s5 =	sshll.u32 s5, $0x1;
	s6 =	sadd.s32 s21, s4  }
0x9d: {  	[timem:s22], [sflag:s7] =	dma.local [hbm:s6], s5  }
0x9e: {  	_ =	swait.ge [sflag:s7], s5  }
0x9f: {  	s5 =	ssub.s32 $0x0, s5;
	[sflag:s7] =	ssyncset.done $0x0  }
0xa0: {  	[sflag:s7] =	ssyncadd.s32 s5;
	_ =	sdelay $0x1  }
0xa1: {  	s23 =	simm.s32 $0x1B8B  }
0xa2: {  	_ =	swait.ge [sflag:s23], $0x1  }
0xa3: {  	[sflag:s23] =	ssyncset.done $0x0  }
0xa4: {  	[sflag:s23] =	ssyncadd.s32 $0xFFFFFFFF  }
0xa5: {  	s5 =	sld [smem:$0x0]  }
0xa6: {  	s6 =	sand.u32 $0xFFFFFFFE, s1  }
0xa7: {  	p0 =	sne.s32 s1, s6  }
0xa8: {  	s6 =	sshll.u32 @p0 s6, $0xE  }
0xa9: {  	s6 =	sadd.s32 @p0 $0x11B8D, s6;
	s7 =	sshll.u32 @p0 s5, $0x11  }
0xaa: {  	s6 =	sor.u32 @p0 s7, s6  }
0xab: {  	[sflag:s6] =	ssyncadd.remote.s32 @p0 $0x1;
	_ =	sdelay $0x1  }
0xac: {  	s6 =	simm.s32 @p0 $0x1B8D  }
0xad: {  	_ =	swait.eq @p0 [sflag:s6], $0x1  }
0xae: {  	[sflag:s6] =	ssyncadd.s32 @p0 $0xFFFFFFFF  }
0xaf: {  	s7 =	sshll.u32 @!p0 s1, $0xE  }
0xb0: {  	s7 =	sor.u32 @!p0 $0x4000, s7;
	s6 =	simm.s32 @!p0 $0x1B8D  }
0xb1: {  	s5 =	sshll.u32 @!p0 s5, $0x11;
	s7 =	sadd.s32 @!p0 $0x11B8D, s7;
	_ =	swait.eq @!p0 [sflag:s6], $0x1  }
0xb2: {  	s5 =	sor.u32 @!p0 s5, s7;
	[sflag:s6] =	ssyncadd.s32 @!p0 $0xFFFFFFFF  }
0xb3: {  	s25 =	simm.s32 $0x1B8E;
	s24 =	sld [smem:$0x3FFE];
	[sflag:s5] =	ssyncadd.remote.s32 @!p0 $0x1  }
0xb4: {  	s26 =	simm.s32 $execute0_lowered;
	[smem:$0x3FD2] =	sst s25  }
0xb5: {  	s6 =	sshll.u32 s26, $0x1;
	_ =	strace $0x80000049;
	[dreg:$0x1] =	wrdreg $0xFFFFFFFF  }
0xb6: {  	s28 =	simm.s32 $_size_execute0_lowered;
	s4 =	sadd.s32 s4, s6;
	[dreg:$0x0] =	wrdreg $0x0  }
0xb7: {  	s6 =	sshll.u32 s28, $0x1;
	[dreg:$0x2] =	wrdreg s4  }
0xb8: {  	[dreg:$0x3] =	wrdreg s6  }
0xb9: {  	[dreg:$0x4] =	wrdreg $0xC0  }
0xba: {  	_ =	task [dreg:s22], $0x5FFFF  }
0xbb: {  	[dreg:$0x1] =	wrdreg $0xFFFFFFFF  }
0xbc: {  	[dreg:$0x0] =	wrdreg $0x60  }
0xbd: {  	[dreg:$0x2] =	wrdreg s18  }
0xbe: {  	[dreg:$0x3] =	wrdreg s24  }
0xbf: {  	[dreg:$0x4] =	wrdreg $0xA  }
0xc0: {  	_ =	task.clear_ibuf [dreg:s22], $0x5FFFF;
	_ =	strace $0x90000049  }
0xc1: {  	s29 =	simm.s32 $0xA;
	_ =	strace $0x8000004B  }
0xc2: {  	_ =	swait.ge [sflag:s29], $0x1  }
0xc3: {  	[sflag:s29] =	ssyncadd.s32 $0xFFFFFFFF  }
0xc4: {  	_ =	strace $0x9000004B  }
0xc5: {  	_ =	sfence  }
0xc6: {  	s30 =	sld [smem:$0x0];
	_ =	sdelay $0x2  }
0xc7: {  	s31 =	sshll.u32 s1, $0xD;
	s1 =	sshrl.u32 s1, $0x2  }
0xc8: {  	s4 =	sand.u32 $0x4000, s31;
	s1 =	sadd.s32 s1, s30  }
0xc9: {  	s0 =	sor.u32 s4, s0;
	s1 =	sshll.u32 s1, $0x11  }
0xca: {  	s0 =	sor.u32 s1, s0  }
0xcb: {  	s0 =	sadd.s32 $0x8F2B, s0  }
0xcc: {  	[sflag:s0] =	ssyncadd.remote.s32 $0x1  }
0xcd: {  	_ =	sfence.sel $0xFFFF  }
0xce: {  	[dreg:$0x0] =	wrdreg $0xFFFFFFFF;
	(pc) =	sbr.abs _section_cstart, $3  }
0xcf: {  	[dreg:$0x1] =	wrdreg $0xFFFFFFFF  }
0xd0: {  	_ =	task.clear_ibuf [dreg:s22], $0x2FFFF;
	_ =	strace $0x9FFFFFFF  }
0xd1: {  	(tm) =	ssettm $0x7FFFFFFF  }
tec
execute0_lowered:
.L_overlay_start_1:
0x0: {  	(tag) =	ssettag $0x1  }
0x1: {  	s1 =	srdreg.scid;
	s2 =	rddreg [dreg:$0x0]  }
0x2: {  	s0 =	stileid.u32;
	s8 =	rddreg [dreg:$0x1]  }
0x3: {  	s5 =	simm.s32 $0x1;
	s9 =	simm.s32 $0x1;
	s1 =	sshll.u32 s1, $0x5  }
0x4: {  	s10 =	simm.s32 $0x3;
	s3 =	sshll.u32 s0, $0x6;
	s4 =	sand.u32 $0x20, s1  }
0x5: {  	s13 =	simm.s32 $0x0;
	s12 =	simm.s32 $0x0;
	s3 =	sor.u32 s3, s4  }
0x6: {  	s1 =	rddreg [dreg:$0x2];
	_ =	strace $0x8000004A;
	s7 =	ssub.s32 $0x600, s3  }
.Ltmp0:
0x7: {  	s4 =	sadd.s32 $0x3A00, s8;
	s6 =	sand.u32 $0x3E0, s7;
	(pc) =	sbr.rel .LBB2_1-.Ltmp0, $4  }
0x8: {  	[sflag:s5] =	ssyncpa.u1 $0x0;
	s8 =	sadd.s32 $0x3C00, s8;
	p0 =	sne.s32 s6, $0x0  }
0x9: {  	s7 =	sshrl.u32 s7, $0xA;
	s6 =	simm.s32 $0x2;
	s9 =	simm.s32 @!p0 $0x0  }
0xa: {  	s11 =	smov.u32 s3;
	[sflag:s6] =	ssyncpa.u1 $0x0;
	s7 =	sadd.s32 s9, s7  }
0xb: {  	vm0 =	vmmov $0xffff;
	[sflag:s10] =	ssyncpa.u1 $0x0;
	s10 =	simm.s32 $0x0;
	s9 =	sadd.s32 $0x1, s7  }
.LBB2_5:
0xc: {  	s15 =	sadd.s32 $0x400, s11  }
0xd: {  	p1 =	sgt.s32 s15, $0x5FF  }
0xe: {  	s15 =	smov.u32 @p1 s3;
	p1 =	sne.s32 s12, s9  }
.Ltmp1:
0xf: {  	p0 =	slt.u32 s12, $0x2;
	(pc) =	sbr.rel @!p1 .LBB2_6-.Ltmp1, $4  }
0x10: {  	s14 =	simm.s32 @!p0 $0x3  }
0x11: {  	_ =	swait.ge @!p0 [sflag:s14], $0x20  }
0x12: {  	s16 =	sadd.s32 $0x1, s12;
	s13 =	smov.u32 s11;
	[sflag:s14] =	ssyncset.done @!p0 $0x0  }
0x13: {  	s12 =	smov.u32 s16;
	s11 =	smov.u32 s15;
	[sflag:s14] =	ssyncadd.s32 @!p0 $0xFFFFFFE0  }
.LBB2_1:
0x14: {  	p0 =	sge.u32 s12, s7  }
0x15: {  	s14 =	sxor.u32 @!p0 $0xFFFFFFFF, s12  }
0x16: {  	s31 =	sadd.s32 $0xFFFFFFFF, s12;
	s15 =	sshrl.u32 @!p0 s11, $0x3;
	s14 =	sshll.u32 @!p0 s14, $0x5  }
0x17: {  	s16 =	sand.u32 @!p0 $0x7, s11;
	s15 =	sadd.s32 @!p0 s4, s15;
	s14 =	sand.u32 @!p0 $0x20, s14  }
0x18: {  	[tilespmem:s14], [sflag:$0x2] =	stream.linear.gather @!p0 [hbm4b:s15+s16], $0x20, $0x38;
	[tilespmem:$0x80] =	vst v63  }
0x19: {  	p0 =	sge.u32 s31, s7  }
.Ltmp2:
0x1a: {  	_ = 	snop;
	(pc) =	sbr.rel @p0 .LBB2_5-.Ltmp2, $1  }
0x1b: {  	_ =	sdelay $0x3  }
0x1c: {  	_ =	swait.ge [sflag:s6], $0x20;
	s14 =	sshll.u32 s12, $0x5;
	s16 =	simm.s32 $0x0  }
0x1d: {  	p0 =	por $0x1, $0x1;
	[sflag:s6] =	ssyncset.done $0x0;
	s15 =	sand.u32 $0x20, s14  }
0x1e: {  	[sflag:s6] =	ssyncadd.s32 $0xFFFFFFE0;
	(ifvalue) =	ssetifvalue $0x7FFFFFFF;
	s14 =	sor.u32 $0x40, s15  }
.LBB2_3:
0x1f: {  	s17 =	sadd.s32 s16, s15  }
0x20: {  	v0 =	vld.msk [tilespmem:s17+$0x0 ss:$0x1], $0xffff;
	_ =	sdelay $0x4  }
0x21: {  	v1 =	vshrl.u32 v0, $0x11  }
0x22: {  	vm1 =	veq.s32 v0, $0x80000000;
	v1 =	vand.u32 $0x3, v1  }
0x23: {  	v0 =	vand.u32 $0x1FFFF, v0;
	v1 =	vsel vm1, $0xFFFFFFFF, v1  }
0x24: {  	v0 =	vsel vm1, $0xFFFFFFFF, v0;
	v2 =	vshrl.u32 v1, $0x2  }
0x25: {  	v3 =	vshll.u32 v0, $0x2;
	v2 =	vmul.u32 $0x61C00, v2  }
0x26: {  	v3 =	vand.u32 $0xFFFFFE00, v3;
	v1 =	vshll.u32 v1, $0x7  }
0x27: {  	v1 =	vand.u32 $0x180, v1;
	v2 =	vadd.s32 v3, v2  }
0x28: {  	v0 =	vand.u32 $0x7F, v0;
	v1 =	vor.u32 v1, v2  }
0x29: {  	p1 =	por p0, p0;
	v0 =	vor.u32 v0, v1  }
.Ltmp3:
0x2a: {  	_ = 	snop;
	(pc) =	sbr.rel @p1 .LBB2_3-.Ltmp3, $4  }
0x2b: {  	_ = 	snop  }
0x2c: {  	s31 =	sadd.s32 s16, s14  }
0x2d: {  	s16 =	simm.s32 $0x10;
	p0 =	por $0x0, $0x0;
	(ifvalue) =	ssetifvalue $0x7FFFFFFF  }
0x2e: {  	[tilespmem:s31], [sflag:$0x1] =	stream.indirect_vreg.gather [hbm4b:s2+s10], $0x1, v0, vm0, $0x4038;
	[tilespmem:$0x80] =	vst v63  }
.Ltmp4:
0x2f: {  	(pc) =	sbr.rel .LBB2_5-.Ltmp4, $4  }
0x30: {  	_ =	swait.ge [sflag:s5], $0x20  }
0x31: {  	s15 =	sshrl.u32 s13, $0x3;
	[sflag:s5] =	ssyncset.done $0x0  }
0x32: {  	s31 =	sand.u32 $0x7, s13;
	s15 =	sadd.s32 s8, s15;
	[sflag:s5] =	ssyncadd.s32 $0xFFFFFFE0  }
0x33: {  	[hbm4b:s15+s31] =	stream.linear.scatter [tilespmem:s14], [sflag:$0x3], $0x20, $0x38;
	[tilespmem:$0x80] =	vst v63  }
.LBB2_6:
0x34: {  	_ =	sfence.sel $0x180000  }
0x35: {  	s2 =	simm.s32 $0x2;
	[bflag:$0x0] =	sbarrier.arrive $0xFFFF  }
0x36: {  	s30 =	simm.s32 $0x3;
	[sflag:s2] =	ssyncpa.u1 $0x1  }
0x37: {  	s31 =	simm.s32 $0x1;
	[sflag:s30] =	ssyncpa.u1 $0x1  }
0x38: {  	[sflag:s31] =	ssyncpa.u1 $0x1  }
0x39: {  	p0 =	sne.s32 s0, $0x0;
	_ =	strace $0x9000004A  }
0x3a: {  	s0 =	sadd.s32 @!p0 $0x100000, s1;
	[bflag:$0x2] =	sbarrier.arrive $0xFFFF  }
0x3b: {  	[sflag:s0] =	ssyncadd.tile.s32 @!p0 $0x1;
	_ =	shalt  }
.Lfunc_end2:
_tile_overlayer_lowered:
.L_overlay_start_2:
0x3c: {  	(tag) =	ssettag $0x2  }
0x3d: {  	s0 =	rddreg [dreg:$0x0];
	s2 =	stileid.u32  }
0x3e: {  	s1 =	rddreg [dreg:$0x1];
	p0 =	sne.s32 s2, $0x0  }
0x3f: {  	s3 =	rddreg [dreg:$0x2];
	[bflag:$0x3] =	sbarrier.arrive $0xFFFF;
	s2 =	simm.s32 @!p0 $0x1C01  }
0x40: {  	[timem:s3], [sflag:s2] =	dma.local @!p0 [hbm:s0], s1  }
0x41: {  	s0 =	simm.s32 @!p0 $0x1  }
0x42: {  	_ =	swait.ge @!p0 [sflag:s0], s1  }
0x43: {  	s1 =	ssub.s32 @!p0 $0x0, s1;
	[sflag:s0] =	ssyncset.done @!p0 $0x0  }
0x44: {  	[sflag:s0] =	ssyncadd.s32 @!p0 s1  }
0x45: {  	[bflag:$0x3] =	sbarrier.arrive $0xFFFF  }
0x46: {  	_ =	shalt  }

// kernel: gather_offload_async_start.2
scs
__scs_entry_jumppad:
0x0: {  	(pc) =	sbr.rel $0x88, $3  }
0x1: {  	(tag) =	ssettag $0x0;
	lr =	simm.s32 $0x1  }
0x2: {  	[smem:$0x3F98] =	sst lr;
	_ =	strace $0xD0000000  }
0x3: {  	_ = 	snop  }
0x4: {  	_ = 	snop  }
0x5: {  	_ = 	snop  }
0x6: {  	_ = 	snop  }
0x7: {  	_ = 	snop  }
__scs_overlays_trampoline_lowered:
0x8: {  	[smem:$0x3FA7] =	sst s0  }
0x9: {  	[smem:$0x3FA8] =	sst s1  }
0xa: {  	[smem:$0x3FA9] =	sst s2  }
0xb: {  	[smem:$0x3FAA] =	sst s3  }
0xc: {  	[smem:$0x3FAB] =	sst s4  }
0xd: {  	[smem:$0x3FAC] =	sst s5  }
0xe: {  	[smem:$0x3FAD] =	sst s6  }
0xf: {  	[smem:$0x3FAE] =	sst s7  }
0x10: {  	[smem:$0x3FAF] =	sst s8  }
0x11: {  	[smem:$0x3FB0] =	sst s9;
	s0 =	simm.s32 @!p0 $0x0  }
0x12: {  	s1 =	sld [smem:$0x3F96];
	s0 =	simm.s32 @p0 $0x1  }
0x13: {  	[smem:$0x3FB1] =	sst s0;
	s0 =	simm.s32 @!p1 $0x0  }
0x14: {  	s2 =	sld [smem:$0x3F95];
	s0 =	simm.s32 @p1 $0x1  }
0x15: {  	[smem:$0x3FB2] =	sst s0;
	s0 =	simm.s32 @!p2 $0x0  }
0x16: {  	s3 =	sld [smem:$0x3FDB];
	s0 =	simm.s32 @p2 $0x1  }
0x17: {  	s4 =	simm.s32 $0x1BF5;
	[smem:$0x3FB4] =	sst s0  }
0x18: {  	s0 =	sld [smem:$0x3F97];
	_ =	swait.ge [sflag:s4], $0x0  }
0x19: {  	s7 =	sld [smem:$0x3F98]  }
0x1a: {  	s8 =	sadd.s32 $0xFFFFE003, lr  }
0x1b: {  	s9 =	sadd.s32 $0xFFFFFEF7, lr;
	s5 =	simm.s32 $0xFFFFFFFF;
	p2 =	slt.u32 s8, $0xFFFFF086  }
0x1c: {  	p1 =	slt.u32 s9, $0xF7A;
	s5 =	simm.s32 @!p2 $0x0  }
0x1d: {  	s5 =	simm.s32 @p1 $0x1;
	p0 =	seq.s32 s7, s2  }
0x1e: {  	s7 =	smul.u32 @!p0 $0xF7A, s2;
	p2 =	seq.s32 @!p0 s5, $0x0  }
0x1f: {  	s9 =	smul.u32 $0xF7A, s1;
	s8 =	simm.s32 @!p0 $0x1BF5;
	p2 =	por !p2, p0  }
0x20: {  	[sflag:s8] =	ssyncset.s32 @!p0 $0xFFFFF086;
	s6 =	sadd.s32 @!p0 s3, s7;
	s7 =	simm.s32 @!p0 $0x108  }
0x21: {  	s3 =	sadd.s32 s3, s9;
	s6 =	sadd.s32 @!p0 $0x88, s6;
	s7 =	simm.s32 @p2 $0x1082  }
0x22: {  	[simem:s7], [sflag:s8] =	dma.local @!p0 [hbm:s6], $0xF7A  }
0x23: {  	s9 =	sor.u32 $0xD0000000, s2;
	s6 =	simm.s32 $0x108;
	_ =	swait.ge @!p0 [sflag:s8], $0x0  }
0x24: {  	s3 =	sadd.s32 $0x88, s3;
	s6 =	simm.s32 @!p1 $0x1082;
	[sflag:s4] =	ssyncset.s32 $0xFFFFF086  }
0x25: {  	[simem:s6], [sflag:s4] =	dma.local [hbm:s3], $0xF7A  }
0x26: {  	[smem:$0x3F98] =	sst s1;
	(tag) =	ssettag s2;
	_ =	strace s9  }
0x27: {  	s1 =	sld [smem:$0x3FA8]  }
0x28: {  	s2 =	sld [smem:$0x3FA9]  }
0x29: {  	s4 =	sld [smem:$0x3FAB]  }
0x2a: {  	p0 =	seq.s32 s5, $0x0;
	s5 =	sld [smem:$0x3FAC]  }
0x2b: {  	s6 =	sld [smem:$0x3FAD]  }
0x2c: {  	s7 =	sld [smem:$0x3FAE]  }
0x2d: {  	s3 =	simm.s32 $0x108;
	s8 =	sld [smem:$0x3FAF]  }
0x2e: {  	s3 =	simm.s32 @!p0 $0x1082;
	s9 =	sld [smem:$0x3FB0]  }
0x2f: {  	lr =	sadd.s32 s0, s3;
	s0 =	sld [smem:$0x3FA7]  }
0x30: {  	s3 =	sld [smem:$0x3FAA]  }
0x31: {  	[smem:$0x3FB3] =	sst s10  }
0x32: {  	s10 =	sld [smem:$0x3FB1];
	_ =	sdelay $0x3  }
0x33: {  	p0 =	seq.s32 s10, $0x1;
	s10 =	sld [smem:$0x3FB3];
	_ =	sdelay $0x3  }
0x34: {  	[smem:$0x3FB3] =	sst s10  }
0x35: {  	s10 =	sld [smem:$0x3FB2];
	_ =	sdelay $0x3  }
0x36: {  	p1 =	seq.s32 s10, $0x1;
	s10 =	sld [smem:$0x3FB3];
	_ =	sdelay $0x3  }
0x37: {  	[smem:$0x3FB3] =	sst s10  }
0x38: {  	s10 =	sld [smem:$0x3FB4]  }
0x39: {  	_ = 	snop;
	(pc) =	sbr.ind lr, $3  }
0x3a: {  	_ = 	snop  }
0x3b: {  	_ = 	snop  }
0x3c: {  	p2 =	seq.s32 s10, $0x1;
	s10 =	sld [smem:$0x3FB3]  }
0x3d: {  	_ =	shalt  }
0x3e: {  	_ =	shalt  }
0x3f: {  	_ =	shalt  }
0x40: {  	_ =	shalt  }
0x41: {  	_ =	shalt  }
0x42: {  	_ =	shalt  }
0x43: {  	_ =	shalt  }
0x44: {  	_ =	shalt  }
0x45: {  	_ =	shalt  }
0x46: {  	_ =	shalt  }
0x47: {  	_ =	shalt  }
0x48: {  	_ =	shalt  }
0x49: {  	_ =	shalt  }
0x4a: {  	_ =	shalt  }
0x4b: {  	_ =	shalt  }
0x4c: {  	_ =	shalt  }
0x4d: {  	_ =	shalt  }
0x4e: {  	_ =	shalt  }
0x4f: {  	_ =	shalt  }
0x50: {  	_ =	shalt  }
0x51: {  	_ =	shalt  }
0x52: {  	_ =	shalt  }
0x53: {  	_ =	shalt  }
0x54: {  	_ =	shalt  }
0x55: {  	_ =	shalt  }
0x56: {  	_ =	shalt  }
0x57: {  	_ =	shalt  }
0x58: {  	_ =	shalt  }
0x59: {  	_ =	shalt  }
0x5a: {  	_ =	shalt  }
0x5b: {  	_ =	shalt  }
0x5c: {  	_ =	shalt  }
0x5d: {  	_ =	shalt  }
0x5e: {  	_ =	shalt  }
0x5f: {  	_ =	shalt  }
0x60: {  	_ =	shalt  }
0x61: {  	_ =	shalt  }
0x62: {  	_ =	shalt  }
0x63: {  	_ =	shalt  }
0x64: {  	_ =	shalt  }
0x65: {  	_ =	shalt  }
0x66: {  	_ =	shalt  }
0x67: {  	_ =	shalt  }
0x68: {  	_ =	shalt  }
0x69: {  	_ =	shalt  }
0x6a: {  	_ =	shalt  }
0x6b: {  	_ =	shalt  }
0x6c: {  	_ =	shalt  }
0x6d: {  	_ =	shalt  }
0x6e: {  	_ =	shalt  }
0x6f: {  	_ =	shalt  }
0x70: {  	_ =	shalt  }
0x71: {  	_ =	shalt  }
0x72: {  	_ =	shalt  }
0x73: {  	_ =	shalt  }
0x74: {  	_ =	shalt  }
0x75: {  	_ =	shalt  }
0x76: {  	_ =	shalt  }
0x77: {  	_ =	shalt  }
0x78: {  	_ =	shalt  }
0x79: {  	_ =	shalt  }
0x7a: {  	_ =	shalt  }
0x7b: {  	_ =	shalt  }
0x7c: {  	_ =	shalt  }
0x7d: {  	_ =	shalt  }
0x7e: {  	_ =	shalt  }
0x7f: {  	_ =	shalt  }
0x80: {  	_ =	shalt  }
0x81: {  	_ =	shalt  }
0x82: {  	_ =	shalt  }
0x83: {  	_ =	shalt  }
0x84: {  	_ =	shalt  }
0x85: {  	_ =	shalt  }
0x86: {  	_ =	shalt  }
0x87: {  	_ =	shalt  }
.Lfunc_end0:
.L_simem_size_0:
called_computation.2_lowered:
.L_overlay_start_0:
0x88: {  	s2 =	sld [smem:$0x3FD9]  }
0x89: {  	s3 =	sld [smem:$0x3FFE];
	_ =	sdelay $0x1  }
0x8a: {  	s1 =	srdreg.scid  }
0x8b: {  	s0 =	sand.u32 $0x1, s1  }
0x8c: {  	s17 =	sshll.u32 s0, $0xA;
	s2 =	sadd.s32 s3, s2  }
0x8d: {  	s2 =	sadd.s32 s2, s17  }
0x8e: {  	[smem:$0x3FBF] =	sst s2  }
0x8f: {  	_ = 	snop  }
0x90: {  	s18 =	sld [smem:$0x3FC7];
	(tm) =	ssettm $0x1  }
0x91: {  	s19 =	sld [smem:$0x3FFB];
	_ =	sdelay $0x3  }
0x92: {  	_ =	strace s19  }
0x93: {  	s2 =	sld [smem:$0x3FFC];
	_ =	sdelay $0x3  }
0x94: {  	_ =	strace s2  }
0x95: {  	s2 =	sld [smem:$0x3FFD];
	_ =	sdelay $0x3  }
0x96: {  	_ =	strace s2  }
0x97: {  	_ =	strace $0x8FFFFFFF  }
0x98: {  	s20 =	sld [smem:$0x3FDB];
	_ =	sdelay $0x1  }
0x99: {  	s4 =	simm.s32 $_scs_section_size  }
0x9a: {  	s5 =	simm.s32 $_size__tile_overlayer_lowered;
	s6 =	simm.s32 $_tile_overlayer_lowered  }
0x9b: {  	s7 =	simm.s32 $0x1BFF;
	s21 =	sshll.u32 s6, $0x1;
	s4 =	sadd.s32 s4, s20  }
0x9c: {  	s22 =	simm.s32 $0x0;
	s5 =	sshll.u32 s5, $0x1;
	s6 =	sadd.s32 s21, s4  }
0x9d: {  	[timem:s22], [sflag:s7] =	dma.local [hbm:s6], s5  }
0x9e: {  	_ =	swait.ge [sflag:s7], s5  }
0x9f: {  	s5 =	ssub.s32 $0x0, s5;
	[sflag:s7] =	ssyncset.done $0x0  }
0xa0: {  	[sflag:s7] =	ssyncadd.s32 s5;
	_ =	sdelay $0x1  }
0xa1: {  	s23 =	simm.s32 $0x1B8B  }
0xa2: {  	_ =	swait.ge [sflag:s23], $0x1  }
0xa3: {  	[sflag:s23] =	ssyncset.done $0x0  }
0xa4: {  	[sflag:s23] =	ssyncadd.s32 $0xFFFFFFFF  }
0xa5: {  	s5 =	sld [smem:$0x0]  }
0xa6: {  	s6 =	sand.u32 $0xFFFFFFFE, s1  }
0xa7: {  	p0 =	sne.s32 s1, s6  }
0xa8: {  	s6 =	sshll.u32 @p0 s6, $0xE  }
0xa9: {  	s6 =	sadd.s32 @p0 $0x11B8D, s6;
	s7 =	sshll.u32 @p0 s5, $0x11  }
0xaa: {  	s6 =	sor.u32 @p0 s7, s6  }
0xab: {  	[sflag:s6] =	ssyncadd.remote.s32 @p0 $0x1;
	_ =	sdelay $0x1  }
0xac: {  	s6 =	simm.s32 @p0 $0x1B8D  }
0xad: {  	_ =	swait.eq @p0 [sflag:s6], $0x1  }
0xae: {  	[sflag:s6] =	ssyncadd.s32 @p0 $0xFFFFFFFF  }
0xaf: {  	s7 =	sshll.u32 @!p0 s1, $0xE  }
0xb0: {  	s7 =	sor.u32 @!p0 $0x4000, s7;
	s6 =	simm.s32 @!p0 $0x1B8D  }
0xb1: {  	s5 =	sshll.u32 @!p0 s5, $0x11;
	s7 =	sadd.s32 @!p0 $0x11B8D, s7;
	_ =	swait.eq @!p0 [sflag:s6], $0x1  }
0xb2: {  	s5 =	sor.u32 @!p0 s5, s7;
	[sflag:s6] =	ssyncadd.s32 @!p0 $0xFFFFFFFF  }
0xb3: {  	s25 =	simm.s32 $0x1B8E;
	s24 =	sld [smem:$0x3FFE];
	[sflag:s5] =	ssyncadd.remote.s32 @!p0 $0x1  }
0xb4: {  	s26 =	simm.s32 $execute0_lowered;
	[smem:$0x3FD2] =	sst s25  }
0xb5: {  	s6 =	sshll.u32 s26, $0x1;
	_ =	strace $0x8000004C;
	[dreg:$0x1] =	wrdreg $0xFFFFFFFF  }
0xb6: {  	s28 =	simm.s32 $_size_execute0_lowered;
	s4 =	sadd.s32 s4, s6;
	[dreg:$0x0] =	wrdreg $0x0  }
0xb7: {  	s6 =	sshll.u32 s28, $0x1;
	[dreg:$0x2] =	wrdreg s4  }
0xb8: {  	[dreg:$0x3] =	wrdreg s6  }
0xb9: {  	[dreg:$0x4] =	wrdreg $0xC0  }
0xba: {  	_ =	task [dreg:s22], $0x5FFFF  }
0xbb: {  	[dreg:$0x1] =	wrdreg $0xFFFFFFFF  }
0xbc: {  	[dreg:$0x0] =	wrdreg $0x60  }
0xbd: {  	[dreg:$0x2] =	wrdreg s18  }
0xbe: {  	[dreg:$0x3] =	wrdreg s24  }
0xbf: {  	[dreg:$0x4] =	wrdreg $0xB  }
0xc0: {  	_ =	task.clear_ibuf [dreg:s22], $0x5FFFF;
	_ =	strace $0x9000004C  }
0xc1: {  	s29 =	simm.s32 $0xB;
	_ =	strace $0x8000004E  }
0xc2: {  	_ =	swait.ge [sflag:s29], $0x1  }
0xc3: {  	[sflag:s29] =	ssyncadd.s32 $0xFFFFFFFF  }
0xc4: {  	_ =	strace $0x9000004E  }
0xc5: {  	_ =	sfence  }
0xc6: {  	s30 =	sld [smem:$0x0];
	_ =	sdelay $0x2  }
0xc7: {  	s31 =	sshll.u32 s1, $0xD;
	s1 =	sshrl.u32 s1, $0x2  }
0xc8: {  	s4 =	sand.u32 $0x4000, s31;
	s1 =	sadd.s32 s1, s30  }
0xc9: {  	s0 =	sor.u32 s4, s0;
	s1 =	sshll.u32 s1, $0x11  }
0xca: {  	s0 =	sor.u32 s1, s0  }
0xcb: {  	s0 =	sadd.s32 $0x8F2B, s0  }
0xcc: {  	[sflag:s0] =	ssyncadd.remote.s32 $0x1  }
0xcd: {  	_ =	sfence.sel $0xFFFF  }
0xce: {  	[dreg:$0x0] =	wrdreg $0xFFFFFFFF;
	(pc) =	sbr.abs _section_cstart, $3  }
0xcf: {  	[dreg:$0x1] =	wrdreg $0xFFFFFFFF  }
0xd0: {  	_ =	task.clear_ibuf [dreg:s22], $0x2FFFF;
	_ =	strace $0x9FFFFFFF  }
0xd1: {  	(tm) =	ssettm $0x7FFFFFFF  }
tec
execute0_lowered:
.L_overlay_start_1:
0x0: {  	(tag) =	ssettag $0x1  }
0x1: {  	s1 =	srdreg.scid;
	s2 =	rddreg [dreg:$0x0]  }
0x2: {  	s0 =	stileid.u32;
	s8 =	rddreg [dreg:$0x1]  }
0x3: {  	s5 =	simm.s32 $0x1;
	s9 =	simm.s32 $0x1;
	s1 =	sshll.u32 s1, $0x5  }
0x4: {  	s10 =	simm.s32 $0x3;
	s3 =	sshll.u32 s0, $0x6;
	s4 =	sand.u32 $0x20, s1  }
0x5: {  	s13 =	simm.s32 $0x0;
	s12 =	simm.s32 $0x0;
	s3 =	sor.u32 s3, s4  }
0x6: {  	s1 =	rddreg [dreg:$0x2];
	_ =	strace $0x8000004D;
	s7 =	ssub.s32 $0x600, s3  }
.Ltmp0:
0x7: {  	s4 =	sadd.s32 $0x3E00, s8;
	s6 =	sand.u32 $0x3E0, s7;
	(pc) =	sbr.rel .LBB2_1-.Ltmp0, $4  }
0x8: {  	[sflag:s5] =	ssyncpa.u1 $0x0;
	s8 =	sadd.s32 $0x4000, s8;
	p0 =	sne.s32 s6, $0x0  }
0x9: {  	s7 =	sshrl.u32 s7, $0xA;
	s6 =	simm.s32 $0x2;
	s9 =	simm.s32 @!p0 $0x0  }
0xa: {  	s11 =	smov.u32 s3;
	[sflag:s6] =	ssyncpa.u1 $0x0;
	s7 =	sadd.s32 s9, s7  }
0xb: {  	vm0 =	vmmov $0xffff;
	[sflag:s10] =	ssyncpa.u1 $0x0;
	s10 =	simm.s32 $0x0;
	s9 =	sadd.s32 $0x1, s7  }
.LBB2_5:
0xc: {  	s15 =	sadd.s32 $0x400, s11  }
0xd: {  	p1 =	sgt.s32 s15, $0x5FF  }
0xe: {  	s15 =	smov.u32 @p1 s3;
	p1 =	sne.s32 s12, s9  }
.Ltmp1:
0xf: {  	p0 =	slt.u32 s12, $0x2;
	(pc) =	sbr.rel @!p1 .LBB2_6-.Ltmp1, $4  }
0x10: {  	s14 =	simm.s32 @!p0 $0x3  }
0x11: {  	_ =	swait.ge @!p0 [sflag:s14], $0x20  }
0x12: {  	s16 =	sadd.s32 $0x1, s12;
	s13 =	smov.u32 s11;
	[sflag:s14] =	ssyncset.done @!p0 $0x0  }
0x13: {  	s12 =	smov.u32 s16;
	s11 =	smov.u32 s15;
	[sflag:s14] =	ssyncadd.s32 @!p0 $0xFFFFFFE0  }
.LBB2_1:
0x14: {  	p0 =	sge.u32 s12, s7  }
0x15: {  	s14 =	sxor.u32 @!p0 $0xFFFFFFFF, s12  }
0x16: {  	s31 =	sadd.s32 $0xFFFFFFFF, s12;
	s15 =	sshrl.u32 @!p0 s11, $0x3;
	s14 =	sshll.u32 @!p0 s14, $0x5  }
0x17: {  	s16 =	sand.u32 @!p0 $0x7, s11;
	s15 =	sadd.s32 @!p0 s4, s15;
	s14 =	sand.u32 @!p0 $0x20, s14  }
0x18: {  	[tilespmem:s14], [sflag:$0x2] =	stream.linear.gather @!p0 [hbm4b:s15+s16], $0x20, $0x38;
	[tilespmem:$0x80] =	vst v63  }
0x19: {  	p0 =	sge.u32 s31, s7  }
.Ltmp2:
0x1a: {  	_ = 	snop;
	(pc) =	sbr.rel @p0 .LBB2_5-.Ltmp2, $1  }
0x1b: {  	_ =	sdelay $0x3  }
0x1c: {  	_ =	swait.ge [sflag:s6], $0x20;
	s14 =	sshll.u32 s12, $0x5;
	s16 =	simm.s32 $0x0  }
0x1d: {  	p0 =	por $0x1, $0x1;
	[sflag:s6] =	ssyncset.done $0x0;
	s15 =	sand.u32 $0x20, s14  }
0x1e: {  	[sflag:s6] =	ssyncadd.s32 $0xFFFFFFE0;
	(ifvalue) =	ssetifvalue $0x7FFFFFFF;
	s14 =	sor.u32 $0x40, s15  }
.LBB2_3:
0x1f: {  	s17 =	sadd.s32 s16, s15  }
0x20: {  	v0 =	vld.msk [tilespmem:s17+$0x0 ss:$0x1], $0xffff;
	_ =	sdelay $0x4  }
0x21: {  	v1 =	vshrl.u32 v0, $0x11  }
0x22: {  	vm1 =	veq.s32 v0, $0x80000000;
	v1 =	vand.u32 $0x3, v1  }
0x23: {  	v0 =	vand.u32 $0x1FFFF, v0;
	v1 =	vsel vm1, $0xFFFFFFFF, v1  }
0x24: {  	v0 =	vsel vm1, $0xFFFFFFFF, v0;
	v2 =	vshrl.u32 v1, $0x2  }
0x25: {  	v3 =	vshll.u32 v0, $0x2;
	v2 =	vmul.u32 $0x61C00, v2  }
0x26: {  	v3 =	vand.u32 $0xFFFFFE00, v3;
	v1 =	vshll.u32 v1, $0x7  }
0x27: {  	v1 =	vand.u32 $0x180, v1;
	v2 =	vadd.s32 v3, v2  }
0x28: {  	v0 =	vand.u32 $0x7F, v0;
	v1 =	vor.u32 v1, v2  }
0x29: {  	p1 =	por p0, p0;
	v0 =	vor.u32 v0, v1  }
.Ltmp3:
0x2a: {  	_ = 	snop;
	(pc) =	sbr.rel @p1 .LBB2_3-.Ltmp3, $4  }
0x2b: {  	_ = 	snop  }
0x2c: {  	s31 =	sadd.s32 s16, s14  }
0x2d: {  	s16 =	simm.s32 $0x10;
	p0 =	por $0x0, $0x0;
	(ifvalue) =	ssetifvalue $0x7FFFFFFF  }
0x2e: {  	[tilespmem:s31], [sflag:$0x1] =	stream.indirect_vreg.gather [hbm4b:s2+s10], $0x1, v0, vm0, $0x4038;
	[tilespmem:$0x80] =	vst v63  }
.Ltmp4:
0x2f: {  	(pc) =	sbr.rel .LBB2_5-.Ltmp4, $4  }
0x30: {  	_ =	swait.ge [sflag:s5], $0x20  }
0x31: {  	s15 =	sshrl.u32 s13, $0x3;
	[sflag:s5] =	ssyncset.done $0x0  }
0x32: {  	s31 =	sand.u32 $0x7, s13;
	s15 =	sadd.s32 s8, s15;
	[sflag:s5] =	ssyncadd.s32 $0xFFFFFFE0  }
0x33: {  	[hbm4b:s15+s31] =	stream.linear.scatter [tilespmem:s14], [sflag:$0x3], $0x20, $0x38;
	[tilespmem:$0x80] =	vst v63  }
.LBB2_6:
0x34: {  	_ =	sfence.sel $0x180000  }
0x35: {  	s2 =	simm.s32 $0x2;
	[bflag:$0x0] =	sbarrier.arrive $0xFFFF  }
0x36: {  	s30 =	simm.s32 $0x3;
	[sflag:s2] =	ssyncpa.u1 $0x1  }
0x37: {  	s31 =	simm.s32 $0x1;
	[sflag:s30] =	ssyncpa.u1 $0x1  }
0x38: {  	[sflag:s31] =	ssyncpa.u1 $0x1  }
0x39: {  	p0 =	sne.s32 s0, $0x0;
	_ =	strace $0x9000004D  }
0x3a: {  	s0 =	sadd.s32 @!p0 $0x100000, s1;
	[bflag:$0x2] =	sbarrier.arrive $0xFFFF  }
0x3b: {  	[sflag:s0] =	ssyncadd.tile.s32 @!p0 $0x1;
	_ =	shalt  }
.Lfunc_end2:
_tile_overlayer_lowered:
.L_overlay_start_2:
0x3c: {  	(tag) =	ssettag $0x2  }
0x3d: {  	s0 =	rddreg [dreg:$0x0];
	s2 =	stileid.u32  }
0x3e: {  	s1 =	rddreg [dreg:$0x1];
	p0 =	sne.s32 s2, $0x0  }
0x3f: {  	s3 =	rddreg [dreg:$0x2];
	[bflag:$0x3] =	sbarrier.arrive $0xFFFF;
	s2 =	simm.s32 @!p0 $0x1C01  }
0x40: {  	[timem:s3], [sflag:s2] =	dma.local @!p0 [hbm:s0], s1  }
0x41: {  	s0 =	simm.s32 @!p0 $0x1  }
0x42: {  	_ =	swait.ge @!p0 [sflag:s0], s1  }
0x43: {  	s1 =	ssub.s32 @!p0 $0x0, s1;
	[sflag:s0] =	ssyncset.done @!p0 $0x0  }
0x44: {  	[sflag:s0] =	ssyncadd.s32 @!p0 s1  }
0x45: {  	[bflag:$0x3] =	sbarrier.arrive $0xFFFF  }
0x46: {  	_ =	shalt  }

// kernel: gather_offload_async_start.3
scs
__scs_entry_jumppad:
0x0: {  	(pc) =	sbr.rel $0x88, $3  }
0x1: {  	(tag) =	ssettag $0x0;
	lr =	simm.s32 $0x1  }
0x2: {  	[smem:$0x3F98] =	sst lr;
	_ =	strace $0xD0000000  }
0x3: {  	_ = 	snop  }
0x4: {  	_ = 	snop  }
0x5: {  	_ = 	snop  }
0x6: {  	_ = 	snop  }
0x7: {  	_ = 	snop  }
__scs_overlays_trampoline_lowered:
0x8: {  	[smem:$0x3FA7] =	sst s0  }
0x9: {  	[smem:$0x3FA8] =	sst s1  }
0xa: {  	[smem:$0x3FA9] =	sst s2  }
0xb: {  	[smem:$0x3FAA] =	sst s3  }
0xc: {  	[smem:$0x3FAB] =	sst s4  }
0xd: {  	[smem:$0x3FAC] =	sst s5  }
0xe: {  	[smem:$0x3FAD] =	sst s6  }
0xf: {  	[smem:$0x3FAE] =	sst s7  }
0x10: {  	[smem:$0x3FAF] =	sst s8  }
0x11: {  	[smem:$0x3FB0] =	sst s9;
	s0 =	simm.s32 @!p0 $0x0  }
0x12: {  	s1 =	sld [smem:$0x3F96];
	s0 =	simm.s32 @p0 $0x1  }
0x13: {  	[smem:$0x3FB1] =	sst s0;
	s0 =	simm.s32 @!p1 $0x0  }
0x14: {  	s2 =	sld [smem:$0x3F95];
	s0 =	simm.s32 @p1 $0x1  }
0x15: {  	[smem:$0x3FB2] =	sst s0;
	s0 =	simm.s32 @!p2 $0x0  }
0x16: {  	s3 =	sld [smem:$0x3FDB];
	s0 =	simm.s32 @p2 $0x1  }
0x17: {  	s4 =	simm.s32 $0x1BF5;
	[smem:$0x3FB4] =	sst s0  }
0x18: {  	s0 =	sld [smem:$0x3F97];
	_ =	swait.ge [sflag:s4], $0x0  }
0x19: {  	s7 =	sld [smem:$0x3F98]  }
0x1a: {  	s8 =	sadd.s32 $0xFFFFE003, lr  }
0x1b: {  	s9 =	sadd.s32 $0xFFFFFEF7, lr;
	s5 =	simm.s32 $0xFFFFFFFF;
	p2 =	slt.u32 s8, $0xFFFFF086  }
0x1c: {  	p1 =	slt.u32 s9, $0xF7A;
	s5 =	simm.s32 @!p2 $0x0  }
0x1d: {  	s5 =	simm.s32 @p1 $0x1;
	p0 =	seq.s32 s7, s2  }
0x1e: {  	s7 =	smul.u32 @!p0 $0xF7A, s2;
	p2 =	seq.s32 @!p0 s5, $0x0  }
0x1f: {  	s9 =	smul.u32 $0xF7A, s1;
	s8 =	simm.s32 @!p0 $0x1BF5;
	p2 =	por !p2, p0  }
0x20: {  	[sflag:s8] =	ssyncset.s32 @!p0 $0xFFFFF086;
	s6 =	sadd.s32 @!p0 s3, s7;
	s7 =	simm.s32 @!p0 $0x108  }
0x21: {  	s3 =	sadd.s32 s3, s9;
	s6 =	sadd.s32 @!p0 $0x88, s6;
	s7 =	simm.s32 @p2 $0x1082  }
0x22: {  	[simem:s7], [sflag:s8] =	dma.local @!p0 [hbm:s6], $0xF7A  }
0x23: {  	s9 =	sor.u32 $0xD0000000, s2;
	s6 =	simm.s32 $0x108;
	_ =	swait.ge @!p0 [sflag:s8], $0x0  }
0x24: {  	s3 =	sadd.s32 $0x88, s3;
	s6 =	simm.s32 @!p1 $0x1082;
	[sflag:s4] =	ssyncset.s32 $0xFFFFF086  }
0x25: {  	[simem:s6], [sflag:s4] =	dma.local [hbm:s3], $0xF7A  }
0x26: {  	[smem:$0x3F98] =	sst s1;
	(tag) =	ssettag s2;
	_ =	strace s9  }
0x27: {  	s1 =	sld [smem:$0x3FA8]  }
0x28: {  	s2 =	sld [smem:$0x3FA9]  }
0x29: {  	s4 =	sld [smem:$0x3FAB]  }
0x2a: {  	p0 =	seq.s32 s5, $0x0;
	s5 =	sld [smem:$0x3FAC]  }
0x2b: {  	s6 =	sld [smem:$0x3FAD]  }
0x2c: {  	s7 =	sld [smem:$0x3FAE]  }
0x2d: {  	s3 =	simm.s32 $0x108;
	s8 =	sld [smem:$0x3FAF]  }
0x2e: {  	s3 =	simm.s32 @!p0 $0x1082;
	s9 =	sld [smem:$0x3FB0]  }
0x2f: {  	lr =	sadd.s32 s0, s3;
	s0 =	sld [smem:$0x3FA7]  }
0x30: {  	s3 =	sld [smem:$0x3FAA]  }
0x31: {  	[smem:$0x3FB3] =	sst s10  }
0x32: {  	s10 =	sld [smem:$0x3FB1];
	_ =	sdelay $0x3  }
0x33: {  	p0 =	seq.s32 s10, $0x1;
	s10 =	sld [smem:$0x3FB3];
	_ =	sdelay $0x3  }
0x34: {  	[smem:$0x3FB3] =	sst s10  }
0x35: {  	s10 =	sld [smem:$0x3FB2];
	_ =	sdelay $0x3  }
0x36: {  	p1 =	seq.s32 s10, $0x1;
	s10 =	sld [smem:$0x3FB3];
	_ =	sdelay $0x3  }
0x37: {  	[smem:$0x3FB3] =	sst s10  }
0x38: {  	s10 =	sld [smem:$0x3FB4]  }
0x39: {  	_ = 	snop;
	(pc) =	sbr.ind lr, $3  }
0x3a: {  	_ = 	snop  }
0x3b: {  	_ = 	snop  }
0x3c: {  	p2 =	seq.s32 s10, $0x1;
	s10 =	sld [smem:$0x3FB3]  }
0x3d: {  	_ =	shalt  }
0x3e: {  	_ =	shalt  }
0x3f: {  	_ =	shalt  }
0x40: {  	_ =	shalt  }
0x41: {  	_ =	shalt  }
0x42: {  	_ =	shalt  }
0x43: {  	_ =	shalt  }
0x44: {  	_ =	shalt  }
0x45: {  	_ =	shalt  }
0x46: {  	_ =	shalt  }
0x47: {  	_ =	shalt  }
0x48: {  	_ =	shalt  }
0x49: {  	_ =	shalt  }
0x4a: {  	_ =	shalt  }
0x4b: {  	_ =	shalt  }
0x4c: {  	_ =	shalt  }
0x4d: {  	_ =	shalt  }
0x4e: {  	_ =	shalt  }
0x4f: {  	_ =	shalt  }
0x50: {  	_ =	shalt  }
0x51: {  	_ =	shalt  }
0x52: {  	_ =	shalt  }
0x53: {  	_ =	shalt  }
0x54: {  	_ =	shalt  }
0x55: {  	_ =	shalt  }
0x56: {  	_ =	shalt  }
0x57: {  	_ =	shalt  }
0x58: {  	_ =	shalt  }
0x59: {  	_ =	shalt  }
0x5a: {  	_ =	shalt  }
0x5b: {  	_ =	shalt  }
0x5c: {  	_ =	shalt  }
0x5d: {  	_ =	shalt  }
0x5e: {  	_ =	shalt  }
0x5f: {  	_ =	shalt  }
0x60: {  	_ =	shalt  }
0x61: {  	_ =	shalt  }
0x62: {  	_ =	shalt  }
0x63: {  	_ =	shalt  }
0x64: {  	_ =	shalt  }
0x65: {  	_ =	shalt  }
0x66: {  	_ =	shalt  }
0x67: {  	_ =	shalt  }
0x68: {  	_ =	shalt  }
0x69: {  	_ =	shalt  }
0x6a: {  	_ =	shalt  }
0x6b: {  	_ =	shalt  }
0x6c: {  	_ =	shalt  }
0x6d: {  	_ =	shalt  }
0x6e: {  	_ =	shalt  }
0x6f: {  	_ =	shalt  }
0x70: {  	_ =	shalt  }
0x71: {  	_ =	shalt  }
0x72: {  	_ =	shalt  }
0x73: {  	_ =	shalt  }
0x74: {  	_ =	shalt  }
0x75: {  	_ =	shalt  }
0x76: {  	_ =	shalt  }
0x77: {  	_ =	shalt  }
0x78: {  	_ =	shalt  }
0x79: {  	_ =	shalt  }
0x7a: {  	_ =	shalt  }
0x7b: {  	_ =	shalt  }
0x7c: {  	_ =	shalt  }
0x7d: {  	_ =	shalt  }
0x7e: {  	_ =	shalt  }
0x7f: {  	_ =	shalt  }
0x80: {  	_ =	shalt  }
0x81: {  	_ =	shalt  }
0x82: {  	_ =	shalt  }
0x83: {  	_ =	shalt  }
0x84: {  	_ =	shalt  }
0x85: {  	_ =	shalt  }
0x86: {  	_ =	shalt  }
0x87: {  	_ =	shalt  }
.Lfunc_end0:
.L_simem_size_0:
called_computation.3_lowered:
.L_overlay_start_0:
0x88: {  	s2 =	sld [smem:$0x3FD9]  }
0x89: {  	s3 =	sld [smem:$0x3FFE];
	_ =	sdelay $0x1  }
0x8a: {  	s1 =	srdreg.scid  }
0x8b: {  	s0 =	sand.u32 $0x1, s1  }
0x8c: {  	s17 =	sshll.u32 s0, $0xA;
	s2 =	sadd.s32 s3, s2  }
0x8d: {  	s2 =	sadd.s32 s2, s17  }
0x8e: {  	[smem:$0x3FBF] =	sst s2  }
0x8f: {  	_ = 	snop  }
0x90: {  	s18 =	sld [smem:$0x3FC6];
	(tm) =	ssettm $0x1  }
0x91: {  	s19 =	sld [smem:$0x3FFB];
	_ =	sdelay $0x3  }
0x92: {  	_ =	strace s19  }
0x93: {  	s2 =	sld [smem:$0x3FFC];
	_ =	sdelay $0x3  }
0x94: {  	_ =	strace s2  }
0x95: {  	s2 =	sld [smem:$0x3FFD];
	_ =	sdelay $0x3  }
0x96: {  	_ =	strace s2  }
0x97: {  	_ =	strace $0x8FFFFFFF  }
0x98: {  	s20 =	sld [smem:$0x3FDB];
	_ =	sdelay $0x1  }
0x99: {  	s4 =	simm.s32 $_scs_section_size  }
0x9a: {  	s5 =	simm.s32 $_size__tile_overlayer_lowered;
	s6 =	simm.s32 $_tile_overlayer_lowered  }
0x9b: {  	s7 =	simm.s32 $0x1BFF;
	s21 =	sshll.u32 s6, $0x1;
	s4 =	sadd.s32 s4, s20  }
0x9c: {  	s22 =	simm.s32 $0x0;
	s5 =	sshll.u32 s5, $0x1;
	s6 =	sadd.s32 s21, s4  }
0x9d: {  	[timem:s22], [sflag:s7] =	dma.local [hbm:s6], s5  }
0x9e: {  	_ =	swait.ge [sflag:s7], s5  }
0x9f: {  	s5 =	ssub.s32 $0x0, s5;
	[sflag:s7] =	ssyncset.done $0x0  }
0xa0: {  	[sflag:s7] =	ssyncadd.s32 s5;
	_ =	sdelay $0x1  }
0xa1: {  	s23 =	simm.s32 $0x1B8B  }
0xa2: {  	_ =	swait.ge [sflag:s23], $0x1  }
0xa3: {  	[sflag:s23] =	ssyncset.done $0x0  }
0xa4: {  	[sflag:s23] =	ssyncadd.s32 $0xFFFFFFFF  }
0xa5: {  	s5 =	sld [smem:$0x0]  }
0xa6: {  	s6 =	sand.u32 $0xFFFFFFFE, s1  }
0xa7: {  	p0 =	sne.s32 s1, s6  }
0xa8: {  	s6 =	sshll.u32 @p0 s6, $0xE  }
0xa9: {  	s6 =	sadd.s32 @p0 $0x11B8D, s6;
	s7 =	sshll.u32 @p0 s5, $0x11  }
0xaa: {  	s6 =	sor.u32 @p0 s7, s6  }
0xab: {  	[sflag:s6] =	ssyncadd.remote.s32 @p0 $0x1;
	_ =	sdelay $0x1  }
0xac: {  	s6 =	simm.s32 @p0 $0x1B8D  }
0xad: {  	_ =	swait.eq @p0 [sflag:s6], $0x1  }
0xae: {  	[sflag:s6] =	ssyncadd.s32 @p0 $0xFFFFFFFF  }
0xaf: {  	s7 =	sshll.u32 @!p0 s1, $0xE  }
0xb0: {  	s7 =	sor.u32 @!p0 $0x4000, s7;
	s6 =	simm.s32 @!p0 $0x1B8D  }
0xb1: {  	s5 =	sshll.u32 @!p0 s5, $0x11;
	s7 =	sadd.s32 @!p0 $0x11B8D, s7;
	_ =	swait.eq @!p0 [sflag:s6], $0x1  }
0xb2: {  	s5 =	sor.u32 @!p0 s5, s7;
	[sflag:s6] =	ssyncadd.s32 @!p0 $0xFFFFFFFF  }
0xb3: {  	s25 =	simm.s32 $0x1B8E;
	s24 =	sld [smem:$0x3FFE];
	[sflag:s5] =	ssyncadd.remote.s32 @!p0 $0x1  }
0xb4: {  	s26 =	simm.s32 $execute0_lowered;
	[smem:$0x3FD2] =	sst s25  }
0xb5: {  	s6 =	sshll.u32 s26, $0x1;
	_ =	strace $0x8000004F;
	[dreg:$0x1] =	wrdreg $0xFFFFFFFF  }
0xb6: {  	s28 =	simm.s32 $_size_execute0_lowered;
	s4 =	sadd.s32 s4, s6;
	[dreg:$0x0] =	wrdreg $0x0  }
0xb7: {  	s6 =	sshll.u32 s28, $0x1;
	[dreg:$0x2] =	wrdreg s4  }
0xb8: {  	[dreg:$0x3] =	wrdreg s6  }
0xb9: {  	[dreg:$0x4] =	wrdreg $0xC0  }
0xba: {  	_ =	task [dreg:s22], $0x5FFFF  }
0xbb: {  	[dreg:$0x1] =	wrdreg $0xFFFFFFFF  }
0xbc: {  	[dreg:$0x0] =	wrdreg $0x60  }
0xbd: {  	[dreg:$0x2] =	wrdreg s18  }
0xbe: {  	[dreg:$0x3] =	wrdreg s24  }
0xbf: {  	[dreg:$0x4] =	wrdreg $0xC  }
0xc0: {  	_ =	task.clear_ibuf [dreg:s22], $0x5FFFF;
	_ =	strace $0x9000004F  }
0xc1: {  	s29 =	simm.s32 $0xC;
	_ =	strace $0x80000051  }
0xc2: {  	_ =	swait.ge [sflag:s29], $0x1  }
0xc3: {  	[sflag:s29] =	ssyncadd.s32 $0xFFFFFFFF  }
0xc4: {  	_ =	strace $0x90000051  }
0xc5: {  	_ =	sfence  }
0xc6: {  	s30 =	sld [smem:$0x0];
	_ =	sdelay $0x2  }
0xc7: {  	s31 =	sshll.u32 s1, $0xD;
	s1 =	sshrl.u32 s1, $0x2  }
0xc8: {  	s4 =	sand.u32 $0x4000, s31;
	s1 =	sadd.s32 s1, s30  }
0xc9: {  	s0 =	sor.u32 s4, s0;
	s1 =	sshll.u32 s1, $0x11  }
0xca: {  	s0 =	sor.u32 s1, s0  }
0xcb: {  	s0 =	sadd.s32 $0x8F2B, s0  }
0xcc: {  	[sflag:s0] =	ssyncadd.remote.s32 $0x1  }
0xcd: {  	_ =	sfence.sel $0xFFFF  }
0xce: {  	[dreg:$0x0] =	wrdreg $0xFFFFFFFF;
	(pc) =	sbr.abs _section_cstart, $3  }
0xcf: {  	[dreg:$0x1] =	wrdreg $0xFFFFFFFF  }
0xd0: {  	_ =	task.clear_ibuf [dreg:s22], $0x2FFFF;
	_ =	strace $0x9FFFFFFF  }
0xd1: {  	(tm) =	ssettm $0x7FFFFFFF  }
tec
execute0_lowered:
.L_overlay_start_1:
0x0: {  	(tag) =	ssettag $0x1  }
0x1: {  	s1 =	srdreg.scid;
	s2 =	rddreg [dreg:$0x0]  }
0x2: {  	s0 =	stileid.u32;
	s8 =	rddreg [dreg:$0x1]  }
0x3: {  	s5 =	simm.s32 $0x1;
	s9 =	simm.s32 $0x1;
	s1 =	sshll.u32 s1, $0x5  }
0x4: {  	s10 =	simm.s32 $0x3;
	s3 =	sshll.u32 s0, $0x6;
	s4 =	sand.u32 $0x20, s1  }
0x5: {  	s13 =	simm.s32 $0x0;
	s12 =	simm.s32 $0x0;
	s3 =	sor.u32 s3, s4  }
0x6: {  	s1 =	rddreg [dreg:$0x2];
	_ =	strace $0x80000050;
	s7 =	ssub.s32 $0x600, s3  }
.Ltmp0:
0x7: {  	s4 =	sadd.s32 $0x4200, s8;
	s6 =	sand.u32 $0x3E0, s7;
	(pc) =	sbr.rel .LBB2_1-.Ltmp0, $4  }
0x8: {  	[sflag:s5] =	ssyncpa.u1 $0x0;
	s8 =	sadd.s32 $0x4400, s8;
	p0 =	sne.s32 s6, $0x0  }
0x9: {  	s7 =	sshrl.u32 s7, $0xA;
	s6 =	simm.s32 $0x2;
	s9 =	simm.s32 @!p0 $0x0  }
0xa: {  	s11 =	smov.u32 s3;
	[sflag:s6] =	ssyncpa.u1 $0x0;
	s7 =	sadd.s32 s9, s7  }
0xb: {  	vm0 =	vmmov $0xffff;
	[sflag:s10] =	ssyncpa.u1 $0x0;
	s10 =	simm.s32 $0x0;
	s9 =	sadd.s32 $0x1, s7  }
.LBB2_5:
0xc: {  	s15 =	sadd.s32 $0x400, s11  }
0xd: {  	p1 =	sgt.s32 s15, $0x5FF  }
0xe: {  	s15 =	smov.u32 @p1 s3;
	p1 =	sne.s32 s12, s9  }
.Ltmp1:
0xf: {  	p0 =	slt.u32 s12, $0x2;
	(pc) =	sbr.rel @!p1 .LBB2_6-.Ltmp1, $4  }
0x10: {  	s14 =	simm.s32 @!p0 $0x3  }
0x11: {  	_ =	swait.ge @!p0 [sflag:s14], $0x20  }
0x12: {  	s16 =	sadd.s32 $0x1, s12;
	s13 =	smov.u32 s11;
	[sflag:s14] =	ssyncset.done @!p0 $0x0  }
0x13: {  	s12 =	smov.u32 s16;
	s11 =	smov.u32 s15;
	[sflag:s14] =	ssyncadd.s32 @!p0 $0xFFFFFFE0  }
.LBB2_1:
0x14: {  	p0 =	sge.u32 s12, s7  }
0x15: {  	s14 =	sxor.u32 @!p0 $0xFFFFFFFF, s12  }
0x16: {  	s31 =	sadd.s32 $0xFFFFFFFF, s12;
	s15 =	sshrl.u32 @!p0 s11, $0x3;
	s14 =	sshll.u32 @!p0 s14, $0x5  }
0x17: {  	s16 =	sand.u32 @!p0 $0x7, s11;
	s15 =	sadd.s32 @!p0 s4, s15;
	s14 =	sand.u32 @!p0 $0x20, s14  }
0x18: {  	[tilespmem:s14], [sflag:$0x2] =	stream.linear.gather @!p0 [hbm4b:s15+s16], $0x20, $0x38;
	[tilespmem:$0x80] =	vst v63  }
0x19: {  	p0 =	sge.u32 s31, s7  }
.Ltmp2:
0x1a: {  	_ = 	snop;
	(pc) =	sbr.rel @p0 .LBB2_5-.Ltmp2, $1  }
0x1b: {  	_ =	sdelay $0x3  }
0x1c: {  	_ =	swait.ge [sflag:s6], $0x20;
	s14 =	sshll.u32 s12, $0x5;
	s16 =	simm.s32 $0x0  }
0x1d: {  	p0 =	por $0x1, $0x1;
	[sflag:s6] =	ssyncset.done $0x0;
	s15 =	sand.u32 $0x20, s14  }
0x1e: {  	[sflag:s6] =	ssyncadd.s32 $0xFFFFFFE0;
	(ifvalue) =	ssetifvalue $0x7FFFFFFF;
	s14 =	sor.u32 $0x40, s15  }
.LBB2_3:
0x1f: {  	s17 =	sadd.s32 s16, s15  }
0x20: {  	v0 =	vld.msk [tilespmem:s17+$0x0 ss:$0x1], $0xffff;
	_ =	sdelay $0x4  }
0x21: {  	v1 =	vshrl.u32 v0, $0x11  }
0x22: {  	vm1 =	veq.s32 v0, $0x80000000;
	v1 =	vand.u32 $0x3, v1  }
0x23: {  	v0 =	vand.u32 $0x1FFFF, v0;
	v1 =	vsel vm1, $0xFFFFFFFF, v1  }
0x24: {  	v0 =	vsel vm1, $0xFFFFFFFF, v0;
	v2 =	vshrl.u32 v1, $0x2  }
0x25: {  	v3 =	vshll.u32 v0, $0x2;
	v2 =	vmul.u32 $0x61C00, v2  }
0x26: {  	v3 =	vand.u32 $0xFFFFFE00, v3;
	v1 =	vshll.u32 v1, $0x7  }
0x27: {  	v1 =	vand.u32 $0x180, v1;
	v2 =	vadd.s32 v3, v2  }
0x28: {  	v0 =	vand.u32 $0x7F, v0;
	v1 =	vor.u32 v1, v2  }
0x29: {  	p1 =	por p0, p0;
	v0 =	vor.u32 v0, v1  }
.Ltmp3:
0x2a: {  	_ = 	snop;
	(pc) =	sbr.rel @p1 .LBB2_3-.Ltmp3, $4  }
0x2b: {  	_ = 	snop  }
0x2c: {  	s31 =	sadd.s32 s16, s14  }
0x2d: {  	s16 =	simm.s32 $0x10;
	p0 =	por $0x0, $0x0;
	(ifvalue) =	ssetifvalue $0x7FFFFFFF  }
0x2e: {  	[tilespmem:s31], [sflag:$0x1] =	stream.indirect_vreg.gather [hbm4b:s2+s10], $0x1, v0, vm0, $0x4038;
	[tilespmem:$0x80] =	vst v63  }
.Ltmp4:
0x2f: {  	(pc) =	sbr.rel .LBB2_5-.Ltmp4, $4  }
0x30: {  	_ =	swait.ge [sflag:s5], $0x20  }
0x31: {  	s15 =	sshrl.u32 s13, $0x3;
	[sflag:s5] =	ssyncset.done $0x0  }
0x32: {  	s31 =	sand.u32 $0x7, s13;
	s15 =	sadd.s32 s8, s15;
	[sflag:s5] =	ssyncadd.s32 $0xFFFFFFE0  }
0x33: {  	[hbm4b:s15+s31] =	stream.linear.scatter [tilespmem:s14], [sflag:$0x3], $0x20, $0x38;
	[tilespmem:$0x80] =	vst v63  }
.LBB2_6:
0x34: {  	_ =	sfence.sel $0x180000  }
0x35: {  	s2 =	simm.s32 $0x2;
	[bflag:$0x0] =	sbarrier.arrive $0xFFFF  }
0x36: {  	s30 =	simm.s32 $0x3;
	[sflag:s2] =	ssyncpa.u1 $0x1  }
0x37: {  	s31 =	simm.s32 $0x1;
	[sflag:s30] =	ssyncpa.u1 $0x1  }
0x38: {  	[sflag:s31] =	ssyncpa.u1 $0x1  }
0x39: {  	p0 =	sne.s32 s0, $0x0;
	_ =	strace $0x90000050  }
0x3a: {  	s0 =	sadd.s32 @!p0 $0x100000, s1;
	[bflag:$0x2] =	sbarrier.arrive $0xFFFF  }
0x3b: {  	[sflag:s0] =	ssyncadd.tile.s32 @!p0 $0x1;
	_ =	shalt  }
.Lfunc_end2:
_tile_overlayer_lowered:
.L_overlay_start_2:
0x3c: {  	(tag) =	ssettag $0x2  }
0x3d: {  	s0 =	rddreg [dreg:$0x0];
	s2 =	stileid.u32  }
0x3e: {  	s1 =	rddreg [dreg:$0x1];
	p0 =	sne.s32 s2, $0x0  }
0x3f: {  	s3 =	rddreg [dreg:$0x2];
	[bflag:$0x3] =	sbarrier.arrive $0xFFFF;
	s2 =	simm.s32 @!p0 $0x1C01  }
0x40: {  	[timem:s3], [sflag:s2] =	dma.local @!p0 [hbm:s0], s1  }
0x41: {  	s0 =	simm.s32 @!p0 $0x1  }
0x42: {  	_ =	swait.ge @!p0 [sflag:s0], s1  }
0x43: {  	s1 =	ssub.s32 @!p0 $0x0, s1;
	[sflag:s0] =	ssyncset.done @!p0 $0x0  }
0x44: {  	[sflag:s0] =	ssyncadd.s32 @!p0 s1  }
0x45: {  	[bflag:$0x3] =	sbarrier.arrive $0xFFFF  }
0x46: {  	_ =	shalt  }

// kernel: gather_offload_async_start.4
scs
__scs_entry_jumppad:
0x0: {  	(pc) =	sbr.rel $0x88, $3  }
0x1: {  	(tag) =	ssettag $0x0;
	lr =	simm.s32 $0x1  }
0x2: {  	[smem:$0x3F98] =	sst lr;
	_ =	strace $0xD0000000  }
0x3: {  	_ = 	snop  }
0x4: {  	_ = 	snop  }
0x5: {  	_ = 	snop  }
0x6: {  	_ = 	snop  }
0x7: {  	_ = 	snop  }
__scs_overlays_trampoline_lowered:
0x8: {  	[smem:$0x3FA7] =	sst s0  }
0x9: {  	[smem:$0x3FA8] =	sst s1  }
0xa: {  	[smem:$0x3FA9] =	sst s2  }
0xb: {  	[smem:$0x3FAA] =	sst s3  }
0xc: {  	[smem:$0x3FAB] =	sst s4  }
0xd: {  	[smem:$0x3FAC] =	sst s5  }
0xe: {  	[smem:$0x3FAD] =	sst s6  }
0xf: {  	[smem:$0x3FAE] =	sst s7  }
0x10: {  	[smem:$0x3FAF] =	sst s8  }
0x11: {  	[smem:$0x3FB0] =	sst s9;
	s0 =	simm.s32 @!p0 $0x0  }
0x12: {  	s1 =	sld [smem:$0x3F96];
	s0 =	simm.s32 @p0 $0x1  }
0x13: {  	[smem:$0x3FB1] =	sst s0;
	s0 =	simm.s32 @!p1 $0x0  }
0x14: {  	s2 =	sld [smem:$0x3F95];
	s0 =	simm.s32 @p1 $0x1  }
0x15: {  	[smem:$0x3FB2] =	sst s0;
	s0 =	simm.s32 @!p2 $0x0  }
0x16: {  	s3 =	sld [smem:$0x3FDB];
	s0 =	simm.s32 @p2 $0x1  }
0x17: {  	s4 =	simm.s32 $0x1BF5;
	[smem:$0x3FB4] =	sst s0  }
0x18: {  	s0 =	sld [smem:$0x3F97];
	_ =	swait.ge [sflag:s4], $0x0  }
0x19: {  	s7 =	sld [smem:$0x3F98]  }
0x1a: {  	s8 =	sadd.s32 $0xFFFFE003, lr  }
0x1b: {  	s9 =	sadd.s32 $0xFFFFFEF7, lr;
	s5 =	simm.s32 $0xFFFFFFFF;
	p2 =	slt.u32 s8, $0xFFFFF086  }
0x1c: {  	p1 =	slt.u32 s9, $0xF7A;
	s5 =	simm.s32 @!p2 $0x0  }
0x1d: {  	s5 =	simm.s32 @p1 $0x1;
	p0 =	seq.s32 s7, s2  }
0x1e: {  	s7 =	smul.u32 @!p0 $0xF7A, s2;
	p2 =	seq.s32 @!p0 s5, $0x0  }
0x1f: {  	s9 =	smul.u32 $0xF7A, s1;
	s8 =	simm.s32 @!p0 $0x1BF5;
	p2 =	por !p2, p0  }
0x20: {  	[sflag:s8] =	ssyncset.s32 @!p0 $0xFFFFF086;
	s6 =	sadd.s32 @!p0 s3, s7;
	s7 =	simm.s32 @!p0 $0x108  }
0x21: {  	s3 =	sadd.s32 s3, s9;
	s6 =	sadd.s32 @!p0 $0x88, s6;
	s7 =	simm.s32 @p2 $0x1082  }
0x22: {  	[simem:s7], [sflag:s8] =	dma.local @!p0 [hbm:s6], $0xF7A  }
0x23: {  	s9 =	sor.u32 $0xD0000000, s2;
	s6 =	simm.s32 $0x108;
	_ =	swait.ge @!p0 [sflag:s8], $0x0  }
0x24: {  	s3 =	sadd.s32 $0x88, s3;
	s6 =	simm.s32 @!p1 $0x1082;
	[sflag:s4] =	ssyncset.s32 $0xFFFFF086  }
0x25: {  	[simem:s6], [sflag:s4] =	dma.local [hbm:s3], $0xF7A  }
0x26: {  	[smem:$0x3F98] =	sst s1;
	(tag) =	ssettag s2;
	_ =	strace s9  }
0x27: {  	s1 =	sld [smem:$0x3FA8]  }
0x28: {  	s2 =	sld [smem:$0x3FA9]  }
0x29: {  	s4 =	sld [smem:$0x3FAB]  }
0x2a: {  	p0 =	seq.s32 s5, $0x0;
	s5 =	sld [smem:$0x3FAC]  }
0x2b: {  	s6 =	sld [smem:$0x3FAD]  }
0x2c: {  	s7 =	sld [smem:$0x3FAE]  }
0x2d: {  	s3 =	simm.s32 $0x108;
	s8 =	sld [smem:$0x3FAF]  }
0x2e: {  	s3 =	simm.s32 @!p0 $0x1082;
	s9 =	sld [smem:$0x3FB0]  }
0x2f: {  	lr =	sadd.s32 s0, s3;
	s0 =	sld [smem:$0x3FA7]  }
0x30: {  	s3 =	sld [smem:$0x3FAA]  }
0x31: {  	[smem:$0x3FB3] =	sst s10  }
0x32: {  	s10 =	sld [smem:$0x3FB1];
	_ =	sdelay $0x3  }
0x33: {  	p0 =	seq.s32 s10, $0x1;
	s10 =	sld [smem:$0x3FB3];
	_ =	sdelay $0x3  }
0x34: {  	[smem:$0x3FB3] =	sst s10  }
0x35: {  	s10 =	sld [smem:$0x3FB2];
	_ =	sdelay $0x3  }
0x36: {  	p1 =	seq.s32 s10, $0x1;
	s10 =	sld [smem:$0x3FB3];
	_ =	sdelay $0x3  }
0x37: {  	[smem:$0x3FB3] =	sst s10  }
0x38: {  	s10 =	sld [smem:$0x3FB4]  }
0x39: {  	_ = 	snop;
	(pc) =	sbr.ind lr, $3  }
0x3a: {  	_ = 	snop  }
0x3b: {  	_ = 	snop  }
0x3c: {  	p2 =	seq.s32 s10, $0x1;
	s10 =	sld [smem:$0x3FB3]  }
0x3d: {  	_ =	shalt  }
0x3e: {  	_ =	shalt  }
0x3f: {  	_ =	shalt  }
0x40: {  	_ =	shalt  }
0x41: {  	_ =	shalt  }
0x42: {  	_ =	shalt  }
0x43: {  	_ =	shalt  }
0x44: {  	_ =	shalt  }
0x45: {  	_ =	shalt  }
0x46: {  	_ =	shalt  }
0x47: {  	_ =	shalt  }
0x48: {  	_ =	shalt  }
0x49: {  	_ =	shalt  }
0x4a: {  	_ =	shalt  }
0x4b: {  	_ =	shalt  }
0x4c: {  	_ =	shalt  }
0x4d: {  	_ =	shalt  }
0x4e: {  	_ =	shalt  }
0x4f: {  	_ =	shalt  }
0x50: {  	_ =	shalt  }
0x51: {  	_ =	shalt  }
0x52: {  	_ =	shalt  }
0x53: {  	_ =	shalt  }
0x54: {  	_ =	shalt  }
0x55: {  	_ =	shalt  }
0x56: {  	_ =	shalt  }
0x57: {  	_ =	shalt  }
0x58: {  	_ =	shalt  }
0x59: {  	_ =	shalt  }
0x5a: {  	_ =	shalt  }
0x5b: {  	_ =	shalt  }
0x5c: {  	_ =	shalt  }
0x5d: {  	_ =	shalt  }
0x5e: {  	_ =	shalt  }
0x5f: {  	_ =	shalt  }
0x60: {  	_ =	shalt  }
0x61: {  	_ =	shalt  }
0x62: {  	_ =	shalt  }
0x63: {  	_ =	shalt  }
0x64: {  	_ =	shalt  }
0x65: {  	_ =	shalt  }
0x66: {  	_ =	shalt  }
0x67: {  	_ =	shalt  }
0x68: {  	_ =	shalt  }
0x69: {  	_ =	shalt  }
0x6a: {  	_ =	shalt  }
0x6b: {  	_ =	shalt  }
0x6c: {  	_ =	shalt  }
0x6d: {  	_ =	shalt  }
0x6e: {  	_ =	shalt  }
0x6f: {  	_ =	shalt  }
0x70: {  	_ =	shalt  }
0x71: {  	_ =	shalt  }
0x72: {  	_ =	shalt  }
0x73: {  	_ =	shalt  }
0x74: {  	_ =	shalt  }
0x75: {  	_ =	shalt  }
0x76: {  	_ =	shalt  }
0x77: {  	_ =	shalt  }
0x78: {  	_ =	shalt  }
0x79: {  	_ =	shalt  }
0x7a: {  	_ =	shalt  }
0x7b: {  	_ =	shalt  }
0x7c: {  	_ =	shalt  }
0x7d: {  	_ =	shalt  }
0x7e: {  	_ =	shalt  }
0x7f: {  	_ =	shalt  }
0x80: {  	_ =	shalt  }
0x81: {  	_ =	shalt  }
0x82: {  	_ =	shalt  }
0x83: {  	_ =	shalt  }
0x84: {  	_ =	shalt  }
0x85: {  	_ =	shalt  }
0x86: {  	_ =	shalt  }
0x87: {  	_ =	shalt  }
.Lfunc_end0:
.L_simem_size_0:
called_computation.4_lowered:
.L_overlay_start_0:
0x88: {  	s0 =	sld [smem:$0x3FD9]  }
0x89: {  	s1 =	sld [smem:$0x3FFE];
	_ =	sdelay $0x3  }
0x8a: {  	s0 =	sadd.s32 s1, s0  }
0x8b: {  	[smem:$0x3FBF] =	sst s0  }
0x8c: {  	_ = 	snop  }
0x8d: {  	s0 =	sld [smem:$0x3FC5];
	(tm) =	ssettm $0x1  }
0x8e: {  	s16 =	sld [smem:$0x3FFB];
	_ =	sdelay $0x3  }
0x8f: {  	_ =	strace s16  }
0x90: {  	s1 =	sld [smem:$0x3FFC];
	_ =	sdelay $0x3  }
0x91: {  	_ =	strace s1  }
0x92: {  	s1 =	sld [smem:$0x3FFD];
	_ =	sdelay $0x3  }
0x93: {  	_ =	strace s1  }
0x94: {  	_ =	strace $0x8FFFFFFF  }
0x95: {  	s17 =	sld [smem:$0x3FDB];
	_ =	sdelay $0x1  }
0x96: {  	s2 =	simm.s32 $_scs_section_size  }
0x97: {  	s3 =	simm.s32 $_size__tile_overlayer_lowered;
	s4 =	simm.s32 $_tile_overlayer_lowered  }
0x98: {  	s20 =	simm.s32 $0x1BFF;
	s19 =	sshll.u32 s4, $0x1;
	s1 =	sadd.s32 s2, s17  }
0x99: {  	s5 =	simm.s32 $0x0;
	s18 =	sshll.u32 s3, $0x1;
	s3 =	sadd.s32 s19, s1  }
0x9a: {  	[timem:s5], [sflag:s20] =	dma.local [hbm:s3], s18  }
0x9b: {  	_ =	swait.ge [sflag:s20], s18  }
0x9c: {  	s2 =	ssub.s32 $0x0, s18;
	[sflag:s20] =	ssyncset.done $0x0  }
0x9d: {  	[sflag:s20] =	ssyncadd.s32 s2;
	_ =	sdelay $0x1  }
0x9e: {  	s21 =	simm.s32 $0x1B8B  }
0x9f: {  	_ =	swait.ge [sflag:s21], $0x1  }
0xa0: {  	[sflag:s21] =	ssyncset.done $0x0  }
0xa1: {  	s23 =	simm.s32 $0x1B8E;
	s22 =	sld [smem:$0x3FFE];
	[sflag:s21] =	ssyncadd.s32 $0xFFFFFFFF  }
0xa2: {  	s24 =	simm.s32 $execute0_lowered;
	[smem:$0x3FD2] =	sst s23  }
0xa3: {  	s3 =	sshll.u32 s24, $0x1;
	_ =	strace $0x80000052;
	[dreg:$0x1] =	wrdreg $0xFFFFFFFF  }
0xa4: {  	s25 =	simm.s32 $_size_execute0_lowered;
	s1 =	sadd.s32 s1, s3;
	[dreg:$0x0] =	wrdreg $0x0  }
0xa5: {  	s3 =	sshll.u32 s25, $0x1;
	[dreg:$0x2] =	wrdreg s1  }
0xa6: {  	[dreg:$0x3] =	wrdreg s3  }
0xa7: {  	[dreg:$0x4] =	wrdreg $0xC0  }
0xa8: {  	_ =	task [dreg:s5], $0x5FFFF  }
0xa9: {  	[dreg:$0x1] =	wrdreg $0xFFFFFFFF  }
0xaa: {  	[dreg:$0x0] =	wrdreg $0x60  }
0xab: {  	[dreg:$0x2] =	wrdreg s0  }
0xac: {  	[dreg:$0x3] =	wrdreg s22  }
0xad: {  	[dreg:$0x4] =	wrdreg $0xD  }
0xae: {  	_ =	task.clear_ibuf [dreg:s5], $0x5FFFF;
	_ =	strace $0x90000052  }
0xaf: {  	s26 =	simm.s32 $0xD;
	_ =	strace $0x80000054  }
0xb0: {  	_ =	swait.ge [sflag:s26], $0x1  }
0xb1: {  	[sflag:s26] =	ssyncadd.s32 $0xFFFFFFFF  }
0xb2: {  	_ =	strace $0x90000054  }
0xb3: {  	_ =	sfence  }
0xb4: {  	s28 =	sld [smem:$0x0];
	_ =	sdelay $0x1  }
0xb5: {  	s29 =	srdreg.scid  }
0xb6: {  	s30 =	sshll.u32 s29, $0xD;
	s31 =	sshrl.u32 s29, $0x2  }
0xb7: {  	s2 =	sand.u32 $0x4000, s30;
	s1 =	sand.u32 $0x1, s29;
	s0 =	sadd.s32 s31, s28  }
0xb8: {  	s1 =	sor.u32 s2, s1;
	s0 =	sshll.u32 s0, $0x11  }
0xb9: {  	s0 =	sor.u32 s0, s1  }
0xba: {  	s0 =	sadd.s32 $0x8F2B, s0  }
0xbb: {  	[sflag:s0] =	ssyncadd.remote.s32 $0x1  }
0xbc: {  	_ =	sfence.sel $0xFFFF  }
0xbd: {  	[dreg:$0x0] =	wrdreg $0xFFFFFFFF;
	(pc) =	sbr.abs _section_cstart, $3  }
0xbe: {  	[dreg:$0x1] =	wrdreg $0xFFFFFFFF  }
0xbf: {  	_ =	task.clear_ibuf [dreg:s5], $0x2FFFF;
	_ =	strace $0x9FFFFFFF  }
0xc0: {  	(tm) =	ssettm $0x7FFFFFFF  }
0xc1: {  	_ =	shalt  }
tec
execute0_lowered:
.L_overlay_start_1:
0x0: {  	(tag) =	ssettag $0x1  }
0x1: {  	s2 =	rddreg [dreg:$0x0]  }
0x2: {  	s6 =	rddreg [dreg:$0x1]  }
0x3: {  	s0 =	stileid.u32;
	s1 =	rddreg [dreg:$0x2]  }
0x4: {  	_ =	strace $0x80000053;
	s7 =	simm.s32 $0x1;
	s3 =	sshll.u32 s0, $0x4  }
0x5: {  	s30 =	simm.s32 $0x2;
	s31 =	simm.s32 $0x3;
	s5 =	ssub.s32 $0x410, s3  }
0x6: {  	s11 =	simm.s32 $0x0;
	s9 =	simm.s32 $0x0;
	s8 =	sand.u32 $0xF0, s5  }
0x7: {  	s4 =	sadd.s32 $0x4600, s6;
	[sflag:s7] =	ssyncpa.u1 $0x0;
	p0 =	sne.s32 s8, $0x0  }
0x8: {  	s6 =	sadd.s32 $0x4800, s6;
	s5 =	sshrl.u32 s5, $0x8;
	s7 =	simm.s32 @!p0 $0x0  }
0x9: {  	[sflag:s30] =	ssyncpa.u1 $0x0;
	s10 =	smov.u32 s3;
	s5 =	sadd.s32 s7, s5  }
0xa: {  	[sflag:s31] =	ssyncpa.u1 $0x0;
	s8 =	simm.s32 $0x0;
	s7 =	sadd.s32 $0x1, s5  }
.LBB2_1:
0xb: {  	p0 =	sge.u32 s9, s5  }
0xc: {  	s31 =	sadd.s32 $0xFFFFFFFF, s9;
	s12 =	sxor.u32 @!p0 $0xFFFFFFFF, s8;
	s13 =	sshrl.u32 @!p0 s10, $0x3  }
0xd: {  	s14 =	sand.u32 @!p0 $0x7, s10;
	s12 =	sand.u32 @!p0 $0x10, s12;
	s13 =	sadd.s32 @!p0 s4, s13  }
0xe: {  	[tilespmem:s12], [sflag:$0x2] =	stream.linear.gather @!p0 [hbm4b:s13+s14], $0x10, $0x38;
	[tilespmem:$0x40] =	vst v63  }
0xf: {  	p0 =	sge.u32 s31, s5  }
0x10: {  	s12 =	simm.s32 @!p0 $0x2  }
0x11: {  	_ =	swait.ge @!p0 [sflag:s12], $0x10  }
0x12: {  	[sflag:s12] =	ssyncset.done @!p0 $0x0  }
0x13: {  	[sflag:s12] =	ssyncadd.s32 @!p0 $0xFFFFFFF0;
	s12 =	sand.u32 @!p0 $0x10, s8  }
0x14: {  	(ifvalue) =	ssetifvalue @!p0 $0x7FFFFFFF;
	v0 =	vld.msk @!p0 [tilespmem:s12+$0x0 ss:$0x1], $0xffff;
	_ =	sdelay $0x4  }
0x15: {  	v1 =	vshrl.u32 @!p0 v0, $0x11  }
0x16: {  	vm0 =	veq.s32 @!p0 v0, $0x80000000;
	v1 =	vand.u32 @!p0 $0x1, v1  }
0x17: {  	v0 =	vand.u32 @!p0 $0x1FFFF, v0;
	v1 =	vsel @!p0 vm0, $0xFFFFFFFF, v1  }
0x18: {  	v0 =	vsel @!p0 vm0, $0xFFFFFFFF, v0;
	v2 =	vshrl.u32 @!p0 v1, $0x1  }
0x19: {  	v3 =	vshll.u32 @!p0 v0, $0x1;
	v2 =	vmul.u32 @!p0 $0x30E00, v2  }
0x1a: {  	v3 =	vand.u32 @!p0 $0xFFFFFF00, v3;
	v1 =	vshll.u32 @!p0 v1, $0x7  }
0x1b: {  	v1 =	vand.u32 @!p0 $0x80, v1;
	v2 =	vadd.s32 @!p0 v3, v2  }
0x1c: {  	v0 =	vand.u32 @!p0 $0x7F, v0;
	v1 =	vor.u32 @!p0 v1, v2  }
0x1d: {  	v0 =	vor.u32 @!p0 v0, v1;
	_ =	sdelay $0x3  }
0x1e: {  	s13 =	simm.s32 @!p0 $0x0;
	s12 =	sor.u32 @!p0 $0x20, s12;
	(ifvalue) =	ssetifvalue @!p0 $0x7FFFFFFF;
	vm0 =	vmmov @!p0 $0xffff  }
0x1f: {  	[tilespmem:s12], [sflag:$0x1] =	stream.indirect_vreg.gather @!p0 [hbm4b:s2+s13], $0x1, v0, vm0, $0x4038;
	[tilespmem:$0x40] =	vst v63  }
0x20: {  	s13 =	simm.s32 @!p0 $0x1  }
0x21: {  	_ =	swait.ge @!p0 [sflag:s13], $0x10  }
0x22: {  	s14 =	sshrl.u32 @!p0 s11, $0x3;
	[sflag:s13] =	ssyncset.done @!p0 $0x0  }
0x23: {  	s11 =	sand.u32 @!p0 $0x7, s11;
	[sflag:s13] =	ssyncadd.s32 @!p0 $0xFFFFFFF0;
	s13 =	sadd.s32 @!p0 s6, s14  }
0x24: {  	[hbm4b:s13+s11] =	stream.linear.scatter @!p0 [tilespmem:s12], [sflag:$0x3], $0x10, $0x38;
	[tilespmem:$0x40] =	vst v63  }
0x25: {  	s13 =	sadd.s32 $0x100, s10  }
0x26: {  	p1 =	sgt.s32 s13, $0x40F  }
0x27: {  	s13 =	smov.u32 @p1 s3;
	p1 =	sne.s32 s9, s7  }
.Ltmp0:
0x28: {  	p0 =	slt.u32 s9, $0x2;
	(pc) =	sbr.rel @p1 .LBB2_1-.Ltmp0, $4  }
0x29: {  	s12 =	simm.s32 @!p0 $0x3  }
0x2a: {  	_ =	swait.ge @!p0 [sflag:s12], $0x10  }
0x2b: {  	s8 =	sadd.s32 $0x10, s8;
	s11 =	smov.u32 s10;
	[sflag:s12] =	ssyncset.done @!p0 $0x0  }
0x2c: {  	s9 =	sadd.s32 $0x1, s9;
	s10 =	smov.u32 s13;
	[sflag:s12] =	ssyncadd.s32 @!p0 $0xFFFFFFF0  }
0x2d: {  	_ =	sfence.sel $0x180000  }
0x2e: {  	s2 =	simm.s32 $0x2;
	[bflag:$0x0] =	sbarrier.arrive $0xFFFF  }
0x2f: {  	s30 =	simm.s32 $0x3;
	[sflag:s2] =	ssyncpa.u1 $0x1  }
0x30: {  	s31 =	simm.s32 $0x1;
	[sflag:s30] =	ssyncpa.u1 $0x1  }
0x31: {  	[sflag:s31] =	ssyncpa.u1 $0x1  }
0x32: {  	p0 =	sne.s32 s0, $0x0;
	_ =	strace $0x90000053  }
0x33: {  	s0 =	sadd.s32 @!p0 $0x100000, s1;
	[bflag:$0x2] =	sbarrier.arrive $0xFFFF  }
0x34: {  	[sflag:s0] =	ssyncadd.tile.s32 @!p0 $0x1;
	_ =	shalt  }
.Lfunc_end2:
_tile_overlayer_lowered:
.L_overlay_start_2:
0x35: {  	(tag) =	ssettag $0x2  }
0x36: {  	s0 =	rddreg [dreg:$0x0];
	s2 =	stileid.u32  }
0x37: {  	s1 =	rddreg [dreg:$0x1];
	p0 =	sne.s32 s2, $0x0  }
0x38: {  	s3 =	rddreg [dreg:$0x2];
	[bflag:$0x3] =	sbarrier.arrive $0xFFFF;
	s2 =	simm.s32 @!p0 $0x1C01  }
0x39: {  	[timem:s3], [sflag:s2] =	dma.local @!p0 [hbm:s0], s1  }
0x3a: {  	s0 =	simm.s32 @!p0 $0x1  }
0x3b: {  	_ =	swait.ge @!p0 [sflag:s0], s1  }
0x3c: {  	s1 =	ssub.s32 @!p0 $0x0, s1;
	[sflag:s0] =	ssyncset.done @!p0 $0x0  }
0x3d: {  	[sflag:s0] =	ssyncadd.s32 @!p0 s1  }
0x3e: {  	[bflag:$0x3] =	sbarrier.arrive $0xFFFF  }
0x3f: {  	_ =	shalt  }

// kernel: gather_offload_async_start.5
scs
__scs_entry_jumppad:
0x0: {  	(pc) =	sbr.rel $0x88, $3  }
0x1: {  	(tag) =	ssettag $0x0;
	lr =	simm.s32 $0x1  }
0x2: {  	[smem:$0x3F98] =	sst lr;
	_ =	strace $0xD0000000  }
0x3: {  	_ = 	snop  }
0x4: {  	_ = 	snop  }
0x5: {  	_ = 	snop  }
0x6: {  	_ = 	snop  }
0x7: {  	_ = 	snop  }
__scs_overlays_trampoline_lowered:
0x8: {  	[smem:$0x3FA7] =	sst s0  }
0x9: {  	[smem:$0x3FA8] =	sst s1  }
0xa: {  	[smem:$0x3FA9] =	sst s2  }
0xb: {  	[smem:$0x3FAA] =	sst s3  }
0xc: {  	[smem:$0x3FAB] =	sst s4  }
0xd: {  	[smem:$0x3FAC] =	sst s5  }
0xe: {  	[smem:$0x3FAD] =	sst s6  }
0xf: {  	[smem:$0x3FAE] =	sst s7  }
0x10: {  	[smem:$0x3FAF] =	sst s8  }
0x11: {  	[smem:$0x3FB0] =	sst s9;
	s0 =	simm.s32 @!p0 $0x0  }
0x12: {  	s1 =	sld [smem:$0x3F96];
	s0 =	simm.s32 @p0 $0x1  }
0x13: {  	[smem:$0x3FB1] =	sst s0;
	s0 =	simm.s32 @!p1 $0x0  }
0x14: {  	s2 =	sld [smem:$0x3F95];
	s0 =	simm.s32 @p1 $0x1  }
0x15: {  	[smem:$0x3FB2] =	sst s0;
	s0 =	simm.s32 @!p2 $0x0  }
0x16: {  	s3 =	sld [smem:$0x3FDB];
	s0 =	simm.s32 @p2 $0x1  }
0x17: {  	s4 =	simm.s32 $0x1BF5;
	[smem:$0x3FB4] =	sst s0  }
0x18: {  	s0 =	sld [smem:$0x3F97];
	_ =	swait.ge [sflag:s4], $0x0  }
0x19: {  	s7 =	sld [smem:$0x3F98]  }
0x1a: {  	s8 =	sadd.s32 $0xFFFFE003, lr  }
0x1b: {  	s9 =	sadd.s32 $0xFFFFFEF7, lr;
	s5 =	simm.s32 $0xFFFFFFFF;
	p2 =	slt.u32 s8, $0xFFFFF086  }
0x1c: {  	p1 =	slt.u32 s9, $0xF7A;
	s5 =	simm.s32 @!p2 $0x0  }
0x1d: {  	s5 =	simm.s32 @p1 $0x1;
	p0 =	seq.s32 s7, s2  }
0x1e: {  	s7 =	smul.u32 @!p0 $0xF7A, s2;
	p2 =	seq.s32 @!p0 s5, $0x0  }
0x1f: {  	s9 =	smul.u32 $0xF7A, s1;
	s8 =	simm.s32 @!p0 $0x1BF5;
	p2 =	por !p2, p0  }
0x20: {  	[sflag:s8] =	ssyncset.s32 @!p0 $0xFFFFF086;
	s6 =	sadd.s32 @!p0 s3, s7;
	s7 =	simm.s32 @!p0 $0x108  }
0x21: {  	s3 =	sadd.s32 s3, s9;
	s6 =	sadd.s32 @!p0 $0x88, s6;
	s7 =	simm.s32 @p2 $0x1082  }
0x22: {  	[simem:s7], [sflag:s8] =	dma.local @!p0 [hbm:s6], $0xF7A  }
0x23: {  	s9 =	sor.u32 $0xD0000000, s2;
	s6 =	simm.s32 $0x108;
	_ =	swait.ge @!p0 [sflag:s8], $0x0  }
0x24: {  	s3 =	sadd.s32 $0x88, s3;
	s6 =	simm.s32 @!p1 $0x1082;
	[sflag:s4] =	ssyncset.s32 $0xFFFFF086  }
0x25: {  	[simem:s6], [sflag:s4] =	dma.local [hbm:s3], $0xF7A  }
0x26: {  	[smem:$0x3F98] =	sst s1;
	(tag) =	ssettag s2;
	_ =	strace s9  }
0x27: {  	s1 =	sld [smem:$0x3FA8]  }
0x28: {  	s2 =	sld [smem:$0x3FA9]  }
0x29: {  	s4 =	sld [smem:$0x3FAB]  }
0x2a: {  	p0 =	seq.s32 s5, $0x0;
	s5 =	sld [smem:$0x3FAC]  }
0x2b: {  	s6 =	sld [smem:$0x3FAD]  }
0x2c: {  	s7 =	sld [smem:$0x3FAE]  }
0x2d: {  	s3 =	simm.s32 $0x108;
	s8 =	sld [smem:$0x3FAF]  }
0x2e: {  	s3 =	simm.s32 @!p0 $0x1082;
	s9 =	sld [smem:$0x3FB0]  }
0x2f: {  	lr =	sadd.s32 s0, s3;
	s0 =	sld [smem:$0x3FA7]  }
0x30: {  	s3 =	sld [smem:$0x3FAA]  }
0x31: {  	[smem:$0x3FB3] =	sst s10  }
0x32: {  	s10 =	sld [smem:$0x3FB1];
	_ =	sdelay $0x3  }
0x33: {  	p0 =	seq.s32 s10, $0x1;
	s10 =	sld [smem:$0x3FB3];
	_ =	sdelay $0x3  }
0x34: {  	[smem:$0x3FB3] =	sst s10  }
0x35: {  	s10 =	sld [smem:$0x3FB2];
	_ =	sdelay $0x3  }
0x36: {  	p1 =	seq.s32 s10, $0x1;
	s10 =	sld [smem:$0x3FB3];
	_ =	sdelay $0x3  }
0x37: {  	[smem:$0x3FB3] =	sst s10  }
0x38: {  	s10 =	sld [smem:$0x3FB4]  }
0x39: {  	_ = 	snop;
	(pc) =	sbr.ind lr, $3  }
0x3a: {  	_ = 	snop  }
0x3b: {  	_ = 	snop  }
0x3c: {  	p2 =	seq.s32 s10, $0x1;
	s10 =	sld [smem:$0x3FB3]  }
0x3d: {  	_ =	shalt  }
0x3e: {  	_ =	shalt  }
0x3f: {  	_ =	shalt  }
0x40: {  	_ =	shalt  }
0x41: {  	_ =	shalt  }
0x42: {  	_ =	shalt  }
0x43: {  	_ =	shalt  }
0x44: {  	_ =	shalt  }
0x45: {  	_ =	shalt  }
0x46: {  	_ =	shalt  }
0x47: {  	_ =	shalt  }
0x48: {  	_ =	shalt  }
0x49: {  	_ =	shalt  }
0x4a: {  	_ =	shalt  }
0x4b: {  	_ =	shalt  }
0x4c: {  	_ =	shalt  }
0x4d: {  	_ =	shalt  }
0x4e: {  	_ =	shalt  }
0x4f: {  	_ =	shalt  }
0x50: {  	_ =	shalt  }
0x51: {  	_ =	shalt  }
0x52: {  	_ =	shalt  }
0x53: {  	_ =	shalt  }
0x54: {  	_ =	shalt  }
0x55: {  	_ =	shalt  }
0x56: {  	_ =	shalt  }
0x57: {  	_ =	shalt  }
0x58: {  	_ =	shalt  }
0x59: {  	_ =	shalt  }
0x5a: {  	_ =	shalt  }
0x5b: {  	_ =	shalt  }
0x5c: {  	_ =	shalt  }
0x5d: {  	_ =	shalt  }
0x5e: {  	_ =	shalt  }
0x5f: {  	_ =	shalt  }
0x60: {  	_ =	shalt  }
0x61: {  	_ =	shalt  }
0x62: {  	_ =	shalt  }
0x63: {  	_ =	shalt  }
0x64: {  	_ =	shalt  }
0x65: {  	_ =	shalt  }
0x66: {  	_ =	shalt  }
0x67: {  	_ =	shalt  }
0x68: {  	_ =	shalt  }
0x69: {  	_ =	shalt  }
0x6a: {  	_ =	shalt  }
0x6b: {  	_ =	shalt  }
0x6c: {  	_ =	shalt  }
0x6d: {  	_ =	shalt  }
0x6e: {  	_ =	shalt  }
0x6f: {  	_ =	shalt  }
0x70: {  	_ =	shalt  }
0x71: {  	_ =	shalt  }
0x72: {  	_ =	shalt  }
0x73: {  	_ =	shalt  }
0x74: {  	_ =	shalt  }
0x75: {  	_ =	shalt  }
0x76: {  	_ =	shalt  }
0x77: {  	_ =	shalt  }
0x78: {  	_ =	shalt  }
0x79: {  	_ =	shalt  }
0x7a: {  	_ =	shalt  }
0x7b: {  	_ =	shalt  }
0x7c: {  	_ =	shalt  }
0x7d: {  	_ =	shalt  }
0x7e: {  	_ =	shalt  }
0x7f: {  	_ =	shalt  }
0x80: {  	_ =	shalt  }
0x81: {  	_ =	shalt  }
0x82: {  	_ =	shalt  }
0x83: {  	_ =	shalt  }
0x84: {  	_ =	shalt  }
0x85: {  	_ =	shalt  }
0x86: {  	_ =	shalt  }
0x87: {  	_ =	shalt  }
.Lfunc_end0:
.L_simem_size_0:
called_computation.5_lowered:
.L_overlay_start_0:
0x88: {  	s2 =	sld [smem:$0x3FD9]  }
0x89: {  	s3 =	sld [smem:$0x3FFE];
	_ =	sdelay $0x1  }
0x8a: {  	s1 =	srdreg.scid  }
0x8b: {  	s0 =	sand.u32 $0x1, s1  }
0x8c: {  	s17 =	sshll.u32 s0, $0xA;
	s2 =	sadd.s32 s3, s2  }
0x8d: {  	s2 =	sadd.s32 s2, s17  }
0x8e: {  	[smem:$0x3FBF] =	sst s2  }
0x8f: {  	_ = 	snop  }
0x90: {  	s18 =	sld [smem:$0x3FC4];
	(tm) =	ssettm $0x1  }
0x91: {  	s19 =	sld [smem:$0x3FFB];
	_ =	sdelay $0x3  }
0x92: {  	_ =	strace s19  }
0x93: {  	s2 =	sld [smem:$0x3FFC];
	_ =	sdelay $0x3  }
0x94: {  	_ =	strace s2  }
0x95: {  	s2 =	sld [smem:$0x3FFD];
	_ =	sdelay $0x3  }
0x96: {  	_ =	strace s2  }
0x97: {  	_ =	strace $0x8FFFFFFF  }
0x98: {  	s20 =	sld [smem:$0x3FDB];
	_ =	sdelay $0x1  }
0x99: {  	s4 =	simm.s32 $_scs_section_size  }
0x9a: {  	s5 =	simm.s32 $_size__tile_overlayer_lowered;
	s6 =	simm.s32 $_tile_overlayer_lowered  }
0x9b: {  	s7 =	simm.s32 $0x1BFF;
	s21 =	sshll.u32 s6, $0x1;
	s4 =	sadd.s32 s4, s20  }
0x9c: {  	s22 =	simm.s32 $0x0;
	s5 =	sshll.u32 s5, $0x1;
	s6 =	sadd.s32 s21, s4  }
0x9d: {  	[timem:s22], [sflag:s7] =	dma.local [hbm:s6], s5  }
0x9e: {  	_ =	swait.ge [sflag:s7], s5  }
0x9f: {  	s5 =	ssub.s32 $0x0, s5;
	[sflag:s7] =	ssyncset.done $0x0  }
0xa0: {  	[sflag:s7] =	ssyncadd.s32 s5;
	_ =	sdelay $0x1  }
0xa1: {  	s23 =	simm.s32 $0x1B8B  }
0xa2: {  	_ =	swait.ge [sflag:s23], $0x1  }
0xa3: {  	[sflag:s23] =	ssyncset.done $0x0  }
0xa4: {  	[sflag:s23] =	ssyncadd.s32 $0xFFFFFFFF  }
0xa5: {  	s5 =	sld [smem:$0x0]  }
0xa6: {  	s6 =	sand.u32 $0xFFFFFFFE, s1  }
0xa7: {  	p0 =	sne.s32 s1, s6  }
0xa8: {  	s6 =	sshll.u32 @p0 s6, $0xE  }
0xa9: {  	s6 =	sadd.s32 @p0 $0x11B8D, s6;
	s7 =	sshll.u32 @p0 s5, $0x11  }
0xaa: {  	s6 =	sor.u32 @p0 s7, s6  }
0xab: {  	[sflag:s6] =	ssyncadd.remote.s32 @p0 $0x1;
	_ =	sdelay $0x1  }
0xac: {  	s6 =	simm.s32 @p0 $0x1B8D  }
0xad: {  	_ =	swait.eq @p0 [sflag:s6], $0x1  }
0xae: {  	[sflag:s6] =	ssyncadd.s32 @p0 $0xFFFFFFFF  }
0xaf: {  	s7 =	sshll.u32 @!p0 s1, $0xE  }
0xb0: {  	s7 =	sor.u32 @!p0 $0x4000, s7;
	s6 =	simm.s32 @!p0 $0x1B8D  }
0xb1: {  	s5 =	sshll.u32 @!p0 s5, $0x11;
	s7 =	sadd.s32 @!p0 $0x11B8D, s7;
	_ =	swait.eq @!p0 [sflag:s6], $0x1  }
0xb2: {  	s5 =	sor.u32 @!p0 s5, s7;
	[sflag:s6] =	ssyncadd.s32 @!p0 $0xFFFFFFFF  }
0xb3: {  	s25 =	simm.s32 $0x1B8E;
	s24 =	sld [smem:$0x3FFE];
	[sflag:s5] =	ssyncadd.remote.s32 @!p0 $0x1  }
0xb4: {  	s26 =	simm.s32 $execute0_lowered;
	[smem:$0x3FD2] =	sst s25  }
0xb5: {  	s6 =	sshll.u32 s26, $0x1;
	_ =	strace $0x80000055;
	[dreg:$0x1] =	wrdreg $0xFFFFFFFF  }
0xb6: {  	s28 =	simm.s32 $_size_execute0_lowered;
	s4 =	sadd.s32 s4, s6;
	[dreg:$0x0] =	wrdreg $0x0  }
0xb7: {  	s6 =	sshll.u32 s28, $0x1;
	[dreg:$0x2] =	wrdreg s4  }
0xb8: {  	[dreg:$0x3] =	wrdreg s6  }
0xb9: {  	[dreg:$0x4] =	wrdreg $0xC0  }
0xba: {  	_ =	task [dreg:s22], $0x5FFFF  }
0xbb: {  	[dreg:$0x1] =	wrdreg $0xFFFFFFFF  }
0xbc: {  	[dreg:$0x0] =	wrdreg $0x60  }
0xbd: {  	[dreg:$0x2] =	wrdreg s18  }
0xbe: {  	[dreg:$0x3] =	wrdreg s24  }
0xbf: {  	[dreg:$0x4] =	wrdreg $0xE  }
0xc0: {  	_ =	task.clear_ibuf [dreg:s22], $0x5FFFF;
	_ =	strace $0x90000055  }
0xc1: {  	s29 =	simm.s32 $0xE;
	_ =	strace $0x80000057  }
0xc2: {  	_ =	swait.ge [sflag:s29], $0x1  }
0xc3: {  	[sflag:s29] =	ssyncadd.s32 $0xFFFFFFFF  }
0xc4: {  	_ =	strace $0x90000057  }
0xc5: {  	_ =	sfence  }
0xc6: {  	s30 =	sld [smem:$0x0];
	_ =	sdelay $0x2  }
0xc7: {  	s31 =	sshll.u32 s1, $0xD;
	s1 =	sshrl.u32 s1, $0x2  }
0xc8: {  	s4 =	sand.u32 $0x4000, s31;
	s1 =	sadd.s32 s1, s30  }
0xc9: {  	s0 =	sor.u32 s4, s0;
	s1 =	sshll.u32 s1, $0x11  }
0xca: {  	s0 =	sor.u32 s1, s0  }
0xcb: {  	s0 =	sadd.s32 $0x8F2B, s0  }
0xcc: {  	[sflag:s0] =	ssyncadd.remote.s32 $0x1  }
0xcd: {  	_ =	sfence.sel $0xFFFF  }
0xce: {  	[dreg:$0x0] =	wrdreg $0xFFFFFFFF;
	(pc) =	sbr.abs _section_cstart, $3  }
0xcf: {  	[dreg:$0x1] =	wrdreg $0xFFFFFFFF  }
0xd0: {  	_ =	task.clear_ibuf [dreg:s22], $0x2FFFF;
	_ =	strace $0x9FFFFFFF  }
0xd1: {  	(tm) =	ssettm $0x7FFFFFFF  }
tec
execute0_lowered:
.L_overlay_start_1:
0x0: {  	(tag) =	ssettag $0x1  }
0x1: {  	s1 =	srdreg.scid;
	s2 =	rddreg [dreg:$0x0]  }
0x2: {  	s0 =	stileid.u32;
	s8 =	rddreg [dreg:$0x1]  }
0x3: {  	s5 =	simm.s32 $0x1;
	s9 =	simm.s32 $0x1;
	s1 =	sshll.u32 s1, $0x5  }
0x4: {  	s10 =	simm.s32 $0x3;
	s3 =	sshll.u32 s0, $0x6;
	s4 =	sand.u32 $0x20, s1  }
0x5: {  	s13 =	simm.s32 $0x0;
	s12 =	simm.s32 $0x0;
	s3 =	sor.u32 s3, s4  }
0x6: {  	s1 =	rddreg [dreg:$0x2];
	_ =	strace $0x80000056;
	s7 =	ssub.s32 $0x600, s3  }
.Ltmp0:
0x7: {  	s4 =	sadd.s32 $0x4A00, s8;
	s6 =	sand.u32 $0x3E0, s7;
	(pc) =	sbr.rel .LBB2_1-.Ltmp0, $4  }
0x8: {  	[sflag:s5] =	ssyncpa.u1 $0x0;
	s8 =	sadd.s32 $0x4E00, s8;
	p0 =	sne.s32 s6, $0x0  }
0x9: {  	s7 =	sshrl.u32 s7, $0xA;
	s6 =	simm.s32 $0x2;
	s9 =	simm.s32 @!p0 $0x0  }
0xa: {  	s11 =	smov.u32 s3;
	[sflag:s6] =	ssyncpa.u1 $0x0;
	s7 =	sadd.s32 s9, s7  }
0xb: {  	vm0 =	vmmov $0xffff;
	[sflag:s10] =	ssyncpa.u1 $0x0;
	s10 =	simm.s32 $0x0;
	s9 =	sadd.s32 $0x1, s7  }
.LBB2_5:
0xc: {  	s15 =	sadd.s32 $0x400, s11  }
0xd: {  	p1 =	sgt.s32 s15, $0x5FF  }
0xe: {  	s15 =	smov.u32 @p1 s3;
	p1 =	sne.s32 s12, s9  }
.Ltmp1:
0xf: {  	p0 =	slt.u32 s12, $0x2;
	(pc) =	sbr.rel @!p1 .LBB2_6-.Ltmp1, $4  }
0x10: {  	s14 =	simm.s32 @!p0 $0x3  }
0x11: {  	_ =	swait.ge @!p0 [sflag:s14], $0x20  }
0x12: {  	s16 =	sadd.s32 $0x1, s12;
	s13 =	smov.u32 s11;
	[sflag:s14] =	ssyncset.done @!p0 $0x0  }
0x13: {  	s12 =	smov.u32 s16;
	s11 =	smov.u32 s15;
	[sflag:s14] =	ssyncadd.s32 @!p0 $0xFFFFFFE0  }
.LBB2_1:
0x14: {  	p0 =	sge.u32 s12, s7  }
0x15: {  	s14 =	sxor.u32 @!p0 $0xFFFFFFFF, s12  }
0x16: {  	s31 =	sadd.s32 $0xFFFFFFFF, s12;
	s15 =	sshrl.u32 @!p0 s11, $0x3;
	s14 =	sshll.u32 @!p0 s14, $0x5  }
0x17: {  	s16 =	sand.u32 @!p0 $0x7, s11;
	s15 =	sadd.s32 @!p0 s4, s15;
	s14 =	sand.u32 @!p0 $0x20, s14  }
0x18: {  	[tilespmem:s14], [sflag:$0x2] =	stream.linear.gather @!p0 [hbm4b:s15+s16], $0x20, $0x38;
	[tilespmem:$0x80] =	vst v63  }
0x19: {  	p0 =	sge.u32 s31, s7  }
.Ltmp2:
0x1a: {  	_ = 	snop;
	(pc) =	sbr.rel @p0 .LBB2_5-.Ltmp2, $1  }
0x1b: {  	_ =	sdelay $0x3  }
0x1c: {  	_ =	swait.ge [sflag:s6], $0x20;
	s14 =	sshll.u32 s12, $0x5;
	s16 =	simm.s32 $0x0  }
0x1d: {  	p0 =	por $0x1, $0x1;
	[sflag:s6] =	ssyncset.done $0x0;
	s15 =	sand.u32 $0x20, s14  }
0x1e: {  	[sflag:s6] =	ssyncadd.s32 $0xFFFFFFE0;
	(ifvalue) =	ssetifvalue $0x7FFFFFFF;
	s14 =	sor.u32 $0x40, s15  }
.LBB2_3:
0x1f: {  	s17 =	sadd.s32 s16, s15  }
0x20: {  	v0 =	vld.msk [tilespmem:s17+$0x0 ss:$0x1], $0xffff;
	_ =	sdelay $0x4  }
0x21: {  	v1 =	vshrl.u32 v0, $0x11  }
0x22: {  	vm1 =	veq.s32 v0, $0x80000000;
	v1 =	vand.u32 $0x3, v1  }
0x23: {  	v0 =	vand.u32 $0x1FFFF, v0;
	v1 =	vsel vm1, $0xFFFFFFFF, v1  }
0x24: {  	v0 =	vsel vm1, $0xFFFFFFFF, v0;
	v2 =	vshrl.u32 v1, $0x2  }
0x25: {  	v3 =	vshll.u32 v0, $0x2;
	v2 =	vmul.u32 $0x61C00, v2  }
0x26: {  	v3 =	vand.u32 $0xFFFFFE00, v3;
	v1 =	vshll.u32 v1, $0x7  }
0x27: {  	v1 =	vand.u32 $0x180, v1;
	v2 =	vadd.s32 v3, v2  }
0x28: {  	v0 =	vand.u32 $0x7F, v0;
	v1 =	vor.u32 v1, v2  }
0x29: {  	p1 =	por p0, p0;
	v0 =	vor.u32 v0, v1  }
.Ltmp3:
0x2a: {  	_ = 	snop;
	(pc) =	sbr.rel @p1 .LBB2_3-.Ltmp3, $4  }
0x2b: {  	_ = 	snop  }
0x2c: {  	s31 =	sadd.s32 s16, s14  }
0x2d: {  	s16 =	simm.s32 $0x10;
	p0 =	por $0x0, $0x0;
	(ifvalue) =	ssetifvalue $0x7FFFFFFF  }
0x2e: {  	[tilespmem:s31], [sflag:$0x1] =	stream.indirect_vreg.gather [hbm4b:s2+s10], $0x1, v0, vm0, $0x4038;
	[tilespmem:$0x80] =	vst v63  }
.Ltmp4:
0x2f: {  	(pc) =	sbr.rel .LBB2_5-.Ltmp4, $4  }
0x30: {  	_ =	swait.ge [sflag:s5], $0x20  }
0x31: {  	s15 =	sshrl.u32 s13, $0x3;
	[sflag:s5] =	ssyncset.done $0x0  }
0x32: {  	s31 =	sand.u32 $0x7, s13;
	s15 =	sadd.s32 s8, s15;
	[sflag:s5] =	ssyncadd.s32 $0xFFFFFFE0  }
0x33: {  	[hbm4b:s15+s31] =	stream.linear.scatter [tilespmem:s14], [sflag:$0x3], $0x20, $0x38;
	[tilespmem:$0x80] =	vst v63  }
.LBB2_6:
0x34: {  	_ =	sfence.sel $0x180000  }
0x35: {  	s2 =	simm.s32 $0x2;
	[bflag:$0x0] =	sbarrier.arrive $0xFFFF  }
0x36: {  	s30 =	simm.s32 $0x3;
	[sflag:s2] =	ssyncpa.u1 $0x1  }
0x37: {  	s31 =	simm.s32 $0x1;
	[sflag:s30] =	ssyncpa.u1 $0x1  }
0x38: {  	[sflag:s31] =	ssyncpa.u1 $0x1  }
0x39: {  	p0 =	sne.s32 s0, $0x0;
	_ =	strace $0x90000056  }
0x3a: {  	s0 =	sadd.s32 @!p0 $0x100000, s1;
	[bflag:$0x2] =	sbarrier.arrive $0xFFFF  }
0x3b: {  	[sflag:s0] =	ssyncadd.tile.s32 @!p0 $0x1;
	_ =	shalt  }
.Lfunc_end2:
_tile_overlayer_lowered:
.L_overlay_start_2:
0x3c: {  	(tag) =	ssettag $0x2  }
0x3d: {  	s0 =	rddreg [dreg:$0x0];
	s2 =	stileid.u32  }
0x3e: {  	s1 =	rddreg [dreg:$0x1];
	p0 =	sne.s32 s2, $0x0  }
0x3f: {  	s3 =	rddreg [dreg:$0x2];
	[bflag:$0x3] =	sbarrier.arrive $0xFFFF;
	s2 =	simm.s32 @!p0 $0x1C01  }
0x40: {  	[timem:s3], [sflag:s2] =	dma.local @!p0 [hbm:s0], s1  }
0x41: {  	s0 =	simm.s32 @!p0 $0x1  }
0x42: {  	_ =	swait.ge @!p0 [sflag:s0], s1  }
0x43: {  	s1 =	ssub.s32 @!p0 $0x0, s1;
	[sflag:s0] =	ssyncset.done @!p0 $0x0  }
0x44: {  	[sflag:s0] =	ssyncadd.s32 @!p0 s1  }
0x45: {  	[bflag:$0x3] =	sbarrier.arrive $0xFFFF  }
0x46: {  	_ =	shalt  }

// kernel: gather_offload_async_start.6
scs
__scs_entry_jumppad:
0x0: {  	(pc) =	sbr.rel $0x88, $3  }
0x1: {  	(tag) =	ssettag $0x0;
	lr =	simm.s32 $0x1  }
0x2: {  	[smem:$0x3F98] =	sst lr;
	_ =	strace $0xD0000000  }
0x3: {  	_ = 	snop  }
0x4: {  	_ = 	snop  }
0x5: {  	_ = 	snop  }
0x6: {  	_ = 	snop  }
0x7: {  	_ = 	snop  }
__scs_overlays_trampoline_lowered:
0x8: {  	[smem:$0x3FA7] =	sst s0  }
0x9: {  	[smem:$0x3FA8] =	sst s1  }
0xa: {  	[smem:$0x3FA9] =	sst s2  }
0xb: {  	[smem:$0x3FAA] =	sst s3  }
0xc: {  	[smem:$0x3FAB] =	sst s4  }
0xd: {  	[smem:$0x3FAC] =	sst s5  }
0xe: {  	[smem:$0x3FAD] =	sst s6  }
0xf: {  	[smem:$0x3FAE] =	sst s7  }
0x10: {  	[smem:$0x3FAF] =	sst s8  }
0x11: {  	[smem:$0x3FB0] =	sst s9;
	s0 =	simm.s32 @!p0 $0x0  }
0x12: {  	s1 =	sld [smem:$0x3F96];
	s0 =	simm.s32 @p0 $0x1  }
0x13: {  	[smem:$0x3FB1] =	sst s0;
	s0 =	simm.s32 @!p1 $0x0  }
0x14: {  	s2 =	sld [smem:$0x3F95];
	s0 =	simm.s32 @p1 $0x1  }
0x15: {  	[smem:$0x3FB2] =	sst s0;
	s0 =	simm.s32 @!p2 $0x0  }
0x16: {  	s3 =	sld [smem:$0x3FDB];
	s0 =	simm.s32 @p2 $0x1  }
0x17: {  	s4 =	simm.s32 $0x1BF5;
	[smem:$0x3FB4] =	sst s0  }
0x18: {  	s0 =	sld [smem:$0x3F97];
	_ =	swait.ge [sflag:s4], $0x0  }
0x19: {  	s7 =	sld [smem:$0x3F98]  }
0x1a: {  	s8 =	sadd.s32 $0xFFFFE003, lr  }
0x1b: {  	s9 =	sadd.s32 $0xFFFFFEF7, lr;
	s5 =	simm.s32 $0xFFFFFFFF;
	p2 =	slt.u32 s8, $0xFFFFF086  }
0x1c: {  	p1 =	slt.u32 s9, $0xF7A;
	s5 =	simm.s32 @!p2 $0x0  }
0x1d: {  	s5 =	simm.s32 @p1 $0x1;
	p0 =	seq.s32 s7, s2  }
0x1e: {  	s7 =	smul.u32 @!p0 $0xF7A, s2;
	p2 =	seq.s32 @!p0 s5, $0x0  }
0x1f: {  	s9 =	smul.u32 $0xF7A, s1;
	s8 =	simm.s32 @!p0 $0x1BF5;
	p2 =	por !p2, p0  }
0x20: {  	[sflag:s8] =	ssyncset.s32 @!p0 $0xFFFFF086;
	s6 =	sadd.s32 @!p0 s3, s7;
	s7 =	simm.s32 @!p0 $0x108  }
0x21: {  	s3 =	sadd.s32 s3, s9;
	s6 =	sadd.s32 @!p0 $0x88, s6;
	s7 =	simm.s32 @p2 $0x1082  }
0x22: {  	[simem:s7], [sflag:s8] =	dma.local @!p0 [hbm:s6], $0xF7A  }
0x23: {  	s9 =	sor.u32 $0xD0000000, s2;
	s6 =	simm.s32 $0x108;
	_ =	swait.ge @!p0 [sflag:s8], $0x0  }
0x24: {  	s3 =	sadd.s32 $0x88, s3;
	s6 =	simm.s32 @!p1 $0x1082;
	[sflag:s4] =	ssyncset.s32 $0xFFFFF086  }
0x25: {  	[simem:s6], [sflag:s4] =	dma.local [hbm:s3], $0xF7A  }
0x26: {  	[smem:$0x3F98] =	sst s1;
	(tag) =	ssettag s2;
	_ =	strace s9  }
0x27: {  	s1 =	sld [smem:$0x3FA8]  }
0x28: {  	s2 =	sld [smem:$0x3FA9]  }
0x29: {  	s4 =	sld [smem:$0x3FAB]  }
0x2a: {  	p0 =	seq.s32 s5, $0x0;
	s5 =	sld [smem:$0x3FAC]  }
0x2b: {  	s6 =	sld [smem:$0x3FAD]  }
0x2c: {  	s7 =	sld [smem:$0x3FAE]  }
0x2d: {  	s3 =	simm.s32 $0x108;
	s8 =	sld [smem:$0x3FAF]  }
0x2e: {  	s3 =	simm.s32 @!p0 $0x1082;
	s9 =	sld [smem:$0x3FB0]  }
0x2f: {  	lr =	sadd.s32 s0, s3;
	s0 =	sld [smem:$0x3FA7]  }
0x30: {  	s3 =	sld [smem:$0x3FAA]  }
0x31: {  	[smem:$0x3FB3] =	sst s10  }
0x32: {  	s10 =	sld [smem:$0x3FB1];
	_ =	sdelay $0x3  }
0x33: {  	p0 =	seq.s32 s10, $0x1;
	s10 =	sld [smem:$0x3FB3];
	_ =	sdelay $0x3  }
0x34: {  	[smem:$0x3FB3] =	sst s10  }
0x35: {  	s10 =	sld [smem:$0x3FB2];
	_ =	sdelay $0x3  }
0x36: {  	p1 =	seq.s32 s10, $0x1;
	s10 =	sld [smem:$0x3FB3];
	_ =	sdelay $0x3  }
0x37: {  	[smem:$0x3FB3] =	sst s10  }
0x38: {  	s10 =	sld [smem:$0x3FB4]  }
0x39: {  	_ = 	snop;
	(pc) =	sbr.ind lr, $3  }
0x3a: {  	_ = 	snop  }
0x3b: {  	_ = 	snop  }
0x3c: {  	p2 =	seq.s32 s10, $0x1;
	s10 =	sld [smem:$0x3FB3]  }
0x3d: {  	_ =	shalt  }
0x3e: {  	_ =	shalt  }
0x3f: {  	_ =	shalt  }
0x40: {  	_ =	shalt  }
0x41: {  	_ =	shalt  }
0x42: {  	_ =	shalt  }
0x43: {  	_ =	shalt  }
0x44: {  	_ =	shalt  }
0x45: {  	_ =	shalt  }
0x46: {  	_ =	shalt  }
0x47: {  	_ =	shalt  }
0x48: {  	_ =	shalt  }
0x49: {  	_ =	shalt  }
0x4a: {  	_ =	shalt  }
0x4b: {  	_ =	shalt  }
0x4c: {  	_ =	shalt  }
0x4d: {  	_ =	shalt  }
0x4e: {  	_ =	shalt  }
0x4f: {  	_ =	shalt  }
0x50: {  	_ =	shalt  }
0x51: {  	_ =	shalt  }
0x52: {  	_ =	shalt  }
0x53: {  	_ =	shalt  }
0x54: {  	_ =	shalt  }
0x55: {  	_ =	shalt  }
0x56: {  	_ =	shalt  }
0x57: {  	_ =	shalt  }
0x58: {  	_ =	shalt  }
0x59: {  	_ =	shalt  }
0x5a: {  	_ =	shalt  }
0x5b: {  	_ =	shalt  }
0x5c: {  	_ =	shalt  }
0x5d: {  	_ =	shalt  }
0x5e: {  	_ =	shalt  }
0x5f: {  	_ =	shalt  }
0x60: {  	_ =	shalt  }
0x61: {  	_ =	shalt  }
0x62: {  	_ =	shalt  }
0x63: {  	_ =	shalt  }
0x64: {  	_ =	shalt  }
0x65: {  	_ =	shalt  }
0x66: {  	_ =	shalt  }
0x67: {  	_ =	shalt  }
0x68: {  	_ =	shalt  }
0x69: {  	_ =	shalt  }
0x6a: {  	_ =	shalt  }
0x6b: {  	_ =	shalt  }
0x6c: {  	_ =	shalt  }
0x6d: {  	_ =	shalt  }
0x6e: {  	_ =	shalt  }
0x6f: {  	_ =	shalt  }
0x70: {  	_ =	shalt  }
0x71: {  	_ =	shalt  }
0x72: {  	_ =	shalt  }
0x73: {  	_ =	shalt  }
0x74: {  	_ =	shalt  }
0x75: {  	_ =	shalt  }
0x76: {  	_ =	shalt  }
0x77: {  	_ =	shalt  }
0x78: {  	_ =	shalt  }
0x79: {  	_ =	shalt  }
0x7a: {  	_ =	shalt  }
0x7b: {  	_ =	shalt  }
0x7c: {  	_ =	shalt  }
0x7d: {  	_ =	shalt  }
0x7e: {  	_ =	shalt  }
0x7f: {  	_ =	shalt  }
0x80: {  	_ =	shalt  }
0x81: {  	_ =	shalt  }
0x82: {  	_ =	shalt  }
0x83: {  	_ =	shalt  }
0x84: {  	_ =	shalt  }
0x85: {  	_ =	shalt  }
0x86: {  	_ =	shalt  }
0x87: {  	_ =	shalt  }
.Lfunc_end0:
.L_simem_size_0:
called_computation.6_lowered:
.L_overlay_start_0:
0x88: {  	s2 =	sld [smem:$0x3FD9]  }
0x89: {  	s3 =	sld [smem:$0x3FFE];
	_ =	sdelay $0x1  }
0x8a: {  	s1 =	srdreg.scid  }
0x8b: {  	s0 =	sand.u32 $0x1, s1  }
0x8c: {  	s17 =	sshll.u32 s0, $0xA;
	s2 =	sadd.s32 s3, s2  }
0x8d: {  	s2 =	sadd.s32 s2, s17  }
0x8e: {  	[smem:$0x3FBF] =	sst s2  }
0x8f: {  	_ = 	snop  }
0x90: {  	s18 =	sld [smem:$0x3FC3];
	(tm) =	ssettm $0x1  }
0x91: {  	s19 =	sld [smem:$0x3FFB];
	_ =	sdelay $0x3  }
0x92: {  	_ =	strace s19  }
0x93: {  	s2 =	sld [smem:$0x3FFC];
	_ =	sdelay $0x3  }
0x94: {  	_ =	strace s2  }
0x95: {  	s2 =	sld [smem:$0x3FFD];
	_ =	sdelay $0x3  }
0x96: {  	_ =	strace s2  }
0x97: {  	_ =	strace $0x8FFFFFFF  }
0x98: {  	s20 =	sld [smem:$0x3FDB];
	_ =	sdelay $0x1  }
0x99: {  	s4 =	simm.s32 $_scs_section_size  }
0x9a: {  	s5 =	simm.s32 $_size__tile_overlayer_lowered;
	s6 =	simm.s32 $_tile_overlayer_lowered  }
0x9b: {  	s7 =	simm.s32 $0x1BFF;
	s21 =	sshll.u32 s6, $0x1;
	s4 =	sadd.s32 s4, s20  }
0x9c: {  	s22 =	simm.s32 $0x0;
	s5 =	sshll.u32 s5, $0x1;
	s6 =	sadd.s32 s21, s4  }
0x9d: {  	[timem:s22], [sflag:s7] =	dma.local [hbm:s6], s5  }
0x9e: {  	_ =	swait.ge [sflag:s7], s5  }
0x9f: {  	s5 =	ssub.s32 $0x0, s5;
	[sflag:s7] =	ssyncset.done $0x0  }
0xa0: {  	[sflag:s7] =	ssyncadd.s32 s5;
	_ =	sdelay $0x1  }
0xa1: {  	s23 =	simm.s32 $0x1B8B  }
0xa2: {  	_ =	swait.ge [sflag:s23], $0x1  }
0xa3: {  	[sflag:s23] =	ssyncset.done $0x0  }
0xa4: {  	[sflag:s23] =	ssyncadd.s32 $0xFFFFFFFF  }
0xa5: {  	s5 =	sld [smem:$0x0]  }
0xa6: {  	s6 =	sand.u32 $0xFFFFFFFE, s1  }
0xa7: {  	p0 =	sne.s32 s1, s6  }
0xa8: {  	s6 =	sshll.u32 @p0 s6, $0xE  }
0xa9: {  	s6 =	sadd.s32 @p0 $0x11B8D, s6;
	s7 =	sshll.u32 @p0 s5, $0x11  }
0xaa: {  	s6 =	sor.u32 @p0 s7, s6  }
0xab: {  	[sflag:s6] =	ssyncadd.remote.s32 @p0 $0x1;
	_ =	sdelay $0x1  }
0xac: {  	s6 =	simm.s32 @p0 $0x1B8D  }
0xad: {  	_ =	swait.eq @p0 [sflag:s6], $0x1  }
0xae: {  	[sflag:s6] =	ssyncadd.s32 @p0 $0xFFFFFFFF  }
0xaf: {  	s7 =	sshll.u32 @!p0 s1, $0xE  }
0xb0: {  	s7 =	sor.u32 @!p0 $0x4000, s7;
	s6 =	simm.s32 @!p0 $0x1B8D  }
0xb1: {  	s5 =	sshll.u32 @!p0 s5, $0x11;
	s7 =	sadd.s32 @!p0 $0x11B8D, s7;
	_ =	swait.eq @!p0 [sflag:s6], $0x1  }
0xb2: {  	s5 =	sor.u32 @!p0 s5, s7;
	[sflag:s6] =	ssyncadd.s32 @!p0 $0xFFFFFFFF  }
0xb3: {  	s25 =	simm.s32 $0x1B8E;
	s24 =	sld [smem:$0x3FFE];
	[sflag:s5] =	ssyncadd.remote.s32 @!p0 $0x1  }
0xb4: {  	s26 =	simm.s32 $execute0_lowered;
	[smem:$0x3FD2] =	sst s25  }
0xb5: {  	s6 =	sshll.u32 s26, $0x1;
	_ =	strace $0x80000058;
	[dreg:$0x1] =	wrdreg $0xFFFFFFFF  }
0xb6: {  	s28 =	simm.s32 $_size_execute0_lowered;
	s4 =	sadd.s32 s4, s6;
	[dreg:$0x0] =	wrdreg $0x0  }
0xb7: {  	s6 =	sshll.u32 s28, $0x1;
	[dreg:$0x2] =	wrdreg s4  }
0xb8: {  	[dreg:$0x3] =	wrdreg s6  }
0xb9: {  	[dreg:$0x4] =	wrdreg $0xC0  }
0xba: {  	_ =	task [dreg:s22], $0x5FFFF  }
0xbb: {  	[dreg:$0x1] =	wrdreg $0xFFFFFFFF  }
0xbc: {  	[dreg:$0x0] =	wrdreg $0x60  }
0xbd: {  	[dreg:$0x2] =	wrdreg s18  }
0xbe: {  	[dreg:$0x3] =	wrdreg s24  }
0xbf: {  	[dreg:$0x4] =	wrdreg $0xF  }
0xc0: {  	_ =	task.clear_ibuf [dreg:s22], $0x5FFFF;
	_ =	strace $0x90000058  }
0xc1: {  	s29 =	simm.s32 $0xF;
	_ =	strace $0x8000005A  }
0xc2: {  	_ =	swait.ge [sflag:s29], $0x1  }
0xc3: {  	[sflag:s29] =	ssyncadd.s32 $0xFFFFFFFF  }
0xc4: {  	_ =	strace $0x9000005A  }
0xc5: {  	_ =	sfence  }
0xc6: {  	s30 =	sld [smem:$0x0];
	_ =	sdelay $0x2  }
0xc7: {  	s31 =	sshll.u32 s1, $0xD;
	s1 =	sshrl.u32 s1, $0x2  }
0xc8: {  	s4 =	sand.u32 $0x4000, s31;
	s1 =	sadd.s32 s1, s30  }
0xc9: {  	s0 =	sor.u32 s4, s0;
	s1 =	sshll.u32 s1, $0x11  }
0xca: {  	s0 =	sor.u32 s1, s0  }
0xcb: {  	s0 =	sadd.s32 $0x8F2B, s0  }
0xcc: {  	[sflag:s0] =	ssyncadd.remote.s32 $0x1  }
0xcd: {  	_ =	sfence.sel $0xFFFF  }
0xce: {  	[dreg:$0x0] =	wrdreg $0xFFFFFFFF;
	(pc) =	sbr.abs _section_cstart, $3  }
0xcf: {  	[dreg:$0x1] =	wrdreg $0xFFFFFFFF  }
0xd0: {  	_ =	task.clear_ibuf [dreg:s22], $0x2FFFF;
	_ =	strace $0x9FFFFFFF  }
0xd1: {  	(tm) =	ssettm $0x7FFFFFFF  }
tec
execute0_lowered:
.L_overlay_start_1:
0x0: {  	(tag) =	ssettag $0x1  }
0x1: {  	s1 =	srdreg.scid;
	s2 =	rddreg [dreg:$0x0]  }
0x2: {  	s0 =	stileid.u32;
	s8 =	rddreg [dreg:$0x1]  }
0x3: {  	s5 =	simm.s32 $0x1;
	s9 =	simm.s32 $0x1;
	s1 =	sshll.u32 s1, $0x5  }
0x4: {  	s10 =	simm.s32 $0x3;
	s3 =	sshll.u32 s0, $0x6;
	s4 =	sand.u32 $0x20, s1  }
0x5: {  	s13 =	simm.s32 $0x0;
	s12 =	simm.s32 $0x0;
	s3 =	sor.u32 s3, s4  }
0x6: {  	s1 =	rddreg [dreg:$0x2];
	_ =	strace $0x80000059;
	s7 =	ssub.s32 $0x600, s3  }
.Ltmp0:
0x7: {  	s4 =	sadd.s32 $0x4C00, s8;
	s6 =	sand.u32 $0x3E0, s7;
	(pc) =	sbr.rel .LBB2_1-.Ltmp0, $4  }
0x8: {  	[sflag:s5] =	ssyncpa.u1 $0x0;
	s8 =	sadd.s32 $0x5000, s8;
	p0 =	sne.s32 s6, $0x0  }
0x9: {  	s7 =	sshrl.u32 s7, $0xA;
	s6 =	simm.s32 $0x2;
	s9 =	simm.s32 @!p0 $0x0  }
0xa: {  	s11 =	smov.u32 s3;
	[sflag:s6] =	ssyncpa.u1 $0x0;
	s7 =	sadd.s32 s9, s7  }
0xb: {  	vm0 =	vmmov $0xffff;
	[sflag:s10] =	ssyncpa.u1 $0x0;
	s10 =	simm.s32 $0x0;
	s9 =	sadd.s32 $0x1, s7  }
.LBB2_5:
0xc: {  	s15 =	sadd.s32 $0x400, s11  }
0xd: {  	p1 =	sgt.s32 s15, $0x5FF  }
0xe: {  	s15 =	smov.u32 @p1 s3;
	p1 =	sne.s32 s12, s9  }
.Ltmp1:
0xf: {  	p0 =	slt.u32 s12, $0x2;
	(pc) =	sbr.rel @!p1 .LBB2_6-.Ltmp1, $4  }
0x10: {  	s14 =	simm.s32 @!p0 $0x3  }
0x11: {  	_ =	swait.ge @!p0 [sflag:s14], $0x20  }
0x12: {  	s16 =	sadd.s32 $0x1, s12;
	s13 =	smov.u32 s11;
	[sflag:s14] =	ssyncset.done @!p0 $0x0  }
0x13: {  	s12 =	smov.u32 s16;
	s11 =	smov.u32 s15;
	[sflag:s14] =	ssyncadd.s32 @!p0 $0xFFFFFFE0  }
.LBB2_1:
0x14: {  	p0 =	sge.u32 s12, s7  }
0x15: {  	s14 =	sxor.u32 @!p0 $0xFFFFFFFF, s12  }
0x16: {  	s31 =	sadd.s32 $0xFFFFFFFF, s12;
	s15 =	sshrl.u32 @!p0 s11, $0x3;
	s14 =	sshll.u32 @!p0 s14, $0x5  }
0x17: {  	s16 =	sand.u32 @!p0 $0x7, s11;
	s15 =	sadd.s32 @!p0 s4, s15;
	s14 =	sand.u32 @!p0 $0x20, s14  }
0x18: {  	[tilespmem:s14], [sflag:$0x2] =	stream.linear.gather @!p0 [hbm4b:s15+s16], $0x20, $0x38;
	[tilespmem:$0x80] =	vst v63  }
0x19: {  	p0 =	sge.u32 s31, s7  }
.Ltmp2:
0x1a: {  	_ = 	snop;
	(pc) =	sbr.rel @p0 .LBB2_5-.Ltmp2, $1  }
0x1b: {  	_ =	sdelay $0x3  }
0x1c: {  	_ =	swait.ge [sflag:s6], $0x20;
	s14 =	sshll.u32 s12, $0x5;
	s16 =	simm.s32 $0x0  }
0x1d: {  	p0 =	por $0x1, $0x1;
	[sflag:s6] =	ssyncset.done $0x0;
	s15 =	sand.u32 $0x20, s14  }
0x1e: {  	[sflag:s6] =	ssyncadd.s32 $0xFFFFFFE0;
	(ifvalue) =	ssetifvalue $0x7FFFFFFF;
	s14 =	sor.u32 $0x40, s15  }
.LBB2_3:
0x1f: {  	s17 =	sadd.s32 s16, s15  }
0x20: {  	v0 =	vld.msk [tilespmem:s17+$0x0 ss:$0x1], $0xffff;
	_ =	sdelay $0x4  }
0x21: {  	v1 =	vshrl.u32 v0, $0x11  }
0x22: {  	vm1 =	veq.s32 v0, $0x80000000;
	v1 =	vand.u32 $0x3, v1  }
0x23: {  	v0 =	vand.u32 $0x1FFFF, v0;
	v1 =	vsel vm1, $0xFFFFFFFF, v1  }
0x24: {  	v0 =	vsel vm1, $0xFFFFFFFF, v0;
	v2 =	vshrl.u32 v1, $0x2  }
0x25: {  	v3 =	vshll.u32 v0, $0x2;
	v2 =	vmul.u32 $0x61C00, v2  }
0x26: {  	v3 =	vand.u32 $0xFFFFFE00, v3;
	v1 =	vshll.u32 v1, $0x7  }
0x27: {  	v1 =	vand.u32 $0x180, v1;
	v2 =	vadd.s32 v3, v2  }
0x28: {  	v0 =	vand.u32 $0x7F, v0;
	v1 =	vor.u32 v1, v2  }
0x29: {  	p1 =	por p0, p0;
	v0 =	vor.u32 v0, v1  }
.Ltmp3:
0x2a: {  	_ = 	snop;
	(pc) =	sbr.rel @p1 .LBB2_3-.Ltmp3, $4  }
0x2b: {  	_ = 	snop  }
0x2c: {  	s31 =	sadd.s32 s16, s14  }
0x2d: {  	s16 =	simm.s32 $0x10;
	p0 =	por $0x0, $0x0;
	(ifvalue) =	ssetifvalue $0x7FFFFFFF  }
0x2e: {  	[tilespmem:s31], [sflag:$0x1] =	stream.indirect_vreg.gather [hbm4b:s2+s10], $0x1, v0, vm0, $0x4038;
	[tilespmem:$0x80] =	vst v63  }
.Ltmp4:
0x2f: {  	(pc) =	sbr.rel .LBB2_5-.Ltmp4, $4  }
0x30: {  	_ =	swait.ge [sflag:s5], $0x20  }
0x31: {  	s15 =	sshrl.u32 s13, $0x3;
	[sflag:s5] =	ssyncset.done $0x0  }
0x32: {  	s31 =	sand.u32 $0x7, s13;
	s15 =	sadd.s32 s8, s15;
	[sflag:s5] =	ssyncadd.s32 $0xFFFFFFE0  }
0x33: {  	[hbm4b:s15+s31] =	stream.linear.scatter [tilespmem:s14], [sflag:$0x3], $0x20, $0x38;
	[tilespmem:$0x80] =	vst v63  }
.LBB2_6:
0x34: {  	_ =	sfence.sel $0x180000  }
0x35: {  	s2 =	simm.s32 $0x2;
	[bflag:$0x0] =	sbarrier.arrive $0xFFFF  }
0x36: {  	s30 =	simm.s32 $0x3;
	[sflag:s2] =	ssyncpa.u1 $0x1  }
0x37: {  	s31 =	simm.s32 $0x1;
	[sflag:s30] =	ssyncpa.u1 $0x1  }
0x38: {  	[sflag:s31] =	ssyncpa.u1 $0x1  }
0x39: {  	p0 =	sne.s32 s0, $0x0;
	_ =	strace $0x90000059  }
0x3a: {  	s0 =	sadd.s32 @!p0 $0x100000, s1;
	[bflag:$0x2] =	sbarrier.arrive $0xFFFF  }
0x3b: {  	[sflag:s0] =	ssyncadd.tile.s32 @!p0 $0x1;
	_ =	shalt  }
.Lfunc_end2:
_tile_overlayer_lowered:
.L_overlay_start_2:
0x3c: {  	(tag) =	ssettag $0x2  }
0x3d: {  	s0 =	rddreg [dreg:$0x0];
	s2 =	stileid.u32  }
0x3e: {  	s1 =	rddreg [dreg:$0x1];
	p0 =	sne.s32 s2, $0x0  }
0x3f: {  	s3 =	rddreg [dreg:$0x2];
	[bflag:$0x3] =	sbarrier.arrive $0xFFFF;
	s2 =	simm.s32 @!p0 $0x1C01  }
0x40: {  	[timem:s3], [sflag:s2] =	dma.local @!p0 [hbm:s0], s1  }
0x41: {  	s0 =	simm.s32 @!p0 $0x1  }
0x42: {  	_ =	swait.ge @!p0 [sflag:s0], s1  }
0x43: {  	s1 =	ssub.s32 @!p0 $0x0, s1;
	[sflag:s0] =	ssyncset.done @!p0 $0x0  }
0x44: {  	[sflag:s0] =	ssyncadd.s32 @!p0 s1  }
0x45: {  	[bflag:$0x3] =	sbarrier.arrive $0xFFFF  }
0x46: {  	_ =	shalt  }

// kernel: gather_offload_async_start
scs
__scs_entry_jumppad:
0x0: {  	(pc) =	sbr.rel $0x88, $3  }
0x1: {  	(tag) =	ssettag $0x0;
	lr =	simm.s32 $0x1  }
0x2: {  	[smem:$0x3F98] =	sst lr;
	_ =	strace $0xD0000000  }
0x3: {  	_ = 	snop  }
0x4: {  	_ = 	snop  }
0x5: {  	_ = 	snop  }
0x6: {  	_ = 	snop  }
0x7: {  	_ = 	snop  }
__scs_overlays_trampoline_lowered:
0x8: {  	[smem:$0x3FA7] =	sst s0  }
0x9: {  	[smem:$0x3FA8] =	sst s1  }
0xa: {  	[smem:$0x3FA9] =	sst s2  }
0xb: {  	[smem:$0x3FAA] =	sst s3  }
0xc: {  	[smem:$0x3FAB] =	sst s4  }
0xd: {  	[smem:$0x3FAC] =	sst s5  }
0xe: {  	[smem:$0x3FAD] =	sst s6  }
0xf: {  	[smem:$0x3FAE] =	sst s7  }
0x10: {  	[smem:$0x3FAF] =	sst s8  }
0x11: {  	[smem:$0x3FB0] =	sst s9;
	s0 =	simm.s32 @!p0 $0x0  }
0x12: {  	s1 =	sld [smem:$0x3F96];
	s0 =	simm.s32 @p0 $0x1  }
0x13: {  	[smem:$0x3FB1] =	sst s0;
	s0 =	simm.s32 @!p1 $0x0  }
0x14: {  	s2 =	sld [smem:$0x3F95];
	s0 =	simm.s32 @p1 $0x1  }
0x15: {  	[smem:$0x3FB2] =	sst s0;
	s0 =	simm.s32 @!p2 $0x0  }
0x16: {  	s3 =	sld [smem:$0x3FDB];
	s0 =	simm.s32 @p2 $0x1  }
0x17: {  	s4 =	simm.s32 $0x1BF5;
	[smem:$0x3FB4] =	sst s0  }
0x18: {  	s0 =	sld [smem:$0x3F97];
	_ =	swait.ge [sflag:s4], $0x0  }
0x19: {  	s7 =	sld [smem:$0x3F98]  }
0x1a: {  	s8 =	sadd.s32 $0xFFFFE003, lr  }
0x1b: {  	s9 =	sadd.s32 $0xFFFFFEF7, lr;
	s5 =	simm.s32 $0xFFFFFFFF;
	p2 =	slt.u32 s8, $0xFFFFF086  }
0x1c: {  	p1 =	slt.u32 s9, $0xF7A;
	s5 =	simm.s32 @!p2 $0x0  }
0x1d: {  	s5 =	simm.s32 @p1 $0x1;
	p0 =	seq.s32 s7, s2  }
0x1e: {  	s7 =	smul.u32 @!p0 $0xF7A, s2;
	p2 =	seq.s32 @!p0 s5, $0x0  }
0x1f: {  	s9 =	smul.u32 $0xF7A, s1;
	s8 =	simm.s32 @!p0 $0x1BF5;
	p2 =	por !p2, p0  }
0x20: {  	[sflag:s8] =	ssyncset.s32 @!p0 $0xFFFFF086;
	s6 =	sadd.s32 @!p0 s3, s7;
	s7 =	simm.s32 @!p0 $0x108  }
0x21: {  	s3 =	sadd.s32 s3, s9;
	s6 =	sadd.s32 @!p0 $0x88, s6;
	s7 =	simm.s32 @p2 $0x1082  }
0x22: {  	[simem:s7], [sflag:s8] =	dma.local @!p0 [hbm:s6], $0xF7A  }
0x23: {  	s9 =	sor.u32 $0xD0000000, s2;
	s6 =	simm.s32 $0x108;
	_ =	swait.ge @!p0 [sflag:s8], $0x0  }
0x24: {  	s3 =	sadd.s32 $0x88, s3;
	s6 =	simm.s32 @!p1 $0x1082;
	[sflag:s4] =	ssyncset.s32 $0xFFFFF086  }
0x25: {  	[simem:s6], [sflag:s4] =	dma.local [hbm:s3], $0xF7A  }
0x26: {  	[smem:$0x3F98] =	sst s1;
	(tag) =	ssettag s2;
	_ =	strace s9  }
0x27: {  	s1 =	sld [smem:$0x3FA8]  }
0x28: {  	s2 =	sld [smem:$0x3FA9]  }
0x29: {  	s4 =	sld [smem:$0x3FAB]  }
0x2a: {  	p0 =	seq.s32 s5, $0x0;
	s5 =	sld [smem:$0x3FAC]  }
0x2b: {  	s6 =	sld [smem:$0x3FAD]  }
0x2c: {  	s7 =	sld [smem:$0x3FAE]  }
0x2d: {  	s3 =	simm.s32 $0x108;
	s8 =	sld [smem:$0x3FAF]  }
0x2e: {  	s3 =	simm.s32 @!p0 $0x1082;
	s9 =	sld [smem:$0x3FB0]  }
0x2f: {  	lr =	sadd.s32 s0, s3;
	s0 =	sld [smem:$0x3FA7]  }
0x30: {  	s3 =	sld [smem:$0x3FAA]  }
0x31: {  	[smem:$0x3FB3] =	sst s10  }
0x32: {  	s10 =	sld [smem:$0x3FB1];
	_ =	sdelay $0x3  }
0x33: {  	p0 =	seq.s32 s10, $0x1;
	s10 =	sld [smem:$0x3FB3];
	_ =	sdelay $0x3  }
0x34: {  	[smem:$0x3FB3] =	sst s10  }
0x35: {  	s10 =	sld [smem:$0x3FB2];
	_ =	sdelay $0x3  }
0x36: {  	p1 =	seq.s32 s10, $0x1;
	s10 =	sld [smem:$0x3FB3];
	_ =	sdelay $0x3  }
0x37: {  	[smem:$0x3FB3] =	sst s10  }
0x38: {  	s10 =	sld [smem:$0x3FB4]  }
0x39: {  	_ = 	snop;
	(pc) =	sbr.ind lr, $3  }
0x3a: {  	_ = 	snop  }
0x3b: {  	_ = 	snop  }
0x3c: {  	p2 =	seq.s32 s10, $0x1;
	s10 =	sld [smem:$0x3FB3]  }
0x3d: {  	_ =	shalt  }
0x3e: {  	_ =	shalt  }
0x3f: {  	_ =	shalt  }
0x40: {  	_ =	shalt  }
0x41: {  	_ =	shalt  }
0x42: {  	_ =	shalt  }
0x43: {  	_ =	shalt  }
0x44: {  	_ =	shalt  }
0x45: {  	_ =	shalt  }
0x46: {  	_ =	shalt  }
0x47: {  	_ =	shalt  }
0x48: {  	_ =	shalt  }
0x49: {  	_ =	shalt  }
0x4a: {  	_ =	shalt  }
0x4b: {  	_ =	shalt  }
0x4c: {  	_ =	shalt  }
0x4d: {  	_ =	shalt  }
0x4e: {  	_ =	shalt  }
0x4f: {  	_ =	shalt  }
0x50: {  	_ =	shalt  }
0x51: {  	_ =	shalt  }
0x52: {  	_ =	shalt  }
0x53: {  	_ =	shalt  }
0x54: {  	_ =	shalt  }
0x55: {  	_ =	shalt  }
0x56: {  	_ =	shalt  }
0x57: {  	_ =	shalt  }
0x58: {  	_ =	shalt  }
0x59: {  	_ =	shalt  }
0x5a: {  	_ =	shalt  }
0x5b: {  	_ =	shalt  }
0x5c: {  	_ =	shalt  }
0x5d: {  	_ =	shalt  }
0x5e: {  	_ =	shalt  }
0x5f: {  	_ =	shalt  }
0x60: {  	_ =	shalt  }
0x61: {  	_ =	shalt  }
0x62: {  	_ =	shalt  }
0x63: {  	_ =	shalt  }
0x64: {  	_ =	shalt  }
0x65: {  	_ =	shalt  }
0x66: {  	_ =	shalt  }
0x67: {  	_ =	shalt  }
0x68: {  	_ =	shalt  }
0x69: {  	_ =	shalt  }
0x6a: {  	_ =	shalt  }
0x6b: {  	_ =	shalt  }
0x6c: {  	_ =	shalt  }
0x6d: {  	_ =	shalt  }
0x6e: {  	_ =	shalt  }
0x6f: {  	_ =	shalt  }
0x70: {  	_ =	shalt  }
0x71: {  	_ =	shalt  }
0x72: {  	_ =	shalt  }
0x73: {  	_ =	shalt  }
0x74: {  	_ =	shalt  }
0x75: {  	_ =	shalt  }
0x76: {  	_ =	shalt  }
0x77: {  	_ =	shalt  }
0x78: {  	_ =	shalt  }
0x79: {  	_ =	shalt  }
0x7a: {  	_ =	shalt  }
0x7b: {  	_ =	shalt  }
0x7c: {  	_ =	shalt  }
0x7d: {  	_ =	shalt  }
0x7e: {  	_ =	shalt  }
0x7f: {  	_ =	shalt  }
0x80: {  	_ =	shalt  }
0x81: {  	_ =	shalt  }
0x82: {  	_ =	shalt  }
0x83: {  	_ =	shalt  }
0x84: {  	_ =	shalt  }
0x85: {  	_ =	shalt  }
0x86: {  	_ =	shalt  }
0x87: {  	_ =	shalt  }
.Lfunc_end0:
.L_simem_size_0:
called_computation_lowered:
.L_overlay_start_0:
0x88: {  	s0 =	sld [smem:$0x3FD9]  }
0x89: {  	s1 =	sld [smem:$0x3FFE];
	_ =	sdelay $0x3  }
0x8a: {  	s0 =	sadd.s32 s1, s0  }
0x8b: {  	[smem:$0x3FBF] =	sst s0  }
0x8c: {  	_ = 	snop  }
0x8d: {  	s0 =	sld [smem:$0x3FC9];
	(tm) =	ssettm $0x1  }
0x8e: {  	s16 =	sld [smem:$0x3FFB];
	_ =	sdelay $0x3  }
0x8f: {  	_ =	strace s16  }
0x90: {  	s1 =	sld [smem:$0x3FFC];
	_ =	sdelay $0x3  }
0x91: {  	_ =	strace s1  }
0x92: {  	s1 =	sld [smem:$0x3FFD];
	_ =	sdelay $0x3  }
0x93: {  	_ =	strace s1  }
0x94: {  	_ =	strace $0x8FFFFFFF  }
0x95: {  	s17 =	sld [smem:$0x3FDB];
	_ =	sdelay $0x1  }
0x96: {  	s2 =	simm.s32 $_scs_section_size  }
0x97: {  	s3 =	simm.s32 $_size__tile_overlayer_lowered;
	s4 =	simm.s32 $_tile_overlayer_lowered  }
0x98: {  	s20 =	simm.s32 $0x1BFF;
	s19 =	sshll.u32 s4, $0x1;
	s1 =	sadd.s32 s2, s17  }
0x99: {  	s5 =	simm.s32 $0x0;
	s18 =	sshll.u32 s3, $0x1;
	s3 =	sadd.s32 s19, s1  }
0x9a: {  	[timem:s5], [sflag:s20] =	dma.local [hbm:s3], s18  }
0x9b: {  	_ =	swait.ge [sflag:s20], s18  }
0x9c: {  	s2 =	ssub.s32 $0x0, s18;
	[sflag:s20] =	ssyncset.done $0x0  }
0x9d: {  	[sflag:s20] =	ssyncadd.s32 s2;
	_ =	sdelay $0x1  }
0x9e: {  	s21 =	simm.s32 $0x1B8B  }
0x9f: {  	_ =	swait.ge [sflag:s21], $0x1  }
0xa0: {  	[sflag:s21] =	ssyncset.done $0x0  }
0xa1: {  	s23 =	simm.s32 $0x1B8E;
	s22 =	sld [smem:$0x3FFE];
	[sflag:s21] =	ssyncadd.s32 $0xFFFFFFFF  }
0xa2: {  	s24 =	simm.s32 $execute0_lowered;
	[smem:$0x3FD2] =	sst s23  }
0xa3: {  	s3 =	sshll.u32 s24, $0x1;
	_ =	strace $0x80000046;
	[dreg:$0x1] =	wrdreg $0xFFFFFFFF  }
0xa4: {  	s25 =	simm.s32 $_size_execute0_lowered;
	s1 =	sadd.s32 s1, s3;
	[dreg:$0x0] =	wrdreg $0x0  }
0xa5: {  	s3 =	sshll.u32 s25, $0x1;
	[dreg:$0x2] =	wrdreg s1  }
0xa6: {  	[dreg:$0x3] =	wrdreg s3  }
0xa7: {  	[dreg:$0x4] =	wrdreg $0xC0  }
0xa8: {  	_ =	task [dreg:s5], $0x5FFFF  }
0xa9: {  	[dreg:$0x1] =	wrdreg $0xFFFFFFFF  }
0xaa: {  	[dreg:$0x0] =	wrdreg $0x60  }
0xab: {  	[dreg:$0x2] =	wrdreg s0  }
0xac: {  	[dreg:$0x3] =	wrdreg s22  }
0xad: {  	[dreg:$0x4] =	wrdreg $0x9  }
0xae: {  	_ =	task.clear_ibuf [dreg:s5], $0x5FFFF;
	_ =	strace $0x90000046  }
0xaf: {  	s26 =	simm.s32 $0x9;
	_ =	strace $0x80000048  }
0xb0: {  	_ =	swait.ge [sflag:s26], $0x1  }
0xb1: {  	[sflag:s26] =	ssyncadd.s32 $0xFFFFFFFF  }
0xb2: {  	_ =	strace $0x90000048  }
0xb3: {  	_ =	sfence  }
0xb4: {  	s28 =	sld [smem:$0x0];
	_ =	sdelay $0x1  }
0xb5: {  	s29 =	srdreg.scid  }
0xb6: {  	s30 =	sshll.u32 s29, $0xD;
	s31 =	sshrl.u32 s29, $0x2  }
0xb7: {  	s2 =	sand.u32 $0x4000, s30;
	s1 =	sand.u32 $0x1, s29;
	s0 =	sadd.s32 s31, s28  }
0xb8: {  	s1 =	sor.u32 s2, s1;
	s0 =	sshll.u32 s0, $0x11  }
0xb9: {  	s0 =	sor.u32 s0, s1  }
0xba: {  	s0 =	sadd.s32 $0x8F2B, s0  }
0xbb: {  	[sflag:s0] =	ssyncadd.remote.s32 $0x1  }
0xbc: {  	_ =	sfence.sel $0xFFFF  }
0xbd: {  	[dreg:$0x0] =	wrdreg $0xFFFFFFFF;
	(pc) =	sbr.abs _section_cstart, $3  }
0xbe: {  	[dreg:$0x1] =	wrdreg $0xFFFFFFFF  }
0xbf: {  	_ =	task.clear_ibuf [dreg:s5], $0x2FFFF;
	_ =	strace $0x9FFFFFFF  }
0xc0: {  	(tm) =	ssettm $0x7FFFFFFF  }
0xc1: {  	_ =	shalt  }
tec
execute0_lowered:
.L_overlay_start_1:
0x0: {  	(tag) =	ssettag $0x1  }
0x1: {  	s2 =	rddreg [dreg:$0x0]  }
0x2: {  	s6 =	rddreg [dreg:$0x1]  }
0x3: {  	s0 =	stileid.u32;
	s1 =	rddreg [dreg:$0x2]  }
0x4: {  	_ =	strace $0x80000047;
	s7 =	simm.s32 $0x1;
	s3 =	sshll.u32 s0, $0x4  }
0x5: {  	s30 =	simm.s32 $0x2;
	s31 =	simm.s32 $0x3;
	s5 =	ssub.s32 $0x410, s3  }
0x6: {  	s11 =	simm.s32 $0x0;
	s9 =	simm.s32 $0x0;
	s8 =	sand.u32 $0xF0, s5  }
0x7: {  	s4 =	sadd.s32 $0x3600, s6;
	[sflag:s7] =	ssyncpa.u1 $0x0;
	p0 =	sne.s32 s8, $0x0  }
0x8: {  	s6 =	sadd.s32 $0x3800, s6;
	s5 =	sshrl.u32 s5, $0x8;
	s7 =	simm.s32 @!p0 $0x0  }
0x9: {  	[sflag:s30] =	ssyncpa.u1 $0x0;
	s10 =	smov.u32 s3;
	s5 =	sadd.s32 s7, s5  }
0xa: {  	[sflag:s31] =	ssyncpa.u1 $0x0;
	s8 =	simm.s32 $0x0;
	s7 =	sadd.s32 $0x1, s5  }
.LBB2_1:
0xb: {  	p0 =	sge.u32 s9, s5  }
0xc: {  	s31 =	sadd.s32 $0xFFFFFFFF, s9;
	s12 =	sxor.u32 @!p0 $0xFFFFFFFF, s8;
	s13 =	sshrl.u32 @!p0 s10, $0x3  }
0xd: {  	s14 =	sand.u32 @!p0 $0x7, s10;
	s12 =	sand.u32 @!p0 $0x10, s12;
	s13 =	sadd.s32 @!p0 s4, s13  }
0xe: {  	[tilespmem:s12], [sflag:$0x2] =	stream.linear.gather @!p0 [hbm4b:s13+s14], $0x10, $0x38;
	[tilespmem:$0x40] =	vst v63  }
0xf: {  	p0 =	sge.u32 s31, s5  }
0x10: {  	s12 =	simm.s32 @!p0 $0x2  }
0x11: {  	_ =	swait.ge @!p0 [sflag:s12], $0x10  }
0x12: {  	[sflag:s12] =	ssyncset.done @!p0 $0x0  }
0x13: {  	[sflag:s12] =	ssyncadd.s32 @!p0 $0xFFFFFFF0;
	s12 =	sand.u32 @!p0 $0x10, s8  }
0x14: {  	(ifvalue) =	ssetifvalue @!p0 $0x7FFFFFFF;
	v0 =	vld.msk @!p0 [tilespmem:s12+$0x0 ss:$0x1], $0xffff;
	_ =	sdelay $0x4  }
0x15: {  	v1 =	vshrl.u32 @!p0 v0, $0x11  }
0x16: {  	vm0 =	veq.s32 @!p0 v0, $0x80000000;
	v1 =	vand.u32 @!p0 $0x1, v1  }
0x17: {  	v0 =	vand.u32 @!p0 $0x1FFFF, v0;
	v1 =	vsel @!p0 vm0, $0xFFFFFFFF, v1  }
0x18: {  	v0 =	vsel @!p0 vm0, $0xFFFFFFFF, v0;
	v2 =	vshrl.u32 @!p0 v1, $0x1  }
0x19: {  	v3 =	vshll.u32 @!p0 v0, $0x1;
	v2 =	vmul.u32 @!p0 $0x30E00, v2  }
0x1a: {  	v3 =	vand.u32 @!p0 $0xFFFFFF00, v3;
	v1 =	vshll.u32 @!p0 v1, $0x7  }
0x1b: {  	v1 =	vand.u32 @!p0 $0x80, v1;
	v2 =	vadd.s32 @!p0 v3, v2  }
0x1c: {  	v0 =	vand.u32 @!p0 $0x7F, v0;
	v1 =	vor.u32 @!p0 v1, v2  }
0x1d: {  	v0 =	vor.u32 @!p0 v0, v1;
	_ =	sdelay $0x3  }
0x1e: {  	s13 =	simm.s32 @!p0 $0x0;
	s12 =	sor.u32 @!p0 $0x20, s12;
	(ifvalue) =	ssetifvalue @!p0 $0x7FFFFFFF;
	vm0 =	vmmov @!p0 $0xffff  }
0x1f: {  	[tilespmem:s12], [sflag:$0x1] =	stream.indirect_vreg.gather @!p0 [hbm4b:s2+s13], $0x1, v0, vm0, $0x4038;
	[tilespmem:$0x40] =	vst v63  }
0x20: {  	s13 =	simm.s32 @!p0 $0x1  }
0x21: {  	_ =	swait.ge @!p0 [sflag:s13], $0x10  }
0x22: {  	s14 =	sshrl.u32 @!p0 s11, $0x3;
	[sflag:s13] =	ssyncset.done @!p0 $0x0  }
0x23: {  	s11 =	sand.u32 @!p0 $0x7, s11;
	[sflag:s13] =	ssyncadd.s32 @!p0 $0xFFFFFFF0;
	s13 =	sadd.s32 @!p0 s6, s14  }
0x24: {  	[hbm4b:s13+s11] =	stream.linear.scatter @!p0 [tilespmem:s12], [sflag:$0x3], $0x10, $0x38;
	[tilespmem:$0x40] =	vst v63  }
0x25: {  	s13 =	sadd.s32 $0x100, s10  }
0x26: {  	p1 =	sgt.s32 s13, $0x40F  }
0x27: {  	s13 =	smov.u32 @p1 s3;
	p1 =	sne.s32 s9, s7  }
.Ltmp0:
0x28: {  	p0 =	slt.u32 s9, $0x2;
	(pc) =	sbr.rel @p1 .LBB2_1-.Ltmp0, $4  }
0x29: {  	s12 =	simm.s32 @!p0 $0x3  }
0x2a: {  	_ =	swait.ge @!p0 [sflag:s12], $0x10  }
0x2b: {  	s8 =	sadd.s32 $0x10, s8;
	s11 =	smov.u32 s10;
	[sflag:s12] =	ssyncset.done @!p0 $0x0  }
0x2c: {  	s9 =	sadd.s32 $0x1, s9;
	s10 =	smov.u32 s13;
	[sflag:s12] =	ssyncadd.s32 @!p0 $0xFFFFFFF0  }
0x2d: {  	_ =	sfence.sel $0x180000  }
0x2e: {  	s2 =	simm.s32 $0x2;
	[bflag:$0x0] =	sbarrier.arrive $0xFFFF  }
0x2f: {  	s30 =	simm.s32 $0x3;
	[sflag:s2] =	ssyncpa.u1 $0x1  }
0x30: {  	s31 =	simm.s32 $0x1;
	[sflag:s30] =	ssyncpa.u1 $0x1  }
0x31: {  	[sflag:s31] =	ssyncpa.u1 $0x1  }
0x32: {  	p0 =	sne.s32 s0, $0x0;
	_ =	strace $0x90000047  }
0x33: {  	s0 =	sadd.s32 @!p0 $0x100000, s1;
	[bflag:$0x2] =	sbarrier.arrive $0xFFFF  }
0x34: {  	[sflag:s0] =	ssyncadd.tile.s32 @!p0 $0x1;
	_ =	shalt  }
.Lfunc_end2:
_tile_overlayer_lowered:
.L_overlay_start_2:
0x35: {  	(tag) =	ssettag $0x2  }
0x36: {  	s0 =	rddreg [dreg:$0x0];
	s2 =	stileid.u32  }
0x37: {  	s1 =	rddreg [dreg:$0x1];
	p0 =	sne.s32 s2, $0x0  }
0x38: {  	s3 =	rddreg [dreg:$0x2];
	[bflag:$0x3] =	sbarrier.arrive $0xFFFF;
	s2 =	simm.s32 @!p0 $0x1C01  }
0x39: {  	[timem:s3], [sflag:s2] =	dma.local @!p0 [hbm:s0], s1  }
0x3a: {  	s0 =	simm.s32 @!p0 $0x1  }
0x3b: {  	_ =	swait.ge @!p0 [sflag:s0], s1  }
0x3c: {  	s1 =	ssub.s32 @!p0 $0x0, s1;
	[sflag:s0] =	ssyncset.done @!p0 $0x0  }
0x3d: {  	[sflag:s0] =	ssyncadd.s32 @!p0 s1  }
0x3e: {  	[bflag:$0x3] =	sbarrier.arrive $0xFFFF  }
0x3f: {  	_ =	shalt  }

// kernel: kernel.4.cloned.1.call-start
scs
__scs_entry_jumppad:
0x0: {  	(pc) =	sbr.rel $0x88, $3  }
0x1: {  	(tag) =	ssettag $0x0;
	lr =	simm.s32 $0x1  }
0x2: {  	[smem:$0x3F98] =	sst lr;
	_ =	strace $0xD0000000  }
0x3: {  	_ = 	snop  }
0x4: {  	_ = 	snop  }
0x5: {  	_ = 	snop  }
0x6: {  	_ = 	snop  }
0x7: {  	_ = 	snop  }
__scs_overlays_trampoline_lowered:
0x8: {  	[smem:$0x3FA7] =	sst s0  }
0x9: {  	[smem:$0x3FA8] =	sst s1  }
0xa: {  	[smem:$0x3FA9] =	sst s2  }
0xb: {  	[smem:$0x3FAA] =	sst s3  }
0xc: {  	[smem:$0x3FAB] =	sst s4  }
0xd: {  	[smem:$0x3FAC] =	sst s5  }
0xe: {  	[smem:$0x3FAD] =	sst s6  }
0xf: {  	[smem:$0x3FAE] =	sst s7  }
0x10: {  	[smem:$0x3FAF] =	sst s8  }
0x11: {  	[smem:$0x3FB0] =	sst s9;
	s0 =	simm.s32 @!p0 $0x0  }
0x12: {  	s1 =	sld [smem:$0x3F96];
	s0 =	simm.s32 @p0 $0x1  }
0x13: {  	[smem:$0x3FB1] =	sst s0;
	s0 =	simm.s32 @!p1 $0x0  }
0x14: {  	s2 =	sld [smem:$0x3F95];
	s0 =	simm.s32 @p1 $0x1  }
0x15: {  	[smem:$0x3FB2] =	sst s0;
	s0 =	simm.s32 @!p2 $0x0  }
0x16: {  	s3 =	sld [smem:$0x3FDB];
	s0 =	simm.s32 @p2 $0x1  }
0x17: {  	s4 =	simm.s32 $0x1BF5;
	[smem:$0x3FB4] =	sst s0  }
0x18: {  	s0 =	sld [smem:$0x3F97];
	_ =	swait.ge [sflag:s4], $0x0  }
0x19: {  	s7 =	sld [smem:$0x3F98]  }
0x1a: {  	s8 =	sadd.s32 $0xFFFFE003, lr  }
0x1b: {  	s9 =	sadd.s32 $0xFFFFFEF7, lr;
	s5 =	simm.s32 $0xFFFFFFFF;
	p2 =	slt.u32 s8, $0xFFFFF086  }
0x1c: {  	p1 =	slt.u32 s9, $0xF7A;
	s5 =	simm.s32 @!p2 $0x0  }
0x1d: {  	s5 =	simm.s32 @p1 $0x1;
	p0 =	seq.s32 s7, s2  }
0x1e: {  	s7 =	smul.u32 @!p0 $0xF7A, s2;
	p2 =	seq.s32 @!p0 s5, $0x0  }
0x1f: {  	s9 =	smul.u32 $0xF7A, s1;
	s8 =	simm.s32 @!p0 $0x1BF5;
	p2 =	por !p2, p0  }
0x20: {  	[sflag:s8] =	ssyncset.s32 @!p0 $0xFFFFF086;
	s6 =	sadd.s32 @!p0 s3, s7;
	s7 =	simm.s32 @!p0 $0x108  }
0x21: {  	s3 =	sadd.s32 s3, s9;
	s6 =	sadd.s32 @!p0 $0x88, s6;
	s7 =	simm.s32 @p2 $0x1082  }
0x22: {  	[simem:s7], [sflag:s8] =	dma.local @!p0 [hbm:s6], $0xF7A  }
0x23: {  	s9 =	sor.u32 $0xD0000000, s2;
	s6 =	simm.s32 $0x108;
	_ =	swait.ge @!p0 [sflag:s8], $0x0  }
0x24: {  	s3 =	sadd.s32 $0x88, s3;
	s6 =	simm.s32 @!p1 $0x1082;
	[sflag:s4] =	ssyncset.s32 $0xFFFFF086  }
0x25: {  	[simem:s6], [sflag:s4] =	dma.local [hbm:s3], $0xF7A  }
0x26: {  	[smem:$0x3F98] =	sst s1;
	(tag) =	ssettag s2;
	_ =	strace s9  }
0x27: {  	s1 =	sld [smem:$0x3FA8]  }
0x28: {  	s2 =	sld [smem:$0x3FA9]  }
0x29: {  	s4 =	sld [smem:$0x3FAB]  }
0x2a: {  	p0 =	seq.s32 s5, $0x0;
	s5 =	sld [smem:$0x3FAC]  }
0x2b: {  	s6 =	sld [smem:$0x3FAD]  }
0x2c: {  	s7 =	sld [smem:$0x3FAE]  }
0x2d: {  	s3 =	simm.s32 $0x108;
	s8 =	sld [smem:$0x3FAF]  }
0x2e: {  	s3 =	simm.s32 @!p0 $0x1082;
	s9 =	sld [smem:$0x3FB0]  }
0x2f: {  	lr =	sadd.s32 s0, s3;
	s0 =	sld [smem:$0x3FA7]  }
0x30: {  	s3 =	sld [smem:$0x3FAA]  }
0x31: {  	[smem:$0x3FB3] =	sst s10  }
0x32: {  	s10 =	sld [smem:$0x3FB1];
	_ =	sdelay $0x3  }
0x33: {  	p0 =	seq.s32 s10, $0x1;
	s10 =	sld [smem:$0x3FB3];
	_ =	sdelay $0x3  }
0x34: {  	[smem:$0x3FB3] =	sst s10  }
0x35: {  	s10 =	sld [smem:$0x3FB2];
	_ =	sdelay $0x3  }
0x36: {  	p1 =	seq.s32 s10, $0x1;
	s10 =	sld [smem:$0x3FB3];
	_ =	sdelay $0x3  }
0x37: {  	[smem:$0x3FB3] =	sst s10  }
0x38: {  	s10 =	sld [smem:$0x3FB4]  }
0x39: {  	_ = 	snop;
	(pc) =	sbr.ind lr, $3  }
0x3a: {  	_ = 	snop  }
0x3b: {  	_ = 	snop  }
0x3c: {  	p2 =	seq.s32 s10, $0x1;
	s10 =	sld [smem:$0x3FB3]  }
0x3d: {  	_ =	shalt  }
0x3e: {  	_ =	shalt  }
0x3f: {  	_ =	shalt  }
0x40: {  	_ =	shalt  }
0x41: {  	_ =	shalt  }
0x42: {  	_ =	shalt  }
0x43: {  	_ =	shalt  }
0x44: {  	_ =	shalt  }
0x45: {  	_ =	shalt  }
0x46: {  	_ =	shalt  }
0x47: {  	_ =	shalt  }
0x48: {  	_ =	shalt  }
0x49: {  	_ =	shalt  }
0x4a: {  	_ =	shalt  }
0x4b: {  	_ =	shalt  }
0x4c: {  	_ =	shalt  }
0x4d: {  	_ =	shalt  }
0x4e: {  	_ =	shalt  }
0x4f: {  	_ =	shalt  }
0x50: {  	_ =	shalt  }
0x51: {  	_ =	shalt  }
0x52: {  	_ =	shalt  }
0x53: {  	_ =	shalt  }
0x54: {  	_ =	shalt  }
0x55: {  	_ =	shalt  }
0x56: {  	_ =	shalt  }
0x57: {  	_ =	shalt  }
0x58: {  	_ =	shalt  }
0x59: {  	_ =	shalt  }
0x5a: {  	_ =	shalt  }
0x5b: {  	_ =	shalt  }
0x5c: {  	_ =	shalt  }
0x5d: {  	_ =	shalt  }
0x5e: {  	_ =	shalt  }
0x5f: {  	_ =	shalt  }
0x60: {  	_ =	shalt  }
0x61: {  	_ =	shalt  }
0x62: {  	_ =	shalt  }
0x63: {  	_ =	shalt  }
0x64: {  	_ =	shalt  }
0x65: {  	_ =	shalt  }
0x66: {  	_ =	shalt  }
0x67: {  	_ =	shalt  }
0x68: {  	_ =	shalt  }
0x69: {  	_ =	shalt  }
0x6a: {  	_ =	shalt  }
0x6b: {  	_ =	shalt  }
0x6c: {  	_ =	shalt  }
0x6d: {  	_ =	shalt  }
0x6e: {  	_ =	shalt  }
0x6f: {  	_ =	shalt  }
0x70: {  	_ =	shalt  }
0x71: {  	_ =	shalt  }
0x72: {  	_ =	shalt  }
0x73: {  	_ =	shalt  }
0x74: {  	_ =	shalt  }
0x75: {  	_ =	shalt  }
0x76: {  	_ =	shalt  }
0x77: {  	_ =	shalt  }
0x78: {  	_ =	shalt  }
0x79: {  	_ =	shalt  }
0x7a: {  	_ =	shalt  }
0x7b: {  	_ =	shalt  }
0x7c: {  	_ =	shalt  }
0x7d: {  	_ =	shalt  }
0x7e: {  	_ =	shalt  }
0x7f: {  	_ =	shalt  }
0x80: {  	_ =	shalt  }
0x81: {  	_ =	shalt  }
0x82: {  	_ =	shalt  }
0x83: {  	_ =	shalt  }
0x84: {  	_ =	shalt  }
0x85: {  	_ =	shalt  }
0x86: {  	_ =	shalt  }
0x87: {  	_ =	shalt  }
.Lfunc_end0:
.L_simem_size_0:
called_computation.7_lowered:
.L_overlay_start_0:
0x88: {  	s2 =	sld [smem:$0x3FD9]  }
0x89: {  	s3 =	sld [smem:$0x3FFE];
	_ =	sdelay $0x1  }
0x8a: {  	s1 =	srdreg.scid  }
0x8b: {  	s0 =	sand.u32 $0x1, s1  }
0x8c: {  	s17 =	sshll.u32 s0, $0xA;
	s2 =	sadd.s32 s3, s2  }
0x8d: {  	s2 =	sadd.s32 s2, s17  }
0x8e: {  	[smem:$0x3FBF] =	sst s2  }
0x8f: {  	_ = 	snop  }
0x90: {  	s2 =	sld [smem:$0x3FC2]  }
0x91: {  	s18 =	sld [smem:$0x3FC1];
	(tm) =	ssettm $0x1  }
0x92: {  	s4 =	sld [smem:$0x3FFB];
	_ =	sdelay $0x3  }
0x93: {  	_ =	strace s4  }
0x94: {  	s4 =	sld [smem:$0x3FFC];
	_ =	sdelay $0x3  }
0x95: {  	_ =	strace s4  }
0x96: {  	s4 =	sld [smem:$0x3FFD];
	_ =	sdelay $0x3  }
0x97: {  	_ =	strace s4  }
0x98: {  	_ =	strace $0x8FFFFFFF  }
0x99: {  	s19 =	sld [smem:$0x3FDB];
	_ =	sdelay $0x1  }
0x9a: {  	s5 =	simm.s32 $_scs_section_size  }
0x9b: {  	s6 =	simm.s32 $_size__tile_overlayer_lowered;
	s7 =	simm.s32 $_tile_overlayer_lowered  }
0x9c: {  	s22 =	simm.s32 $0x1BFF;
	s21 =	sshll.u32 s7, $0x1;
	s4 =	sadd.s32 s5, s19  }
0x9d: {  	s8 =	simm.s32 $0x0;
	s20 =	sshll.u32 s6, $0x1;
	s6 =	sadd.s32 s21, s4  }
0x9e: {  	[timem:s8], [sflag:s22] =	dma.local [hbm:s6], s20  }
0x9f: {  	_ =	swait.ge [sflag:s22], s20  }
0xa0: {  	s5 =	ssub.s32 $0x0, s20;
	[sflag:s22] =	ssyncset.done $0x0  }
0xa1: {  	[sflag:s22] =	ssyncadd.s32 s5;
	_ =	sdelay $0x1  }
0xa2: {  	s23 =	simm.s32 $0x1B8B  }
0xa3: {  	_ =	swait.ge [sflag:s23], $0x1  }
0xa4: {  	[sflag:s23] =	ssyncset.done $0x0  }
0xa5: {  	s25 =	simm.s32 $0x1B8E;
	s24 =	sld [smem:$0x3FFE];
	[sflag:s23] =	ssyncadd.s32 $0xFFFFFFFF  }
0xa6: {  	s26 =	simm.s32 $execute0_lowered;
	[smem:$0x3FD2] =	sst s25  }
0xa7: {  	s6 =	sshll.u32 s26, $0x1;
	_ =	strace $0x8000005B;
	[dreg:$0x1] =	wrdreg $0xFFFFFFFF  }
0xa8: {  	s28 =	simm.s32 $_size_execute0_lowered;
	s4 =	sadd.s32 s4, s6;
	[dreg:$0x0] =	wrdreg $0x0  }
0xa9: {  	s6 =	sshll.u32 s28, $0x1;
	[dreg:$0x2] =	wrdreg s4  }
0xaa: {  	[dreg:$0x3] =	wrdreg s6  }
0xab: {  	[dreg:$0x4] =	wrdreg $0xC0  }
0xac: {  	_ =	task [dreg:s8], $0x5FFFF  }
0xad: {  	[dreg:$0x1] =	wrdreg $0xFFFFFFFF  }
0xae: {  	[dreg:$0x0] =	wrdreg $0x60  }
0xaf: {  	[dreg:$0x2] =	wrdreg s24  }
0xb0: {  	[dreg:$0x3] =	wrdreg s2  }
0xb1: {  	[dreg:$0x4] =	wrdreg s18  }
0xb2: {  	[dreg:$0x5] =	wrdreg $0x9  }
0xb3: {  	_ =	task.clear_ibuf [dreg:s8], $0x6FFFF;
	_ =	strace $0x9000005B  }
0xb4: {  	s29 =	simm.s32 $0x9;
	_ =	strace $0x8000005D  }
0xb5: {  	_ =	swait.ge [sflag:s29], $0x1  }
0xb6: {  	[sflag:s29] =	ssyncadd.s32 $0xFFFFFFFF  }
0xb7: {  	_ =	strace $0x9000005D  }
0xb8: {  	_ =	sfence  }
0xb9: {  	s30 =	sld [smem:$0x0];
	_ =	sdelay $0x2  }
0xba: {  	s31 =	sshll.u32 s1, $0xD;
	s1 =	sshrl.u32 s1, $0x2  }
0xbb: {  	s3 =	sand.u32 $0x4000, s31;
	s1 =	sadd.s32 s1, s30  }
0xbc: {  	s0 =	sor.u32 s3, s0;
	s1 =	sshll.u32 s1, $0x11  }
0xbd: {  	s0 =	sor.u32 s1, s0  }
0xbe: {  	s0 =	sadd.s32 $0x8F2B, s0  }
0xbf: {  	[sflag:s0] =	ssyncadd.remote.s32 $0x1  }
0xc0: {  	_ =	sfence.sel $0xFFFF  }
0xc1: {  	[dreg:$0x0] =	wrdreg $0xFFFFFFFF;
	(pc) =	sbr.abs _section_cstart, $3  }
0xc2: {  	[dreg:$0x1] =	wrdreg $0xFFFFFFFF  }
0xc3: {  	_ =	task.clear_ibuf [dreg:s8], $0x2FFFF;
	_ =	strace $0x9FFFFFFF  }
0xc4: {  	(tm) =	ssettm $0x7FFFFFFF  }
0xc5: {  	_ =	shalt  }
tec
execute0_lowered:
.L_overlay_start_1:
0x0: {  	(tag) =	ssettag $0x1  }
0x1: {  	s0 =	rddreg [dreg:$0x0];
	s4 =	simm.s32 $0x0;
	v0 =	vlaneseq.u32  }
0x2: {  	[smem:$0x7FF] =	sst s4;
	v2 =	vmul.u32 $0x2, v0;
	v63 =	vand.u32 $0x7, v0  }
0x3: {  	s2 =	rddreg [dreg:$0x1];
	v1 =	vmul.u32 $0x3, v0;
	v62 =	vshrl.u32 v0, $0x3;
	v0 =	vor.u32 $0x8, v0;
	_ =	strace $0x8000005C;
	[tilespmem:$0x1FFD0] =	vst v63  }
0x4: {  	[tilespmem:$0x1FFF0] =	vst v0  }
0x5: {  	v3 =	vor.u32 $0x1, v2;
	[tilespmem:$0x1FF50] =	vst v2  }
0x6: {  	v47 =	vadd.s32 $0x20, v1;
	[tilespmem:$0x1FEA0] =	vst v3  }
0x7: {  	v48 =	vadd.s32 $0x21, v1;
	[tilespmem:$0x1FEB0] =	vst v47  }
0x8: {  	v49 =	vadd.s32 $0x22, v1;
	[tilespmem:$0x1FEC0] =	vst v48  }
0x9: {  	v50 =	vadd.s32 $0x50, v1;
	[tilespmem:$0x1FED0] =	vst v49  }
0xa: {  	v51 =	vadd.s32 $0x52, v1;
	[tilespmem:$0x1FEE0] =	vst v50  }
0xb: {  	v52 =	vadd.s32 $0x51, v1;
	[tilespmem:$0x1FEF0] =	vst v51  }
0xc: {  	s1 =	srdreg.scid;
	s3 =	stileid.u32;
	v53 =	vadd.s32 $0x81, v1;
	[tilespmem:$0x1FF00] =	vst v52  }
0xd: {  	s1 =	sand.u32 $0x1, s1;
	s3 =	sshll.u32 s3, $0x1;
	v54 =	vadd.s32 $0x82, v1;
	[tilespmem:$0x1FF10] =	vst v53  }
0xe: {  	s23 =	simm.s32 $0x1;
	s31 =	simm.s32 $0x0;
	s3 =	sor.u32 s1, s3;
	v55 =	vor.u32 $0x80, v1;
	[tilespmem:$0x1FF20] =	vst v54  }
0xf: {  	s1 =	ssub.s32 $0x2, s1;
	s5 =	smul.u32 $0x6, s3;
	s6 =	sshll.u32 s3, $0x2;
	v56 =	vadd.s32 $0xB0, v2;
	[tilespmem:$0x1FF30] =	vst v55  }
0x10: {  	s7 =	sshll.u32 s3, $0x4;
	s8 =	sshll.u32 s3, $0x8;
	s3 =	sshll.u32 s3, $0x9;
	v2 =	vadd.s32 $0xB1, v2;
	[tilespmem:$0x1FF40] =	vst v56  }
0x11: {  	s25 =	sshrl.u32 s1, $0x1;
	v57 =	vadd.s32 $0xD0, v1;
	s6 =	sadd.s32 s6, s0;
	s7 =	sadd.s32 s7, s0;
	[tilespmem:$0x1FF60] =	vst v2  }
0x12: {  	v58 =	vadd.s32 $0xD2, v1;
	s14 =	sadd.s32 s8, s0;
	s1 =	ssub.s32 s1, s25;
	[tilespmem:$0x1FF70] =	vst v57;
	s5 =	sadd.s32 s5, s0  }
0x13: {  	v59 =	vadd.s32 $0xD1, v1;
	[tilespmem:$0x1FF80] =	vst v58;
	s0 =	sadd.s32 s3, s0;
	s26 =	sadd.s32 $0x3800, s6;
	s9 =	sadd.s32 $0x4800, s6  }
0x14: {  	v60 =	vor.u32 $0x100, v1;
	[tilespmem:$0x1FF90] =	vst v59;
	s12 =	sadd.s32 $0x4A00, s7;
	s13 =	sadd.s32 $0x9200, s14;
	s14 =	sadd.s32 $0xB200, s14  }
0x15: {  	v61 =	vadd.s32 $0x102, v1;
	v1 =	vadd.s32 $0x101, v1;
	[tilespmem:$0x1FFA0] =	vst v60;
	s16 =	smax.u32 s1, $0x1;
	[dreg:$0x4] =	wrdreg s26;
	s28 =	sadd.s32 $0x3C00, s5  }
0x16: {  	[tilespmem:$0x1FFC0] =	vst v1;
	v1 =	vmul.u32 $0x8, v62;
	s29 =	sadd.s32 $0x4000, s5;
	s30 =	sadd.s32 $0x4400, s5;
	[dreg:$0x5] =	wrdreg s28  }
0x17: {  	[tilespmem:$0x1FFB0] =	vst v61;
	s10 =	sadd.s32 $0x4E00, s5;
	s11 =	sadd.s32 $0x5000, s5;
	[dreg:$0x6] =	wrdreg s29  }
0x18: {  	vm0 =	vmmov $0xffff;
	s15 =	sadd.s32 $0x5200, s0;
	s26 =	simm.s32 $0x2;
	[tilespmem:$0x1FFE0] =	vst v1;
	[dreg:$0x7] =	wrdreg s30  }
.LBB2_1:
0x19: {  	s0 =	rddreg [dreg:$0x4]  }
0x1a: {  	[tilespmem:s4], [sflag:$0x1] =	stream.linear.gather [hbm4b:s0+s4], $0x20, $0x38;
	[tilespmem:$0x13380] =	vst v63  }
0x1b: {  	s22 =	rddreg [dreg:$0x5];
	s1 =	simm.s32 $0x20  }
0x1c: {  	[tilespmem:s1], [sflag:$0x1] =	stream.linear.gather [hbm4b:s22+s4], $0x30, $0x38;
	[tilespmem:$0x13380] =	vst v63  }
0x1d: {  	s24 =	rddreg [dreg:$0x6];
	s25 =	simm.s32 $0x50  }
0x1e: {  	[tilespmem:s25], [sflag:$0x1] =	stream.linear.gather [hbm4b:s24+s4], $0x30, $0x38;
	[tilespmem:$0x13380] =	vst v63  }
0x1f: {  	s28 =	rddreg [dreg:$0x7];
	s29 =	simm.s32 $0x80  }
0x20: {  	[tilespmem:s29], [sflag:$0x1] =	stream.linear.gather [hbm4b:s28+s4], $0x30, $0x38;
	[tilespmem:$0x13380] =	vst v63  }
0x21: {  	s30 =	simm.s32 $0xB0  }
0x22: {  	[tilespmem:s30], [sflag:$0x1] =	stream.linear.gather [hbm4b:s9+s4], $0x20, $0x38;
	[tilespmem:$0x13380] =	vst v63  }
0x23: {  	s1 =	simm.s32 $0xD0  }
0x24: {  	[tilespmem:s1], [sflag:$0x1] =	stream.linear.gather [hbm4b:s10+s4], $0x30, $0x38;
	[tilespmem:$0x13380] =	vst v63  }
0x25: {  	s3 =	simm.s32 $0x100  }
0x26: {  	[tilespmem:s3], [sflag:$0x1] =	stream.linear.gather [hbm4b:s11+s4], $0x30, $0x38;
	[tilespmem:$0x13380] =	vst v63  }
0x27: {  	_ =	swait.ge [sflag:s23], $0x20  }
0x28: {  	[sflag:s23] =	ssyncset.done $0x0  }
0x29: {  	[sflag:s23] =	ssyncadd.s32 $0xFFFFFFE0  }
0x2a: {  	_ =	swait.ge [sflag:s23], $0x30  }
0x2b: {  	[sflag:s23] =	ssyncset.done $0x0  }
0x2c: {  	[sflag:s23] =	ssyncadd.s32 $0xFFFFFFD0  }
0x2d: {  	_ =	swait.ge [sflag:s23], $0x30  }
0x2e: {  	[sflag:s23] =	ssyncset.done $0x0  }
0x2f: {  	[sflag:s23] =	ssyncadd.s32 $0xFFFFFFD0  }
0x30: {  	_ =	swait.ge [sflag:s23], $0x30  }
0x31: {  	[sflag:s23] =	ssyncset.done $0x0  }
0x32: {  	[sflag:s23] =	ssyncadd.s32 $0xFFFFFFD0  }
0x33: {  	_ =	swait.ge [sflag:s23], $0x20  }
0x34: {  	[sflag:s23] =	ssyncset.done $0x0  }
0x35: {  	[sflag:s23] =	ssyncadd.s32 $0xFFFFFFE0  }
0x36: {  	_ =	swait.ge [sflag:s23], $0x30  }
0x37: {  	[sflag:s23] =	ssyncset.done $0x0  }
0x38: {  	[sflag:s23] =	ssyncadd.s32 $0xFFFFFFD0  }
0x39: {  	_ =	swait.ge [sflag:s23], $0x30  }
0x3a: {  	v0 =	vld [tilespmem:$0x1FF50];
	_ =	sdelay $0x5  }
0x3b: {  	[sflag:s23] =	ssyncset.done $0x0  }
0x3c: {  	[sflag:s23] =	ssyncadd.s32 $0xFFFFFFD0  }
0x3d: {  	v0 =	vld.idx.msk [tilespmem:v0+s4+$0x0], $0xffff;
	_ =	sdelay $0x4  }
0x3e: {  	[tilespmem:$0x180] =	vst v0;
	v0 =	vld [tilespmem:$0x1FEA0];
	_ =	sdelay $0x7  }
0x3f: {  	v0 =	vld.idx.msk [tilespmem:v0+s4+$0x0], $0xffff;
	_ =	sdelay $0x4  }
0x40: {  	[tilespmem:$0x190] =	vst v0;
	v0 =	vld [tilespmem:$0x1FEB0];
	_ =	sdelay $0x7  }
0x41: {  	v0 =	vld.idx.msk [tilespmem:v0+s4+$0x0], $0xffff;
	_ =	sdelay $0x4  }
0x42: {  	[tilespmem:$0x1A0] =	vst v0;
	v0 =	vld [tilespmem:$0x1FEC0];
	_ =	sdelay $0x7  }
0x43: {  	v0 =	vld.idx.msk [tilespmem:v0+s4+$0x0], $0xffff;
	_ =	sdelay $0x4  }
0x44: {  	[tilespmem:$0x1B0] =	vst v0;
	v0 =	vld [tilespmem:$0x1FED0];
	_ =	sdelay $0x7  }
0x45: {  	v0 =	vld.idx.msk [tilespmem:v0+s4+$0x0], $0xffff;
	_ =	sdelay $0x4  }
0x46: {  	[tilespmem:$0x1C0] =	vst v0;
	v0 =	vld [tilespmem:$0x1FEE0];
	_ =	sdelay $0x7  }
0x47: {  	v0 =	vld.idx.msk [tilespmem:v0+s4+$0x0], $0xffff;
	_ =	sdelay $0x4  }
0x48: {  	[tilespmem:$0x1D0] =	vst v0;
	v0 =	vld [tilespmem:$0x1FEF0];
	_ =	sdelay $0x7  }
0x49: {  	v0 =	vld.idx.msk [tilespmem:v0+s4+$0x0], $0xffff;
	_ =	sdelay $0x4  }
0x4a: {  	[tilespmem:$0x1E0] =	vst v0;
	v0 =	vld [tilespmem:$0x1FF00];
	_ =	sdelay $0x7  }
0x4b: {  	v0 =	vld.idx.msk [tilespmem:v0+s4+$0x0], $0xffff;
	_ =	sdelay $0x4  }
0x4c: {  	[tilespmem:$0x280] =	vst v0;
	v0 =	vld [tilespmem:$0x1FF10];
	_ =	sdelay $0x7  }
0x4d: {  	v0 =	vld.idx.msk [tilespmem:v0+s4+$0x0], $0xffff;
	_ =	sdelay $0x4  }
0x4e: {  	[tilespmem:$0x1F0] =	vst v0;
	v0 =	vld [tilespmem:$0x1FF20];
	_ =	sdelay $0x7  }
0x4f: {  	v0 =	vld.idx.msk [tilespmem:v0+s4+$0x0], $0xffff;
	_ =	sdelay $0x4  }
0x50: {  	[tilespmem:$0x200] =	vst v0;
	v0 =	vld [tilespmem:$0x1FF30];
	_ =	sdelay $0x7  }
0x51: {  	v0 =	vld.idx.msk [tilespmem:v0+s4+$0x0], $0xffff;
	_ =	sdelay $0x4  }
0x52: {  	[tilespmem:$0x290] =	vst v0;
	v0 =	vld [tilespmem:$0x1FF40];
	_ =	sdelay $0x7  }
0x53: {  	v0 =	vld.idx.msk [tilespmem:v0+s4+$0x0], $0xffff;
	_ =	sdelay $0x4  }
0x54: {  	[tilespmem:$0x210] =	vst v0;
	v0 =	vld [tilespmem:$0x1FF60];
	_ =	sdelay $0x7  }
0x55: {  	v0 =	vld.idx.msk [tilespmem:v0+s4+$0x0], $0xffff;
	_ =	sdelay $0x4  }
0x56: {  	[tilespmem:$0x220] =	vst v0;
	v0 =	vld [tilespmem:$0x1FF70];
	_ =	sdelay $0x7  }
0x57: {  	v0 =	vld.idx.msk [tilespmem:v0+s4+$0x0], $0xffff;
	_ =	sdelay $0x4  }
0x58: {  	[tilespmem:$0x230] =	vst v0;
	v0 =	vld [tilespmem:$0x1FF80];
	_ =	sdelay $0x7  }
0x59: {  	v0 =	vld.idx.msk [tilespmem:v0+s4+$0x0], $0xffff;
	_ =	sdelay $0x4  }
0x5a: {  	[tilespmem:$0x250] =	vst v0;
	v0 =	vld [tilespmem:$0x1FF90];
	_ =	sdelay $0x7  }
0x5b: {  	v0 =	vld.idx.msk [tilespmem:v0+s4+$0x0], $0xffff;
	_ =	sdelay $0x4  }
0x5c: {  	[tilespmem:$0x2A0] =	vst v0;
	v0 =	vld [tilespmem:$0x1FFA0];
	_ =	sdelay $0x7  }
0x5d: {  	v0 =	vld.idx.msk [tilespmem:v0+s4+$0x0], $0xffff;
	_ =	sdelay $0x3  }
0x5e: {  	v1 =	vld [tilespmem:$0x180]  }
0x5f: {  	[tilespmem:$0x240] =	vst v0;
	v0 =	vld [tilespmem:$0x1FFB0];
	_ =	sdelay $0x3  }
0x60: {  	v2 =	vshll.u32 v1, $0x1  }
0x61: {  	v1 =	vand.u32 $0x7, v1;
	v2 =	vand.u32 $0xFFFFFFF0, v2  }
0x62: {  	v1 =	vor.u32 v1, v2;
	v2 =	vld [tilespmem:$0x1FFC0]  }
0x63: {  	v3 =	vld [tilespmem:$0x1FFD0]  }
0x64: {  	v0 =	vld.idx.msk [tilespmem:v0+s4+$0x0], $0xffff  }
0x65: {  	v4 =	vld [tilespmem:$0x1FFE0]  }
0x66: {  	v5 =	vld [tilespmem:$0x1FFF0];
	_ =	sdelay $0x2  }
0x67: {  	[tilespmem:$0x260] =	vst v0;
	v0 =	vperm.xlane v1, v3  }
0x68: {  	v2 =	vld.idx.msk [tilespmem:v2+s4+$0x0], $0xffff  }
0x69: {  	v1 =	vperm.xlane v1, v5;
	v0 =	vadd.s32 v4, v0;
	_ =	sdelay $0x1  }
0x6a: {  	v1 =	vadd.s32 v4, v1;
	_ =	sdelay $0x1  }
0x6b: {  	s5 =	simm.s32 $0x300;
	[tilespmem:$0x2B0] =	vst v2  }
0x6c: {  	[tilespmem:s5], [sflag:$0x1] =	stream.indirect_vreg.gather [hbm4b:s2+s4], $0x80, v0, vm0, $0xb8;
	[tilespmem:$0x13380] =	vst v63  }
0x6d: {  	s6 =	simm.s32 $0xB00  }
0x6e: {  	[tilespmem:s6], [sflag:$0x1] =	stream.indirect_vreg.gather [hbm4b:s2+s4], $0x80, v1, vm0, $0xb8;
	[tilespmem:$0x13380] =	vst v63  }
0x6f: {  	v0 =	vld [tilespmem:$0x190];
	_ =	sdelay $0x4  }
0x70: {  	v1 =	vshll.u32 v0, $0x1  }
0x71: {  	v0 =	vand.u32 $0x7, v0;
	v1 =	vand.u32 $0xFFFFFFF0, v1  }
0x72: {  	v0 =	vor.u32 v0, v1  }
0x73: {  	v1 =	vperm.xlane v0, v3;
	_ =	sdelay $0x1  }
0x74: {  	v0 =	vperm.xlane v0, v5;
	v1 =	vadd.s32 v4, v1;
	_ =	sdelay $0x1  }
0x75: {  	v0 =	vadd.s32 v4, v0;
	_ =	sdelay $0x1  }
0x76: {  	s7 =	simm.s32 $0x1300  }
0x77: {  	[tilespmem:s7], [sflag:$0x1] =	stream.indirect_vreg.gather [hbm4b:s2+s4], $0x80, v1, vm0, $0xb8;
	[tilespmem:$0x13380] =	vst v63  }
0x78: {  	s8 =	simm.s32 $0x1B00  }
0x79: {  	[tilespmem:s8], [sflag:$0x1] =	stream.indirect_vreg.gather [hbm4b:s2+s4], $0x80, v0, vm0, $0xb8;
	[tilespmem:$0x13380] =	vst v63  }
0x7a: {  	v0 =	vld [tilespmem:$0x1A0];
	_ =	sdelay $0x4  }
0x7b: {  	v1 =	vshll.u32 v0, $0x1  }
0x7c: {  	v0 =	vand.u32 $0x7, v0;
	v1 =	vand.u32 $0xFFFFFFF0, v1  }
0x7d: {  	v0 =	vor.u32 v0, v1  }
0x7e: {  	v1 =	vperm.xlane v0, v3;
	_ =	sdelay $0x1  }
0x7f: {  	v0 =	vperm.xlane v0, v5;
	v1 =	vadd.s32 v4, v1;
	_ =	sdelay $0x1  }
0x80: {  	v0 =	vadd.s32 v4, v0;
	_ =	sdelay $0x1  }
0x81: {  	s17 =	simm.s32 $0x2300  }
0x82: {  	[tilespmem:s17], [sflag:$0x1] =	stream.indirect_vreg.gather [hbm4b:s2+s4], $0x80, v1, vm0, $0xb8;
	[tilespmem:$0x13380] =	vst v63  }
0x83: {  	s18 =	simm.s32 $0x2B00  }
0x84: {  	[tilespmem:s18], [sflag:$0x1] =	stream.indirect_vreg.gather [hbm4b:s2+s4], $0x80, v0, vm0, $0xb8;
	[tilespmem:$0x13380] =	vst v63  }
0x85: {  	v0 =	vld [tilespmem:$0x1B0];
	_ =	sdelay $0x4  }
0x86: {  	v1 =	vshll.u32 v0, $0x1  }
0x87: {  	v0 =	vand.u32 $0x7, v0;
	v1 =	vand.u32 $0xFFFFFFF0, v1  }
0x88: {  	v0 =	vor.u32 v0, v1  }
0x89: {  	v1 =	vperm.xlane v0, v3;
	_ =	sdelay $0x1  }
0x8a: {  	v0 =	vperm.xlane v0, v5;
	v1 =	vadd.s32 v4, v1;
	_ =	sdelay $0x1  }
0x8b: {  	v0 =	vadd.s32 v4, v0;
	_ =	sdelay $0x1  }
0x8c: {  	s19 =	simm.s32 $0x3300  }
0x8d: {  	[tilespmem:s19], [sflag:$0x1] =	stream.indirect_vreg.gather [hbm4b:s2+s4], $0x80, v1, vm0, $0xb8;
	[tilespmem:$0x13380] =	vst v63  }
0x8e: {  	s20 =	simm.s32 $0x3B00  }
0x8f: {  	[tilespmem:s20], [sflag:$0x1] =	stream.indirect_vreg.gather [hbm4b:s2+s4], $0x80, v0, vm0, $0xb8;
	[tilespmem:$0x13380] =	vst v63  }
0x90: {  	v0 =	vld [tilespmem:$0x1C0];
	_ =	sdelay $0x4  }
0x91: {  	v1 =	vshll.u32 v0, $0x1  }
0x92: {  	v0 =	vand.u32 $0x7, v0;
	v1 =	vand.u32 $0xFFFFFFF0, v1  }
0x93: {  	v0 =	vor.u32 v0, v1  }
0x94: {  	v1 =	vperm.xlane v0, v3;
	_ =	sdelay $0x1  }
0x95: {  	v0 =	vperm.xlane v0, v5;
	v1 =	vadd.s32 v4, v1;
	_ =	sdelay $0x1  }
0x96: {  	v0 =	vadd.s32 v4, v0;
	_ =	sdelay $0x1  }
0x97: {  	s21 =	simm.s32 $0x4300  }
0x98: {  	[tilespmem:s21], [sflag:$0x1] =	stream.indirect_vreg.gather [hbm4b:s2+s4], $0x80, v1, vm0, $0xb8;
	[tilespmem:$0x13380] =	vst v63  }
0x99: {  	s22 =	simm.s32 $0x4B00  }
0x9a: {  	[tilespmem:s22], [sflag:$0x1] =	stream.indirect_vreg.gather [hbm4b:s2+s4], $0x80, v0, vm0, $0xb8;
	[tilespmem:$0x13380] =	vst v63  }
0x9b: {  	v0 =	vld [tilespmem:$0x1D0];
	_ =	sdelay $0x4  }
0x9c: {  	v1 =	vshll.u32 v0, $0x1  }
0x9d: {  	v0 =	vand.u32 $0x7, v0;
	v1 =	vand.u32 $0xFFFFFFF0, v1  }
0x9e: {  	v0 =	vor.u32 v0, v1  }
0x9f: {  	v1 =	vperm.xlane v0, v3;
	_ =	sdelay $0x1  }
0xa0: {  	v0 =	vperm.xlane v0, v5;
	v1 =	vadd.s32 v4, v1;
	_ =	sdelay $0x1  }
0xa1: {  	v0 =	vadd.s32 v4, v0;
	_ =	sdelay $0x1  }
0xa2: {  	s24 =	simm.s32 $0x5300  }
0xa3: {  	[tilespmem:s24], [sflag:$0x1] =	stream.indirect_vreg.gather [hbm4b:s2+s4], $0x80, v1, vm0, $0xb8;
	[tilespmem:$0x13380] =	vst v63  }
0xa4: {  	s25 =	simm.s32 $0x5B00  }
0xa5: {  	[tilespmem:s25], [sflag:$0x1] =	stream.indirect_vreg.gather [hbm4b:s2+s4], $0x80, v0, vm0, $0xb8;
	[tilespmem:$0x13380] =	vst v63  }
0xa6: {  	v0 =	vld [tilespmem:$0x1E0];
	_ =	sdelay $0x4  }
0xa7: {  	v1 =	vshll.u32 v0, $0x1  }
0xa8: {  	v0 =	vand.u32 $0x7, v0;
	v1 =	vand.u32 $0xFFFFFFF0, v1  }
0xa9: {  	v0 =	vor.u32 v0, v1  }
0xaa: {  	v1 =	vperm.xlane v0, v3;
	_ =	sdelay $0x1  }
0xab: {  	v0 =	vperm.xlane v0, v5;
	v1 =	vadd.s32 v4, v1;
	_ =	sdelay $0x1  }
0xac: {  	v0 =	vadd.s32 v4, v0;
	_ =	sdelay $0x1  }
0xad: {  	s28 =	simm.s32 $0x6300  }
0xae: {  	[tilespmem:s28], [sflag:$0x1] =	stream.indirect_vreg.gather [hbm4b:s2+s4], $0x80, v1, vm0, $0xb8;
	[tilespmem:$0x13380] =	vst v63  }
0xaf: {  	s29 =	simm.s32 $0x6B00  }
0xb0: {  	[tilespmem:s29], [sflag:$0x1] =	stream.indirect_vreg.gather [hbm4b:s2+s4], $0x80, v0, vm0, $0xb8;
	[tilespmem:$0x13380] =	vst v63  }
0xb1: {  	v0 =	vld.msk [tilespmem:$0x1F0], $0xff;
	_ =	sdelay $0x4  }
0xb2: {  	v1 =	vshll.u32 v0, $0x1  }
0xb3: {  	v0 =	vand.u32 $0x7, v0;
	v1 =	vand.u32 $0xFFFFFFF0, v1  }
0xb4: {  	v0 =	vor.u32 v0, v1  }
0xb5: {  	v0 =	vperm.xlane v0, v3;
	_ =	sdelay $0x1  }
0xb6: {  	v0 =	vadd.s32 v4, v0;
	_ =	sdelay $0x3  }
0xb7: {  	s30 =	simm.s32 $0x7300  }
0xb8: {  	[tilespmem:s30], [sflag:$0x1] =	stream.indirect_vreg.gather [hbm4b:s2+s4], $0x80, v0, vm0, $0xb8;
	[tilespmem:$0x13380] =	vst v63  }
0xb9: {  	v0 =	vld [tilespmem:$0x1F8];
	_ =	sdelay $0x4  }
0xba: {  	v1 =	vshll.u32 v0, $0x1  }
0xbb: {  	v0 =	vand.u32 $0x7, v0;
	v1 =	vand.u32 $0xFFFFFFF0, v1  }
0xbc: {  	v0 =	vor.u32 v0, v1  }
0xbd: {  	v1 =	vperm.xlane v0, v3;
	_ =	sdelay $0x1  }
0xbe: {  	v0 =	vperm.xlane v0, v5;
	v1 =	vadd.s32 v4, v1;
	_ =	sdelay $0x1  }
0xbf: {  	v0 =	vadd.s32 v4, v0;
	_ =	sdelay $0x1  }
0xc0: {  	s1 =	simm.s32 $0x7B00  }
0xc1: {  	[tilespmem:s1], [sflag:$0x1] =	stream.indirect_vreg.gather [hbm4b:s2+s4], $0x80, v1, vm0, $0xb8;
	[tilespmem:$0x13380] =	vst v63  }
0xc2: {  	s3 =	simm.s32 $0x8300  }
0xc3: {  	[tilespmem:s3], [sflag:$0x1] =	stream.indirect_vreg.gather [hbm4b:s2+s4], $0x80, v0, vm0, $0xb8;
	[tilespmem:$0x13380] =	vst v63  }
0xc4: {  	v0 =	vld [tilespmem:$0x208];
	_ =	sdelay $0x4  }
0xc5: {  	v1 =	vshll.u32 v0, $0x1  }
0xc6: {  	v0 =	vand.u32 $0x7, v0;
	v1 =	vand.u32 $0xFFFFFFF0, v1  }
0xc7: {  	v0 =	vor.u32 v0, v1  }
0xc8: {  	v1 =	vperm.xlane v0, v3;
	_ =	sdelay $0x1  }
0xc9: {  	v0 =	vperm.xlane v0, v5;
	v1 =	vadd.s32 v4, v1;
	_ =	sdelay $0x1  }
0xca: {  	v0 =	vadd.s32 v4, v0;
	_ =	sdelay $0x1  }
0xcb: {  	s5 =	simm.s32 $0x8B00  }
0xcc: {  	[tilespmem:s5], [sflag:$0x1] =	stream.indirect_vreg.gather [hbm4b:s2+s4], $0x80, v1, vm0, $0xb8;
	[tilespmem:$0x13380] =	vst v63  }
0xcd: {  	s6 =	simm.s32 $0x9300  }
0xce: {  	[tilespmem:s6], [sflag:$0x1] =	stream.indirect_vreg.gather [hbm4b:s2+s4], $0x80, v0, vm0, $0xb8;
	[tilespmem:$0x13380] =	vst v63  }
0xcf: {  	v0 =	vld [tilespmem:$0x218];
	_ =	sdelay $0x4  }
0xd0: {  	v1 =	vshll.u32 v0, $0x1  }
0xd1: {  	v0 =	vand.u32 $0x7, v0;
	v1 =	vand.u32 $0xFFFFFFF0, v1  }
0xd2: {  	v0 =	vor.u32 v0, v1  }
0xd3: {  	v1 =	vperm.xlane v0, v3;
	_ =	sdelay $0x1  }
0xd4: {  	v0 =	vperm.xlane v0, v5;
	v1 =	vadd.s32 v4, v1;
	_ =	sdelay $0x1  }
0xd5: {  	v0 =	vadd.s32 v4, v0;
	_ =	sdelay $0x1  }
0xd6: {  	s7 =	simm.s32 $0x9B00  }
0xd7: {  	[tilespmem:s7], [sflag:$0x1] =	stream.indirect_vreg.gather [hbm4b:s2+s4], $0x80, v1, vm0, $0xb8;
	[tilespmem:$0x13380] =	vst v63  }
0xd8: {  	s8 =	simm.s32 $0xA300  }
0xd9: {  	[tilespmem:s8], [sflag:$0x1] =	stream.indirect_vreg.gather [hbm4b:s2+s4], $0x80, v0, vm0, $0xb8;
	[tilespmem:$0x13380] =	vst v63  }
0xda: {  	v0 =	vld [tilespmem:$0x228];
	_ =	sdelay $0x4  }
0xdb: {  	v1 =	vshll.u32 v0, $0x1  }
0xdc: {  	v0 =	vand.u32 $0x7, v0;
	v1 =	vand.u32 $0xFFFFFFF0, v1  }
0xdd: {  	v0 =	vor.u32 v0, v1  }
0xde: {  	v1 =	vperm.xlane v0, v3;
	_ =	sdelay $0x1  }
0xdf: {  	v0 =	vperm.xlane v0, v5;
	v1 =	vadd.s32 v4, v1;
	_ =	sdelay $0x1  }
0xe0: {  	v0 =	vadd.s32 v4, v0;
	_ =	sdelay $0x1  }
0xe1: {  	s17 =	simm.s32 $0xAB00  }
0xe2: {  	[tilespmem:s17], [sflag:$0x1] =	stream.indirect_vreg.gather [hbm4b:s2+s4], $0x80, v1, vm0, $0xb8;
	[tilespmem:$0x13380] =	vst v63  }
0xe3: {  	s18 =	simm.s32 $0xB300  }
0xe4: {  	[tilespmem:s18], [sflag:$0x1] =	stream.indirect_vreg.gather [hbm4b:s2+s4], $0x80, v0, vm0, $0xb8;
	[tilespmem:$0x13380] =	vst v63  }
0xe5: {  	v0 =	vld [tilespmem:$0x238];
	_ =	sdelay $0x4  }
0xe6: {  	v1 =	vshll.u32 v0, $0x1  }
0xe7: {  	v0 =	vand.u32 $0x7, v0;
	v1 =	vand.u32 $0xFFFFFFF0, v1  }
0xe8: {  	v0 =	vor.u32 v0, v1  }
0xe9: {  	v1 =	vperm.xlane v0, v3;
	_ =	sdelay $0x1  }
0xea: {  	v0 =	vperm.xlane v0, v5;
	v1 =	vadd.s32 v4, v1;
	_ =	sdelay $0x1  }
0xeb: {  	v0 =	vadd.s32 v4, v0;
	_ =	sdelay $0x1  }
0xec: {  	s19 =	simm.s32 $0xBB00  }
0xed: {  	[tilespmem:s19], [sflag:$0x1] =	stream.indirect_vreg.gather [hbm4b:s2+s4], $0x80, v1, vm0, $0xb8;
	[tilespmem:$0x13380] =	vst v63  }
0xee: {  	s20 =	simm.s32 $0xC300  }
0xef: {  	[tilespmem:s20], [sflag:$0x1] =	stream.indirect_vreg.gather [hbm4b:s2+s4], $0x80, v0, vm0, $0xb8;
	[tilespmem:$0x13380] =	vst v63  }
0xf0: {  	v0 =	vld [tilespmem:$0x248];
	_ =	sdelay $0x4  }
0xf1: {  	v1 =	vshll.u32 v0, $0x1  }
0xf2: {  	v0 =	vand.u32 $0x7, v0;
	v1 =	vand.u32 $0xFFFFFFF0, v1  }
0xf3: {  	v0 =	vor.u32 v0, v1  }
0xf4: {  	v1 =	vperm.xlane v0, v3;
	_ =	sdelay $0x1  }
0xf5: {  	v0 =	vperm.xlane v0, v5;
	v1 =	vadd.s32 v4, v1;
	_ =	sdelay $0x1  }
0xf6: {  	v0 =	vadd.s32 v4, v0;
	_ =	sdelay $0x1  }
0xf7: {  	s21 =	simm.s32 $0xCB00  }
0xf8: {  	[tilespmem:s21], [sflag:$0x1] =	stream.indirect_vreg.gather [hbm4b:s2+s4], $0x80, v1, vm0, $0xb8;
	[tilespmem:$0x13380] =	vst v63  }
0xf9: {  	s22 =	simm.s32 $0xD300  }
0xfa: {  	[tilespmem:s22], [sflag:$0x1] =	stream.indirect_vreg.gather [hbm4b:s2+s4], $0x80, v0, vm0, $0xb8;
	[tilespmem:$0x13380] =	vst v63  }
0xfb: {  	v0 =	vld [tilespmem:$0x258];
	_ =	sdelay $0x4  }
0xfc: {  	v1 =	vshll.u32 v0, $0x1  }
0xfd: {  	v0 =	vand.u32 $0x7, v0;
	v1 =	vand.u32 $0xFFFFFFF0, v1  }
0xfe: {  	v0 =	vor.u32 v0, v1  }
0xff: {  	v1 =	vperm.xlane v0, v3;
	_ =	sdelay $0x1  }
0x100: {  	v0 =	vperm.xlane v0, v5;
	v1 =	vadd.s32 v4, v1;
	_ =	sdelay $0x1  }
0x101: {  	v0 =	vadd.s32 v4, v0;
	_ =	sdelay $0x1  }
0x102: {  	s24 =	simm.s32 $0xDB00  }
0x103: {  	[tilespmem:s24], [sflag:$0x1] =	stream.indirect_vreg.gather [hbm4b:s2+s4], $0x80, v1, vm0, $0xb8;
	[tilespmem:$0x13380] =	vst v63  }
0x104: {  	s25 =	simm.s32 $0xE300  }
0x105: {  	[tilespmem:s25], [sflag:$0x1] =	stream.indirect_vreg.gather [hbm4b:s2+s4], $0x80, v0, vm0, $0xb8;
	[tilespmem:$0x13380] =	vst v63  }
0x106: {  	v0 =	vld.msk [tilespmem:$0x268], $0xff;
	_ =	sdelay $0x4  }
0x107: {  	v1 =	vshll.u32 v0, $0x1  }
0x108: {  	v0 =	vand.u32 $0x7, v0;
	v1 =	vand.u32 $0xFFFFFFF0, v1  }
0x109: {  	v0 =	vor.u32 v0, v1  }
0x10a: {  	v0 =	vperm.xlane v0, v3;
	_ =	sdelay $0x1  }
0x10b: {  	v0 =	vadd.s32 v4, v0;
	_ =	sdelay $0x3  }
0x10c: {  	s28 =	simm.s32 $0xEB00;
	s29 =	rddreg [dreg:$0x2]  }
0x10d: {  	[tilespmem:s28], [sflag:$0x1] =	stream.indirect_vreg.gather [hbm4b:s2+s4], $0x80, v0, vm0, $0xb8;
	[tilespmem:$0x13380] =	vst v63  }
0x10e: {  	s30 =	simm.s32 $0x40;
	s3 =	simm.s32 $0x280;
	s5 =	simm.s32 $0xF300  }
0x10f: {  	[tilespmem:s5], [sflag:$0x1] =	stream.indirect.gather [hbm4b:s29+s30], $0x80, s3, s30, $0xb8;
	[tilespmem:$0x13380] =	vst v63  }
0x110: {  	_ =	swait.ge [sflag:s23], $0x7800  }
0x111: {  	[sflag:s23] =	ssyncset.done $0x0  }
0x112: {  	[sflag:s23] =	ssyncadd.s32 $0xFFFF8800  }
0x113: {  	_ =	swait.ge [sflag:s23], $0x7800  }
0x114: {  	[sflag:s23] =	ssyncset.done $0x0  }
0x115: {  	s0 =	simm.s32 $0xFFFFF800;
	[sflag:s23] =	ssyncadd.s32 $0xFFFF8800  }
0x116: {  	s1 =	simm.s32 $0x12B80;
	s17 =	simm.s32 $0x0;
	_ =	swait.ge [sflag:s23], $0x2000  }
0x117: {  	s18 =	simm.s32 $0x11380;
	s19 =	simm.s32 $0x11B80;
	[sflag:s23] =	ssyncset.done $0x0  }
0x118: {  	s20 =	simm.s32 $0x0;
	v0 =	vimm.f32 $0.0e+00;
	s3 =	simm.s32 $0x10300;
	[sflag:s23] =	ssyncadd.s32 $0xFFFFE000  }
.LBB2_2:
0x119: {  	v12 =	vld [tilespmem:s3+$0xFFFFF000]  }
0x11a: {  	v24 =	vld [tilespmem:s3+$0xFFFFF800]  }
0x11b: {  	v54 =	vld [tilespmem:s3+$0xFFFFF010]  }
0x11c: {  	s5 =	sadd.s32 $0x800, s0;
	v59 =	vld [tilespmem:s3+$0xFFFFF810]  }
0x11d: {  	s6 =	sand.u32 $0x800, s20;
	v6 =	vld [tilespmem:s3+$0xFFFFF020];
	s7 =	sand.u32 $0x380, s5  }
0x11e: {  	s29 =	sadd.s32 $0x1000, s20;
	v47 =	vld [tilespmem:s3+$0xFFFFF820];
	s21 =	sor.u32 s7, s6  }
0x11f: {  	s5 =	sand.u32 $0x1800, s29;
	v1 =	vld [tilespmem:s21+$0x300]  }
0x120: {  	s6 =	sor.u32 s7, s5;
	v3 =	vld [tilespmem:s21+$0x700]  }
0x121: {  	s30 =	sand.u32 $0xFFFFF800, s20;
	v2 =	vld [tilespmem:s6+$0x300]  }
0x122: {  	s22 =	sadd.s32 s30, s17;
	v5 =	vld [tilespmem:s6+$0x700]  }
0x123: {  	s5 =	sor.u32 $0x5400, s22;
	v4 =	vld [tilespmem:s21+$0x5300]  }
0x124: {  	v8 =	vld [tilespmem:s5+$0x300]  }
0x125: {  	s30 =	sor.u32 $0x6400, s22;
	v10 =	vld [tilespmem:s21+$0x6300]  }
0x126: {  	v16 =	vld [tilespmem:s30+$0x300]  }
0x127: {  	s29 =	sor.u32 $0x7400, s22;
	v17 =	vld [tilespmem:s21+$0x7300]  }
0x128: {  	v19 =	vld [tilespmem:s29+$0x300]  }
0x129: {  	s28 =	sor.u32 $0x8400, s22;
	v22 =	vld [tilespmem:s21+$0x8300]  }
0x12a: {  	v23 =	vld [tilespmem:s28+$0x300]  }
0x12b: {  	s25 =	sor.u32 $0x9400, s22;
	v25 =	vld [tilespmem:s21+$0x9300]  }
0x12c: {  	v26 =	vld [tilespmem:s25+$0x300]  }
0x12d: {  	s24 =	sor.u32 $0xA400, s22;
	v27 =	vld [tilespmem:s21+$0xA300]  }
0x12e: {  	v28 =	vld [tilespmem:s24+$0x300]  }
0x12f: {  	v29 =	vld [tilespmem:s21+$0x310]  }
0x130: {  	v30 =	vld [tilespmem:s21+$0x710]  }
0x131: {  	v31 =	vld [tilespmem:s6+$0x310]  }
0x132: {  	v49 =	vld [tilespmem:s6+$0x710]  }
0x133: {  	v50 =	vld [tilespmem:s21+$0x5310]  }
0x134: {  	v51 =	vld [tilespmem:s5+$0x310]  }
0x135: {  	v52 =	vld [tilespmem:s21+$0x6310]  }
0x136: {  	v53 =	vld [tilespmem:s30+$0x310]  }
0x137: {  	v55 =	vld [tilespmem:s21+$0x7310]  }
0x138: {  	v56 =	vld [tilespmem:s29+$0x310]  }
0x139: {  	v57 =	vld [tilespmem:s21+$0x8310]  }
0x13a: {  	v58 =	vld [tilespmem:s28+$0x310]  }
0x13b: {  	v60 =	vld [tilespmem:s21+$0x9310]  }
0x13c: {  	v61 =	vld [tilespmem:s25+$0x310]  }
0x13d: {  	v62 =	vld [tilespmem:s21+$0xA310]  }
0x13e: {  	v63 =	vld [tilespmem:s24+$0x310]  }
0x13f: {  	v45 =	vld [tilespmem:s21+$0x320]  }
0x140: {  	v37 =	vld [tilespmem:s21+$0x720]  }
0x141: {  	v46 =	vld [tilespmem:s6+$0x320]  }
0x142: {  	v20 =	vld [tilespmem:s6+$0x720]  }
0x143: {  	v7 =	vld [tilespmem:s21+$0x5320]  }
0x144: {  	v38 =	vld [tilespmem:s5+$0x320]  }
0x145: {  	v48 =	vld [tilespmem:s21+$0x6320]  }
0x146: {  	v32 =	vld [tilespmem:s30+$0x320]  }
0x147: {  	v44 =	vld [tilespmem:s21+$0x7320]  }
0x148: {  	v14 =	vld [tilespmem:s29+$0x320]  }
0x149: {  	v34 =	vld [tilespmem:s21+$0x8320]  }
0x14a: {  	v9 =	vld [tilespmem:s28+$0x320]  }
0x14b: {  	v40 =	vld [tilespmem:s21+$0x9320]  }
0x14c: {  	v15 =	vld [tilespmem:s25+$0x320]  }
0x14d: {  	v18 =	vld [tilespmem:s21+$0x730]  }
0x14e: {  	v42 =	vld [tilespmem:s21+$0xA320]  }
0x14f: {  	v11 =	vld [tilespmem:s24+$0x320]  }
0x150: {  	v13 =	vld [tilespmem:s21+$0x330]  }
0x151: {  	v35 =	vld [tilespmem:s21+$0x8330];
	v12 =	vadd.f32 v12, v4;
	v21 =	vsub.f32 v1, v2  }
0x152: {  	[tilespmem:$0x1FDF0] =	vst v18;
	v18 =	vld [tilespmem:s6+$0x330];
	v3 =	vand.u32 $0x7FFFFFFF, v3  }
0x153: {  	v4 =	vld [tilespmem:s6+$0x730];
	v17 =	vsub.f32 v17, v24;
	v10 =	vsub.f32 v12, v10;
	v33 =	vand.u32 $0x7FFFFFFF, v21  }
0x154: {  	v2 =	vld [tilespmem:s21+$0x5330];
	v8 =	vand.u32 $0x7FFFFFFF, v8;
	v5 =	vand.u32 $0x7FFFFFFF, v5;
	v3 =	vadd.f32 v33, v3  }
0x155: {  	s8 =	sadd.s32 $0x2000, s20;
	v1 =	vld [tilespmem:s5+$0x330];
	v39 =	vsub.f32 v25, v27;
	v17 =	vsub.f32 v17, v22;
	v10 =	vand.u32 $0x7FFFFFFF, v10  }
0x156: {  	s8 =	sand.u32 $0x2800, s8;
	v36 =	vand.u32 $0x7FFFFFFF, v16;
	v16 =	vld [tilespmem:s29+$0x330];
	v8 =	vadd.f32 v10, v8;
	v3 =	vsub.f32 v3, v5  }
0x157: {  	s8 =	sor.u32 s7, s8;
	v41 =	vand.u32 $0x7FFFFFFF, v19;
	v19 =	vld [tilespmem:s24+$0x330];
	v45 =	vsub.f32 v45, v46;
	v43 =	vand.u32 $0x7FFFFFFF, v17  }
0x158: {  	v46 =	vld [tilespmem:s8+$0x300];
	v5 =	vsub.f32 v8, v36;
	v3 =	vmax.f32 v3, $0.0e+00;
	v8 =	vadd.f32 v43, v41  }
0x159: {  	v27 =	vand.u32 $0x7FFFFFFF, v23;
	v44 =	vsub.f32 v44, v47;
	v47 =	vld [tilespmem:s8+$0x710];
	v3 =	vmul.f32 v3, v3  }
0x15a: {  	v40 =	vsub.f32 v40, v42;
	v42 =	vld [tilespmem:s8+$0x720];
	v5 =	vmax.f32 v5, $0.0e+00;
	v8 =	vsub.f32 v8, v27  }
0x15b: {  	v21 =	vld [tilespmem:s21+$0x6330];
	v24 =	vand.u32 $0x7FFFFFFF, v39;
	v0 =	vadd.f32 v3, v0;
	v3 =	vmul.f32 v5, v5  }
0x15c: {  	v12 =	vld [tilespmem:s30+$0x330];
	v25 =	vsub.f32 $0.0e+00, v24;
	v24 =	vmax.f32 v8, $0.0e+00  }
0x15d: {  	v22 =	vld [tilespmem:s21+$0x7330];
	v0 =	vadd.f32 v3, v0;
	v3 =	vmul.f32 v24, v24  }
0x15e: {  	v6 =	vadd.f32 v6, v7;
	v39 =	vld [tilespmem:s21+$0x9330]  }
0x15f: {  	v0 =	vadd.f32 v3, v0;
	v3 =	vld [tilespmem:s21+$0x740]  }
0x160: {  	v6 =	vsub.f32 v6, v48;
	v48 =	vld [tilespmem:s8+$0x700]  }
0x161: {  	v37 =	vand.u32 $0x7FFFFFFF, v37;
	v33 =	vld [tilespmem:s3+$0xFFFFF030]  }
0x162: {  	v38 =	vand.u32 $0x7FFFFFFF, v38;
	v45 =	vand.u32 $0x7FFFFFFF, v45;
	v17 =	vld [tilespmem:s28+$0x330];
	v6 =	vand.u32 $0x7FFFFFFF, v6  }
0x163: {  	v37 =	vadd.f32 v45, v37;
	v6 =	vadd.f32 v6, v38;
	v38 =	vld [tilespmem:s8+$0x320]  }
0x164: {  	v20 =	vand.u32 $0x7FFFFFFF, v20;
	[tilespmem:$0x1FE00] =	vst v3;
	v3 =	vld [tilespmem:s6+$0x740]  }
0x165: {  	v37 =	vsub.f32 v37, v20;
	v20 =	vld [tilespmem:s8+$0x330]  }
0x166: {  	v41 =	vld [tilespmem:s3+$0xFFFFF830]  }
0x167: {  	v32 =	vand.u32 $0x7FFFFFFF, v32;
	v43 =	vld [tilespmem:s21+$0xA330]  }
0x168: {  	v36 =	vand.u32 $0x7FFFFFFF, v26;
	v6 =	vsub.f32 v6, v32;
	v32 =	vld [tilespmem:s8+$0x740]  }
0x169: {  	v23 =	vand.u32 $0x7FFFFFFF, v28;
	v28 =	vsub.f32 v29, v31;
	v10 =	vadd.f32 v25, v36;
	[tilespmem:$0x1FE40] =	vst v3;
	v3 =	vld [tilespmem:s30+$0x340]  }
0x16a: {  	v31 =	vand.u32 $0x7FFFFFFF, v51;
	v51 =	vsub.f32 v55, v59;
	v36 =	vld [tilespmem:s25+$0x330];
	v27 =	vadd.f32 v54, v50  }
0x16b: {  	v33 =	vadd.f32 v33, v2;
	v2 =	vld [tilespmem:$0x1FDF0];
	v25 =	vadd.f32 v10, v23  }
0x16c: {  	v55 =	vsub.f32 v60, v62;
	v40 =	vand.u32 $0x7FFFFFFF, v40;
	v50 =	vld [tilespmem:s21+$0x340];
	v29 =	vsub.f32 v27, v52  }
0x16d: {  	v40 =	vsub.f32 $0.0e+00, v40;
	v8 =	vld [tilespmem:s6+$0x340];
	v26 =	vmax.f32 v25, $0.0e+00;
	v22 =	vsub.f32 v22, v41  }
0x16e: {  	v5 =	vmul.f32 v26, v26;
	v23 =	vand.u32 $0x7FFFFFFF, v29;
	v29 =	vand.u32 $0x7FFFFFFF, v55;
	[tilespmem:$0x1FE50] =	vst v3;
	v3 =	vld [tilespmem:s29+$0x340]  }
0x16f: {  	v15 =	vand.u32 $0x7FFFFFFF, v15;
	v23 =	vadd.f32 v23, v31;
	v59 =	vsub.f32 $0.0e+00, v29;
	v29 =	vld [tilespmem:s21+$0x7340]  }
0x170: {  	v54 =	vand.u32 $0x7FFFFFFF, v53;
	v26 =	vsub.f32 v51, v57;
	v25 =	vadd.f32 v5, v0;
	v5 =	vld [tilespmem:s21+$0x5340]  }
0x171: {  	v10 =	vand.u32 $0x7FFFFFFF, v28;
	v28 =	vsub.f32 v23, v54;
	v54 =	vadd.f32 v40, v15;
	v15 =	vld [tilespmem:s8+$0x350]  }
0x172: {  	v57 =	vand.u32 $0x7FFFFFFF, v56;
	v26 =	vand.u32 $0x7FFFFFFF, v26;
	v0 =	vand.u32 $0x7FFFFFFF, v30;
	v40 =	vld [tilespmem:s8+$0x750]  }
0x173: {  	v61 =	vand.u32 $0x7FFFFFFF, v61;
	v30 =	vadd.f32 v26, v57;
	v10 =	vadd.f32 v10, v0;
	[tilespmem:$0x1FE60] =	vst v3;
	v3 =	vld [tilespmem:s21+$0x8340]  }
0x174: {  	v52 =	vand.u32 $0x7FFFFFFF, v49;
	v31 =	vadd.f32 v59, v61;
	v57 =	vsub.f32 v33, v21;
	v33 =	vld [tilespmem:s24+$0x340]  }
0x175: {  	v61 =	vsub.f32 v22, v35;
	v35 =	vld [tilespmem:s21+$0x4300];
	v27 =	vsub.f32 v10, v52  }
0x176: {  	v23 =	vand.u32 $0x7FFFFFFF, v63;
	v0 =	vld [tilespmem:s5+$0x340]  }
0x177: {  	v49 =	vadd.f32 v31, v23;
	v31 =	vld [tilespmem:s3+$0xFFFFF840];
	v27 =	vmax.f32 v27, $0.0e+00  }
0x178: {  	v60 =	vand.u32 $0x7FFFFFFF, v58;
	v34 =	vsub.f32 v44, v34;
	v27 =	vmul.f32 v27, v27;
	[tilespmem:$0x1FE20] =	vst v3;
	v3 =	vld [tilespmem:s28+$0x340]  }
0x179: {  	v13 =	vsub.f32 v13, v18;
	v62 =	vmax.f32 v28, $0.0e+00;
	v30 =	vsub.f32 v30, v60;
	v23 =	vld [tilespmem:s21+$0x4310]  }
0x17a: {  	v1 =	vand.u32 $0x7FFFFFFF, v1;
	v10 =	vld [tilespmem:s3+$0xFFFFF040];
	v26 =	vmul.f32 v62, v62;
	v27 =	vadd.f32 v27, v25  }
0x17b: {  	v18 =	vand.u32 $0x7FFFFFFF, v57;
	v52 =	vand.u32 $0x7FFFFFFF, v14;
	v14 =	vld [tilespmem:s8+$0x730];
	v30 =	vmax.f32 v30, $0.0e+00  }
0x17c: {  	v1 =	vadd.f32 v18, v1;
	v18 =	vld [tilespmem:s3+$0xFFFFF050];
	v28 =	vmul.f32 v30, v30;
	v51 =	vadd.f32 v26, v27  }
0x17d: {  	v34 =	vand.u32 $0x7FFFFFFF, v34;
	v49 =	vmax.f32 v49, $0.0e+00;
	[tilespmem:$0x1FE70] =	vst v3;
	v3 =	vld [tilespmem:s21+$0x9340]  }
0x17e: {  	v53 =	vadd.f32 v34, v52;
	v34 =	vld [tilespmem:s8+$0x340];
	v49 =	vmul.f32 v49, v49;
	v30 =	vadd.f32 v28, v51  }
0x17f: {  	v9 =	vand.u32 $0x7FFFFFFF, v9;
	v37 =	vmax.f32 v37, $0.0e+00;
	v58 =	vand.u32 $0x7FFFFFFF, v2;
	v2 =	vld [tilespmem:$0x1FE00]  }
0x180: {  	v37 =	vmul.f32 v37, v37;
	[tilespmem:$0x1FE10] =	vst v0;
	v0 =	vld [tilespmem:s21+$0x6340];
	v9 =	vsub.f32 v53, v9;
	v7 =	vadd.f32 v49, v30  }
0x181: {  	v6 =	vmax.f32 v6, $0.0e+00;
	v10 =	vadd.f32 v10, v5;
	v5 =	vand.u32 $0x7FFFFFFF, v14;
	v14 =	vld [tilespmem:s25+$0x350]  }
0x182: {  	v6 =	vmul.f32 v6, v6;
	v9 =	vmax.f32 v9, $0.0e+00;
	v37 =	vadd.f32 v37, v7;
	[tilespmem:$0x1FE30] =	vst v3;
	v3 =	vld [tilespmem:s25+$0x340]  }
0x183: {  	v55 =	vmul.f32 v9, v9;
	v9 =	vld [tilespmem:s8+$0x760]  }
0x184: {  	v11 =	vand.u32 $0x7FFFFFFF, v11;
	v13 =	vand.u32 $0x7FFFFFFF, v13;
	v51 =	vld [tilespmem:s8+$0x310];
	v6 =	vadd.f32 v6, v37  }
0x185: {  	v4 =	vand.u32 $0x7FFFFFFF, v4;
	v12 =	vand.u32 $0x7FFFFFFF, v12;
	v13 =	vadd.f32 v13, v58;
	v7 =	vld [tilespmem:s8+$0x360]  }
0x186: {  	v17 =	vand.u32 $0x7FFFFFFF, v17;
	v11 =	vadd.f32 v54, v11;
	v56 =	vadd.f32 v55, v6;
	v6 =	vld [tilespmem:s8+$0x770]  }
0x187: {  	v24 =	vand.u32 $0x7FFFFFFF, v16;
	v62 =	vsub.f32 v39, v43;
	v25 =	vand.u32 $0x7FFFFFFF, v61;
	[tilespmem:$0x1FE80] =	vst v3;
	v3 =	vld [tilespmem:s8+$0x370];
	s8 =	sadd.s32 $0x3000, s20  }
0x188: {  	v4 =	vsub.f32 v13, v4;
	v11 =	vmax.f32 v11, $0.0e+00;
	v13 =	vadd.f32 v25, v24;
	v25 =	vld [tilespmem:s5+$0x350];
	s8 =	sand.u32 $0x3800, s8  }
0x189: {  	v36 =	vand.u32 $0x7FFFFFFF, v36;
	v11 =	vmul.f32 v11, v11;
	v24 =	vld [tilespmem:s29+$0x350];
	v26 =	vand.u32 $0x7FFFFFFF, v62;
	s7 =	sor.u32 s7, s8  }
0x18a: {  	v4 =	vmax.f32 v4, $0.0e+00;
	v1 =	vsub.f32 v1, v12;
	v28 =	vsub.f32 $0.0e+00, v26;
	v59 =	vld [tilespmem:s7+$0x300]  }
0x18b: {  	v8 =	vsub.f32 v50, v8;
	v4 =	vmul.f32 v4, v4;
	v11 =	vadd.f32 v11, v56;
	v60 =	vld [tilespmem:s7+$0x700]  }
0x18c: {  	v1 =	vmax.f32 v1, $0.0e+00;
	v13 =	vsub.f32 v13, v17;
	v16 =	vadd.f32 v28, v36;
	v63 =	vld [tilespmem:s7+$0x310]  }
0x18d: {  	v1 =	vmul.f32 v1, v1;
	v49 =	vand.u32 $0x7FFFFFFF, v19;
	v4 =	vadd.f32 v4, v11;
	v27 =	vld [tilespmem:s7+$0x710]  }
0x18e: {  	v8 =	vand.u32 $0x7FFFFFFF, v8;
	v13 =	vmax.f32 v13, $0.0e+00;
	v16 =	vadd.f32 v16, v49;
	v39 =	vld [tilespmem:s7+$0x720]  }
0x18f: {  	v30 =	vand.u32 $0x7FFFFFFF, v48;
	v13 =	vmul.f32 v13, v13;
	v1 =	vadd.f32 v1, v4;
	v43 =	vld [tilespmem:s7+$0x730]  }
0x190: {  	v16 =	vmax.f32 v16, $0.0e+00;
	v56 =	vsub.f32 v46, v30;
	v11 =	vadd.f32 v30, v46;
	v46 =	vld [tilespmem:s7+$0x740]  }
0x191: {  	v62 =	vmul.f32 v16, v16;
	v55 =	vand.u32 $0x7FFFFFFF, v2;
	v1 =	vadd.f32 v13, v1;
	v52 =	vld [tilespmem:s7+$0x340]  }
0x192: {  	v26 =	vld [tilespmem:s30+$0x350];
	v19 =	vadd.f32 v8, v55  }
0x193: {  	v21 =	vld [tilespmem:s7+$0x320];
	v48 =	vand.u32 $0x7FFFFFFF, v60;
	v60 =	vand.u32 $0x7FFFFFFF, v27;
	v27 =	vadd.f32 v62, v1  }
0x194: {  	v37 =	vld [tilespmem:s21+$0xA340];
	v39 =	vand.u32 $0x7FFFFFFF, v39;
	v43 =	vand.u32 $0x7FFFFFFF, v43;
	v57 =	vsub.f32 v59, v48  }
0x195: {  	v30 =	vld [tilespmem:s21+$0x350];
	v46 =	vand.u32 $0x7FFFFFFF, v46;
	v17 =	vadd.f32 v48, v59;
	v22 =	vsub.f32 v63, v60  }
0x196: {  	v36 =	vld [tilespmem:s7+$0x330];
	v59 =	vand.u32 $0x7FFFFFFF, v47;
	v12 =	vadd.f32 v60, v63;
	v8 =	vsub.f32 v52, v46  }
0x197: {  	s8 =	sor.u32 $0x4400, s22;
	v41 =	vld [tilespmem:s7+$0x350];
	v46 =	vadd.f32 v46, v52;
	v61 =	vsub.f32 v51, v59;
	v53 =	vmax.f32 v56, v57  }
0x198: {  	v1 =	vld [tilespmem:s8+$0x300];
	v11 =	vmin.f32 v11, v17;
	v17 =	vadd.f32 v59, v51;
	v57 =	vsub.f32 v21, v39  }
0x199: {  	v44 =	vld [tilespmem:s7+$0x360];
	v56 =	vand.u32 $0x7FFFFFFF, v42;
	v21 =	vadd.f32 v39, v21;
	v39 =	vadd.f32 v5, v20  }
0x19a: {  	v49 =	vld [tilespmem:s7+$0x760];
	v58 =	vadd.f32 v11, v53;
	v4 =	vsub.f32 v11, v53;
	v54 =	vmax.f32 v61, v22  }
0x19b: {  	v45 =	vld [tilespmem:s7+$0x370];
	v42 =	vsub.f32 v38, v56;
	v38 =	vadd.f32 v56, v38;
	v17 =	vmin.f32 v17, v12  }
0x19c: {  	v52 =	vld [tilespmem:s8+$0x330];
	v11 =	vsub.f32 v53, v11;
	v63 =	vmul.f32 $5.000000000e-01, v58;
	v12 =	vadd.f32 v17, v54  }
0x19d: {  	v48 =	vld [tilespmem:s7+$0x750];
	v1 =	vand.u32 $0x7FFFFFFF, v1;
	v28 =	vand.u32 $0x7FFFFFFF, v4;
	v50 =	vsub.f32 v17, v54  }
0x19e: {  	v47 =	vld [tilespmem:s7+$0x770];
	v42 =	vmax.f32 v42, v57;
	v16 =	vsub.f32 v63, v35;
	v12 =	vmul.f32 $5.000000000e-01, v12  }
0x19f: {  	v38 =	vmin.f32 v38, v21;
	v11 =	vmax.f32 v11, $0.0e+00;
	v13 =	vmul.f32 $5.000000000e-01, v28;
	v63 =	vld [tilespmem:s8+$0x310]  }
0x1a0: {  	v59 =	vld [tilespmem:s21+$0x4320];
	v60 =	vand.u32 $0x7FFFFFFF, v50;
	v16 =	vand.u32 $0x7FFFFFFF, v16;
	v62 =	vsub.f32 v12, v23  }
0x1a1: {  	v61 =	vld [tilespmem:s21+$0x750];
	v52 =	vand.u32 $0x7FFFFFFF, v52;
	v13 =	vadd.f32 v16, v13;
	v16 =	vmul.f32 $5.000000000e-01, v60  }
0x1a2: {  	v22 =	vld [tilespmem:s21+$0x5350];
	v4 =	vsub.f32 v38, v42;
	v50 =	vadd.f32 v38, v42;
	v55 =	vand.u32 $0x7FFFFFFF, v62  }
0x1a3: {  	v56 =	vld [tilespmem:s24+$0x350];
	v48 =	vand.u32 $0x7FFFFFFF, v48;
	v38 =	vsub.f32 v42, v38;
	v16 =	vadd.f32 v55, v16  }
0x1a4: {  	v58 =	vld [tilespmem:s6+$0x750];
	v60 =	vsub.f32 v54, v17;
	v1 =	vsub.f32 v13, v1;
	v35 =	vand.u32 $0x7FFFFFFF, v63  }
0x1a5: {  	v28 =	vld [tilespmem:s6+$0x350];
	v53 =	vmul.f32 v11, v11;
	v12 =	vsub.f32 v10, v0;
	v35 =	vsub.f32 v16, v35  }
0x1a6: {  	v11 =	vld [tilespmem:s21+$0x9350];
	v62 =	vmul.f32 $5.000000000e-01, v50;
	v21 =	vmax.f32 v60, $0.0e+00;
	v1 =	vmax.f32 v1, $0.0e+00  }
0x1a7: {  	v42 =	vld [tilespmem:s21+$0x5360];
	v60 =	vsub.f32 v20, v5;
	v51 =	vmul.f32 v1, v1;
	v1 =	vmax.f32 v35, $0.0e+00  }
0x1a8: {  	v0 =	vld [tilespmem:s21+$0x360];
	v63 =	vmul.f32 v21, v21;
	v35 =	vsub.f32 v62, v59;
	v50 =	vmul.f32 v1, v1  }
0x1a9: {  	v23 =	vld [tilespmem:s28+$0x350];
	v55 =	vand.u32 $0x7FFFFFFF, v4;
	v62 =	vsub.f32 v36, v43;
	v36 =	vadd.f32 v43, v36  }
0x1aa: {  	v4 =	vand.u32 $0x7FFFFFFF, v32;
	v50 =	vadd.f32 v50, v51;
	v51 =	vadd.f32 v63, v53;
	v63 =	vld [tilespmem:s8+$0x320]  }
0x1ab: {  	v38 =	vmax.f32 v38, $0.0e+00;
	v17 =	vld [tilespmem:s21+$0x8350];
	v55 =	vmul.f32 $5.000000000e-01, v55;
	v5 =	vsub.f32 v34, v4  }
0x1ac: {  	v34 =	vadd.f32 v4, v34;
	v54 =	vmin.f32 v39, v36;
	v36 =	vld [tilespmem:s21+$0x4330];
	v53 =	vmax.f32 v60, v62  }
0x1ad: {  	v13 =	vld [tilespmem:s21+$0x6350];
	[tilespmem:$0x1FE90] =	vst v0;
	v0 =	vmul.f32 v38, v38;
	v35 =	vand.u32 $0x7FFFFFFF, v35;
	v39 =	vadd.f32 v54, v53  }
0x1ae: {  	v20 =	vld [tilespmem:s21+$0xA350];
	v59 =	vmax.f32 v5, v8;
	v35 =	vadd.f32 v35, v55;
	v10 =	vsub.f32 v54, v53  }
0x1af: {  	v21 =	vld [tilespmem:s3+$0xFFFFF850];
	v53 =	vsub.f32 v53, v54;
	v39 =	vmul.f32 $5.000000000e-01, v39;
	v43 =	vand.u32 $0x7FFFFFFF, v63  }
0x1b0: {  	v60 =	vmin.f32 v34, v46;
	v0 =	vadd.f32 v0, v51;
	v35 =	vsub.f32 v35, v43;
	v43 =	vld [tilespmem:s21+$0x4340]  }
0x1b1: {  	v16 =	vld [tilespmem:s21+$0x7350];
	v62 =	vand.u32 $0x7FFFFFFF, v10;
	v39 =	vsub.f32 v39, v36;
	v63 =	vadd.f32 v60, v59  }
0x1b2: {  	v38 =	vld [tilespmem:s30+$0x360];
	v10 =	vsub.f32 v60, v59;
	v53 =	vmax.f32 v53, $0.0e+00;
	v5 =	vmul.f32 $5.000000000e-01, v62  }
0x1b3: {  	v34 =	vld [tilespmem:s21+$0x760];
	v39 =	vand.u32 $0x7FFFFFFF, v39;
	v8 =	vmul.f32 $5.000000000e-01, v63;
	v4 =	vmax.f32 v35, $0.0e+00  }
0x1b4: {  	v53 =	vmul.f32 v53, v53;
	v32 =	vadd.f32 v39, v5;
	v57 =	vmul.f32 v4, v4;
	v4 =	vld [tilespmem:s8+$0x340]  }
0x1b5: {  	v51 =	vld [tilespmem:s3+$0xFFFFF060];
	v55 =	vand.u32 $0x7FFFFFFF, v10;
	v10 =	vand.u32 $0x7FFFFFFF, v40;
	v46 =	vsub.f32 v8, v43  }
0x1b6: {  	v36 =	vld [tilespmem:s6+$0x360];
	v59 =	vsub.f32 v59, v60;
	v55 =	vmul.f32 $5.000000000e-01, v55;
	v52 =	vsub.f32 v32, v52  }
0x1b7: {  	v40 =	vld [tilespmem:s29+$0x360];
	v32 =	vsub.f32 v15, v10;
	v15 =	vadd.f32 v10, v15;
	v46 =	vand.u32 $0x7FFFFFFF, v46  }
0x1b8: {  	v60 =	vld [tilespmem:s21+$0xA360];
	v50 =	vadd.f32 v57, v50;
	v52 =	vmax.f32 v52, $0.0e+00;
	v5 =	vadd.f32 v46, v55  }
0x1b9: {  	v35 =	vld [tilespmem:s6+$0x760];
	v52 =	vmul.f32 v52, v52;
	v8 =	vand.u32 $0x7FFFFFFF, v4;
	v4 =	vsub.f32 v41, v48  }
0x1ba: {  	v39 =	vld [tilespmem:s5+$0x360];
	v54 =	vsub.f32 v5, v8;
	v5 =	vadd.f32 v48, v41  }
0x1bb: {  	v9 =	vand.u32 $0x7FFFFFFF, v9;
	v10 =	vadd.f32 v53, v0;
	v53 =	vld [tilespmem:s21+$0x4350];
	v50 =	vadd.f32 v52, v50  }
0x1bc: {  	v43 =	vld [tilespmem:s21+$0x6360];
	v52 =	vmax.f32 v54, $0.0e+00;
	v54 =	vmax.f32 v32, v4;
	v15 =	vmin.f32 v15, v5  }
0x1bd: {  	v62 =	vsub.f32 v7, v9;
	v57 =	vld [tilespmem:s3+$0xFFFFF860];
	v8 =	vand.u32 $0x7FFFFFFF, v49;
	v32 =	vadd.f32 v15, v54  }
0x1be: {  	v7 =	vadd.f32 v9, v7;
	v46 =	vld [tilespmem:s21+$0x7360];
	v0 =	vsub.f32 v44, v8  }
0x1bf: {  	v55 =	vld [tilespmem:s21+$0x9360];
	v44 =	vadd.f32 v8, v44;
	v5 =	vmul.f32 $5.000000000e-01, v32;
	v32 =	vsub.f32 v15, v54  }
0x1c0: {  	v48 =	vld [tilespmem:s21+$0x8360];
	v4 =	vmul.f32 v52, v52;
	v8 =	vmax.f32 v62, v0  }
0x1c1: {  	v41 =	vld [tilespmem:s28+$0x360];
	v7 =	vmin.f32 v7, v44;
	v52 =	vsub.f32 v5, v53;
	v63 =	vand.u32 $0x7FFFFFFF, v32  }
0x1c2: {  	v62 =	vld [tilespmem:s21+$0x4360];
	v32 =	vadd.f32 v7, v8;
	v53 =	vmul.f32 $5.000000000e-01, v63  }
0x1c3: {  	v6 =	vand.u32 $0x7FFFFFFF, v6;
	v49 =	vld [tilespmem:s25+$0x360];
	v9 =	vadd.f32 v4, v50;
	v52 =	vand.u32 $0x7FFFFFFF, v52  }
0x1c4: {  	v44 =	vld [tilespmem:s21+$0x370];
	v15 =	vsub.f32 v54, v15;
	v63 =	vmul.f32 $5.000000000e-01, v32;
	v53 =	vadd.f32 v52, v53  }
0x1c5: {  	v4 =	vld [tilespmem:s8+$0x350];
	v52 =	vsub.f32 v3, v6;
	v6 =	vadd.f32 v6, v3;
	v3 =	vand.u32 $0x7FFFFFFF, v47  }
0x1c6: {  	v50 =	vld [tilespmem:s24+$0x360];
	v0 =	vsub.f32 v45, v3;
	v1 =	vadd.f32 v3, v45  }
0x1c7: {  	v54 =	vld [tilespmem:s30+$0x370];
	v62 =	vsub.f32 v63, v62;
	v63 =	vsub.f32 v7, v8  }
0x1c8: {  	v32 =	vld [tilespmem:s6+$0x370];
	v5 =	vmax.f32 v52, v0  }
0x1c9: {  	v3 =	vmin.f32 v6, v1;
	v6 =	vmax.f32 v59, $0.0e+00;
	v52 =	vld [tilespmem:s21+$0x4370];
	v59 =	vand.u32 $0x7FFFFFFF, v63  }
0x1ca: {  	v4 =	vand.u32 $0x7FFFFFFF, v4;
	v63 =	vld [tilespmem:s8+$0x360];
	v0 =	vadd.f32 v3, v5;
	v1 =	vmul.f32 $5.000000000e-01, v59  }
0x1cb: {  	v47 =	vld [tilespmem:s21+$0x770];
	v4 =	vsub.f32 v53, v4;
	v62 =	vand.u32 $0x7FFFFFFF, v62  }
0x1cc: {  	v2 =	vsub.f32 v3, v5;
	v0 =	vmul.f32 $5.000000000e-01, v0;
	v1 =	vadd.f32 v62, v1;
	v62 =	vld [tilespmem:s8+$0x370]  }
0x1cd: {  	v45 =	vld [tilespmem:s6+$0x770];
	v8 =	vsub.f32 v8, v7;
	v6 =	vmul.f32 v6, v6  }
0x1ce: {  	v7 =	vld [tilespmem:s21+$0x7370];
	v4 =	vmax.f32 v4, $0.0e+00;
	v2 =	vand.u32 $0x7FFFFFFF, v2;
	v0 =	vsub.f32 v0, v52  }
0x1cf: {  	v53 =	vld [tilespmem:s5+$0x370];
	v10 =	vadd.f32 v6, v10;
	v2 =	vmul.f32 $5.000000000e-01, v2;
	v6 =	vand.u32 $0x7FFFFFFF, v63  }
0x1d0: {  	v59 =	vld [tilespmem:s21+$0x5370];
	v4 =	vmul.f32 v4, v4;
	v1 =	vsub.f32 v1, v6;
	v0 =	vand.u32 $0x7FFFFFFF, v0  }
0x1d1: {  	v0 =	vadd.f32 v0, v2;
	v2 =	vmax.f32 v15, $0.0e+00;
	v15 =	vand.u32 $0x7FFFFFFF, v62;
	v62 =	vld [tilespmem:$0x1FE10]  }
0x1d2: {  	v5 =	vsub.f32 v5, v3;
	v3 =	vld [tilespmem:s28+$0x370];
	v1 =	vmax.f32 v1, $0.0e+00;
	v2 =	vmul.f32 v2, v2  }
0x1d3: {  	v52 =	vld [tilespmem:s21+$0x6370];
	v63 =	vadd.f32 v4, v9;
	v1 =	vmul.f32 v1, v1  }
0x1d4: {  	v4 =	vld [tilespmem:s29+$0x370];
	v0 =	vsub.f32 v0, v15;
	v2 =	vadd.f32 v2, v10  }
0x1d5: {  	v9 =	vld [tilespmem:s21+$0x8370];
	v10 =	vsub.f32 v29, v31;
	v31 =	vadd.f32 v1, v63  }
0x1d6: {  	v6 =	vld [tilespmem:s3+$0xFFFFF070];
	v1 =	vmax.f32 v5, $0.0e+00;
	v63 =	vand.u32 $0x7FFFFFFF, v12;
	v5 =	vand.u32 $0x7FFFFFFF, v62  }
0x1d7: {  	v8 =	vmax.f32 v8, $0.0e+00;
	v5 =	vadd.f32 v63, v5;
	v63 =	vld [tilespmem:$0x1FE20]  }
0x1d8: {  	v8 =	vmul.f32 v8, v8;
	v15 =	vld [tilespmem:s3+$0xFFFFF870];
	v0 =	vmax.f32 v0, $0.0e+00  }
0x1d9: {  	v29 =	vld [tilespmem:s21+$0x9370];
	v0 =	vmul.f32 v0, v0  }
0x1da: {  	v2 =	vadd.f32 v8, v2;
	v62 =	vmul.f32 v1, v1;
	v1 =	vld [tilespmem:s25+$0x370]  }
0x1db: {  	v0 =	vadd.f32 v0, v31;
	v31 =	vld [tilespmem:s21+$0xA370]  }
0x1dc: {  	v8 =	vsub.f32 v10, v63;
	v10 =	vadd.f32 v62, v2;
	v62 =	vld [tilespmem:$0x1FE30]  }
0x1dd: {  	v2 =	vld [tilespmem:s24+$0x370]  }
0x1de: {  	[tilespmem:s18+$0x0] =	vst v0;
	v0 =	vld [tilespmem:$0x1FE40]  }
0x1df: {  	v63 =	vld [tilespmem:$0x1FE50];
	_ =	sdelay $0x1  }
0x1e0: {  	v18 =	vadd.f32 v18, v22;
	[tilespmem:s19+$0x0] =	vst v10;
	v12 =	vsub.f32 v62, v37;
	v62 =	vld [tilespmem:$0x1FE60]  }
0x1e1: {  	v22 =	vld [tilespmem:s21+$0xD310]  }
0x1e2: {  	v13 =	vsub.f32 v18, v13;
	v18 =	vld [tilespmem:s3+$0x10];
	v0 =	vand.u32 $0x7FFFFFFF, v0  }
0x1e3: {  	s25 =	sor.u32 $0xB400, s22;
	v37 =	vand.u32 $0x7FFFFFFF, v63;
	v63 =	vld [tilespmem:$0x1FE70];
	v0 =	vsub.f32 v19, v0  }
0x1e4: {  	v16 =	vsub.f32 v16, v21;
	v21 =	vld [tilespmem:s25+$0x320]  }
0x1e5: {  	s28 =	sor.u32 $0xD400, s22;
	v0 =	vmax.f32 v0, $0.0e+00;
	v10 =	vand.u32 $0x7FFFFFFF, v62;
	v62 =	vld [tilespmem:$0x1FE80]  }
0x1e6: {  	v16 =	vsub.f32 v16, v17;
	v8 =	vand.u32 $0x7FFFFFFF, v8;
	v17 =	vld [tilespmem:s28+$0x320];
	v0 =	vmul.f32 v0, v0  }
0x1e7: {  	v5 =	vsub.f32 v5, v37;
	v19 =	vld [tilespmem:s21+$0xB300];
	v8 =	vadd.f32 v8, v10  }
0x1e8: {  	v12 =	vand.u32 $0x7FFFFFFF, v12;
	v37 =	vand.u32 $0x7FFFFFFF, v63;
	v0 =	vadd.f32 v0, v27;
	v27 =	vld [tilespmem:s3+$0x0]  }
0x1e9: {  	v5 =	vmax.f32 v5, $0.0e+00;
	v63 =	vld [tilespmem:s21+$0xD300];
	v10 =	vsub.f32 $0.0e+00, v12;
	v8 =	vsub.f32 v8, v37  }
0x1ea: {  	v5 =	vmul.f32 v5, v5;
	v12 =	vld [tilespmem:s25+$0x300];
	v62 =	vand.u32 $0x7FFFFFFF, v62  }
0x1eb: {  	v37 =	vld [tilespmem:s28+$0x300];
	v8 =	vmax.f32 v8, $0.0e+00;
	v10 =	vadd.f32 v10, v62  }
0x1ec: {  	v33 =	vand.u32 $0x7FFFFFFF, v33;
	v0 =	vadd.f32 v5, v0;
	v62 =	vmul.f32 v8, v8;
	v8 =	vld [tilespmem:s25+$0x310]  }
0x1ed: {  	v19 =	vadd.f32 v27, v19;
	v10 =	vadd.f32 v10, v33;
	v33 =	vld [tilespmem:s21+$0xB310]  }
0x1ee: {  	v0 =	vadd.f32 v62, v0;
	v62 =	vsub.f32 v30, v28;
	v28 =	vld [tilespmem:s28+$0x310]  }
0x1ef: {  	v25 =	vand.u32 $0x7FFFFFFF, v25;
	v13 =	vand.u32 $0x7FFFFFFF, v13;
	v30 =	vld [tilespmem:s21+$0xB320]  }
0x1f0: {  	v19 =	vsub.f32 v19, v63;
	v63 =	vand.u32 $0x7FFFFFFF, v37;
	v37 =	vld [tilespmem:s25+$0x340];
	v10 =	vmax.f32 v10, $0.0e+00  }
0x1f1: {  	v5 =	vmul.f32 v10, v10;
	v10 =	vand.u32 $0x7FFFFFFF, v62;
	v62 =	vadd.f32 v13, v25;
	v13 =	vld [tilespmem:s21+$0xD320]  }
0x1f2: {  	v12 =	vand.u32 $0x7FFFFFFF, v12;
	v19 =	vand.u32 $0x7FFFFFFF, v19;
	v25 =	vld [tilespmem:s25+$0x330]  }
0x1f3: {  	v61 =	vand.u32 $0x7FFFFFFF, v61;
	v11 =	vsub.f32 v11, v20;
	v12 =	vsub.f32 v19, v12;
	v19 =	vld [tilespmem:s28+$0x330]  }
0x1f4: {  	v0 =	vadd.f32 v5, v0;
	v5 =	vadd.f32 v10, v61;
	v61 =	vand.u32 $0x7FFFFFFF, v26;
	v26 =	vld [tilespmem:s3+$0x20]  }
0x1f5: {  	v14 =	vand.u32 $0x7FFFFFFF, v14;
	v18 =	vadd.f32 v18, v33;
	v33 =	vld [tilespmem:s3+$0x40]  }
0x1f6: {  	v11 =	vand.u32 $0x7FFFFFFF, v11;
	v12 =	vsub.f32 v12, v63;
	v63 =	vand.u32 $0x7FFFFFFF, v21;
	v21 =	vld [tilespmem:s21+$0xB350]  }
0x1f7: {  	v58 =	vand.u32 $0x7FFFFFFF, v58;
	v11 =	vsub.f32 $0.0e+00, v11;
	v10 =	vsub.f32 v62, v61;
	v61 =	vld [tilespmem:s3+$0x30]  }
0x1f8: {  	v16 =	vand.u32 $0x7FFFFFFF, v16;
	v62 =	vand.u32 $0x7FFFFFFF, v24;
	v5 =	vsub.f32 v5, v58;
	v58 =	vld [tilespmem:s21+$0xB330]  }
0x1f9: {  	v23 =	vand.u32 $0x7FFFFFFF, v23;
	v11 =	vadd.f32 v11, v14;
	v16 =	vadd.f32 v16, v62;
	v62 =	vld [tilespmem:s21+$0xD330]  }
0x1fa: {  	v17 =	vand.u32 $0x7FFFFFFF, v17;
	v18 =	vsub.f32 v18, v22;
	v22 =	vld [tilespmem:s21+$0xB340];
	v12 =	vmax.f32 v12, $0.0e+00  }
0x1fb: {  	v8 =	vand.u32 $0x7FFFFFFF, v8;
	v24 =	vld [tilespmem:s21+$0xB360];
	v25 =	vand.u32 $0x7FFFFFFF, v25;
	v12 =	vmul.f32 v12, v12  }
0x1fc: {  	v27 =	vand.u32 $0x7FFFFFFF, v19;
	v16 =	vsub.f32 v16, v23;
	v23 =	vld [tilespmem:s25+$0x350];
	v30 =	vadd.f32 v26, v30  }
0x1fd: {  	v18 =	vand.u32 $0x7FFFFFFF, v18;
	v5 =	vmax.f32 v5, $0.0e+00;
	v20 =	vadd.f32 v61, v58;
	v58 =	vld [tilespmem:s21+$0xD340]  }
0x1fe: {  	v8 =	vsub.f32 v18, v8;
	v18 =	vld [tilespmem:s3+$0x60];
	v5 =	vmul.f32 v5, v5;
	v13 =	vsub.f32 v30, v13  }
0x1ff: {  	v61 =	vand.u32 $0x7FFFFFFF, v28;
	v22 =	vadd.f32 v33, v22;
	v28 =	vld [tilespmem:s3+$0x50];
	v20 =	vsub.f32 v20, v62  }
0x200: {  	v30 =	vand.u32 $0x7FFFFFFF, v37;
	v8 =	vsub.f32 v8, v61;
	v61 =	vld [tilespmem:s3+$0x70];
	v13 =	vand.u32 $0x7FFFFFFF, v13  }
0x201: {  	v0 =	vadd.f32 v5, v0;
	v62 =	vld [tilespmem:s28+$0x340];
	v13 =	vsub.f32 v13, v63;
	v20 =	vand.u32 $0x7FFFFFFF, v20  }
0x202: {  	v8 =	vmax.f32 v8, $0.0e+00;
	v63 =	vld [tilespmem:s21+$0xD360];
	v25 =	vsub.f32 v20, v25;
	v14 =	vsub.f32 v22, v58  }
0x203: {  	v18 =	vadd.f32 v18, v24;
	v8 =	vmul.f32 v8, v8;
	v20 =	vld [tilespmem:s21+$0xD350];
	v13 =	vsub.f32 v13, v17  }
0x204: {  	v58 =	vand.u32 $0x7FFFFFFF, v56;
	v17 =	vsub.f32 v25, v27;
	v14 =	vand.u32 $0x7FFFFFFF, v14;
	v25 =	vld [tilespmem:s21+$0xB370]  }
0x205: {  	v26 =	vld [tilespmem:s21+$0xD370];
	v19 =	vadd.f32 v28, v21;
	v13 =	vmax.f32 v13, $0.0e+00;
	v14 =	vsub.f32 v14, v30  }
0x206: {  	v22 =	vld [tilespmem:s28+$0x350];
	v8 =	vadd.f32 v8, v12;
	v37 =	vand.u32 $0x7FFFFFFF, v62;
	v33 =	vmul.f32 v13, v13  }
0x207: {  	v11 =	vadd.f32 v11, v58;
	v30 =	vld [tilespmem:s25+$0x360];
	v17 =	vmax.f32 v17, $0.0e+00;
	v13 =	vsub.f32 v14, v37  }
0x208: {  	v58 =	vld [tilespmem:s25+$0x370];
	v8 =	vadd.f32 v33, v8;
	v62 =	vmul.f32 v17, v17;
	v33 =	vsub.f32 v19, v20  }
0x209: {  	v37 =	vld [tilespmem:s28+$0x360];
	v17 =	vsub.f32 v18, v63;
	v13 =	vmax.f32 v13, $0.0e+00;
	v56 =	vadd.f32 v61, v25  }
0x20a: {  	v61 =	vand.u32 $0x7FFFFFFF, v23;
	v28 =	vmul.f32 v13, v13;
	v13 =	vand.u32 $0x7FFFFFFF, v33  }
0x20b: {  	v63 =	vand.u32 $0x7FFFFFFF, v22;
	v27 =	vadd.f32 v62, v8;
	v62 =	vld [tilespmem:s28+$0x370];
	v13 =	vsub.f32 v13, v61  }
0x20c: {  	v17 =	vand.u32 $0x7FFFFFFF, v17;
	v12 =	vand.u32 $0x7FFFFFFF, v30;
	v8 =	vsub.f32 v56, v26  }
0x20d: {  	v12 =	vsub.f32 v17, v12;
	v13 =	vsub.f32 v13, v63  }
0x20e: {  	v14 =	vand.u32 $0x7FFFFFFF, v58;
	v24 =	vand.u32 $0x7FFFFFFF, v37;
	v8 =	vand.u32 $0x7FFFFFFF, v8  }
0x20f: {  	v12 =	vsub.f32 v12, v24;
	v8 =	vsub.f32 v8, v14;
	v13 =	vmax.f32 v13, $0.0e+00  }
0x210: {  	v5 =	vadd.f32 v28, v27;
	v25 =	vand.u32 $0x7FFFFFFF, v62;
	v13 =	vmul.f32 v13, v13  }
0x211: {  	v12 =	vmax.f32 v12, $0.0e+00;
	v8 =	vsub.f32 v8, v25  }
0x212: {  	v12 =	vmul.f32 v12, v12;
	v5 =	vadd.f32 v13, v5  }
0x213: {  	v8 =	vmax.f32 v8, $0.0e+00  }
0x214: {  	v10 =	vmax.f32 v10, $0.0e+00;
	v8 =	vmul.f32 v8, v8;
	v5 =	vadd.f32 v12, v5  }
0x215: {  	v10 =	vmul.f32 v10, v10;
	v28 =	vadd.f32 v51, v42  }
0x216: {  	v5 =	vadd.f32 v8, v5  }
0x217: {  	v0 =	vadd.f32 v10, v0;
	v10 =	vsub.f32 v28, v43  }
0x218: {  	v30 =	vld [tilespmem:$0x1FE90];
	[tilespmem:s1+$0xFFFFF800] =	vst v5  }
0x219: {  	v39 =	vand.u32 $0x7FFFFFFF, v39;
	s29 =	sor.u32 $0xC400, s22;
	v11 =	vmax.f32 v11, $0.0e+00;
	v10 =	vand.u32 $0x7FFFFFFF, v10;
	v13 =	vld [tilespmem:s21+$0xC300]  }
0x21a: {  	v7 =	vsub.f32 v7, v15;
	v33 =	vmul.f32 v11, v11;
	v10 =	vadd.f32 v10, v39;
	v11 =	vld [tilespmem:s29+$0x300]  }
0x21b: {  	s30 =	sor.u32 $0xE400, s22;
	v42 =	vsub.f32 v46, v57;
	v46 =	vand.u32 $0x7FFFFFFF, v38;
	v17 =	vld [tilespmem:s21+$0xE300]  }
0x21c: {  	v7 =	vsub.f32 v7, v9;
	v26 =	vmax.f32 v16, $0.0e+00;
	v51 =	vsub.f32 v10, v46;
	v10 =	vld [tilespmem:s30+$0x300]  }
0x21d: {  	v27 =	vmul.f32 v26, v26;
	v56 =	vld [tilespmem:s3+$0x800]  }
0x21e: {  	v4 =	vand.u32 $0x7FFFFFFF, v4;
	v7 =	vand.u32 $0x7FFFFFFF, v7;
	v58 =	vld [tilespmem:s21+$0xC310]  }
0x21f: {  	v4 =	vadd.f32 v7, v4;
	v0 =	vadd.f32 v27, v0;
	v62 =	vld [tilespmem:s29+$0x310]  }
0x220: {  	v3 =	vand.u32 $0x7FFFFFFF, v3;
	v12 =	vsub.f32 v30, v36;
	v63 =	vld [tilespmem:s21+$0xE310]  }
0x221: {  	v1 =	vand.u32 $0x7FFFFFFF, v1;
	v3 =	vsub.f32 v4, v3;
	v0 =	vadd.f32 v33, v0;
	v33 =	vld [tilespmem:s30+$0x310]  }
0x222: {  	v2 =	vand.u32 $0x7FFFFFFF, v2;
	v36 =	vand.u32 $0x7FFFFFFF, v34;
	v37 =	vand.u32 $0x7FFFFFFF, v12;
	v34 =	vld [tilespmem:s3+$0x810]  }
0x223: {  	v19 =	vsub.f32 v29, v31;
	v61 =	vand.u32 $0x7FFFFFFF, v49;
	v5 =	vadd.f32 v37, v36;
	v36 =	vld [tilespmem:s21+$0xC320]  }
0x224: {  	v43 =	vand.u32 $0x7FFFFFFF, v35;
	v28 =	vand.u32 $0x7FFFFFFF, v50;
	v50 =	vand.u32 $0x7FFFFFFF, v53;
	v37 =	vld [tilespmem:s29+$0x320]  }
0x225: {  	v53 =	vand.u32 $0x7FFFFFFF, v54;
	v12 =	vsub.f32 v42, v48;
	v48 =	vsub.f32 v55, v60;
	v39 =	vld [tilespmem:s21+$0xE320]  }
0x226: {  	v55 =	vand.u32 $0x7FFFFFFF, v40;
	v60 =	vand.u32 $0x7FFFFFFF, v41;
	v40 =	vsub.f32 v44, v32;
	v41 =	vld [tilespmem:s30+$0x320]  }
0x227: {  	v44 =	vand.u32 $0x7FFFFFFF, v47;
	v12 =	vand.u32 $0x7FFFFFFF, v12;
	v16 =	vand.u32 $0x7FFFFFFF, v48;
	v46 =	vld [tilespmem:s21+$0xC330]  }
0x228: {  	v23 =	vand.u32 $0x7FFFFFFF, v40;
	v12 =	vadd.f32 v12, v55;
	v57 =	vsub.f32 $0.0e+00, v16;
	v47 =	vld [tilespmem:s29+$0x330]  }
0x229: {  	v8 =	vmax.f32 v51, $0.0e+00;
	v23 =	vadd.f32 v23, v44;
	v49 =	vld [tilespmem:s21+$0xE330];
	v5 =	vsub.f32 v5, v43  }
0x22a: {  	v42 =	vadd.f32 v6, v59;
	v48 =	vand.u32 $0x7FFFFFFF, v45;
	v51 =	vld [tilespmem:s30+$0x330];
	v12 =	vsub.f32 v12, v60  }
0x22b: {  	v54 =	vld [tilespmem:s21+$0xC340];
	v14 =	vadd.f32 v57, v61;
	v9 =	vsub.f32 v23, v48;
	v5 =	vmax.f32 v5, $0.0e+00  }
0x22c: {  	v30 =	vmul.f32 v8, v8;
	v55 =	vld [tilespmem:s29+$0x340];
	v5 =	vmul.f32 v5, v5;
	v12 =	vmax.f32 v12, $0.0e+00  }
0x22d: {  	v43 =	vld [tilespmem:s3+$0x820];
	v14 =	vadd.f32 v14, v28;
	v9 =	vmax.f32 v9, $0.0e+00;
	v35 =	vmul.f32 v12, v12  }
0x22e: {  	v59 =	vld [tilespmem:s30+$0x340];
	v13 =	vadd.f32 v56, v13;
	v11 =	vand.u32 $0x7FFFFFFF, v11;
	v16 =	vadd.f32 v34, v58  }
0x22f: {  	v60 =	vld [tilespmem:s3+$0x840];
	v57 =	vand.u32 $0x7FFFFFFF, v10;
	v21 =	vand.u32 $0x7FFFFFFF, v62;
	v8 =	vand.u32 $0x7FFFFFFF, v33  }
0x230: {  	v32 =	vld [tilespmem:s21+$0xC360];
	v29 =	vand.u32 $0x7FFFFFFF, v37;
	v31 =	vand.u32 $0x7FFFFFFF, v41;
	v33 =	vand.u32 $0x7FFFFFFF, v47  }
0x231: {  	v48 =	vld [tilespmem:s30+$0x360];
	v20 =	vand.u32 $0x7FFFFFFF, v55;
	v9 =	vmul.f32 v9, v9;
	v0 =	vadd.f32 v5, v0  }
0x232: {  	v56 =	vld [tilespmem:s21+$0xE340];
	v14 =	vmax.f32 v14, $0.0e+00;
	v5 =	vsub.f32 v42, v52;
	v6 =	vadd.f32 v43, v36  }
0x233: {  	v34 =	vld [tilespmem:s3+$0x860];
	v36 =	vand.u32 $0x7FFFFFFF, v51;
	v38 =	vmul.f32 v14, v14;
	v13 =	vsub.f32 v13, v17  }
0x234: {  	v52 =	vld [tilespmem:s3+$0x830];
	v58 =	vsub.f32 v16, v63;
	v7 =	vadd.f32 v60, v54;
	v60 =	vand.u32 $0x7FFFFFFF, v19  }
0x235: {  	v28 =	vld [tilespmem:s30+$0x350];
	v0 =	vadd.f32 v30, v0;
	v5 =	vand.u32 $0x7FFFFFFF, v5;
	v6 =	vsub.f32 v6, v39  }
0x236: {  	v62 =	vld [tilespmem:s29+$0x350];
	v39 =	vand.u32 $0x7FFFFFFF, v59;
	v5 =	vadd.f32 v5, v50;
	v13 =	vand.u32 $0x7FFFFFFF, v13  }
0x237: {  	v61 =	vld [tilespmem:s21+$0xC350];
	v10 =	vand.u32 $0x7FFFFFFF, v58;
	v0 =	vadd.f32 v35, v0;
	v11 =	vsub.f32 v13, v11  }
0x238: {  	v43 =	vld [tilespmem:s29+$0x360];
	v59 =	vand.u32 $0x7FFFFFFF, v48;
	v10 =	vsub.f32 v10, v21;
	v7 =	vsub.f32 v7, v56  }
0x239: {  	v30 =	vld [tilespmem:s3+$0x850];
	v6 =	vand.u32 $0x7FFFFFFF, v6;
	v45 =	vadd.f32 v34, v32;
	v15 =	vadd.f32 v52, v46  }
0x23a: {  	v58 =	vand.u32 $0x7FFFFFFF, v28;
	v5 =	vsub.f32 v5, v53;
	v6 =	vsub.f32 v6, v29  }
0x23b: {  	v37 =	vld [tilespmem:s3+$0x870];
	v52 =	vand.u32 $0x7FFFFFFF, v62;
	v0 =	vadd.f32 v38, v0;
	v27 =	vsub.f32 v15, v49  }
0x23c: {  	v63 =	vld [tilespmem:s21+$0xE350];
	v4 =	vsub.f32 v11, v57;
	v8 =	vsub.f32 v10, v8;
	v7 =	vand.u32 $0x7FFFFFFF, v7  }
0x23d: {  	v35 =	vld [tilespmem:s21+$0xC370];
	v6 =	vsub.f32 v6, v31;
	v7 =	vsub.f32 v7, v20;
	v10 =	vand.u32 $0x7FFFFFFF, v27  }
0x23e: {  	v46 =	vld [tilespmem:s29+$0x370];
	v54 =	vand.u32 $0x7FFFFFFF, v43;
	v42 =	vadd.f32 v30, v61;
	v10 =	vsub.f32 v10, v33  }
0x23f: {  	v38 =	vld [tilespmem:s21+$0xE360];
	v5 =	vmax.f32 v5, $0.0e+00;
	v4 =	vmax.f32 v4, $0.0e+00;
	v8 =	vmax.f32 v8, $0.0e+00  }
0x240: {  	v40 =	vld [tilespmem:s21+$0xE370];
	v0 =	vadd.f32 v9, v0;
	v4 =	vmul.f32 v4, v4;
	v10 =	vsub.f32 v10, v36  }
0x241: {  	v8 =	vmul.f32 v8, v8;
	v6 =	vmax.f32 v6, $0.0e+00;
	v7 =	vsub.f32 v7, v39  }
0x242: {  	v47 =	vadd.f32 v37, v35;
	v41 =	vmax.f32 v10, $0.0e+00;
	v10 =	vsub.f32 v42, v63  }
0x243: {  	v6 =	vmul.f32 v6, v6;
	v55 =	vand.u32 $0x7FFFFFFF, v46;
	v4 =	vadd.f32 v8, v4  }
0x244: {  	v7 =	vmax.f32 v7, $0.0e+00;
	v50 =	vsub.f32 v45, v38;
	v10 =	vand.u32 $0x7FFFFFFF, v10  }
0x245: {  	v51 =	vld [tilespmem:s30+$0x370];
	v13 =	vsub.f32 v47, v40;
	v49 =	vmul.f32 v7, v7;
	v53 =	vsub.f32 v10, v52  }
0x246: {  	v4 =	vadd.f32 v6, v4;
	v7 =	vand.u32 $0x7FFFFFFF, v50;
	v44 =	vmul.f32 v41, v41  }
0x247: {  	v56 =	vand.u32 $0x7FFFFFFF, v13;
	v7 =	vsub.f32 v7, v54;
	v6 =	vsub.f32 v53, v58  }
0x248: {  	v5 =	vmul.f32 v5, v5;
	v57 =	vsub.f32 v56, v55;
	v4 =	vadd.f32 v44, v4  }
0x249: {  	v7 =	vsub.f32 v7, v59;
	v10 =	vsub.f32 $0.0e+00, v60;
	v6 =	vmax.f32 v6, $0.0e+00  }
0x24a: {  	v8 =	vand.u32 $0x7FFFFFFF, v51;
	v4 =	vadd.f32 v49, v4;
	v6 =	vmul.f32 v6, v6  }
0x24b: {  	v8 =	vsub.f32 v57, v8;
	v7 =	vmax.f32 v7, $0.0e+00;
	v1 =	vadd.f32 v10, v1  }
0x24c: {  	v3 =	vmax.f32 v3, $0.0e+00;
	v61 =	vmul.f32 v7, v7;
	v4 =	vadd.f32 v6, v4  }
0x24d: {  	p0 =	sne.s32 s20, $0xF00;
	v0 =	vadd.f32 v5, v0;
	v62 =	vmax.f32 v8, $0.0e+00;
	v1 =	vadd.f32 v1, v2  }
.Ltmp0:
0x24e: {  	v63 =	vmul.f32 v62, v62;
	v2 =	vmul.f32 v3, v3;
	v4 =	vadd.f32 v61, v4;
	(pc) =	sbr.rel @p0 .LBB2_2-.Ltmp0, $4  }
0x24f: {  	v1 =	vmax.f32 v1, $0.0e+00  }
0x250: {  	s0 =	sadd.s32 $0x80, s0;
	v0 =	vadd.f32 v2, v0;
	v1 =	vmul.f32 v1, v1;
	v3 =	vadd.f32 v63, v4  }
0x251: {  	s17 =	sadd.s32 $0x80, s17;
	s20 =	sadd.s32 $0x100, s20;
	s18 =	sadd.s32 $0x80, s18  }
0x252: {  	s19 =	sadd.s32 $0x80, s19;
	s3 =	sadd.s32 $0x80, s3;
	v0 =	vadd.f32 v1, v0;
	[tilespmem:s1+$0x0] =	vst v3;
	s1 =	sadd.s32 $0x80, s1  }
0x253: {  	_ = 	snop  }
0x254: {  	s0 =	simm.s32 $0x11300;
	[tilespmem:$0x11300] =	vst v0  }
0x255: {  	[hbm4b:s12+s4] =	stream.linear.scatter [tilespmem:s0], [sflag:$0x2], $0x80, $0x38;
	[tilespmem:$0x13380] =	vst v63  }
0x256: {  	_ =	swait.ge [sflag:s26], $0x80  }
0x257: {  	[sflag:s26] =	ssyncset.done $0x0  }
0x258: {  	s28 =	simm.s32 $0x11380;
	[sflag:s26] =	ssyncadd.s32 $0xFFFFFF80  }
0x259: {  	[hbm4b:s13+s4] =	stream.linear.scatter [tilespmem:s28], [sflag:$0x2], $0x800, $0x38;
	[tilespmem:$0x13380] =	vst v63  }
0x25a: {  	_ =	swait.ge [sflag:s26], $0x800  }
0x25b: {  	[sflag:s26] =	ssyncset.done $0x0  }
0x25c: {  	s29 =	simm.s32 $0x11B80;
	[sflag:s26] =	ssyncadd.s32 $0xFFFFF800  }
0x25d: {  	[hbm4b:s14+s4] =	stream.linear.scatter [tilespmem:s29], [sflag:$0x2], $0x800, $0x38;
	[tilespmem:$0x13380] =	vst v63  }
0x25e: {  	s31 =	sadd.s32 $0x1, s31;
	_ =	swait.ge [sflag:s26], $0x800  }
0x25f: {  	p0 =	sne.s32 s31, s16;
	[sflag:s26] =	ssyncset.done $0x0  }
.Ltmp1:
0x260: {  	s30 =	simm.s32 $0x12380;
	[sflag:s26] =	ssyncadd.s32 $0xFFFFF800;
	(pc) =	sbr.rel @p0 .LBB2_1-.Ltmp1, $4  }
0x261: {  	[hbm4b:s15+s4] =	stream.linear.scatter [tilespmem:s30], [sflag:$0x2], $0x1000, $0x38;
	[tilespmem:$0x13380] =	vst v63  }
0x262: {  	_ =	swait.ge [sflag:s26], $0x1000  }
0x263: {  	[sflag:s26] =	ssyncset.done $0x0  }
0x264: {  	[sflag:s26] =	ssyncadd.s32 $0xFFFFF000  }
0x265: {  	_ =	sfence.sel $0x180000  }
0x266: {  	[bflag:$0x0] =	sbarrier.arrive $0xFFFF  }
0x267: {  	_ =	strace $0x9000005C  }
0x268: {  	s0 =	stileid.u32;
	[bflag:$0x2] =	sbarrier.arrive $0xFFFF  }
0x269: {  	p0 =	sne.s32 s0, $0x0;
	s0 =	rddreg [dreg:$0x3]  }
0x26a: {  	s0 =	sadd.s32 @!p0 $0x100000, s0  }
0x26b: {  	[sflag:s0] =	ssyncadd.tile.s32 @!p0 $0x1;
	_ =	shalt  }
.Lfunc_end2:
_tile_overlayer_lowered:
.L_overlay_start_2:
0x26c: {  	(tag) =	ssettag $0x2  }
0x26d: {  	s0 =	rddreg [dreg:$0x0];
	s2 =	stileid.u32  }
0x26e: {  	s1 =	rddreg [dreg:$0x1];
	p0 =	sne.s32 s2, $0x0  }
0x26f: {  	s3 =	rddreg [dreg:$0x2];
	[bflag:$0x3] =	sbarrier.arrive $0xFFFF;
	s2 =	simm.s32 @!p0 $0x1C02  }
0x270: {  	[timem:s3], [sflag:s2] =	dma.local @!p0 [hbm:s0], s1  }
0x271: {  	s0 =	simm.s32 @!p0 $0x2  }
0x272: {  	_ =	swait.ge @!p0 [sflag:s0], s1  }
0x273: {  	s1 =	ssub.s32 @!p0 $0x0, s1;
	[sflag:s0] =	ssyncset.done @!p0 $0x0  }
0x274: {  	[sflag:s0] =	ssyncadd.s32 @!p0 s1  }
0x275: {  	[bflag:$0x3] =	sbarrier.arrive $0xFFFF  }
0x276: {  	_ =	shalt  }

</sc_bundles>
